<compile_context>
chip_gen: v7x
topology: tpu7x:2x2x1
jax: 0.10.2.dev20260603
libtpu: 0.0.44.dev20260713+nightly
codegen_flags: <defaults>
</compile_context>

<pallas_src>
import jax
import jax.numpy as jnp
from jax import lax
from jax.experimental import pallas as pl
from jax.experimental.pallas import tpu as pltpu
from jax.experimental.pallas import tpu_sc as plsc

_NUM_NODES = 500000
_F = 128
_N0 = 100000
_N1 = 20000
_N2 = 4096
_E0 = 320000
_E1 = 65536

_NS = 16
_C0 = 128
_NCHT = _E0 // _C0
_NCH0 = -(-_NCHT // _NS)
_HROWS = 10240
_AROWS = _HROWS + 8
_RPS = _HROWS // _NS
_N1P = 2 * _HROWS
_CS = 80
_NSCH = _N1 // _CS

_C1 = 128
_NCHT1 = _E1 // _C1
_NCH1 = _NCHT1 // _NS
_HROWS1 = _N2 // 2
_AROWS1 = _HROWS1 + 8
_RPS1 = _HROWS1 // _NS
_DR0 = _HROWS // _F
_DR1 = _HROWS1 // _F
_NB0 = 2544
_NB1 = 528


def _deg_update(degloc, dvl16, ok, iota16):
    prev = dvl16.at[jnp.maximum(iota16 - 1, 0)].get(
        mode="promise_in_bounds")
    first = (dvl16 != prev) | (iota16 == 0)
    sm = jnp.where(first, iota16, 16)
    for k in (1, 2, 4, 8):
        sh = sm.at[jnp.minimum(iota16 + k, 15)].get(mode="promise_in_bounds")
        sm = jnp.minimum(sm, jnp.where(iota16 + k < 16, sh, 16))
    nf = sm.at[jnp.minimum(iota16 + 1, 15)].get(mode="promise_in_bounds")
    nxt = jnp.where(iota16 == 15, 16, nf)
    rl = (nxt - iota16).astype(jnp.float32)
    plsc.addupdate_scatter(degloc, [dvl16 >> 7, dvl16 & 127], rl,
                           mask=first & ok)


def _zero_vmem2d(ref, nrows):
    def zz(i, cc):
        ref[i >> 3, pl.ds((i & 7) * 16, 16)] = jnp.zeros((16,), jnp.float32)
        return cc
    lax.fori_loop(0, nrows * 8, zz, 0)


def _fill_iota(ref, n, iota16):
    def ff(r, cc):
        ref[pl.ds(r * 16, 16)] = iota16 + r * 16
        return cc
    lax.fori_loop(0, n // 16, ff, 0)


def _sc_layer0_body(inodes, src0, dst0, table, zf, zd, lob,
                    agg, deg, hself,
                    sv0, sv1, ix0, ix1, dv0, dv1, dl0, dl1,
                    ro0, ro1, degloc, didx, lobv,
                    agg_sh, deg_sh, sm0, sm1):
    c = lax.axis_index("c")
    s = lax.axis_index("s")
    lo_c = c * _HROWS
    garbage = _HROWS
    iota16 = lax.iota(jnp.int32, 16)
    sets = [(sv0, ix0, dv0, dl0, ro0, sm0), (sv1, ix1, dv1, dl1, ro1, sm1)]

    r0 = s * _RPS
    pltpu.sync_copy(zf.at[pl.ds(r0, _RPS)], agg_sh.at[pl.ds(r0, _RPS)])

    @pl.when(s == 0)
    def _():
        pltpu.sync_copy(zd, deg_sh)

    _zero_vmem2d(degloc, _DR0)
    _fill_iota(didx, _DR0, iota16)
    pltpu.sync_copy(lob, lobv)
    splat_s = iota16 * 0 + s
    plsc.subcore_barrier()

    def chunk(i, carry):
        i2s = [2 * i + u for u in range(2)]
        cids = [s + _NS * i2 for i2 in i2s]
        bases = [cid * _C0 for cid in cids]
        preds = []
        for u in range(2):
            lo16 = lobv[pl.ds(16 * i2s[u], 16)]
            nx16 = lobv[pl.ds(16 * i2s[u] + 1, 16)]
            clo = lo16.at[splat_s].get(mode="promise_in_bounds")[0]
            chi = nx16.at[splat_s].get(mode="promise_in_bounds")[0]
            preds.append((chi >= lo_c) & (clo < lo_c + _HROWS))
        for u in range(2):
            @pl.when(preds[u])
            def _(u=u):
                pltpu.make_async_copy(dst0.at[pl.ds(bases[u], _C0)],
                                      sets[u][2], sets[u][5]).start()
                pltpu.make_async_copy(src0.at[pl.ds(bases[u], _C0)],
                                      sets[u][0], sets[u][5]).start()
        for u in range(2):
            @pl.when(preds[u])
            def _(u=u):
                pltpu.make_async_copy(dst0.at[pl.ds(bases[u], _C0)],
                                      sets[u][2], sets[u][5]).wait()
                pltpu.make_async_copy(src0.at[pl.ds(bases[u], _C0)],
                                      sets[u][0], sets[u][5]).wait()
        for u in range(2):
            @pl.when(preds[u])
            def _(u=u):
                pltpu.make_async_copy(inodes.at[sets[u][0]],
                                      sets[u][1], sets[u][5]).start()
        for u in range(2):
            @pl.when(preds[u])
            def _(u=u):
                pltpu.make_async_copy(inodes.at[sets[u][0]],
                                      sets[u][1], sets[u][5]).wait()
        for u in range(2):
            @pl.when(preds[u])
            def _(u=u):
                pltpu.make_async_copy(table.at[sets[u][1]],
                                      sets[u][4], sets[u][5]).start()
        for u in range(2):
            @pl.when(preds[u])
            def _(u=u):
                dv, dvl = sets[u][2], sets[u][3]

                def lanes(j, cc):
                    d16 = dv[pl.ds(j * 16, 16)] - lo_c
                    ok = (d16 >= 0) & (d16 < _HROWS)
                    dvl16 = jnp.where(ok, d16, garbage)
                    dvl[pl.ds(j * 16, 16)] = dvl16
                    _deg_update(degloc, dvl16, ok, iota16)
                    return cc
                lax.fori_loop(0, _C0 // 16, lanes, 0)
        for u in range(2):
            @pl.when(preds[u])
            def _(u=u):
                pltpu.make_async_copy(table.at[sets[u][1]],
                                      sets[u][4], sets[u][5]).wait()
        for u in range(2):
            @pl.when(preds[u])
            def _(u=u):
                pltpu.make_async_copy(sets[u][4], agg_sh.at[sets[u][3]],
                                      sets[u][5]).start(add=True)
        for u in range(2):
            @pl.when(preds[u])
            def _(u=u):
                pltpu.make_async_copy(sets[u][4], agg_sh.at[sets[u][3]],
                                      sets[u][5]).wait()
        return carry
    lax.fori_loop(0, -(-_NCH0 // 2), chunk, 0)

    w = c * _NS + s
    six = (ix0, ix1)
    sro = (ro0, ro1)
    ssm = (sm0, sm1)
    for k in range(0, 8, 2):
        cids_s = [w + 32 * (k + u) for u in range(2)]
        conds = [cid < _NSCH for cid in cids_s]
        bases_s = [cid * _CS for cid in cids_s]
        for u in range(2):
            @pl.when(conds[u])
            def _(u=u):
                pltpu.make_async_copy(inodes.at[pl.ds(bases_s[u], _CS)],
                                      six[u].at[pl.ds(0, _CS)], ssm[u]).start()
        for u in range(2):
            @pl.when(conds[u])
            def _(u=u):
                pltpu.make_async_copy(inodes.at[pl.ds(bases_s[u], _CS)],
                                      six[u].at[pl.ds(0, _CS)], ssm[u]).wait()
                pltpu.make_async_copy(table.at[six[u].at[pl.ds(0, _CS)]],
                                      sro[u].at[pl.ds(0, _CS)], ssm[u]).start()
        for u in range(2):
            @pl.when(conds[u])
            def _(u=u):
                pltpu.make_async_copy(table.at[six[u].at[pl.ds(0, _CS)]],
                                      sro[u].at[pl.ds(0, _CS)], ssm[u]).wait()
                pltpu.make_async_copy(sro[u].at[pl.ds(0, _CS)],
                                      hself.at[pl.ds(bases_s[u], _CS)],
                                      ssm[u]).start()
        for u in range(2):
            @pl.when(conds[u])
            def _(u=u):
                pltpu.make_async_copy(sro[u].at[pl.ds(0, _CS)],
                                      hself.at[pl.ds(bases_s[u], _CS)],
                                      ssm[u]).wait()

    pltpu.sync_copy(degloc, deg_sh.at[didx], add=True)
    plsc.subcore_barrier()

    o0 = c * _HROWS + r0
    pltpu.sync_copy(agg_sh.at[pl.ds(r0, _RPS)], agg.at[pl.ds(o0, _RPS)])

    @pl.when(s < _DR0 // 8)
    def _():
        pltpu.sync_copy(deg_sh.at[pl.ds(s * 8, 8)],
                        deg.at[pl.ds(c * _DR0 + s * 8, 8)])


def _sc_layer1_body(src1, dst1, h1, zf, zd, lob,
                    agg, deg,
                    sv0, sv1, sv2, sv3,
                    dv0, dv1, dv2, dv3, dl0, dl1, dl2, dl3,
                    ro0, ro1, ro2, ro3, degloc, didx, lobv,
                    agg_sh, deg_sh, sm0, sm1, sm2, sm3):
    c = lax.axis_index("c")
    s = lax.axis_index("s")
    lo_c = c * _HROWS1
    r0 = s * _RPS1
    iota16 = lax.iota(jnp.int32, 16)
    sets = [(sv0, dv0, dl0, ro0, sm0), (sv1, dv1, dl1, ro1, sm1),
            (sv2, dv2, dl2, ro2, sm2), (sv3, dv3, dl3, ro3, sm3)]

    pltpu.sync_copy(zf.at[pl.ds(r0, _RPS1)], agg_sh.at[pl.ds(r0, _RPS1)])

    @pl.when(s == 0)
    def _():
        pltpu.sync_copy(zd, deg_sh)

    _zero_vmem2d(degloc, _DR1)
    _fill_iota(didx, _DR1, iota16)
    pltpu.sync_copy(lob, lobv)
    splat_s = iota16 * 0 + s
    plsc.subcore_barrier()

    def chunk(i, carry):
        cids = [s + _NS * (4 * i + u) for u in range(4)]
        bases = [cid * _C1 for cid in cids]

        preds = []
        for u in range(4):
            i2 = 4 * i + u
            lo16 = lobv[pl.ds(16 * i2, 16)]
            nx16 = lobv[pl.ds(16 * i2 + 1, 16)]
            clo = lo16.at[splat_s].get(mode="promise_in_bounds")[0]
            chi = nx16.at[splat_s].get(mode="promise_in_bounds")[0]
            preds.append((chi >= lo_c) & (clo < lo_c + _HROWS1))
        for u in range(4):
            @pl.when(preds[u])
            def _(u=u):
                pltpu.make_async_copy(dst1.at[pl.ds(bases[u], _C1)],
                                      sets[u][1], sets[u][4]).start()
        for u in range(4):
            @pl.when(preds[u])
            def _(u=u):
                pltpu.make_async_copy(dst1.at[pl.ds(bases[u], _C1)],
                                      sets[u][1], sets[u][4]).wait()
                pltpu.make_async_copy(src1.at[pl.ds(bases[u], _C1)],
                                      sets[u][0], sets[u][4]).start()
        for u in range(4):
            @pl.when(preds[u])
            def _(u=u):
                pltpu.make_async_copy(src1.at[pl.ds(bases[u], _C1)],
                                      sets[u][0], sets[u][4]).wait()
        for u in range(4):
            @pl.when(preds[u])
            def _(u=u):
                pltpu.make_async_copy(h1.at[sets[u][0]],
                                      sets[u][3], sets[u][4]).start()
        for u in range(4):
            @pl.when(preds[u])
            def _(u=u):
                dv, dvl = sets[u][1], sets[u][2]

                def lanes(j, cc):
                    d16 = dv[pl.ds(j * 16, 16)] - lo_c
                    ok = (d16 >= 0) & (d16 < _HROWS1)
                    dvl16 = jnp.where(ok, d16, _HROWS1)
                    dvl[pl.ds(j * 16, 16)] = dvl16
                    _deg_update(degloc, dvl16, ok, iota16)
                    return cc
                lax.fori_loop(0, _C1 // 16, lanes, 0)
        for u in range(4):
            @pl.when(preds[u])
            def _(u=u):
                pltpu.make_async_copy(h1.at[sets[u][0]],
                                      sets[u][3], sets[u][4]).wait()
        for u in range(4):
            @pl.when(preds[u])
            def _(u=u):
                pltpu.make_async_copy(sets[u][3], agg_sh.at[sets[u][2]],
                                      sets[u][4]).start(add=True)
        for u in range(4):
            @pl.when(preds[u])
            def _(u=u):
                pltpu.make_async_copy(sets[u][3], agg_sh.at[sets[u][2]],
                                      sets[u][4]).wait()
        return carry
    lax.fori_loop(0, _NCH1 // 4, chunk, 0)

    pltpu.sync_copy(degloc, deg_sh.at[didx], add=True)
    plsc.subcore_barrier()

    o0 = c * _HROWS1 + r0
    pltpu.sync_copy(agg_sh.at[pl.ds(r0, _RPS1)], agg.at[pl.ds(o0, _RPS1)])

    @pl.when(s < _DR1 // 8)
    def _():
        pltpu.sync_copy(deg_sh.at[pl.ds(s * 8, 8)],
                        deg.at[pl.ds(c * _DR1 + s * 8, 8)])


def _tc_layer0(agg, deg, hs, wn, ws, bb, out):
    rec = 1.0 / jnp.maximum(deg[...], 1.0)
    acc = jnp.dot(agg[...] * rec, wn[...], preferred_element_type=jnp.float32)
    acc += jnp.dot(hs[...], ws[...], preferred_element_type=jnp.float32)
    out[...] = jnp.maximum(acc + bb[...], 0.0)


def _tc_layer1(h1s, agg, deg, wn, ws, bb, out):
    rec = 1.0 / jnp.maximum(deg[...], 1.0)
    neigh = agg[...] * rec
    acc = jnp.dot(h1s[...], ws[...], preferred_element_type=jnp.float32)
    acc += jnp.dot(neigh, wn[...], preferred_element_type=jnp.float32)
    out[...] = acc + bb[...]


def kernel(input_nodes, src0, dst0, src1, dst1, table,
           W_neigh0, W_self0, b0, W_neigh1, W_self1, b1):
    f32 = jnp.float32
    mesh = plsc.VectorSubcoreMesh(core_axis_name="c", subcore_axis_name="s",
                                  num_cores=2, num_subcores=_NS)

    zf0 = jnp.zeros((_HROWS, _F), f32)
    zd0 = jnp.zeros((_DR0, _F), f32)

    sc0 = pl.kernel(
        _sc_layer0_body,
        out_type=[
            jax.ShapeDtypeStruct((_N1P, _F), f32),
            jax.ShapeDtypeStruct((2 * _DR0, _F), f32),
            jax.ShapeDtypeStruct((_N1, _F), f32),
        ],
        mesh=mesh,
        compiler_params=pltpu.CompilerParams(needs_layout_passes=False),
        scratch_types=(
            [pltpu.VMEM((_C0,), jnp.int32)] * 2
            + [pltpu.VMEM((_C0,), jnp.int32)] * 2
            + [pltpu.VMEM((_C0,), jnp.int32)] * 2
            + [pltpu.VMEM((_C0,), jnp.int32)] * 2
            + [pltpu.VMEM((_C0, _F), f32)] * 2
            + [pltpu.VMEM((_DR0, _F), f32),
               pltpu.VMEM((_DR0,), jnp.int32),
               pltpu.VMEM((_NB0, ), jnp.int32),
               pltpu.VMEM_SHARED((_AROWS, _F), f32),
               pltpu.VMEM_SHARED((_DR0, _F), f32)]
            + [pltpu.SemaphoreType.DMA] * 2
        ),
    )
    lob0 = jnp.pad(dst0[0::_C0], (0, _NB0 - _NCHT), constant_values=_N1P)
    agg0, deg0, hself = sc0(input_nodes, src0, dst0, table, zf0, zd0, lob0)

    bn = _N1 // 10
    h1 = pl.pallas_call(
        _tc_layer0,
        grid=(10,),
        in_specs=[
            pl.BlockSpec((bn, _F), lambda i: (i, 0)),
            pl.BlockSpec((bn, 1), lambda i: (i, 0)),
            pl.BlockSpec((bn, _F), lambda i: (i, 0)),
            pl.BlockSpec((_F, _F), lambda i: (0, 0)),
            pl.BlockSpec((_F, _F), lambda i: (0, 0)),
            pl.BlockSpec((1, _F), lambda i: (0, 0)),
        ],
        out_specs=pl.BlockSpec((bn, _F), lambda i: (i, 0)),
        out_shape=jax.ShapeDtypeStruct((_N1, _F), f32),
    )(agg0, deg0.reshape(_N1P, 1), hself, W_neigh0, W_self0,
      b0.reshape(1, _F))

    zf1 = jnp.zeros((_HROWS1, _F), f32)
    zd1 = jnp.zeros((_DR1, _F), f32)

    sc1 = pl.kernel(
        _sc_layer1_body,
        out_type=[
            jax.ShapeDtypeStruct((_N2, _F), f32),
            jax.ShapeDtypeStruct((2 * _DR1, _F), f32),
        ],
        mesh=mesh,
        compiler_params=pltpu.CompilerParams(needs_layout_passes=False),
        scratch_types=(
            [pltpu.VMEM((_C1,), jnp.int32)] * 4
            + [pltpu.VMEM((_C1,), jnp.int32)] * 4
            + [pltpu.VMEM((_C1,), jnp.int32)] * 4
            + [pltpu.VMEM((_C1, _F), f32)] * 4
            + [pltpu.VMEM((_DR1, _F), f32),
               pltpu.VMEM((_DR1,), jnp.int32),
               pltpu.VMEM((_NB1, ), jnp.int32),
               pltpu.VMEM_SHARED((_AROWS1, _F), f32),
               pltpu.VMEM_SHARED((_DR1, _F), f32)]
            + [pltpu.SemaphoreType.DMA] * 4
        ),
    )
    lob1 = jnp.pad(dst1[0::_C1], (0, _NB1 - _NCHT1), constant_values=_N2)
    agg1, deg1 = sc1(src1, dst1, h1, zf1, zd1, lob1)

    wn1 = jnp.pad(W_neigh1, ((0, 0), (0, _F - 47)))
    ws1 = jnp.pad(W_self1, ((0, 0), (0, _F - 47)))
    b1p = jnp.pad(b1, (0, _F - 47)).reshape(1, _F)

    out_p = pl.pallas_call(
        _tc_layer1,
        out_shape=jax.ShapeDtypeStruct((_N2, _F), f32),
    )(h1[:_N2], agg1, deg1.reshape(_N2, 1), wn1, ws1, b1p)
    return out_p[:, :47]

# --- scband reference (transcript-rebuilt; emitter-appended) ---
"""Pipeline reference for scband-sage-19250043420832 (READ-ONLY COPY).

The authoritative reference and input builder live on the scoring server;
editing this copy changes nothing except your own understanding.
"""

import jax, jax.numpy as jnp
import numpy as np

NUM_NODES = 500000
IN_FEATS = 128
N_HIDDEN = 128
N_CLASSES = 47
N0 = 100000
N1 = 20000
N2 = 4096
E0 = 320000
E1 = 65536


def _sage_layer(h, src, dst, num_dst, W_neigh, W_self, b):
    # DGL SAGEConv with 'mean' aggregator:
    #   h_neigh = mean over incoming edges of h_src[src]
    #   out = h_dst @ W_self + h_neigh @ W_neigh + b
    msg = h[src]
    agg = jax.ops.segment_sum(msg, dst, num_segments=num_dst)
    deg = jax.ops.segment_sum(jnp.ones((src.shape[0],), h.dtype), dst, num_segments=num_dst)
    h_neigh = agg / jnp.maximum(deg, 1.0)[:, None]
    h_dst = h[:num_dst]
    return h_dst @ W_self + h_neigh @ W_neigh + b


def setup_inputs(seed: int = 0) -> dict:
    key = jax.random.key(seed)
    ks = jax.random.split(key, 12)
    input_nodes = jax.random.randint(ks[0], (N0,), 0, NUM_NODES, dtype=jnp.int64 if jax.config.jax_enable_x64 else jnp.int32).astype(jnp.int32)
    src0 = jax.random.randint(ks[1], (E0,), 0, N0).astype(jnp.int32)
    dst0 = jnp.sort(jax.random.randint(ks[2], (E0,), 0, N1)).astype(jnp.int32)
    src1 = jax.random.randint(ks[3], (E1,), 0, N1).astype(jnp.int32)
    dst1 = jnp.sort(jax.random.randint(ks[4], (E1,), 0, N2)).astype(jnp.int32)
    table = jax.random.normal(ks[5], (NUM_NODES, IN_FEATS), jnp.float32) * 0.01
    s_in = 1.0 / np.sqrt(IN_FEATS)
    s_hid = 1.0 / np.sqrt(N_HIDDEN)
    W_neigh0 = jax.random.normal(ks[6], (IN_FEATS, N_HIDDEN), jnp.float32) * s_in
    W_self0 = jax.random.normal(ks[7], (IN_FEATS, N_HIDDEN), jnp.float32) * s_in
    b0 = jnp.zeros((N_HIDDEN,), jnp.float32)
    W_neigh1 = jax.random.normal(ks[8], (N_HIDDEN, N_CLASSES), jnp.float32) * s_hid
    W_self1 = jax.random.normal(ks[9], (N_HIDDEN, N_CLASSES), jnp.float32) * s_hid
    b1 = jnp.zeros((N_CLASSES,), jnp.float32)
    return {
        'input_nodes': input_nodes,
        'src0': src0, 'dst0': dst0,
        'src1': src1, 'dst1': dst1,
        'table': table,
        'W_neigh0': W_neigh0, 'W_self0': W_self0, 'b0': b0,
        'W_neigh1': W_neigh1, 'W_self1': W_self1, 'b1': b1,
    }


def reference(input_nodes, src0, dst0, src1, dst1, table,
              W_neigh0, W_self0, b0, W_neigh1, W_self1, b1):
    # embedding lookup (th.nn.Embedding, use_tt=False path)
    h = jnp.take(table, input_nodes, axis=0)
    # layer 0: SAGEConv(in_feats -> n_hidden, 'mean') + relu (dropout = identity at eval)
    h = _sage_layer(h, src0, dst0, N1, W_neigh0, W_self0, b0)
    h = jax.nn.relu(h)
    # layer 1 (last): SAGEConv(n_hidden -> n_classes, 'mean'), no activation
    h = _sage_layer(h, src1, dst1, N2, W_neigh1, W_self1, b1)
    return h

if __name__ == "__main__":
    import jax
    _d = setup_inputs()
    print(jax.jit(kernel)(*tuple(_d.values())))

</pallas_src>

<mosaic_0001>
#map = affine_map<(d0, d1) -> (0)>
#map1 = affine_map<(d0, d1) -> (0, 0)>
module attributes {stable_mosaic.version = 14 : i64} {
  func.func @_sc_layer0_body(%arg0: i32, %arg1: i32, %arg2: memref<100000xi32, #tpu.memory_space<hbm>>, %arg3: memref<320000xi32, #tpu.memory_space<hbm>>, %arg4: memref<320000xi32, #tpu.memory_space<hbm>>, %arg5: memref<500000x128xf32, #tpu.memory_space<hbm>>, %arg6: memref<10240x128xf32, #tpu.memory_space<hbm>>, %arg7: memref<80x128xf32, #tpu.memory_space<hbm>>, %arg8: memref<2544xi32, #tpu.memory_space<hbm>>, %arg9: memref<20480x128xf32, #tpu.memory_space<hbm>>, %arg10: memref<160x128xf32, #tpu.memory_space<hbm>>, %arg11: memref<20000x128xf32, #tpu.memory_space<hbm>>, %arg12: memref<128xi32, #tpu.memory_space<vmem>>, %arg13: memref<128xi32, #tpu.memory_space<vmem>>, %arg14: memref<128xi32, #tpu.memory_space<vmem>>, %arg15: memref<128xi32, #tpu.memory_space<vmem>>, %arg16: memref<128xi32, #tpu.memory_space<vmem>>, %arg17: memref<128xi32, #tpu.memory_space<vmem>>, %arg18: memref<128xi32, #tpu.memory_space<vmem>>, %arg19: memref<128xi32, #tpu.memory_space<vmem>>, %arg20: memref<128x128xf32, #tpu.memory_space<vmem>>, %arg21: memref<128x128xf32, #tpu.memory_space<vmem>>, %arg22: memref<80x128xf32, #tpu.memory_space<vmem>>, %arg23: memref<80xi32, #tpu.memory_space<vmem>>, %arg24: memref<2544xi32, #tpu.memory_space<vmem>>, %arg25: memref<10248x128xf32, #tpu.memory_space<vmem_shared>>, %arg26: memref<80x128xf32, #tpu.memory_space<vmem_shared>>, %arg27: memref<!tpu.dma_semaphore, #tpu.memory_space<semaphore_mem>>, %arg28: memref<!tpu.dma_semaphore, #tpu.memory_space<semaphore_mem>>) attributes {dimension_semantics = [#tpu.dimension_semantics<core_parallel>, #tpu.dimension_semantics<subcore_parallel>], iteration_bounds = array<i64: 2, 16>, scalar_prefetch = 0 : i64, scratch_operands = 17 : i64, tpu.core_type = #tpu.core_type<sc_vector_subcore>, window_params = [{transform_indices = #map}, {transform_indices = #map}, {transform_indices = #map}, {transform_indices = #map1}, {transform_indices = #map1}, {transform_indices = #map1}, {transform_indices = #map}, {transform_indices = #map1}, {transform_indices = #map1}, {transform_indices = #map1}]} {
    %mul3A = arith.constant 10240 : i32
    %mul3A_0 = arith.muli %arg0, %mul3A : i32
    %iota3A = tpu.iota {dimensions = array<i32: 0>} : vector<16xi32>
    %mul3A_1 = arith.constant 640 : i32
    %mul3A_2 = arith.muli %arg1, %mul3A_1 : i32
    "tpu.region"() ({
      %run_scoped3A = tpu.sem_alloc : memref<!tpu.dma_semaphore, #tpu.memory_space<semaphore_mem>>
      %dma_start3A = arith.constant 0 : i32
      %dma_start3A_181 = tpu.memref_slice %arg25[%mul3A_2, %dma_start3A] : memref<10248x128xf32, #tpu.memory_space<vmem_shared>> -> memref<640x128xf32, #tpu.memory_space<vmem_shared>>
      %dma_start3A_182 = arith.constant 0 : i32
      %dma_start3A_183 = tpu.memref_slice %arg6[%mul3A_2, %dma_start3A_182] : memref<10240x128xf32, #tpu.memory_space<hbm>> -> memref<640x128xf32, #tpu.memory_space<hbm>>
      tpu.enqueue_dma source(%dma_start3A_183 : memref<640x128xf32, #tpu.memory_space<hbm>>) target(%dma_start3A_181 : memref<640x128xf32, #tpu.memory_space<vmem_shared>>) target_semaphore(%run_scoped3A : memref<!tpu.dma_semaphore, #tpu.memory_space<semaphore_mem>>)
      %dma_wait3A = arith.constant 0 : i32
      %dma_wait3A_184 = tpu.memref_slice %arg25[%mul3A_2, %dma_wait3A] : memref<10248x128xf32, #tpu.memory_space<vmem_shared>> -> memref<640x128xf32, #tpu.memory_space<vmem_shared>>
      %dma_wait3A_185 = arith.constant 0 : i32
      %dma_wait3A_186 = tpu.memref_slice %arg6[%mul3A_2, %dma_wait3A_185] : memref<10240x128xf32, #tpu.memory_space<hbm>> -> memref<640x128xf32, #tpu.memory_space<hbm>>
      tpu.wait_dma2 semaphore(%run_scoped3A : memref<!tpu.dma_semaphore, #tpu.memory_space<semaphore_mem>>) src(%dma_wait3A_186 : memref<640x128xf32, #tpu.memory_space<hbm>>) dst(%dma_wait3A_184 : memref<640x128xf32, #tpu.memory_space<vmem_shared>>)
      tpu.yield
    }) : () -> ()
    %eq3A = arith.constant 0 : i32
    %eq3A_3 = arith.cmpi eq, %arg1, %eq3A : i32
    %convert_element_type3A = arith.extui %eq3A_3 : i1 to i32
    %cond3A = arith.constant 0 : i32
    %cond3A_4 = arith.cmpi ne, %convert_element_type3A, %cond3A : i32
    scf.if %cond3A_4 {
      "tpu.region"() ({
        %run_scoped3A = tpu.sem_alloc : memref<!tpu.dma_semaphore, #tpu.memory_space<semaphore_mem>>
        tpu.enqueue_dma source(%arg7 : memref<80x128xf32, #tpu.memory_space<hbm>>) target(%arg26 : memref<80x128xf32, #tpu.memory_space<vmem_shared>>) target_semaphore(%run_scoped3A : memref<!tpu.dma_semaphore, #tpu.memory_space<semaphore_mem>>)
        tpu.wait_dma2 semaphore(%run_scoped3A : memref<!tpu.dma_semaphore, #tpu.memory_space<semaphore_mem>>) src(%arg7 : memref<80x128xf32, #tpu.memory_space<hbm>>) dst(%arg26 : memref<80x128xf32, #tpu.memory_space<vmem_shared>>)
        tpu.yield
      }) : () -> ()
    } else {
    }
    %scan3A = arith.constant 0 : i32
    %scan3A_5 = arith.constant 0 : i32
    %scan3A_6 = arith.constant 640 : i32
    %scan3A_7 = arith.addi %scan3A_5, %scan3A_6 : i32
    %scan3A_8 = arith.constant 1 : i32
    scf.for %scan3A_181 = %scan3A_5 to %scan3A_7 step %scan3A_8  : i32 {
      %broadcast_in_dim3A = arith.constant 0.000000e+00 : f32
      %broadcast_in_dim3A_182 = vector.broadcast %broadcast_in_dim3A : f32 to vector<16xf32>
      %shift_right_arithmetic3A = arith.constant 3 : i32
      %shift_right_arithmetic3A_183 = arith.shrsi %scan3A_181, %shift_right_arithmetic3A : i32
      %and3A = arith.constant 7 : i32
      %and3A_184 = arith.andi %scan3A_181, %and3A : i32
      %mul3A_185 = arith.constant 16 : i32
      %mul3A_186 = arith.muli %and3A_184, %mul3A_185 : i32
      %swap3A = arith.index_cast %shift_right_arithmetic3A_183 : i32 to index
      %swap3A_187 = arith.index_cast %mul3A_186 : i32 to index
      %swap3A_188 = tpu.vector_load %arg22[%swap3A, %swap3A_187] {strides = array<i32>} : memref<80x128xf32, #tpu.memory_space<vmem>>, vector<16xf32>,
      tpu.vector_store %arg22[%swap3A, %swap3A_187], %broadcast_in_dim3A_182 {strides = array<i32>} : memref<80x128xf32, #tpu.memory_space<vmem>>, vector<16xf32>,
    }
    %scan3A_9 = arith.constant 640 : i32
    %scan3A_10 = arith.constant 0 : i32
    %scan3A_11 = arith.constant 0 : i32
    %scan3A_12 = arith.constant 5 : i32
    %scan3A_13 = arith.addi %scan3A_11, %scan3A_12 : i32
    %scan3A_14 = arith.constant 1 : i32
    scf.for %scan3A_181 = %scan3A_11 to %scan3A_13 step %scan3A_14  : i32 {
      %mul3A_182 = arith.constant 16 : i32
      %mul3A_183 = arith.muli %scan3A_181, %mul3A_182 : i32
      %add3A_184 = vector.broadcast %mul3A_183 : i32 to vector<16xi32>
      %add3A_185 = arith.addi %iota3A, %add3A_184 : vector<16xi32>
      %mul3A_186 = arith.constant 16 : i32
      %mul3A_187 = arith.muli %scan3A_181, %mul3A_186 : i32
      %swap3A = arith.index_cast %mul3A_187 : i32 to index
      %swap3A_188 = tpu.vector_load %arg23[%swap3A] {strides = array<i32>} : memref<80xi32, #tpu.memory_space<vmem>>, vector<16xi32>,
      tpu.vector_store %arg23[%swap3A], %add3A_185 {strides = array<i32>} : memref<80xi32, #tpu.memory_space<vmem>>, vector<16xi32>,
    }
    %scan3A_15 = arith.constant 5 : i32
    "tpu.region"() ({
      %run_scoped3A = tpu.sem_alloc : memref<!tpu.dma_semaphore, #tpu.memory_space<semaphore_mem>>
      tpu.enqueue_dma source(%arg8 : memref<2544xi32, #tpu.memory_space<hbm>>) target(%arg24 : memref<2544xi32, #tpu.memory_space<vmem>>) target_semaphore(%run_scoped3A : memref<!tpu.dma_semaphore, #tpu.memory_space<semaphore_mem>>)
      tpu.wait_dma2 semaphore(%run_scoped3A : memref<!tpu.dma_semaphore, #tpu.memory_space<semaphore_mem>>) src(%arg8 : memref<2544xi32, #tpu.memory_space<hbm>>) dst(%arg24 : memref<2544xi32, #tpu.memory_space<vmem>>)
      tpu.yield
    }) : () -> ()
    %mul3A_16 = arith.constant 0 : i32
    %mul3A_17 = vector.broadcast %mul3A_16 : i32 to vector<16xi32>
    %mul3A_18 = arith.muli %iota3A, %mul3A_17 : vector<16xi32>
    %add3A = vector.broadcast %arg1 : i32 to vector<16xi32>
    %add3A_19 = arith.addi %mul3A_18, %add3A : vector<16xi32>
    %barrier3A = arith.constant 0 : index
    tpu.barrier barrier_id(%barrier3A)
    %scan3A_20 = arith.constant 0 : i32
    %scan3A_21 = arith.constant 0 : i32
    %scan3A_22 = arith.constant 79 : i32
    %scan3A_23 = arith.addi %scan3A_21, %scan3A_22 : i32
    %scan3A_24 = arith.constant 1 : i32
    scf.for %scan3A_181 = %scan3A_21 to %scan3A_23 step %scan3A_24  : i32 {
      %mul3A_182 = arith.constant 2 : i32
      %mul3A_183 = arith.muli %mul3A_182, %scan3A_181 : i32
      %add3A_184 = arith.constant 0 : i32
      %add3A_185 = arith.addi %mul3A_183, %add3A_184 : i32
      %mul3A_186 = arith.constant 2 : i32
      %mul3A_187 = arith.muli %mul3A_186, %scan3A_181 : i32
      %add3A_188 = arith.constant 1 : i32
      %add3A_189 = arith.addi %mul3A_187, %add3A_188 : i32
      %mul3A_190 = arith.constant 16 : i32
      %mul3A_191 = arith.muli %mul3A_190, %add3A_185 : i32
      %add3A_192 = arith.addi %arg1, %mul3A_191 : i32
      %mul3A_193 = arith.constant 16 : i32
      %mul3A_194 = arith.muli %mul3A_193, %add3A_189 : i32
      %add3A_195 = arith.addi %arg1, %mul3A_194 : i32
      %mul3A_196 = arith.constant 128 : i32
      %mul3A_197 = arith.muli %add3A_192, %mul3A_196 : i32
      %mul3A_198 = arith.constant 128 : i32
      %mul3A_199 = arith.muli %add3A_195, %mul3A_198 : i32
      %mul3A_200 = arith.constant 16 : i32
      %mul3A_201 = arith.muli %mul3A_200, %add3A_185 : i32
      %get3A = arith.index_cast %mul3A_201 : i32 to index
      %get3A_202 = tpu.vector_load %arg24[%get3A] {strides = array<i32>} : memref<2544xi32, #tpu.memory_space<vmem>>, vector<16xi32>,
      %mul3A_203 = arith.constant 16 : i32
      %mul3A_204 = arith.muli %mul3A_203, %add3A_185 : i32
      %add3A_205 = arith.constant 1 : i32
      %add3A_206 = arith.addi %mul3A_204, %add3A_205 : i32
      %get3A_207 = arith.index_cast %add3A_206 : i32 to index
      %get3A_208 = tpu.vector_load %arg24[%get3A_207] {strides = array<i32>} : memref<2544xi32, #tpu.memory_space<vmem>>, vector<16xi32>,
      %lt3A_209 = arith.constant 0 : i32
      %lt3A_210 = vector.broadcast %lt3A_209 : i32 to vector<16xi32>
      %lt3A_211 = arith.cmpi slt, %add3A_19, %lt3A_210 : vector<16xi32>
      %add3A_212 = arith.constant 16 : i32
      %add3A_213 = vector.broadcast %add3A_212 : i32 to vector<16xi32>
      %add3A_214 = arith.addi %add3A_19, %add3A_213 : vector<16xi32>
      %select_n3A = arith.select %lt3A_211, %add3A_214, %add3A_19 : vector<16xi1>, vector<16xi32>
      %broadcast_in_dim3A = vector.shape_cast %select_n3A : vector<16xi32> to vector<16x1xi32>
      %gather3A = vector.shape_cast %broadcast_in_dim3A : vector<16x1xi32> to vector<16xi32>
      %gather3A_215 = tpu.dynamic_gather %get3A_202[%gather3A] in [0] : vector<16xi32>, vector<16xi32> -> vector<16xi32>
      %slice3A = vector.extract_strided_slice %gather3A_215 {offsets = [0], sizes = [1], strides = [1]} : vector<16xi32> to vector<1xi32>
      %squeeze3A = vector.extract %slice3A[0] : i32 from vector<1xi32>
      %lt3A_216 = arith.constant 0 : i32
      %lt3A_217 = vector.broadcast %lt3A_216 : i32 to vector<16xi32>
      %lt3A_218 = arith.cmpi slt, %add3A_19, %lt3A_217 : vector<16xi32>
      %add3A_219 = arith.constant 16 : i32
      %add3A_220 = vector.broadcast %add3A_219 : i32 to vector<16xi32>
      %add3A_221 = arith.addi %add3A_19, %add3A_220 : vector<16xi32>
      %select_n3A_222 = arith.select %lt3A_218, %add3A_221, %add3A_19 : vector<16xi1>, vector<16xi32>
      %broadcast_in_dim3A_223 = vector.shape_cast %select_n3A_222 : vector<16xi32> to vector<16x1xi32>
      %gather3A_224 = vector.shape_cast %broadcast_in_dim3A_223 : vector<16x1xi32> to vector<16xi32>
      %gather3A_225 = tpu.dynamic_gather %get3A_208[%gather3A_224] in [0] : vector<16xi32>, vector<16xi32> -> vector<16xi32>
      %slice3A_226 = vector.extract_strided_slice %gather3A_225 {offsets = [0], sizes = [1], strides = [1]} : vector<16xi32> to vector<1xi32>
      %squeeze3A_227 = vector.extract %slice3A_226[0] : i32 from vector<1xi32>
      %ge3A = arith.cmpi sge, %squeeze3A_227, %mul3A_0 : i32
      %add3A_228 = arith.constant 10240 : i32
      %add3A_229 = arith.addi %mul3A_0, %add3A_228 : i32
      %lt3A_230 = arith.cmpi slt, %squeeze3A, %add3A_229 : i32
      %and3A = arith.andi %ge3A, %lt3A_230 : i1
      %mul3A_231 = arith.constant 16 : i32
      %mul3A_232 = arith.muli %mul3A_231, %add3A_189 : i32
      %get3A_233 = arith.index_cast %mul3A_232 : i32 to index
      %get3A_234 = tpu.vector_load %arg24[%get3A_233] {strides = array<i32>} : memref<2544xi32, #tpu.memory_space<vmem>>, vector<16xi32>,
      %mul3A_235 = arith.constant 16 : i32
      %mul3A_236 = arith.muli %mul3A_235, %add3A_189 : i32
      %add3A_237 = arith.constant 1 : i32
      %add3A_238 = arith.addi %mul3A_236, %add3A_237 : i32
      %get3A_239 = arith.index_cast %add3A_238 : i32 to index
      %get3A_240 = tpu.vector_load %arg24[%get3A_239] {strides = array<i32>} : memref<2544xi32, #tpu.memory_space<vmem>>, vector<16xi32>,
      %lt3A_241 = arith.constant 0 : i32
      %lt3A_242 = vector.broadcast %lt3A_241 : i32 to vector<16xi32>
      %lt3A_243 = arith.cmpi slt, %add3A_19, %lt3A_242 : vector<16xi32>
      %add3A_244 = arith.constant 16 : i32
      %add3A_245 = vector.broadcast %add3A_244 : i32 to vector<16xi32>
      %add3A_246 = arith.addi %add3A_19, %add3A_245 : vector<16xi32>
      %select_n3A_247 = arith.select %lt3A_243, %add3A_246, %add3A_19 : vector<16xi1>, vector<16xi32>
      %broadcast_in_dim3A_248 = vector.shape_cast %select_n3A_247 : vector<16xi32> to vector<16x1xi32>
      %gather3A_249 = vector.shape_cast %broadcast_in_dim3A_248 : vector<16x1xi32> to vector<16xi32>
      %gather3A_250 = tpu.dynamic_gather %get3A_234[%gather3A_249] in [0] : vector<16xi32>, vector<16xi32> -> vector<16xi32>
      %slice3A_251 = vector.extract_strided_slice %gather3A_250 {offsets = [0], sizes = [1], strides = [1]} : vector<16xi32> to vector<1xi32>
      %squeeze3A_252 = vector.extract %slice3A_251[0] : i32 from vector<1xi32>
      %lt3A_253 = arith.constant 0 : i32
      %lt3A_254 = vector.broadcast %lt3A_253 : i32 to vector<16xi32>
      %lt3A_255 = arith.cmpi slt, %add3A_19, %lt3A_254 : vector<16xi32>
      %add3A_256 = arith.constant 16 : i32
      %add3A_257 = vector.broadcast %add3A_256 : i32 to vector<16xi32>
      %add3A_258 = arith.addi %add3A_19, %add3A_257 : vector<16xi32>
      %select_n3A_259 = arith.select %lt3A_255, %add3A_258, %add3A_19 : vector<16xi1>, vector<16xi32>
      %broadcast_in_dim3A_260 = vector.shape_cast %select_n3A_259 : vector<16xi32> to vector<16x1xi32>
      %gather3A_261 = vector.shape_cast %broadcast_in_dim3A_260 : vector<16x1xi32> to vector<16xi32>
      %gather3A_262 = tpu.dynamic_gather %get3A_240[%gather3A_261] in [0] : vector<16xi32>, vector<16xi32> -> vector<16xi32>
      %slice3A_263 = vector.extract_strided_slice %gather3A_262 {offsets = [0], sizes = [1], strides = [1]} : vector<16xi32> to vector<1xi32>
      %squeeze3A_264 = vector.extract %slice3A_263[0] : i32 from vector<1xi32>
      %ge3A_265 = arith.cmpi sge, %squeeze3A_264, %mul3A_0 : i32
      %add3A_266 = arith.constant 10240 : i32
      %add3A_267 = arith.addi %mul3A_0, %add3A_266 : i32
      %lt3A_268 = arith.cmpi slt, %squeeze3A_252, %add3A_267 : i32
      %and3A_269 = arith.andi %ge3A_265, %lt3A_268 : i1
      %convert_element_type3A_270 = arith.extui %and3A : i1 to i32
      %cond3A_271 = arith.constant 0 : i32
      %cond3A_272 = arith.cmpi ne, %convert_element_type3A_270, %cond3A_271 : i32
      scf.if %cond3A_272 {
        %dma_start3A = tpu.memref_slice %arg4[%mul3A_197] : memref<320000xi32, #tpu.memory_space<hbm>> -> memref<128xi32, #tpu.memory_space<hbm>>
        %dma_start3A_324 = tpu.memref_slice %arg4[%mul3A_197] : memref<320000xi32, #tpu.memory_space<hbm>> -> memref<128xi32, #tpu.memory_space<hbm>>
        tpu.enqueue_dma source(%dma_start3A_324 : memref<128xi32, #tpu.memory_space<hbm>>) target(%arg16 : memref<128xi32, #tpu.memory_space<vmem>>) target_semaphore(%arg27 : memref<!tpu.dma_semaphore, #tpu.memory_space<semaphore_mem>>)
        %dma_start3A_325 = tpu.memref_slice %arg3[%mul3A_197] : memref<320000xi32, #tpu.memory_space<hbm>> -> memref<128xi32, #tpu.memory_space<hbm>>
        %dma_start3A_326 = tpu.memref_slice %arg3[%mul3A_197] : memref<320000xi32, #tpu.memory_space<hbm>> -> memref<128xi32, #tpu.memory_space<hbm>>
        tpu.enqueue_dma source(%dma_start3A_326 : memref<128xi32, #tpu.memory_space<hbm>>) target(%arg12 : memref<128xi32, #tpu.memory_space<vmem>>) target_semaphore(%arg27 : memref<!tpu.dma_semaphore, #tpu.memory_space<semaphore_mem>>)
      } else {
      }
      %convert_element_type3A_273 = arith.extui %and3A_269 : i1 to i32
      %cond3A_274 = arith.constant 0 : i32
      %cond3A_275 = arith.cmpi ne, %convert_element_type3A_273, %cond3A_274 : i32
      scf.if %cond3A_275 {
        %dma_start3A = tpu.memref_slice %arg4[%mul3A_199] : memref<320000xi32, #tpu.memory_space<hbm>> -> memref<128xi32, #tpu.memory_space<hbm>>
        %dma_start3A_324 = tpu.memref_slice %arg4[%mul3A_199] : memref<320000xi32, #tpu.memory_space<hbm>> -> memref<128xi32, #tpu.memory_space<hbm>>
        tpu.enqueue_dma source(%dma_start3A_324 : memref<128xi32, #tpu.memory_space<hbm>>) target(%arg17 : memref<128xi32, #tpu.memory_space<vmem>>) target_semaphore(%arg28 : memref<!tpu.dma_semaphore, #tpu.memory_space<semaphore_mem>>)
        %dma_start3A_325 = tpu.memref_slice %arg3[%mul3A_199] : memref<320000xi32, #tpu.memory_space<hbm>> -> memref<128xi32, #tpu.memory_space<hbm>>
        %dma_start3A_326 = tpu.memref_slice %arg3[%mul3A_199] : memref<320000xi32, #tpu.memory_space<hbm>> -> memref<128xi32, #tpu.memory_space<hbm>>
        tpu.enqueue_dma source(%dma_start3A_326 : memref<128xi32, #tpu.memory_space<hbm>>) target(%arg13 : memref<128xi32, #tpu.memory_space<vmem>>) target_semaphore(%arg28 : memref<!tpu.dma_semaphore, #tpu.memory_space<semaphore_mem>>)
      } else {
      }
      %convert_element_type3A_276 = arith.extui %and3A : i1 to i32
      %cond3A_277 = arith.constant 0 : i32
      %cond3A_278 = arith.cmpi ne, %convert_element_type3A_276, %cond3A_277 : i32
      scf.if %cond3A_278 {
        %dma_wait3A = tpu.memref_slice %arg4[%mul3A_197] : memref<320000xi32, #tpu.memory_space<hbm>> -> memref<128xi32, #tpu.memory_space<hbm>>
        %dma_wait3A_324 = tpu.memref_slice %arg4[%mul3A_197] : memref<320000xi32, #tpu.memory_space<hbm>> -> memref<128xi32, #tpu.memory_space<hbm>>
        tpu.wait_dma2 semaphore(%arg27 : memref<!tpu.dma_semaphore, #tpu.memory_space<semaphore_mem>>) src(%dma_wait3A_324 : memref<128xi32, #tpu.memory_space<hbm>>) dst(%arg16 : memref<128xi32, #tpu.memory_space<vmem>>)
        %dma_wait3A_325 = tpu.memref_slice %arg3[%mul3A_197] : memref<320000xi32, #tpu.memory_space<hbm>> -> memref<128xi32, #tpu.memory_space<hbm>>
        %dma_wait3A_326 = tpu.memref_slice %arg3[%mul3A_197] : memref<320000xi32, #tpu.memory_space<hbm>> -> memref<128xi32, #tpu.memory_space<hbm>>
        tpu.wait_dma2 semaphore(%arg27 : memref<!tpu.dma_semaphore, #tpu.memory_space<semaphore_mem>>) src(%dma_wait3A_326 : memref<128xi32, #tpu.memory_space<hbm>>) dst(%arg12 : memref<128xi32, #tpu.memory_space<vmem>>)
      } else {
      }
      %convert_element_type3A_279 = arith.extui %and3A_269 : i1 to i32
      %cond3A_280 = arith.constant 0 : i32
      %cond3A_281 = arith.cmpi ne, %convert_element_type3A_279, %cond3A_280 : i32
      scf.if %cond3A_281 {
        %dma_wait3A = tpu.memref_slice %arg4[%mul3A_199] : memref<320000xi32, #tpu.memory_space<hbm>> -> memref<128xi32, #tpu.memory_space<hbm>>
        %dma_wait3A_324 = tpu.memref_slice %arg4[%mul3A_199] : memref<320000xi32, #tpu.memory_space<hbm>> -> memref<128xi32, #tpu.memory_space<hbm>>
        tpu.wait_dma2 semaphore(%arg28 : memref<!tpu.dma_semaphore, #tpu.memory_space<semaphore_mem>>) src(%dma_wait3A_324 : memref<128xi32, #tpu.memory_space<hbm>>) dst(%arg17 : memref<128xi32, #tpu.memory_space<vmem>>)
        %dma_wait3A_325 = tpu.memref_slice %arg3[%mul3A_199] : memref<320000xi32, #tpu.memory_space<hbm>> -> memref<128xi32, #tpu.memory_space<hbm>>
        %dma_wait3A_326 = tpu.memref_slice %arg3[%mul3A_199] : memref<320000xi32, #tpu.memory_space<hbm>> -> memref<128xi32, #tpu.memory_space<hbm>>
        tpu.wait_dma2 semaphore(%arg28 : memref<!tpu.dma_semaphore, #tpu.memory_space<semaphore_mem>>) src(%dma_wait3A_326 : memref<128xi32, #tpu.memory_space<hbm>>) dst(%arg13 : memref<128xi32, #tpu.memory_space<vmem>>)
      } else {
      }
      %convert_element_type3A_282 = arith.extui %and3A : i1 to i32
      %cond3A_283 = arith.constant 0 : i32
      %cond3A_284 = arith.cmpi ne, %convert_element_type3A_282, %cond3A_283 : i32
      scf.if %cond3A_284 {
        %dma_start3A = arith.constant 0 : i32
        %dma_start3A_324 = tpu.memref_slice %arg2[%dma_start3A] : memref<100000xi32, #tpu.memory_space<hbm>> -> memref<100000xi32, #tpu.memory_space<hbm>>
        tpu.enqueue_indirect_dma source(%dma_start3A_324 : memref<100000xi32, #tpu.memory_space<hbm>>) target(%arg14 : memref<128xi32, #tpu.memory_space<vmem>>) offsets(%arg12 : memref<128xi32, #tpu.memory_space<vmem>>) semaphore(%arg27 : memref<!tpu.dma_semaphore, #tpu.memory_space<semaphore_mem>>)
      } else {
      }
      %convert_element_type3A_285 = arith.extui %and3A_269 : i1 to i32
      %cond3A_286 = arith.constant 0 : i32
      %cond3A_287 = arith.cmpi ne, %convert_element_type3A_285, %cond3A_286 : i32
      scf.if %cond3A_287 {
        %dma_start3A = arith.constant 0 : i32
        %dma_start3A_324 = tpu.memref_slice %arg2[%dma_start3A] : memref<100000xi32, #tpu.memory_space<hbm>> -> memref<100000xi32, #tpu.memory_space<hbm>>
        tpu.enqueue_indirect_dma source(%dma_start3A_324 : memref<100000xi32, #tpu.memory_space<hbm>>) target(%arg15 : memref<128xi32, #tpu.memory_space<vmem>>) offsets(%arg13 : memref<128xi32, #tpu.memory_space<vmem>>) semaphore(%arg28 : memref<!tpu.dma_semaphore, #tpu.memory_space<semaphore_mem>>)
      } else {
      }
      %convert_element_type3A_288 = arith.extui %and3A : i1 to i32
      %cond3A_289 = arith.constant 0 : i32
      %cond3A_290 = arith.cmpi ne, %convert_element_type3A_288, %cond3A_289 : i32
      scf.if %cond3A_290 {
        %dma_wait3A = arith.constant 0 : i32
        %dma_wait3A_324 = tpu.memref_slice %arg2[%dma_wait3A] : memref<100000xi32, #tpu.memory_space<hbm>> -> memref<100000xi32, #tpu.memory_space<hbm>>
        tpu.wait_indirect_dma semaphore(%arg27 : memref<!tpu.dma_semaphore, #tpu.memory_space<semaphore_mem>>) src(%dma_wait3A_324 : memref<100000xi32, #tpu.memory_space<hbm>>) dst(%arg14 : memref<128xi32, #tpu.memory_space<vmem>>)
      } else {
      }
      %convert_element_type3A_291 = arith.extui %and3A_269 : i1 to i32
      %cond3A_292 = arith.constant 0 : i32
      %cond3A_293 = arith.cmpi ne, %convert_element_type3A_291, %cond3A_292 : i32
      scf.if %cond3A_293 {
        %dma_wait3A = arith.constant 0 : i32
        %dma_wait3A_324 = tpu.memref_slice %arg2[%dma_wait3A] : memref<100000xi32, #tpu.memory_space<hbm>> -> memref<100000xi32, #tpu.memory_space<hbm>>
        tpu.wait_indirect_dma semaphore(%arg28 : memref<!tpu.dma_semaphore, #tpu.memory_space<semaphore_mem>>) src(%dma_wait3A_324 : memref<100000xi32, #tpu.memory_space<hbm>>) dst(%arg15 : memref<128xi32, #tpu.memory_space<vmem>>)
      } else {
      }
      %convert_element_type3A_294 = arith.extui %and3A : i1 to i32
      %cond3A_295 = arith.constant 0 : i32
      %cond3A_296 = arith.cmpi ne, %convert_element_type3A_294, %cond3A_295 : i32
      scf.if %cond3A_296 {
        %dma_start3A = arith.constant 0 : i32
        %dma_start3A_324 = arith.constant 0 : i32
        %dma_start3A_325 = tpu.memref_slice %arg5[%dma_start3A, %dma_start3A_324] : memref<500000x128xf32, #tpu.memory_space<hbm>> -> memref<500000x128xf32, #tpu.memory_space<hbm>>
        tpu.enqueue_indirect_dma source(%dma_start3A_325 : memref<500000x128xf32, #tpu.memory_space<hbm>>) target(%arg20 : memref<128x128xf32, #tpu.memory_space<vmem>>) offsets(%arg14 : memref<128xi32, #tpu.memory_space<vmem>>) semaphore(%arg27 : memref<!tpu.dma_semaphore, #tpu.memory_space<semaphore_mem>>)
      } else {
      }
      %convert_element_type3A_297 = arith.extui %and3A_269 : i1 to i32
      %cond3A_298 = arith.constant 0 : i32
      %cond3A_299 = arith.cmpi ne, %convert_element_type3A_297, %cond3A_298 : i32
      scf.if %cond3A_299 {
        %dma_start3A = arith.constant 0 : i32
        %dma_start3A_324 = arith.constant 0 : i32
        %dma_start3A_325 = tpu.memref_slice %arg5[%dma_start3A, %dma_start3A_324] : memref<500000x128xf32, #tpu.memory_space<hbm>> -> memref<500000x128xf32, #tpu.memory_space<hbm>>
        tpu.enqueue_indirect_dma source(%dma_start3A_325 : memref<500000x128xf32, #tpu.memory_space<hbm>>) target(%arg21 : memref<128x128xf32, #tpu.memory_space<vmem>>) offsets(%arg15 : memref<128xi32, #tpu.memory_space<vmem>>) semaphore(%arg28 : memref<!tpu.dma_semaphore, #tpu.memory_space<semaphore_mem>>)
      } else {
      }
      %convert_element_type3A_300 = arith.extui %and3A : i1 to i32
      %cond3A_301 = arith.constant 0 : i32
      %cond3A_302 = arith.cmpi ne, %convert_element_type3A_300, %cond3A_301 : i32
      scf.if %cond3A_302 {
        %scan3A_324 = arith.constant 0 : i32
        %scan3A_325 = arith.constant 0 : i32
        %scan3A_326 = arith.constant 8 : i32
        %scan3A_327 = arith.addi %scan3A_325, %scan3A_326 : i32
        %scan3A_328 = arith.constant 1 : i32
        scf.for %scan3A_330 = %scan3A_325 to %scan3A_327 step %scan3A_328  : i32 {
          %mul3A_331 = arith.constant 16 : i32
          %mul3A_332 = arith.muli %scan3A_330, %mul3A_331 : i32
          %get3A_333 = arith.index_cast %mul3A_332 : i32 to index
          %get3A_334 = tpu.vector_load %arg16[%get3A_333] {strides = array<i32>} : memref<128xi32, #tpu.memory_space<vmem>>, vector<16xi32>,
          %sub3A = vector.broadcast %mul3A_0 : i32 to vector<16xi32>
          %sub3A_335 = arith.subi %get3A_334, %sub3A : vector<16xi32>
          %ge3A_336 = arith.constant 0 : i32
          %ge3A_337 = vector.broadcast %ge3A_336 : i32 to vector<16xi32>
          %ge3A_338 = arith.cmpi sge, %sub3A_335, %ge3A_337 : vector<16xi32>
          %lt3A_339 = arith.constant 10240 : i32
          %lt3A_340 = vector.broadcast %lt3A_339 : i32 to vector<16xi32>
          %lt3A_341 = arith.cmpi slt, %sub3A_335, %lt3A_340 : vector<16xi32>
          %and3A_342 = arith.andi %ge3A_338, %lt3A_341 : vector<16xi1>
          %jit3A = arith.constant 10240 : i32
          %broadcast_in_dim3A_343 = vector.broadcast %jit3A : i32 to vector<16xi32>
          %select_n3A_344 = arith.select %and3A_342, %sub3A_335, %broadcast_in_dim3A_343 : vector<16xi1>, vector<16xi32>
          %mul3A_345 = arith.constant 16 : i32
          %mul3A_346 = arith.muli %scan3A_330, %mul3A_345 : i32
          %swap3A = arith.index_cast %mul3A_346 : i32 to index
          %swap3A_347 = tpu.vector_load %arg18[%swap3A] {strides = array<i32>} : memref<128xi32, #tpu.memory_space<vmem>>, vector<16xi32>,
          tpu.vector_store %arg18[%swap3A], %select_n3A_344 {strides = array<i32>} : memref<128xi32, #tpu.memory_space<vmem>>, vector<16xi32>,
          %sub3A_348 = arith.constant 1 : i32
          %sub3A_349 = vector.broadcast %sub3A_348 : i32 to vector<16xi32>
          %sub3A_350 = arith.subi %iota3A, %sub3A_349 : vector<16xi32>
          %max3A = arith.constant 0 : i32
          %max3A_351 = vector.broadcast %max3A : i32 to vector<16xi32>
          %max3A_352 = arith.maxsi %sub3A_350, %max3A_351 : vector<16xi32>
          %lt3A_353 = arith.constant 0 : i32
          %lt3A_354 = vector.broadcast %lt3A_353 : i32 to vector<16xi32>
          %lt3A_355 = arith.cmpi slt, %max3A_352, %lt3A_354 : vector<16xi32>
          %add3A_356 = arith.constant 16 : i32
          %add3A_357 = vector.broadcast %add3A_356 : i32 to vector<16xi32>
          %add3A_358 = arith.addi %max3A_352, %add3A_357 : vector<16xi32>
          %select_n3A_359 = arith.select %lt3A_355, %add3A_358, %max3A_352 : vector<16xi1>, vector<16xi32>
          %broadcast_in_dim3A_360 = vector.shape_cast %select_n3A_359 : vector<16xi32> to vector<16x1xi32>
          %gather3A_361 = vector.shape_cast %broadcast_in_dim3A_360 : vector<16x1xi32> to vector<16xi32>
          %gather3A_362 = tpu.dynamic_gather %select_n3A_344[%gather3A_361] in [0] : vector<16xi32>, vector<16xi32> -> vector<16xi32>
          %ne3A = arith.cmpi ne, %select_n3A_344, %gather3A_362 : vector<16xi32>
          %eq3A_363 = arith.constant 0 : i32
          %eq3A_364 = vector.broadcast %eq3A_363 : i32 to vector<16xi32>
          %eq3A_365 = arith.cmpi eq, %iota3A, %eq3A_364 : vector<16xi32>
          %or3A = arith.ori %ne3A, %eq3A_365 : vector<16xi1>
          %jit3A_366 = arith.constant 16 : i32
          %broadcast_in_dim3A_367 = vector.broadcast %jit3A_366 : i32 to vector<16xi32>
          %select_n3A_368 = arith.select %or3A, %iota3A, %broadcast_in_dim3A_367 : vector<16xi1>, vector<16xi32>
          %add3A_369 = arith.constant 1 : i32
          %add3A_370 = vector.broadcast %add3A_369 : i32 to vector<16xi32>
          %add3A_371 = arith.addi %iota3A, %add3A_370 : vector<16xi32>
          %min3A = arith.constant 15 : i32
          %min3A_372 = vector.broadcast %min3A : i32 to vector<16xi32>
          %min3A_373 = arith.minsi %add3A_371, %min3A_372 : vector<16xi32>
          %lt3A_374 = arith.constant 0 : i32
          %lt3A_375 = vector.broadcast %lt3A_374 : i32 to vector<16xi32>
          %lt3A_376 = arith.cmpi slt, %min3A_373, %lt3A_375 : vector<16xi32>
          %add3A_377 = arith.constant 16 : i32
          %add3A_378 = vector.broadcast %add3A_377 : i32 to vector<16xi32>
          %add3A_379 = arith.addi %min3A_373, %add3A_378 : vector<16xi32>
          %select_n3A_380 = arith.select %lt3A_376, %add3A_379, %min3A_373 : vector<16xi1>, vector<16xi32>
          %broadcast_in_dim3A_381 = vector.shape_cast %select_n3A_380 : vector<16xi32> to vector<16x1xi32>
          %gather3A_382 = vector.shape_cast %broadcast_in_dim3A_381 : vector<16x1xi32> to vector<16xi32>
          %gather3A_383 = tpu.dynamic_gather %select_n3A_368[%gather3A_382] in [0] : vector<16xi32>, vector<16xi32> -> vector<16xi32>
          %add3A_384 = arith.constant 1 : i32
          %add3A_385 = vector.broadcast %add3A_384 : i32 to vector<16xi32>
          %add3A_386 = arith.addi %iota3A, %add3A_385 : vector<16xi32>
          %lt3A_387 = arith.constant 16 : i32
          %lt3A_388 = vector.broadcast %lt3A_387 : i32 to vector<16xi32>
          %lt3A_389 = arith.cmpi slt, %add3A_386, %lt3A_388 : vector<16xi32>
          %jit3A_390 = arith.constant 16 : i32
          %broadcast_in_dim3A_391 = vector.broadcast %jit3A_390 : i32 to vector<16xi32>
          %select_n3A_392 = arith.select %lt3A_389, %gather3A_383, %broadcast_in_dim3A_391 : vector<16xi1>, vector<16xi32>
          %min3A_393 = arith.minsi %select_n3A_368, %select_n3A_392 : vector<16xi32>
          %add3A_394 = arith.constant 2 : i32
          %add3A_395 = vector.broadcast %add3A_394 : i32 to vector<16xi32>
          %add3A_396 = arith.addi %iota3A, %add3A_395 : vector<16xi32>
          %min3A_397 = arith.constant 15 : i32
          %min3A_398 = vector.broadcast %min3A_397 : i32 to vector<16xi32>
          %min3A_399 = arith.minsi %add3A_396, %min3A_398 : vector<16xi32>
          %lt3A_400 = arith.constant 0 : i32
          %lt3A_401 = vector.broadcast %lt3A_400 : i32 to vector<16xi32>
          %lt3A_402 = arith.cmpi slt, %min3A_399, %lt3A_401 : vector<16xi32>
          %add3A_403 = arith.constant 16 : i32
          %add3A_404 = vector.broadcast %add3A_403 : i32 to vector<16xi32>
          %add3A_405 = arith.addi %min3A_399, %add3A_404 : vector<16xi32>
          %select_n3A_406 = arith.select %lt3A_402, %add3A_405, %min3A_399 : vector<16xi1>, vector<16xi32>
          %broadcast_in_dim3A_407 = vector.shape_cast %select_n3A_406 : vector<16xi32> to vector<16x1xi32>
          %gather3A_408 = vector.shape_cast %broadcast_in_dim3A_407 : vector<16x1xi32> to vector<16xi32>
          %gather3A_409 = tpu.dynamic_gather %min3A_393[%gather3A_408] in [0] : vector<16xi32>, vector<16xi32> -> vector<16xi32>
          %add3A_410 = arith.constant 2 : i32
          %add3A_411 = vector.broadcast %add3A_410 : i32 to vector<16xi32>
          %add3A_412 = arith.addi %iota3A, %add3A_411 : vector<16xi32>
          %lt3A_413 = arith.constant 16 : i32
          %lt3A_414 = vector.broadcast %lt3A_413 : i32 to vector<16xi32>
          %lt3A_415 = arith.cmpi slt, %add3A_412, %lt3A_414 : vector<16xi32>
          %jit3A_416 = arith.constant 16 : i32
          %broadcast_in_dim3A_417 = vector.broadcast %jit3A_416 : i32 to vector<16xi32>
          %select_n3A_418 = arith.select %lt3A_415, %gather3A_409, %broadcast_in_dim3A_417 : vector<16xi1>, vector<16xi32>
          %min3A_419 = arith.minsi %min3A_393, %select_n3A_418 : vector<16xi32>
          %add3A_420 = arith.constant 4 : i32
          %add3A_421 = vector.broadcast %add3A_420 : i32 to vector<16xi32>
          %add3A_422 = arith.addi %iota3A, %add3A_421 : vector<16xi32>
          %min3A_423 = arith.constant 15 : i32
          %min3A_424 = vector.broadcast %min3A_423 : i32 to vector<16xi32>
          %min3A_425 = arith.minsi %add3A_422, %min3A_424 : vector<16xi32>
          %lt3A_426 = arith.constant 0 : i32
          %lt3A_427 = vector.broadcast %lt3A_426 : i32 to vector<16xi32>
          %lt3A_428 = arith.cmpi slt, %min3A_425, %lt3A_427 : vector<16xi32>
          %add3A_429 = arith.constant 16 : i32
          %add3A_430 = vector.broadcast %add3A_429 : i32 to vector<16xi32>
          %add3A_431 = arith.addi %min3A_425, %add3A_430 : vector<16xi32>
          %select_n3A_432 = arith.select %lt3A_428, %add3A_431, %min3A_425 : vector<16xi1>, vector<16xi32>
          %broadcast_in_dim3A_433 = vector.shape_cast %select_n3A_432 : vector<16xi32> to vector<16x1xi32>
          %gather3A_434 = vector.shape_cast %broadcast_in_dim3A_433 : vector<16x1xi32> to vector<16xi32>
          %gather3A_435 = tpu.dynamic_gather %min3A_419[%gather3A_434] in [0] : vector<16xi32>, vector<16xi32> -> vector<16xi32>
          %add3A_436 = arith.constant 4 : i32
          %add3A_437 = vector.broadcast %add3A_436 : i32 to vector<16xi32>
          %add3A_438 = arith.addi %iota3A, %add3A_437 : vector<16xi32>
          %lt3A_439 = arith.constant 16 : i32
          %lt3A_440 = vector.broadcast %lt3A_439 : i32 to vector<16xi32>
          %lt3A_441 = arith.cmpi slt, %add3A_438, %lt3A_440 : vector<16xi32>
          %jit3A_442 = arith.constant 16 : i32
          %broadcast_in_dim3A_443 = vector.broadcast %jit3A_442 : i32 to vector<16xi32>
          %select_n3A_444 = arith.select %lt3A_441, %gather3A_435, %broadcast_in_dim3A_443 : vector<16xi1>, vector<16xi32>
          %min3A_445 = arith.minsi %min3A_419, %select_n3A_444 : vector<16xi32>
          %add3A_446 = arith.constant 8 : i32
          %add3A_447 = vector.broadcast %add3A_446 : i32 to vector<16xi32>
          %add3A_448 = arith.addi %iota3A, %add3A_447 : vector<16xi32>
          %min3A_449 = arith.constant 15 : i32
          %min3A_450 = vector.broadcast %min3A_449 : i32 to vector<16xi32>
          %min3A_451 = arith.minsi %add3A_448, %min3A_450 : vector<16xi32>
          %lt3A_452 = arith.constant 0 : i32
          %lt3A_453 = vector.broadcast %lt3A_452 : i32 to vector<16xi32>
          %lt3A_454 = arith.cmpi slt, %min3A_451, %lt3A_453 : vector<16xi32>
          %add3A_455 = arith.constant 16 : i32
          %add3A_456 = vector.broadcast %add3A_455 : i32 to vector<16xi32>
          %add3A_457 = arith.addi %min3A_451, %add3A_456 : vector<16xi32>
          %select_n3A_458 = arith.select %lt3A_454, %add3A_457, %min3A_451 : vector<16xi1>, vector<16xi32>
          %broadcast_in_dim3A_459 = vector.shape_cast %select_n3A_458 : vector<16xi32> to vector<16x1xi32>
          %gather3A_460 = vector.shape_cast %broadcast_in_dim3A_459 : vector<16x1xi32> to vector<16xi32>
          %gather3A_461 = tpu.dynamic_gather %min3A_445[%gather3A_460] in [0] : vector<16xi32>, vector<16xi32> -> vector<16xi32>
          %add3A_462 = arith.constant 8 : i32
          %add3A_463 = vector.broadcast %add3A_462 : i32 to vector<16xi32>
          %add3A_464 = arith.addi %iota3A, %add3A_463 : vector<16xi32>
          %lt3A_465 = arith.constant 16 : i32
          %lt3A_466 = vector.broadcast %lt3A_465 : i32 to vector<16xi32>
          %lt3A_467 = arith.cmpi slt, %add3A_464, %lt3A_466 : vector<16xi32>
          %jit3A_468 = arith.constant 16 : i32
          %broadcast_in_dim3A_469 = vector.broadcast %jit3A_468 : i32 to vector<16xi32>
          %select_n3A_470 = arith.select %lt3A_467, %gather3A_461, %broadcast_in_dim3A_469 : vector<16xi1>, vector<16xi32>
          %min3A_471 = arith.minsi %min3A_445, %select_n3A_470 : vector<16xi32>
          %add3A_472 = arith.constant 1 : i32
          %add3A_473 = vector.broadcast %add3A_472 : i32 to vector<16xi32>
          %add3A_474 = arith.addi %iota3A, %add3A_473 : vector<16xi32>
          %min3A_475 = arith.constant 15 : i32
          %min3A_476 = vector.broadcast %min3A_475 : i32 to vector<16xi32>
          %min3A_477 = arith.minsi %add3A_474, %min3A_476 : vector<16xi32>
          %lt3A_478 = arith.constant 0 : i32
          %lt3A_479 = vector.broadcast %lt3A_478 : i32 to vector<16xi32>
          %lt3A_480 = arith.cmpi slt, %min3A_477, %lt3A_479 : vector<16xi32>
          %add3A_481 = arith.constant 16 : i32
          %add3A_482 = vector.broadcast %add3A_481 : i32 to vector<16xi32>
          %add3A_483 = arith.addi %min3A_477, %add3A_482 : vector<16xi32>
          %select_n3A_484 = arith.select %lt3A_480, %add3A_483, %min3A_477 : vector<16xi1>, vector<16xi32>
          %broadcast_in_dim3A_485 = vector.shape_cast %select_n3A_484 : vector<16xi32> to vector<16x1xi32>
          %gather3A_486 = vector.shape_cast %broadcast_in_dim3A_485 : vector<16x1xi32> to vector<16xi32>
          %gather3A_487 = tpu.dynamic_gather %min3A_471[%gather3A_486] in [0] : vector<16xi32>, vector<16xi32> -> vector<16xi32>
          %eq3A_488 = arith.constant 15 : i32
          %eq3A_489 = vector.broadcast %eq3A_488 : i32 to vector<16xi32>
          %eq3A_490 = arith.cmpi eq, %iota3A, %eq3A_489 : vector<16xi32>
          %jit3A_491 = arith.constant 16 : i32
          %broadcast_in_dim3A_492 = vector.broadcast %jit3A_491 : i32 to vector<16xi32>
          %select_n3A_493 = arith.select %eq3A_490, %broadcast_in_dim3A_492, %gather3A_487 : vector<16xi1>, vector<16xi32>
          %sub3A_494 = arith.subi %select_n3A_493, %iota3A : vector<16xi32>
          %convert_element_type3A_495 = arith.sitofp %sub3A_494 : vector<16xi32> to vector<16xf32>
          %shift_right_arithmetic3A = arith.constant 7 : i32
          %shift_right_arithmetic3A_496 = vector.broadcast %shift_right_arithmetic3A : i32 to vector<16xi32>
          %shift_right_arithmetic3A_497 = arith.shrsi %select_n3A_344, %shift_right_arithmetic3A_496 : vector<16xi32>
          %and3A_498 = arith.constant 127 : i32
          %and3A_499 = vector.broadcast %and3A_498 : i32 to vector<16xi32>
          %and3A_500 = arith.andi %select_n3A_344, %and3A_499 : vector<16xi32>
          %and3A_501 = arith.andi %or3A, %and3A_342 : vector<16xi1>
          tpu.vector_store_idx %arg22[%shift_right_arithmetic3A_497, %and3A_500], %convert_element_type3A_495 masked %and3A_501 {add = true} : memref<80x128xf32, #tpu.memory_space<vmem>>[vector<16xi32>, vector<16xi32>], vector<16xf32>, vector<16xi1>
        }
        %scan3A_329 = arith.constant 8 : i32
      } else {
      }
      %convert_element_type3A_303 = arith.extui %and3A_269 : i1 to i32
      %cond3A_304 = arith.constant 0 : i32
      %cond3A_305 = arith.cmpi ne, %convert_element_type3A_303, %cond3A_304 : i32
      scf.if %cond3A_305 {
        %scan3A_324 = arith.constant 0 : i32
        %scan3A_325 = arith.constant 0 : i32
        %scan3A_326 = arith.constant 8 : i32
        %scan3A_327 = arith.addi %scan3A_325, %scan3A_326 : i32
        %scan3A_328 = arith.constant 1 : i32
        scf.for %scan3A_330 = %scan3A_325 to %scan3A_327 step %scan3A_328  : i32 {
          %mul3A_331 = arith.constant 16 : i32
          %mul3A_332 = arith.muli %scan3A_330, %mul3A_331 : i32
          %get3A_333 = arith.index_cast %mul3A_332 : i32 to index
          %get3A_334 = tpu.vector_load %arg17[%get3A_333] {strides = array<i32>} : memref<128xi32, #tpu.memory_space<vmem>>, vector<16xi32>,
          %sub3A = vector.broadcast %mul3A_0 : i32 to vector<16xi32>
          %sub3A_335 = arith.subi %get3A_334, %sub3A : vector<16xi32>
          %ge3A_336 = arith.constant 0 : i32
          %ge3A_337 = vector.broadcast %ge3A_336 : i32 to vector<16xi32>
          %ge3A_338 = arith.cmpi sge, %sub3A_335, %ge3A_337 : vector<16xi32>
          %lt3A_339 = arith.constant 10240 : i32
          %lt3A_340 = vector.broadcast %lt3A_339 : i32 to vector<16xi32>
          %lt3A_341 = arith.cmpi slt, %sub3A_335, %lt3A_340 : vector<16xi32>
          %and3A_342 = arith.andi %ge3A_338, %lt3A_341 : vector<16xi1>
          %jit3A = arith.constant 10240 : i32
          %broadcast_in_dim3A_343 = vector.broadcast %jit3A : i32 to vector<16xi32>
          %select_n3A_344 = arith.select %and3A_342, %sub3A_335, %broadcast_in_dim3A_343 : vector<16xi1>, vector<16xi32>
          %mul3A_345 = arith.constant 16 : i32
          %mul3A_346 = arith.muli %scan3A_330, %mul3A_345 : i32
          %swap3A = arith.index_cast %mul3A_346 : i32 to index
          %swap3A_347 = tpu.vector_load %arg19[%swap3A] {strides = array<i32>} : memref<128xi32, #tpu.memory_space<vmem>>, vector<16xi32>,
          tpu.vector_store %arg19[%swap3A], %select_n3A_344 {strides = array<i32>} : memref<128xi32, #tpu.memory_space<vmem>>, vector<16xi32>,
          %sub3A_348 = arith.constant 1 : i32
          %sub3A_349 = vector.broadcast %sub3A_348 : i32 to vector<16xi32>
          %sub3A_350 = arith.subi %iota3A, %sub3A_349 : vector<16xi32>
          %max3A = arith.constant 0 : i32
          %max3A_351 = vector.broadcast %max3A : i32 to vector<16xi32>
          %max3A_352 = arith.maxsi %sub3A_350, %max3A_351 : vector<16xi32>
          %lt3A_353 = arith.constant 0 : i32
          %lt3A_354 = vector.broadcast %lt3A_353 : i32 to vector<16xi32>
          %lt3A_355 = arith.cmpi slt, %max3A_352, %lt3A_354 : vector<16xi32>
          %add3A_356 = arith.constant 16 : i32
          %add3A_357 = vector.broadcast %add3A_356 : i32 to vector<16xi32>
          %add3A_358 = arith.addi %max3A_352, %add3A_357 : vector<16xi32>
          %select_n3A_359 = arith.select %lt3A_355, %add3A_358, %max3A_352 : vector<16xi1>, vector<16xi32>
          %broadcast_in_dim3A_360 = vector.shape_cast %select_n3A_359 : vector<16xi32> to vector<16x1xi32>
          %gather3A_361 = vector.shape_cast %broadcast_in_dim3A_360 : vector<16x1xi32> to vector<16xi32>
          %gather3A_362 = tpu.dynamic_gather %select_n3A_344[%gather3A_361] in [0] : vector<16xi32>, vector<16xi32> -> vector<16xi32>
          %ne3A = arith.cmpi ne, %select_n3A_344, %gather3A_362 : vector<16xi32>
          %eq3A_363 = arith.constant 0 : i32
          %eq3A_364 = vector.broadcast %eq3A_363 : i32 to vector<16xi32>
          %eq3A_365 = arith.cmpi eq, %iota3A, %eq3A_364 : vector<16xi32>
          %or3A = arith.ori %ne3A, %eq3A_365 : vector<16xi1>
          %jit3A_366 = arith.constant 16 : i32
          %broadcast_in_dim3A_367 = vector.broadcast %jit3A_366 : i32 to vector<16xi32>
          %select_n3A_368 = arith.select %or3A, %iota3A, %broadcast_in_dim3A_367 : vector<16xi1>, vector<16xi32>
          %add3A_369 = arith.constant 1 : i32
          %add3A_370 = vector.broadcast %add3A_369 : i32 to vector<16xi32>
          %add3A_371 = arith.addi %iota3A, %add3A_370 : vector<16xi32>
          %min3A = arith.constant 15 : i32
          %min3A_372 = vector.broadcast %min3A : i32 to vector<16xi32>
          %min3A_373 = arith.minsi %add3A_371, %min3A_372 : vector<16xi32>
          %lt3A_374 = arith.constant 0 : i32
          %lt3A_375 = vector.broadcast %lt3A_374 : i32 to vector<16xi32>
          %lt3A_376 = arith.cmpi slt, %min3A_373, %lt3A_375 : vector<16xi32>
          %add3A_377 = arith.constant 16 : i32
          %add3A_378 = vector.broadcast %add3A_377 : i32 to vector<16xi32>
          %add3A_379 = arith.addi %min3A_373, %add3A_378 : vector<16xi32>
          %select_n3A_380 = arith.select %lt3A_376, %add3A_379, %min3A_373 : vector<16xi1>, vector<16xi32>
          %broadcast_in_dim3A_381 = vector.shape_cast %select_n3A_380 : vector<16xi32> to vector<16x1xi32>
          %gather3A_382 = vector.shape_cast %broadcast_in_dim3A_381 : vector<16x1xi32> to vector<16xi32>
          %gather3A_383 = tpu.dynamic_gather %select_n3A_368[%gather3A_382] in [0] : vector<16xi32>, vector<16xi32> -> vector<16xi32>
          %add3A_384 = arith.constant 1 : i32
          %add3A_385 = vector.broadcast %add3A_384 : i32 to vector<16xi32>
          %add3A_386 = arith.addi %iota3A, %add3A_385 : vector<16xi32>
          %lt3A_387 = arith.constant 16 : i32
          %lt3A_388 = vector.broadcast %lt3A_387 : i32 to vector<16xi32>
          %lt3A_389 = arith.cmpi slt, %add3A_386, %lt3A_388 : vector<16xi32>
          %jit3A_390 = arith.constant 16 : i32
          %broadcast_in_dim3A_391 = vector.broadcast %jit3A_390 : i32 to vector<16xi32>
          %select_n3A_392 = arith.select %lt3A_389, %gather3A_383, %broadcast_in_dim3A_391 : vector<16xi1>, vector<16xi32>
          %min3A_393 = arith.minsi %select_n3A_368, %select_n3A_392 : vector<16xi32>
          %add3A_394 = arith.constant 2 : i32
          %add3A_395 = vector.broadcast %add3A_394 : i32 to vector<16xi32>
          %add3A_396 = arith.addi %iota3A, %add3A_395 : vector<16xi32>
          %min3A_397 = arith.constant 15 : i32
          %min3A_398 = vector.broadcast %min3A_397 : i32 to vector<16xi32>
          %min3A_399 = arith.minsi %add3A_396, %min3A_398 : vector<16xi32>
          %lt3A_400 = arith.constant 0 : i32
          %lt3A_401 = vector.broadcast %lt3A_400 : i32 to vector<16xi32>
          %lt3A_402 = arith.cmpi slt, %min3A_399, %lt3A_401 : vector<16xi32>
          %add3A_403 = arith.constant 16 : i32
          %add3A_404 = vector.broadcast %add3A_403 : i32 to vector<16xi32>
          %add3A_405 = arith.addi %min3A_399, %add3A_404 : vector<16xi32>
          %select_n3A_406 = arith.select %lt3A_402, %add3A_405, %min3A_399 : vector<16xi1>, vector<16xi32>
          %broadcast_in_dim3A_407 = vector.shape_cast %select_n3A_406 : vector<16xi32> to vector<16x1xi32>
          %gather3A_408 = vector.shape_cast %broadcast_in_dim3A_407 : vector<16x1xi32> to vector<16xi32>
          %gather3A_409 = tpu.dynamic_gather %min3A_393[%gather3A_408] in [0] : vector<16xi32>, vector<16xi32> -> vector<16xi32>
          %add3A_410 = arith.constant 2 : i32
          %add3A_411 = vector.broadcast %add3A_410 : i32 to vector<16xi32>
          %add3A_412 = arith.addi %iota3A, %add3A_411 : vector<16xi32>
          %lt3A_413 = arith.constant 16 : i32
          %lt3A_414 = vector.broadcast %lt3A_413 : i32 to vector<16xi32>
          %lt3A_415 = arith.cmpi slt, %add3A_412, %lt3A_414 : vector<16xi32>
          %jit3A_416 = arith.constant 16 : i32
          %broadcast_in_dim3A_417 = vector.broadcast %jit3A_416 : i32 to vector<16xi32>
          %select_n3A_418 = arith.select %lt3A_415, %gather3A_409, %broadcast_in_dim3A_417 : vector<16xi1>, vector<16xi32>
          %min3A_419 = arith.minsi %min3A_393, %select_n3A_418 : vector<16xi32>
          %add3A_420 = arith.constant 4 : i32
          %add3A_421 = vector.broadcast %add3A_420 : i32 to vector<16xi32>
          %add3A_422 = arith.addi %iota3A, %add3A_421 : vector<16xi32>
          %min3A_423 = arith.constant 15 : i32
          %min3A_424 = vector.broadcast %min3A_423 : i32 to vector<16xi32>
          %min3A_425 = arith.minsi %add3A_422, %min3A_424 : vector<16xi32>
          %lt3A_426 = arith.constant 0 : i32
          %lt3A_427 = vector.broadcast %lt3A_426 : i32 to vector<16xi32>
          %lt3A_428 = arith.cmpi slt, %min3A_425, %lt3A_427 : vector<16xi32>
          %add3A_429 = arith.constant 16 : i32
          %add3A_430 = vector.broadcast %add3A_429 : i32 to vector<16xi32>
          %add3A_431 = arith.addi %min3A_425, %add3A_430 : vector<16xi32>
          %select_n3A_432 = arith.select %lt3A_428, %add3A_431, %min3A_425 : vector<16xi1>, vector<16xi32>
          %broadcast_in_dim3A_433 = vector.shape_cast %select_n3A_432 : vector<16xi32> to vector<16x1xi32>
          %gather3A_434 = vector.shape_cast %broadcast_in_dim3A_433 : vector<16x1xi32> to vector<16xi32>
          %gather3A_435 = tpu.dynamic_gather %min3A_419[%gather3A_434] in [0] : vector<16xi32>, vector<16xi32> -> vector<16xi32>
          %add3A_436 = arith.constant 4 : i32
          %add3A_437 = vector.broadcast %add3A_436 : i32 to vector<16xi32>
          %add3A_438 = arith.addi %iota3A, %add3A_437 : vector<16xi32>
          %lt3A_439 = arith.constant 16 : i32
          %lt3A_440 = vector.broadcast %lt3A_439 : i32 to vector<16xi32>
          %lt3A_441 = arith.cmpi slt, %add3A_438, %lt3A_440 : vector<16xi32>
          %jit3A_442 = arith.constant 16 : i32
          %broadcast_in_dim3A_443 = vector.broadcast %jit3A_442 : i32 to vector<16xi32>
          %select_n3A_444 = arith.select %lt3A_441, %gather3A_435, %broadcast_in_dim3A_443 : vector<16xi1>, vector<16xi32>
          %min3A_445 = arith.minsi %min3A_419, %select_n3A_444 : vector<16xi32>
          %add3A_446 = arith.constant 8 : i32
          %add3A_447 = vector.broadcast %add3A_446 : i32 to vector<16xi32>
          %add3A_448 = arith.addi %iota3A, %add3A_447 : vector<16xi32>
          %min3A_449 = arith.constant 15 : i32
          %min3A_450 = vector.broadcast %min3A_449 : i32 to vector<16xi32>
          %min3A_451 = arith.minsi %add3A_448, %min3A_450 : vector<16xi32>
          %lt3A_452 = arith.constant 0 : i32
          %lt3A_453 = vector.broadcast %lt3A_452 : i32 to vector<16xi32>
          %lt3A_454 = arith.cmpi slt, %min3A_451, %lt3A_453 : vector<16xi32>
          %add3A_455 = arith.constant 16 : i32
          %add3A_456 = vector.broadcast %add3A_455 : i32 to vector<16xi32>
          %add3A_457 = arith.addi %min3A_451, %add3A_456 : vector<16xi32>
          %select_n3A_458 = arith.select %lt3A_454, %add3A_457, %min3A_451 : vector<16xi1>, vector<16xi32>
          %broadcast_in_dim3A_459 = vector.shape_cast %select_n3A_458 : vector<16xi32> to vector<16x1xi32>
          %gather3A_460 = vector.shape_cast %broadcast_in_dim3A_459 : vector<16x1xi32> to vector<16xi32>
          %gather3A_461 = tpu.dynamic_gather %min3A_445[%gather3A_460] in [0] : vector<16xi32>, vector<16xi32> -> vector<16xi32>
          %add3A_462 = arith.constant 8 : i32
          %add3A_463 = vector.broadcast %add3A_462 : i32 to vector<16xi32>
          %add3A_464 = arith.addi %iota3A, %add3A_463 : vector<16xi32>
          %lt3A_465 = arith.constant 16 : i32
          %lt3A_466 = vector.broadcast %lt3A_465 : i32 to vector<16xi32>
          %lt3A_467 = arith.cmpi slt, %add3A_464, %lt3A_466 : vector<16xi32>
          %jit3A_468 = arith.constant 16 : i32
          %broadcast_in_dim3A_469 = vector.broadcast %jit3A_468 : i32 to vector<16xi32>
          %select_n3A_470 = arith.select %lt3A_467, %gather3A_461, %broadcast_in_dim3A_469 : vector<16xi1>, vector<16xi32>
          %min3A_471 = arith.minsi %min3A_445, %select_n3A_470 : vector<16xi32>
          %add3A_472 = arith.constant 1 : i32
          %add3A_473 = vector.broadcast %add3A_472 : i32 to vector<16xi32>
          %add3A_474 = arith.addi %iota3A, %add3A_473 : vector<16xi32>
          %min3A_475 = arith.constant 15 : i32
          %min3A_476 = vector.broadcast %min3A_475 : i32 to vector<16xi32>
          %min3A_477 = arith.minsi %add3A_474, %min3A_476 : vector<16xi32>
          %lt3A_478 = arith.constant 0 : i32
          %lt3A_479 = vector.broadcast %lt3A_478 : i32 to vector<16xi32>
          %lt3A_480 = arith.cmpi slt, %min3A_477, %lt3A_479 : vector<16xi32>
          %add3A_481 = arith.constant 16 : i32
          %add3A_482 = vector.broadcast %add3A_481 : i32 to vector<16xi32>
          %add3A_483 = arith.addi %min3A_477, %add3A_482 : vector<16xi32>
          %select_n3A_484 = arith.select %lt3A_480, %add3A_483, %min3A_477 : vector<16xi1>, vector<16xi32>
          %broadcast_in_dim3A_485 = vector.shape_cast %select_n3A_484 : vector<16xi32> to vector<16x1xi32>
          %gather3A_486 = vector.shape_cast %broadcast_in_dim3A_485 : vector<16x1xi32> to vector<16xi32>
          %gather3A_487 = tpu.dynamic_gather %min3A_471[%gather3A_486] in [0] : vector<16xi32>, vector<16xi32> -> vector<16xi32>
          %eq3A_488 = arith.constant 15 : i32
          %eq3A_489 = vector.broadcast %eq3A_488 : i32 to vector<16xi32>
          %eq3A_490 = arith.cmpi eq, %iota3A, %eq3A_489 : vector<16xi32>
          %jit3A_491 = arith.constant 16 : i32
          %broadcast_in_dim3A_492 = vector.broadcast %jit3A_491 : i32 to vector<16xi32>
          %select_n3A_493 = arith.select %eq3A_490, %broadcast_in_dim3A_492, %gather3A_487 : vector<16xi1>, vector<16xi32>
          %sub3A_494 = arith.subi %select_n3A_493, %iota3A : vector<16xi32>
          %convert_element_type3A_495 = arith.sitofp %sub3A_494 : vector<16xi32> to vector<16xf32>
          %shift_right_arithmetic3A = arith.constant 7 : i32
          %shift_right_arithmetic3A_496 = vector.broadcast %shift_right_arithmetic3A : i32 to vector<16xi32>
          %shift_right_arithmetic3A_497 = arith.shrsi %select_n3A_344, %shift_right_arithmetic3A_496 : vector<16xi32>
          %and3A_498 = arith.constant 127 : i32
          %and3A_499 = vector.broadcast %and3A_498 : i32 to vector<16xi32>
          %and3A_500 = arith.andi %select_n3A_344, %and3A_499 : vector<16xi32>
          %and3A_501 = arith.andi %or3A, %and3A_342 : vector<16xi1>
          tpu.vector_store_idx %arg22[%shift_right_arithmetic3A_497, %and3A_500], %convert_element_type3A_495 masked %and3A_501 {add = true} : memref<80x128xf32, #tpu.memory_space<vmem>>[vector<16xi32>, vector<16xi32>], vector<16xf32>, vector<16xi1>
        }
        %scan3A_329 = arith.constant 8 : i32
      } else {
      }
      %convert_element_type3A_306 = arith.extui %and3A : i1 to i32
      %cond3A_307 = arith.constant 0 : i32
      %cond3A_308 = arith.cmpi ne, %convert_element_type3A_306, %cond3A_307 : i32
      scf.if %cond3A_308 {
        %dma_wait3A = arith.constant 0 : i32
        %dma_wait3A_324 = arith.constant 0 : i32
        %dma_wait3A_325 = tpu.memref_slice %arg5[%dma_wait3A, %dma_wait3A_324] : memref<500000x128xf32, #tpu.memory_space<hbm>> -> memref<500000x128xf32, #tpu.memory_space<hbm>>
        tpu.wait_indirect_dma semaphore(%arg27 : memref<!tpu.dma_semaphore, #tpu.memory_space<semaphore_mem>>) src(%dma_wait3A_325 : memref<500000x128xf32, #tpu.memory_space<hbm>>) dst(%arg20 : memref<128x128xf32, #tpu.memory_space<vmem>>)
      } else {
      }
      %convert_element_type3A_309 = arith.extui %and3A_269 : i1 to i32
      %cond3A_310 = arith.constant 0 : i32
      %cond3A_311 = arith.cmpi ne, %convert_element_type3A_309, %cond3A_310 : i32
      scf.if %cond3A_311 {
        %dma_wait3A = arith.constant 0 : i32
        %dma_wait3A_324 = arith.constant 0 : i32
        %dma_wait3A_325 = tpu.memref_slice %arg5[%dma_wait3A, %dma_wait3A_324] : memref<500000x128xf32, #tpu.memory_space<hbm>> -> memref<500000x128xf32, #tpu.memory_space<hbm>>
        tpu.wait_indirect_dma semaphore(%arg28 : memref<!tpu.dma_semaphore, #tpu.memory_space<semaphore_mem>>) src(%dma_wait3A_325 : memref<500000x128xf32, #tpu.memory_space<hbm>>) dst(%arg21 : memref<128x128xf32, #tpu.memory_space<vmem>>)
      } else {
      }
      %convert_element_type3A_312 = arith.extui %and3A : i1 to i32
      %cond3A_313 = arith.constant 0 : i32
      %cond3A_314 = arith.cmpi ne, %convert_element_type3A_312, %cond3A_313 : i32
      scf.if %cond3A_314 {
        %dma_start3A = arith.constant 0 : i32
        %dma_start3A_324 = arith.constant 0 : i32
        %dma_start3A_325 = tpu.memref_slice %arg25[%dma_start3A, %dma_start3A_324] : memref<10248x128xf32, #tpu.memory_space<vmem_shared>> -> memref<10248x128xf32, #tpu.memory_space<vmem_shared>>
        tpu.enqueue_indirect_dma source(%arg20 : memref<128x128xf32, #tpu.memory_space<vmem>>) target(%dma_start3A_325 : memref<10248x128xf32, #tpu.memory_space<vmem_shared>>) offsets(%arg18 : memref<128xi32, #tpu.memory_space<vmem>>) semaphore(%arg27 : memref<!tpu.dma_semaphore, #tpu.memory_space<semaphore_mem>>) {add = true}
      } else {
      }
      %convert_element_type3A_315 = arith.extui %and3A_269 : i1 to i32
      %cond3A_316 = arith.constant 0 : i32
      %cond3A_317 = arith.cmpi ne, %convert_element_type3A_315, %cond3A_316 : i32
      scf.if %cond3A_317 {
        %dma_start3A = arith.constant 0 : i32
        %dma_start3A_324 = arith.constant 0 : i32
        %dma_start3A_325 = tpu.memref_slice %arg25[%dma_start3A, %dma_start3A_324] : memref<10248x128xf32, #tpu.memory_space<vmem_shared>> -> memref<10248x128xf32, #tpu.memory_space<vmem_shared>>
        tpu.enqueue_indirect_dma source(%arg21 : memref<128x128xf32, #tpu.memory_space<vmem>>) target(%dma_start3A_325 : memref<10248x128xf32, #tpu.memory_space<vmem_shared>>) offsets(%arg19 : memref<128xi32, #tpu.memory_space<vmem>>) semaphore(%arg28 : memref<!tpu.dma_semaphore, #tpu.memory_space<semaphore_mem>>) {add = true}
      } else {
      }
      %convert_element_type3A_318 = arith.extui %and3A : i1 to i32
      %cond3A_319 = arith.constant 0 : i32
      %cond3A_320 = arith.cmpi ne, %convert_element_type3A_318, %cond3A_319 : i32
      scf.if %cond3A_320 {
        %dma_wait3A = arith.constant 0 : i32
        %dma_wait3A_324 = arith.constant 0 : i32
        %dma_wait3A_325 = tpu.memref_slice %arg25[%dma_wait3A, %dma_wait3A_324] : memref<10248x128xf32, #tpu.memory_space<vmem_shared>> -> memref<10248x128xf32, #tpu.memory_space<vmem_shared>>
        tpu.wait_indirect_dma semaphore(%arg27 : memref<!tpu.dma_semaphore, #tpu.memory_space<semaphore_mem>>) src(%arg20 : memref<128x128xf32, #tpu.memory_space<vmem>>) dst(%dma_wait3A_325 : memref<10248x128xf32, #tpu.memory_space<vmem_shared>>)
      } else {
      }
      %convert_element_type3A_321 = arith.extui %and3A_269 : i1 to i32
      %cond3A_322 = arith.constant 0 : i32
      %cond3A_323 = arith.cmpi ne, %convert_element_type3A_321, %cond3A_322 : i32
      scf.if %cond3A_323 {
        %dma_wait3A = arith.constant 0 : i32
        %dma_wait3A_324 = arith.constant 0 : i32
        %dma_wait3A_325 = tpu.memref_slice %arg25[%dma_wait3A, %dma_wait3A_324] : memref<10248x128xf32, #tpu.memory_space<vmem_shared>> -> memref<10248x128xf32, #tpu.memory_space<vmem_shared>>
        tpu.wait_indirect_dma semaphore(%arg28 : memref<!tpu.dma_semaphore, #tpu.memory_space<semaphore_mem>>) src(%arg21 : memref<128x128xf32, #tpu.memory_space<vmem>>) dst(%dma_wait3A_325 : memref<10248x128xf32, #tpu.memory_space<vmem_shared>>)
      } else {
      }
    }
    %scan3A_25 = arith.constant 79 : i32
    %mul3A_26 = arith.constant 16 : i32
    %mul3A_27 = arith.muli %arg0, %mul3A_26 : i32
    %add3A_28 = arith.addi %mul3A_27, %arg1 : i32
    %add3A_29 = arith.constant 0 : i32
    %add3A_30 = arith.addi %add3A_28, %add3A_29 : i32
    %add3A_31 = arith.constant 32 : i32
    %add3A_32 = arith.addi %add3A_28, %add3A_31 : i32
    %lt3A = arith.constant 250 : i32
    %lt3A_33 = arith.cmpi slt, %add3A_30, %lt3A : i32
    %lt3A_34 = arith.constant 250 : i32
    %lt3A_35 = arith.cmpi slt, %add3A_32, %lt3A_34 : i32
    %mul3A_36 = arith.constant 80 : i32
    %mul3A_37 = arith.muli %add3A_30, %mul3A_36 : i32
    %mul3A_38 = arith.constant 80 : i32
    %mul3A_39 = arith.muli %add3A_32, %mul3A_38 : i32
    %convert_element_type3A_40 = arith.extui %lt3A_33 : i1 to i32
    %cond3A_41 = arith.constant 0 : i32
    %cond3A_42 = arith.cmpi ne, %convert_element_type3A_40, %cond3A_41 : i32
    scf.if %cond3A_42 {
      %dma_start3A = arith.constant 0 : i32
      %dma_start3A_181 = tpu.memref_slice %arg14[%dma_start3A] : memref<128xi32, #tpu.memory_space<vmem>> -> memref<80xi32, #tpu.memory_space<vmem>>
      %dma_start3A_182 = tpu.memref_slice %arg2[%mul3A_37] : memref<100000xi32, #tpu.memory_space<hbm>> -> memref<80xi32, #tpu.memory_space<hbm>>
      %dma_start3A_183 = arith.constant 0 : i32
      %dma_start3A_184 = tpu.memref_slice %arg14[%dma_start3A_183] : memref<128xi32, #tpu.memory_space<vmem>> -> memref<80xi32, #tpu.memory_space<vmem>>
      %dma_start3A_185 = tpu.memref_slice %arg2[%mul3A_37] : memref<100000xi32, #tpu.memory_space<hbm>> -> memref<80xi32, #tpu.memory_space<hbm>>
      tpu.enqueue_dma source(%dma_start3A_185 : memref<80xi32, #tpu.memory_space<hbm>>) target(%dma_start3A_184 : memref<80xi32, #tpu.memory_space<vmem>>) target_semaphore(%arg27 : memref<!tpu.dma_semaphore, #tpu.memory_space<semaphore_mem>>)
    } else {
    }
    %convert_element_type3A_43 = arith.extui %lt3A_35 : i1 to i32
    %cond3A_44 = arith.constant 0 : i32
    %cond3A_45 = arith.cmpi ne, %convert_element_type3A_43, %cond3A_44 : i32
    scf.if %cond3A_45 {
      %dma_start3A = arith.constant 0 : i32
      %dma_start3A_181 = tpu.memref_slice %arg15[%dma_start3A] : memref<128xi32, #tpu.memory_space<vmem>> -> memref<80xi32, #tpu.memory_space<vmem>>
      %dma_start3A_182 = tpu.memref_slice %arg2[%mul3A_39] : memref<100000xi32, #tpu.memory_space<hbm>> -> memref<80xi32, #tpu.memory_space<hbm>>
      %dma_start3A_183 = arith.constant 0 : i32
      %dma_start3A_184 = tpu.memref_slice %arg15[%dma_start3A_183] : memref<128xi32, #tpu.memory_space<vmem>> -> memref<80xi32, #tpu.memory_space<vmem>>
      %dma_start3A_185 = tpu.memref_slice %arg2[%mul3A_39] : memref<100000xi32, #tpu.memory_space<hbm>> -> memref<80xi32, #tpu.memory_space<hbm>>
      tpu.enqueue_dma source(%dma_start3A_185 : memref<80xi32, #tpu.memory_space<hbm>>) target(%dma_start3A_184 : memref<80xi32, #tpu.memory_space<vmem>>) target_semaphore(%arg28 : memref<!tpu.dma_semaphore, #tpu.memory_space<semaphore_mem>>)
    } else {
    }
    %convert_element_type3A_46 = arith.extui %lt3A_33 : i1 to i32
    %cond3A_47 = arith.constant 0 : i32
    %cond3A_48 = arith.cmpi ne, %convert_element_type3A_46, %cond3A_47 : i32
    scf.if %cond3A_48 {
      %dma_wait3A = arith.constant 0 : i32
      %dma_wait3A_181 = tpu.memref_slice %arg14[%dma_wait3A] : memref<128xi32, #tpu.memory_space<vmem>> -> memref<80xi32, #tpu.memory_space<vmem>>
      %dma_wait3A_182 = tpu.memref_slice %arg2[%mul3A_37] : memref<100000xi32, #tpu.memory_space<hbm>> -> memref<80xi32, #tpu.memory_space<hbm>>
      %dma_wait3A_183 = arith.constant 0 : i32
      %dma_wait3A_184 = tpu.memref_slice %arg14[%dma_wait3A_183] : memref<128xi32, #tpu.memory_space<vmem>> -> memref<80xi32, #tpu.memory_space<vmem>>
      %dma_wait3A_185 = tpu.memref_slice %arg2[%mul3A_37] : memref<100000xi32, #tpu.memory_space<hbm>> -> memref<80xi32, #tpu.memory_space<hbm>>
      tpu.wait_dma2 semaphore(%arg27 : memref<!tpu.dma_semaphore, #tpu.memory_space<semaphore_mem>>) src(%dma_wait3A_185 : memref<80xi32, #tpu.memory_space<hbm>>) dst(%dma_wait3A_184 : memref<80xi32, #tpu.memory_space<vmem>>)
      %dma_start3A = arith.constant 0 : i32
      %dma_start3A_186 = arith.constant 0 : i32
      %dma_start3A_187 = tpu.memref_slice %arg20[%dma_start3A, %dma_start3A_186] : memref<128x128xf32, #tpu.memory_space<vmem>> -> memref<80x128xf32, #tpu.memory_space<vmem>>
      %dma_start3A_188 = arith.constant 0 : i32
      %dma_start3A_189 = tpu.memref_slice %arg14[%dma_start3A_188] : memref<128xi32, #tpu.memory_space<vmem>> -> memref<80xi32, #tpu.memory_space<vmem>>
      %dma_start3A_190 = arith.constant 0 : i32
      %dma_start3A_191 = arith.constant 0 : i32
      %dma_start3A_192 = tpu.memref_slice %arg5[%dma_start3A_190, %dma_start3A_191] : memref<500000x128xf32, #tpu.memory_space<hbm>> -> memref<500000x128xf32, #tpu.memory_space<hbm>>
      tpu.enqueue_indirect_dma source(%dma_start3A_192 : memref<500000x128xf32, #tpu.memory_space<hbm>>) target(%dma_start3A_187 : memref<80x128xf32, #tpu.memory_space<vmem>>) offsets(%dma_start3A_189 : memref<80xi32, #tpu.memory_space<vmem>>) semaphore(%arg27 : memref<!tpu.dma_semaphore, #tpu.memory_space<semaphore_mem>>)
    } else {
    }
    %convert_element_type3A_49 = arith.extui %lt3A_35 : i1 to i32
    %cond3A_50 = arith.constant 0 : i32
    %cond3A_51 = arith.cmpi ne, %convert_element_type3A_49, %cond3A_50 : i32
    scf.if %cond3A_51 {
      %dma_wait3A = arith.constant 0 : i32
      %dma_wait3A_181 = tpu.memref_slice %arg15[%dma_wait3A] : memref<128xi32, #tpu.memory_space<vmem>> -> memref<80xi32, #tpu.memory_space<vmem>>
      %dma_wait3A_182 = tpu.memref_slice %arg2[%mul3A_39] : memref<100000xi32, #tpu.memory_space<hbm>> -> memref<80xi32, #tpu.memory_space<hbm>>
      %dma_wait3A_183 = arith.constant 0 : i32
      %dma_wait3A_184 = tpu.memref_slice %arg15[%dma_wait3A_183] : memref<128xi32, #tpu.memory_space<vmem>> -> memref<80xi32, #tpu.memory_space<vmem>>
      %dma_wait3A_185 = tpu.memref_slice %arg2[%mul3A_39] : memref<100000xi32, #tpu.memory_space<hbm>> -> memref<80xi32, #tpu.memory_space<hbm>>
      tpu.wait_dma2 semaphore(%arg28 : memref<!tpu.dma_semaphore, #tpu.memory_space<semaphore_mem>>) src(%dma_wait3A_185 : memref<80xi32, #tpu.memory_space<hbm>>) dst(%dma_wait3A_184 : memref<80xi32, #tpu.memory_space<vmem>>)
      %dma_start3A = arith.constant 0 : i32
      %dma_start3A_186 = arith.constant 0 : i32
      %dma_start3A_187 = tpu.memref_slice %arg21[%dma_start3A, %dma_start3A_186] : memref<128x128xf32, #tpu.memory_space<vmem>> -> memref<80x128xf32, #tpu.memory_space<vmem>>
      %dma_start3A_188 = arith.constant 0 : i32
      %dma_start3A_189 = tpu.memref_slice %arg15[%dma_start3A_188] : memref<128xi32, #tpu.memory_space<vmem>> -> memref<80xi32, #tpu.memory_space<vmem>>
      %dma_start3A_190 = arith.constant 0 : i32
      %dma_start3A_191 = arith.constant 0 : i32
      %dma_start3A_192 = tpu.memref_slice %arg5[%dma_start3A_190, %dma_start3A_191] : memref<500000x128xf32, #tpu.memory_space<hbm>> -> memref<500000x128xf32, #tpu.memory_space<hbm>>
      tpu.enqueue_indirect_dma source(%dma_start3A_192 : memref<500000x128xf32, #tpu.memory_space<hbm>>) target(%dma_start3A_187 : memref<80x128xf32, #tpu.memory_space<vmem>>) offsets(%dma_start3A_189 : memref<80xi32, #tpu.memory_space<vmem>>) semaphore(%arg28 : memref<!tpu.dma_semaphore, #tpu.memory_space<semaphore_mem>>)
    } else {
    }
    %convert_element_type3A_52 = arith.extui %lt3A_33 : i1 to i32
    %cond3A_53 = arith.constant 0 : i32
    %cond3A_54 = arith.cmpi ne, %convert_element_type3A_52, %cond3A_53 : i32
    scf.if %cond3A_54 {
      %dma_wait3A = arith.constant 0 : i32
      %dma_wait3A_181 = arith.constant 0 : i32
      %dma_wait3A_182 = tpu.memref_slice %arg20[%dma_wait3A, %dma_wait3A_181] : memref<128x128xf32, #tpu.memory_space<vmem>> -> memref<80x128xf32, #tpu.memory_space<vmem>>
      %dma_wait3A_183 = arith.constant 0 : i32
      %dma_wait3A_184 = tpu.memref_slice %arg14[%dma_wait3A_183] : memref<128xi32, #tpu.memory_space<vmem>> -> memref<80xi32, #tpu.memory_space<vmem>>
      %dma_wait3A_185 = arith.constant 0 : i32
      %dma_wait3A_186 = arith.constant 0 : i32
      %dma_wait3A_187 = tpu.memref_slice %arg5[%dma_wait3A_185, %dma_wait3A_186] : memref<500000x128xf32, #tpu.memory_space<hbm>> -> memref<500000x128xf32, #tpu.memory_space<hbm>>
      tpu.wait_indirect_dma semaphore(%arg27 : memref<!tpu.dma_semaphore, #tpu.memory_space<semaphore_mem>>) src(%dma_wait3A_187 : memref<500000x128xf32, #tpu.memory_space<hbm>>) dst(%dma_wait3A_182 : memref<80x128xf32, #tpu.memory_space<vmem>>)
      %dma_start3A = arith.constant 0 : i32
      %dma_start3A_188 = arith.constant 0 : i32
      %dma_start3A_189 = tpu.memref_slice %arg20[%dma_start3A, %dma_start3A_188] : memref<128x128xf32, #tpu.memory_space<vmem>> -> memref<80x128xf32, #tpu.memory_space<vmem>>
      %dma_start3A_190 = arith.constant 0 : i32
      %dma_start3A_191 = tpu.memref_slice %arg11[%mul3A_37, %dma_start3A_190] : memref<20000x128xf32, #tpu.memory_space<hbm>> -> memref<80x128xf32, #tpu.memory_space<hbm>>
      %dma_start3A_192 = arith.constant 0 : i32
      %dma_start3A_193 = tpu.memref_slice %arg11[%mul3A_37, %dma_start3A_192] : memref<20000x128xf32, #tpu.memory_space<hbm>> -> memref<80x128xf32, #tpu.memory_space<hbm>>
      %dma_start3A_194 = arith.constant 0 : i32
      %dma_start3A_195 = arith.constant 0 : i32
      %dma_start3A_196 = tpu.memref_slice %arg20[%dma_start3A_194, %dma_start3A_195] : memref<128x128xf32, #tpu.memory_space<vmem>> -> memref<80x128xf32, #tpu.memory_space<vmem>>
      tpu.enqueue_dma source(%dma_start3A_196 : memref<80x128xf32, #tpu.memory_space<vmem>>) target(%dma_start3A_193 : memref<80x128xf32, #tpu.memory_space<hbm>>) target_semaphore(%arg27 : memref<!tpu.dma_semaphore, #tpu.memory_space<semaphore_mem>>)
    } else {
    }
    %convert_element_type3A_55 = arith.extui %lt3A_35 : i1 to i32
    %cond3A_56 = arith.constant 0 : i32
    %cond3A_57 = arith.cmpi ne, %convert_element_type3A_55, %cond3A_56 : i32
    scf.if %cond3A_57 {
      %dma_wait3A = arith.constant 0 : i32
      %dma_wait3A_181 = arith.constant 0 : i32
      %dma_wait3A_182 = tpu.memref_slice %arg21[%dma_wait3A, %dma_wait3A_181] : memref<128x128xf32, #tpu.memory_space<vmem>> -> memref<80x128xf32, #tpu.memory_space<vmem>>
      %dma_wait3A_183 = arith.constant 0 : i32
      %dma_wait3A_184 = tpu.memref_slice %arg15[%dma_wait3A_183] : memref<128xi32, #tpu.memory_space<vmem>> -> memref<80xi32, #tpu.memory_space<vmem>>
      %dma_wait3A_185 = arith.constant 0 : i32
      %dma_wait3A_186 = arith.constant 0 : i32
      %dma_wait3A_187 = tpu.memref_slice %arg5[%dma_wait3A_185, %dma_wait3A_186] : memref<500000x128xf32, #tpu.memory_space<hbm>> -> memref<500000x128xf32, #tpu.memory_space<hbm>>
      tpu.wait_indirect_dma semaphore(%arg28 : memref<!tpu.dma_semaphore, #tpu.memory_space<semaphore_mem>>) src(%dma_wait3A_187 : memref<500000x128xf32, #tpu.memory_space<hbm>>) dst(%dma_wait3A_182 : memref<80x128xf32, #tpu.memory_space<vmem>>)
      %dma_start3A = arith.constant 0 : i32
      %dma_start3A_188 = arith.constant 0 : i32
      %dma_start3A_189 = tpu.memref_slice %arg21[%dma_start3A, %dma_start3A_188] : memref<128x128xf32, #tpu.memory_space<vmem>> -> memref<80x128xf32, #tpu.memory_space<vmem>>
      %dma_start3A_190 = arith.constant 0 : i32
      %dma_start3A_191 = tpu.memref_slice %arg11[%mul3A_39, %dma_start3A_190] : memref<20000x128xf32, #tpu.memory_space<hbm>> -> memref<80x128xf32, #tpu.memory_space<hbm>>
      %dma_start3A_192 = arith.constant 0 : i32
      %dma_start3A_193 = tpu.memref_slice %arg11[%mul3A_39, %dma_start3A_192] : memref<20000x128xf32, #tpu.memory_space<hbm>> -> memref<80x128xf32, #tpu.memory_space<hbm>>
      %dma_start3A_194 = arith.constant 0 : i32
      %dma_start3A_195 = arith.constant 0 : i32
      %dma_start3A_196 = tpu.memref_slice %arg21[%dma_start3A_194, %dma_start3A_195] : memref<128x128xf32, #tpu.memory_space<vmem>> -> memref<80x128xf32, #tpu.memory_space<vmem>>
      tpu.enqueue_dma source(%dma_start3A_196 : memref<80x128xf32, #tpu.memory_space<vmem>>) target(%dma_start3A_193 : memref<80x128xf32, #tpu.memory_space<hbm>>) target_semaphore(%arg28 : memref<!tpu.dma_semaphore, #tpu.memory_space<semaphore_mem>>)
    } else {
    }
    %convert_element_type3A_58 = arith.extui %lt3A_33 : i1 to i32
    %cond3A_59 = arith.constant 0 : i32
    %cond3A_60 = arith.cmpi ne, %convert_element_type3A_58, %cond3A_59 : i32
    scf.if %cond3A_60 {
      %dma_wait3A = arith.constant 0 : i32
      %dma_wait3A_181 = arith.constant 0 : i32
      %dma_wait3A_182 = tpu.memref_slice %arg20[%dma_wait3A, %dma_wait3A_181] : memref<128x128xf32, #tpu.memory_space<vmem>> -> memref<80x128xf32, #tpu.memory_space<vmem>>
      %dma_wait3A_183 = arith.constant 0 : i32
      %dma_wait3A_184 = tpu.memref_slice %arg11[%mul3A_37, %dma_wait3A_183] : memref<20000x128xf32, #tpu.memory_space<hbm>> -> memref<80x128xf32, #tpu.memory_space<hbm>>
      %dma_wait3A_185 = arith.constant 0 : i32
      %dma_wait3A_186 = tpu.memref_slice %arg11[%mul3A_37, %dma_wait3A_185] : memref<20000x128xf32, #tpu.memory_space<hbm>> -> memref<80x128xf32, #tpu.memory_space<hbm>>
      %dma_wait3A_187 = arith.constant 0 : i32
      %dma_wait3A_188 = arith.constant 0 : i32
      %dma_wait3A_189 = tpu.memref_slice %arg20[%dma_wait3A_187, %dma_wait3A_188] : memref<128x128xf32, #tpu.memory_space<vmem>> -> memref<80x128xf32, #tpu.memory_space<vmem>>
      tpu.wait_dma2 semaphore(%arg27 : memref<!tpu.dma_semaphore, #tpu.memory_space<semaphore_mem>>) src(%dma_wait3A_189 : memref<80x128xf32, #tpu.memory_space<vmem>>) dst(%dma_wait3A_186 : memref<80x128xf32, #tpu.memory_space<hbm>>)
    } else {
    }
    %convert_element_type3A_61 = arith.extui %lt3A_35 : i1 to i32
    %cond3A_62 = arith.constant 0 : i32
    %cond3A_63 = arith.cmpi ne, %convert_element_type3A_61, %cond3A_62 : i32
    scf.if %cond3A_63 {
      %dma_wait3A = arith.constant 0 : i32
      %dma_wait3A_181 = arith.constant 0 : i32
      %dma_wait3A_182 = tpu.memref_slice %arg21[%dma_wait3A, %dma_wait3A_181] : memref<128x128xf32, #tpu.memory_space<vmem>> -> memref<80x128xf32, #tpu.memory_space<vmem>>
      %dma_wait3A_183 = arith.constant 0 : i32
      %dma_wait3A_184 = tpu.memref_slice %arg11[%mul3A_39, %dma_wait3A_183] : memref<20000x128xf32, #tpu.memory_space<hbm>> -> memref<80x128xf32, #tpu.memory_space<hbm>>
      %dma_wait3A_185 = arith.constant 0 : i32
      %dma_wait3A_186 = tpu.memref_slice %arg11[%mul3A_39, %dma_wait3A_185] : memref<20000x128xf32, #tpu.memory_space<hbm>> -> memref<80x128xf32, #tpu.memory_space<hbm>>
      %dma_wait3A_187 = arith.constant 0 : i32
      %dma_wait3A_188 = arith.constant 0 : i32
      %dma_wait3A_189 = tpu.memref_slice %arg21[%dma_wait3A_187, %dma_wait3A_188] : memref<128x128xf32, #tpu.memory_space<vmem>> -> memref<80x128xf32, #tpu.memory_space<vmem>>
      tpu.wait_dma2 semaphore(%arg28 : memref<!tpu.dma_semaphore, #tpu.memory_space<semaphore_mem>>) src(%dma_wait3A_189 : memref<80x128xf32, #tpu.memory_space<vmem>>) dst(%dma_wait3A_186 : memref<80x128xf32, #tpu.memory_space<hbm>>)
    } else {
    }
    %add3A_64 = arith.constant 64 : i32
    %add3A_65 = arith.addi %add3A_28, %add3A_64 : i32
    %add3A_66 = arith.constant 96 : i32
    %add3A_67 = arith.addi %add3A_28, %add3A_66 : i32
    %lt3A_68 = arith.constant 250 : i32
    %lt3A_69 = arith.cmpi slt, %add3A_65, %lt3A_68 : i32
    %lt3A_70 = arith.constant 250 : i32
    %lt3A_71 = arith.cmpi slt, %add3A_67, %lt3A_70 : i32
    %mul3A_72 = arith.constant 80 : i32
    %mul3A_73 = arith.muli %add3A_65, %mul3A_72 : i32
    %mul3A_74 = arith.constant 80 : i32
    %mul3A_75 = arith.muli %add3A_67, %mul3A_74 : i32
    %convert_element_type3A_76 = arith.extui %lt3A_69 : i1 to i32
    %cond3A_77 = arith.constant 0 : i32
    %cond3A_78 = arith.cmpi ne, %convert_element_type3A_76, %cond3A_77 : i32
    scf.if %cond3A_78 {
      %dma_start3A = arith.constant 0 : i32
      %dma_start3A_181 = tpu.memref_slice %arg14[%dma_start3A] : memref<128xi32, #tpu.memory_space<vmem>> -> memref<80xi32, #tpu.memory_space<vmem>>
      %dma_start3A_182 = tpu.memref_slice %arg2[%mul3A_73] : memref<100000xi32, #tpu.memory_space<hbm>> -> memref<80xi32, #tpu.memory_space<hbm>>
      %dma_start3A_183 = arith.constant 0 : i32
      %dma_start3A_184 = tpu.memref_slice %arg14[%dma_start3A_183] : memref<128xi32, #tpu.memory_space<vmem>> -> memref<80xi32, #tpu.memory_space<vmem>>
      %dma_start3A_185 = tpu.memref_slice %arg2[%mul3A_73] : memref<100000xi32, #tpu.memory_space<hbm>> -> memref<80xi32, #tpu.memory_space<hbm>>
      tpu.enqueue_dma source(%dma_start3A_185 : memref<80xi32, #tpu.memory_space<hbm>>) target(%dma_start3A_184 : memref<80xi32, #tpu.memory_space<vmem>>) target_semaphore(%arg27 : memref<!tpu.dma_semaphore, #tpu.memory_space<semaphore_mem>>)
    } else {
    }
    %convert_element_type3A_79 = arith.extui %lt3A_71 : i1 to i32
    %cond3A_80 = arith.constant 0 : i32
    %cond3A_81 = arith.cmpi ne, %convert_element_type3A_79, %cond3A_80 : i32
    scf.if %cond3A_81 {
      %dma_start3A = arith.constant 0 : i32
      %dma_start3A_181 = tpu.memref_slice %arg15[%dma_start3A] : memref<128xi32, #tpu.memory_space<vmem>> -> memref<80xi32, #tpu.memory_space<vmem>>
      %dma_start3A_182 = tpu.memref_slice %arg2[%mul3A_75] : memref<100000xi32, #tpu.memory_space<hbm>> -> memref<80xi32, #tpu.memory_space<hbm>>
      %dma_start3A_183 = arith.constant 0 : i32
      %dma_start3A_184 = tpu.memref_slice %arg15[%dma_start3A_183] : memref<128xi32, #tpu.memory_space<vmem>> -> memref<80xi32, #tpu.memory_space<vmem>>
      %dma_start3A_185 = tpu.memref_slice %arg2[%mul3A_75] : memref<100000xi32, #tpu.memory_space<hbm>> -> memref<80xi32, #tpu.memory_space<hbm>>
      tpu.enqueue_dma source(%dma_start3A_185 : memref<80xi32, #tpu.memory_space<hbm>>) target(%dma_start3A_184 : memref<80xi32, #tpu.memory_space<vmem>>) target_semaphore(%arg28 : memref<!tpu.dma_semaphore, #tpu.memory_space<semaphore_mem>>)
    } else {
    }
    %convert_element_type3A_82 = arith.extui %lt3A_69 : i1 to i32
    %cond3A_83 = arith.constant 0 : i32
    %cond3A_84 = arith.cmpi ne, %convert_element_type3A_82, %cond3A_83 : i32
    scf.if %cond3A_84 {
      %dma_wait3A = arith.constant 0 : i32
      %dma_wait3A_181 = tpu.memref_slice %arg14[%dma_wait3A] : memref<128xi32, #tpu.memory_space<vmem>> -> memref<80xi32, #tpu.memory_space<vmem>>
      %dma_wait3A_182 = tpu.memref_slice %arg2[%mul3A_73] : memref<100000xi32, #tpu.memory_space<hbm>> -> memref<80xi32, #tpu.memory_space<hbm>>
      %dma_wait3A_183 = arith.constant 0 : i32
      %dma_wait3A_184 = tpu.memref_slice %arg14[%dma_wait3A_183] : memref<128xi32, #tpu.memory_space<vmem>> -> memref<80xi32, #tpu.memory_space<vmem>>
      %dma_wait3A_185 = tpu.memref_slice %arg2[%mul3A_73] : memref<100000xi32, #tpu.memory_space<hbm>> -> memref<80xi32, #tpu.memory_space<hbm>>
      tpu.wait_dma2 semaphore(%arg27 : memref<!tpu.dma_semaphore, #tpu.memory_space<semaphore_mem>>) src(%dma_wait3A_185 : memref<80xi32, #tpu.memory_space<hbm>>) dst(%dma_wait3A_184 : memref<80xi32, #tpu.memory_space<vmem>>)
      %dma_start3A = arith.constant 0 : i32
      %dma_start3A_186 = arith.constant 0 : i32
      %dma_start3A_187 = tpu.memref_slice %arg20[%dma_start3A, %dma_start3A_186] : memref<128x128xf32, #tpu.memory_space<vmem>> -> memref<80x128xf32, #tpu.memory_space<vmem>>
      %dma_start3A_188 = arith.constant 0 : i32
      %dma_start3A_189 = tpu.memref_slice %arg14[%dma_start3A_188] : memref<128xi32, #tpu.memory_space<vmem>> -> memref<80xi32, #tpu.memory_space<vmem>>
      %dma_start3A_190 = arith.constant 0 : i32
      %dma_start3A_191 = arith.constant 0 : i32
      %dma_start3A_192 = tpu.memref_slice %arg5[%dma_start3A_190, %dma_start3A_191] : memref<500000x128xf32, #tpu.memory_space<hbm>> -> memref<500000x128xf32, #tpu.memory_space<hbm>>
      tpu.enqueue_indirect_dma source(%dma_start3A_192 : memref<500000x128xf32, #tpu.memory_space<hbm>>) target(%dma_start3A_187 : memref<80x128xf32, #tpu.memory_space<vmem>>) offsets(%dma_start3A_189 : memref<80xi32, #tpu.memory_space<vmem>>) semaphore(%arg27 : memref<!tpu.dma_semaphore, #tpu.memory_space<semaphore_mem>>)
    } else {
    }
    %convert_element_type3A_85 = arith.extui %lt3A_71 : i1 to i32
    %cond3A_86 = arith.constant 0 : i32
    %cond3A_87 = arith.cmpi ne, %convert_element_type3A_85, %cond3A_86 : i32
    scf.if %cond3A_87 {
      %dma_wait3A = arith.constant 0 : i32
      %dma_wait3A_181 = tpu.memref_slice %arg15[%dma_wait3A] : memref<128xi32, #tpu.memory_space<vmem>> -> memref<80xi32, #tpu.memory_space<vmem>>
      %dma_wait3A_182 = tpu.memref_slice %arg2[%mul3A_75] : memref<100000xi32, #tpu.memory_space<hbm>> -> memref<80xi32, #tpu.memory_space<hbm>>
      %dma_wait3A_183 = arith.constant 0 : i32
      %dma_wait3A_184 = tpu.memref_slice %arg15[%dma_wait3A_183] : memref<128xi32, #tpu.memory_space<vmem>> -> memref<80xi32, #tpu.memory_space<vmem>>
      %dma_wait3A_185 = tpu.memref_slice %arg2[%mul3A_75] : memref<100000xi32, #tpu.memory_space<hbm>> -> memref<80xi32, #tpu.memory_space<hbm>>
      tpu.wait_dma2 semaphore(%arg28 : memref<!tpu.dma_semaphore, #tpu.memory_space<semaphore_mem>>) src(%dma_wait3A_185 : memref<80xi32, #tpu.memory_space<hbm>>) dst(%dma_wait3A_184 : memref<80xi32, #tpu.memory_space<vmem>>)
      %dma_start3A = arith.constant 0 : i32
      %dma_start3A_186 = arith.constant 0 : i32
      %dma_start3A_187 = tpu.memref_slice %arg21[%dma_start3A, %dma_start3A_186] : memref<128x128xf32, #tpu.memory_space<vmem>> -> memref<80x128xf32, #tpu.memory_space<vmem>>
      %dma_start3A_188 = arith.constant 0 : i32
      %dma_start3A_189 = tpu.memref_slice %arg15[%dma_start3A_188] : memref<128xi32, #tpu.memory_space<vmem>> -> memref<80xi32, #tpu.memory_space<vmem>>
      %dma_start3A_190 = arith.constant 0 : i32
      %dma_start3A_191 = arith.constant 0 : i32
      %dma_start3A_192 = tpu.memref_slice %arg5[%dma_start3A_190, %dma_start3A_191] : memref<500000x128xf32, #tpu.memory_space<hbm>> -> memref<500000x128xf32, #tpu.memory_space<hbm>>
      tpu.enqueue_indirect_dma source(%dma_start3A_192 : memref<500000x128xf32, #tpu.memory_space<hbm>>) target(%dma_start3A_187 : memref<80x128xf32, #tpu.memory_space<vmem>>) offsets(%dma_start3A_189 : memref<80xi32, #tpu.memory_space<vmem>>) semaphore(%arg28 : memref<!tpu.dma_semaphore, #tpu.memory_space<semaphore_mem>>)
    } else {
    }
    %convert_element_type3A_88 = arith.extui %lt3A_69 : i1 to i32
    %cond3A_89 = arith.constant 0 : i32
    %cond3A_90 = arith.cmpi ne, %convert_element_type3A_88, %cond3A_89 : i32
    scf.if %cond3A_90 {
      %dma_wait3A = arith.constant 0 : i32
      %dma_wait3A_181 = arith.constant 0 : i32
      %dma_wait3A_182 = tpu.memref_slice %arg20[%dma_wait3A, %dma_wait3A_181] : memref<128x128xf32, #tpu.memory_space<vmem>> -> memref<80x128xf32, #tpu.memory_space<vmem>>
      %dma_wait3A_183 = arith.constant 0 : i32
      %dma_wait3A_184 = tpu.memref_slice %arg14[%dma_wait3A_183] : memref<128xi32, #tpu.memory_space<vmem>> -> memref<80xi32, #tpu.memory_space<vmem>>
      %dma_wait3A_185 = arith.constant 0 : i32
      %dma_wait3A_186 = arith.constant 0 : i32
      %dma_wait3A_187 = tpu.memref_slice %arg5[%dma_wait3A_185, %dma_wait3A_186] : memref<500000x128xf32, #tpu.memory_space<hbm>> -> memref<500000x128xf32, #tpu.memory_space<hbm>>
      tpu.wait_indirect_dma semaphore(%arg27 : memref<!tpu.dma_semaphore, #tpu.memory_space<semaphore_mem>>) src(%dma_wait3A_187 : memref<500000x128xf32, #tpu.memory_space<hbm>>) dst(%dma_wait3A_182 : memref<80x128xf32, #tpu.memory_space<vmem>>)
      %dma_start3A = arith.constant 0 : i32
      %dma_start3A_188 = arith.constant 0 : i32
      %dma_start3A_189 = tpu.memref_slice %arg20[%dma_start3A, %dma_start3A_188] : memref<128x128xf32, #tpu.memory_space<vmem>> -> memref<80x128xf32, #tpu.memory_space<vmem>>
      %dma_start3A_190 = arith.constant 0 : i32
      %dma_start3A_191 = tpu.memref_slice %arg11[%mul3A_73, %dma_start3A_190] : memref<20000x128xf32, #tpu.memory_space<hbm>> -> memref<80x128xf32, #tpu.memory_space<hbm>>
      %dma_start3A_192 = arith.constant 0 : i32
      %dma_start3A_193 = tpu.memref_slice %arg11[%mul3A_73, %dma_start3A_192] : memref<20000x128xf32, #tpu.memory_space<hbm>> -> memref<80x128xf32, #tpu.memory_space<hbm>>
      %dma_start3A_194 = arith.constant 0 : i32
      %dma_start3A_195 = arith.constant 0 : i32
      %dma_start3A_196 = tpu.memref_slice %arg20[%dma_start3A_194, %dma_start3A_195] : memref<128x128xf32, #tpu.memory_space<vmem>> -> memref<80x128xf32, #tpu.memory_space<vmem>>
      tpu.enqueue_dma source(%dma_start3A_196 : memref<80x128xf32, #tpu.memory_space<vmem>>) target(%dma_start3A_193 : memref<80x128xf32, #tpu.memory_space<hbm>>) target_semaphore(%arg27 : memref<!tpu.dma_semaphore, #tpu.memory_space<semaphore_mem>>)
    } else {
    }
    %convert_element_type3A_91 = arith.extui %lt3A_71 : i1 to i32
    %cond3A_92 = arith.constant 0 : i32
    %cond3A_93 = arith.cmpi ne, %convert_element_type3A_91, %cond3A_92 : i32
    scf.if %cond3A_93 {
      %dma_wait3A = arith.constant 0 : i32
      %dma_wait3A_181 = arith.constant 0 : i32
      %dma_wait3A_182 = tpu.memref_slice %arg21[%dma_wait3A, %dma_wait3A_181] : memref<128x128xf32, #tpu.memory_space<vmem>> -> memref<80x128xf32, #tpu.memory_space<vmem>>
      %dma_wait3A_183 = arith.constant 0 : i32
      %dma_wait3A_184 = tpu.memref_slice %arg15[%dma_wait3A_183] : memref<128xi32, #tpu.memory_space<vmem>> -> memref<80xi32, #tpu.memory_space<vmem>>
      %dma_wait3A_185 = arith.constant 0 : i32
      %dma_wait3A_186 = arith.constant 0 : i32
      %dma_wait3A_187 = tpu.memref_slice %arg5[%dma_wait3A_185, %dma_wait3A_186] : memref<500000x128xf32, #tpu.memory_space<hbm>> -> memref<500000x128xf32, #tpu.memory_space<hbm>>
      tpu.wait_indirect_dma semaphore(%arg28 : memref<!tpu.dma_semaphore, #tpu.memory_space<semaphore_mem>>) src(%dma_wait3A_187 : memref<500000x128xf32, #tpu.memory_space<hbm>>) dst(%dma_wait3A_182 : memref<80x128xf32, #tpu.memory_space<vmem>>)
      %dma_start3A = arith.constant 0 : i32
      %dma_start3A_188 = arith.constant 0 : i32
      %dma_start3A_189 = tpu.memref_slice %arg21[%dma_start3A, %dma_start3A_188] : memref<128x128xf32, #tpu.memory_space<vmem>> -> memref<80x128xf32, #tpu.memory_space<vmem>>
      %dma_start3A_190 = arith.constant 0 : i32
      %dma_start3A_191 = tpu.memref_slice %arg11[%mul3A_75, %dma_start3A_190] : memref<20000x128xf32, #tpu.memory_space<hbm>> -> memref<80x128xf32, #tpu.memory_space<hbm>>
      %dma_start3A_192 = arith.constant 0 : i32
      %dma_start3A_193 = tpu.memref_slice %arg11[%mul3A_75, %dma_start3A_192] : memref<20000x128xf32, #tpu.memory_space<hbm>> -> memref<80x128xf32, #tpu.memory_space<hbm>>
      %dma_start3A_194 = arith.constant 0 : i32
      %dma_start3A_195 = arith.constant 0 : i32
      %dma_start3A_196 = tpu.memref_slice %arg21[%dma_start3A_194, %dma_start3A_195] : memref<128x128xf32, #tpu.memory_space<vmem>> -> memref<80x128xf32, #tpu.memory_space<vmem>>
      tpu.enqueue_dma source(%dma_start3A_196 : memref<80x128xf32, #tpu.memory_space<vmem>>) target(%dma_start3A_193 : memref<80x128xf32, #tpu.memory_space<hbm>>) target_semaphore(%arg28 : memref<!tpu.dma_semaphore, #tpu.memory_space<semaphore_mem>>)
    } else {
    }
    %convert_element_type3A_94 = arith.extui %lt3A_69 : i1 to i32
    %cond3A_95 = arith.constant 0 : i32
    %cond3A_96 = arith.cmpi ne, %convert_element_type3A_94, %cond3A_95 : i32
    scf.if %cond3A_96 {
      %dma_wait3A = arith.constant 0 : i32
      %dma_wait3A_181 = arith.constant 0 : i32
      %dma_wait3A_182 = tpu.memref_slice %arg20[%dma_wait3A, %dma_wait3A_181] : memref<128x128xf32, #tpu.memory_space<vmem>> -> memref<80x128xf32, #tpu.memory_space<vmem>>
      %dma_wait3A_183 = arith.constant 0 : i32
      %dma_wait3A_184 = tpu.memref_slice %arg11[%mul3A_73, %dma_wait3A_183] : memref<20000x128xf32, #tpu.memory_space<hbm>> -> memref<80x128xf32, #tpu.memory_space<hbm>>
      %dma_wait3A_185 = arith.constant 0 : i32
      %dma_wait3A_186 = tpu.memref_slice %arg11[%mul3A_73, %dma_wait3A_185] : memref<20000x128xf32, #tpu.memory_space<hbm>> -> memref<80x128xf32, #tpu.memory_space<hbm>>
      %dma_wait3A_187 = arith.constant 0 : i32
      %dma_wait3A_188 = arith.constant 0 : i32
      %dma_wait3A_189 = tpu.memref_slice %arg20[%dma_wait3A_187, %dma_wait3A_188] : memref<128x128xf32, #tpu.memory_space<vmem>> -> memref<80x128xf32, #tpu.memory_space<vmem>>
      tpu.wait_dma2 semaphore(%arg27 : memref<!tpu.dma_semaphore, #tpu.memory_space<semaphore_mem>>) src(%dma_wait3A_189 : memref<80x128xf32, #tpu.memory_space<vmem>>) dst(%dma_wait3A_186 : memref<80x128xf32, #tpu.memory_space<hbm>>)
    } else {
    }
    %convert_element_type3A_97 = arith.extui %lt3A_71 : i1 to i32
    %cond3A_98 = arith.constant 0 : i32
    %cond3A_99 = arith.cmpi ne, %convert_element_type3A_97, %cond3A_98 : i32
    scf.if %cond3A_99 {
      %dma_wait3A = arith.constant 0 : i32
      %dma_wait3A_181 = arith.constant 0 : i32
      %dma_wait3A_182 = tpu.memref_slice %arg21[%dma_wait3A, %dma_wait3A_181] : memref<128x128xf32, #tpu.memory_space<vmem>> -> memref<80x128xf32, #tpu.memory_space<vmem>>
      %dma_wait3A_183 = arith.constant 0 : i32
      %dma_wait3A_184 = tpu.memref_slice %arg11[%mul3A_75, %dma_wait3A_183] : memref<20000x128xf32, #tpu.memory_space<hbm>> -> memref<80x128xf32, #tpu.memory_space<hbm>>
      %dma_wait3A_185 = arith.constant 0 : i32
      %dma_wait3A_186 = tpu.memref_slice %arg11[%mul3A_75, %dma_wait3A_185] : memref<20000x128xf32, #tpu.memory_space<hbm>> -> memref<80x128xf32, #tpu.memory_space<hbm>>
      %dma_wait3A_187 = arith.constant 0 : i32
      %dma_wait3A_188 = arith.constant 0 : i32
      %dma_wait3A_189 = tpu.memref_slice %arg21[%dma_wait3A_187, %dma_wait3A_188] : memref<128x128xf32, #tpu.memory_space<vmem>> -> memref<80x128xf32, #tpu.memory_space<vmem>>
      tpu.wait_dma2 semaphore(%arg28 : memref<!tpu.dma_semaphore, #tpu.memory_space<semaphore_mem>>) src(%dma_wait3A_189 : memref<80x128xf32, #tpu.memory_space<vmem>>) dst(%dma_wait3A_186 : memref<80x128xf32, #tpu.memory_space<hbm>>)
    } else {
    }
    %add3A_100 = arith.constant 128 : i32
    %add3A_101 = arith.addi %add3A_28, %add3A_100 : i32
    %add3A_102 = arith.constant 160 : i32
    %add3A_103 = arith.addi %add3A_28, %add3A_102 : i32
    %lt3A_104 = arith.constant 250 : i32
    %lt3A_105 = arith.cmpi slt, %add3A_101, %lt3A_104 : i32
    %lt3A_106 = arith.constant 250 : i32
    %lt3A_107 = arith.cmpi slt, %add3A_103, %lt3A_106 : i32
    %mul3A_108 = arith.constant 80 : i32
    %mul3A_109 = arith.muli %add3A_101, %mul3A_108 : i32
    %mul3A_110 = arith.constant 80 : i32
    %mul3A_111 = arith.muli %add3A_103, %mul3A_110 : i32
    %convert_element_type3A_112 = arith.extui %lt3A_105 : i1 to i32
    %cond3A_113 = arith.constant 0 : i32
    %cond3A_114 = arith.cmpi ne, %convert_element_type3A_112, %cond3A_113 : i32
    scf.if %cond3A_114 {
      %dma_start3A = arith.constant 0 : i32
      %dma_start3A_181 = tpu.memref_slice %arg14[%dma_start3A] : memref<128xi32, #tpu.memory_space<vmem>> -> memref<80xi32, #tpu.memory_space<vmem>>
      %dma_start3A_182 = tpu.memref_slice %arg2[%mul3A_109] : memref<100000xi32, #tpu.memory_space<hbm>> -> memref<80xi32, #tpu.memory_space<hbm>>
      %dma_start3A_183 = arith.constant 0 : i32
      %dma_start3A_184 = tpu.memref_slice %arg14[%dma_start3A_183] : memref<128xi32, #tpu.memory_space<vmem>> -> memref<80xi32, #tpu.memory_space<vmem>>
      %dma_start3A_185 = tpu.memref_slice %arg2[%mul3A_109] : memref<100000xi32, #tpu.memory_space<hbm>> -> memref<80xi32, #tpu.memory_space<hbm>>
      tpu.enqueue_dma source(%dma_start3A_185 : memref<80xi32, #tpu.memory_space<hbm>>) target(%dma_start3A_184 : memref<80xi32, #tpu.memory_space<vmem>>) target_semaphore(%arg27 : memref<!tpu.dma_semaphore, #tpu.memory_space<semaphore_mem>>)
    } else {
    }
    %convert_element_type3A_115 = arith.extui %lt3A_107 : i1 to i32
    %cond3A_116 = arith.constant 0 : i32
    %cond3A_117 = arith.cmpi ne, %convert_element_type3A_115, %cond3A_116 : i32
    scf.if %cond3A_117 {
      %dma_start3A = arith.constant 0 : i32
      %dma_start3A_181 = tpu.memref_slice %arg15[%dma_start3A] : memref<128xi32, #tpu.memory_space<vmem>> -> memref<80xi32, #tpu.memory_space<vmem>>
      %dma_start3A_182 = tpu.memref_slice %arg2[%mul3A_111] : memref<100000xi32, #tpu.memory_space<hbm>> -> memref<80xi32, #tpu.memory_space<hbm>>
      %dma_start3A_183 = arith.constant 0 : i32
      %dma_start3A_184 = tpu.memref_slice %arg15[%dma_start3A_183] : memref<128xi32, #tpu.memory_space<vmem>> -> memref<80xi32, #tpu.memory_space<vmem>>
      %dma_start3A_185 = tpu.memref_slice %arg2[%mul3A_111] : memref<100000xi32, #tpu.memory_space<hbm>> -> memref<80xi32, #tpu.memory_space<hbm>>
      tpu.enqueue_dma source(%dma_start3A_185 : memref<80xi32, #tpu.memory_space<hbm>>) target(%dma_start3A_184 : memref<80xi32, #tpu.memory_space<vmem>>) target_semaphore(%arg28 : memref<!tpu.dma_semaphore, #tpu.memory_space<semaphore_mem>>)
    } else {
    }
    %convert_element_type3A_118 = arith.extui %lt3A_105 : i1 to i32
    %cond3A_119 = arith.constant 0 : i32
    %cond3A_120 = arith.cmpi ne, %convert_element_type3A_118, %cond3A_119 : i32
    scf.if %cond3A_120 {
      %dma_wait3A = arith.constant 0 : i32
      %dma_wait3A_181 = tpu.memref_slice %arg14[%dma_wait3A] : memref<128xi32, #tpu.memory_space<vmem>> -> memref<80xi32, #tpu.memory_space<vmem>>
      %dma_wait3A_182 = tpu.memref_slice %arg2[%mul3A_109] : memref<100000xi32, #tpu.memory_space<hbm>> -> memref<80xi32, #tpu.memory_space<hbm>>
      %dma_wait3A_183 = arith.constant 0 : i32
      %dma_wait3A_184 = tpu.memref_slice %arg14[%dma_wait3A_183] : memref<128xi32, #tpu.memory_space<vmem>> -> memref<80xi32, #tpu.memory_space<vmem>>
      %dma_wait3A_185 = tpu.memref_slice %arg2[%mul3A_109] : memref<100000xi32, #tpu.memory_space<hbm>> -> memref<80xi32, #tpu.memory_space<hbm>>
      tpu.wait_dma2 semaphore(%arg27 : memref<!tpu.dma_semaphore, #tpu.memory_space<semaphore_mem>>) src(%dma_wait3A_185 : memref<80xi32, #tpu.memory_space<hbm>>) dst(%dma_wait3A_184 : memref<80xi32, #tpu.memory_space<vmem>>)
      %dma_start3A = arith.constant 0 : i32
      %dma_start3A_186 = arith.constant 0 : i32
      %dma_start3A_187 = tpu.memref_slice %arg20[%dma_start3A, %dma_start3A_186] : memref<128x128xf32, #tpu.memory_space<vmem>> -> memref<80x128xf32, #tpu.memory_space<vmem>>
      %dma_start3A_188 = arith.constant 0 : i32
      %dma_start3A_189 = tpu.memref_slice %arg14[%dma_start3A_188] : memref<128xi32, #tpu.memory_space<vmem>> -> memref<80xi32, #tpu.memory_space<vmem>>
      %dma_start3A_190 = arith.constant 0 : i32
      %dma_start3A_191 = arith.constant 0 : i32
      %dma_start3A_192 = tpu.memref_slice %arg5[%dma_start3A_190, %dma_start3A_191] : memref<500000x128xf32, #tpu.memory_space<hbm>> -> memref<500000x128xf32, #tpu.memory_space<hbm>>
      tpu.enqueue_indirect_dma source(%dma_start3A_192 : memref<500000x128xf32, #tpu.memory_space<hbm>>) target(%dma_start3A_187 : memref<80x128xf32, #tpu.memory_space<vmem>>) offsets(%dma_start3A_189 : memref<80xi32, #tpu.memory_space<vmem>>) semaphore(%arg27 : memref<!tpu.dma_semaphore, #tpu.memory_space<semaphore_mem>>)
    } else {
    }
    %convert_element_type3A_121 = arith.extui %lt3A_107 : i1 to i32
    %cond3A_122 = arith.constant 0 : i32
    %cond3A_123 = arith.cmpi ne, %convert_element_type3A_121, %cond3A_122 : i32
    scf.if %cond3A_123 {
      %dma_wait3A = arith.constant 0 : i32
      %dma_wait3A_181 = tpu.memref_slice %arg15[%dma_wait3A] : memref<128xi32, #tpu.memory_space<vmem>> -> memref<80xi32, #tpu.memory_space<vmem>>
      %dma_wait3A_182 = tpu.memref_slice %arg2[%mul3A_111] : memref<100000xi32, #tpu.memory_space<hbm>> -> memref<80xi32, #tpu.memory_space<hbm>>
      %dma_wait3A_183 = arith.constant 0 : i32
      %dma_wait3A_184 = tpu.memref_slice %arg15[%dma_wait3A_183] : memref<128xi32, #tpu.memory_space<vmem>> -> memref<80xi32, #tpu.memory_space<vmem>>
      %dma_wait3A_185 = tpu.memref_slice %arg2[%mul3A_111] : memref<100000xi32, #tpu.memory_space<hbm>> -> memref<80xi32, #tpu.memory_space<hbm>>
      tpu.wait_dma2 semaphore(%arg28 : memref<!tpu.dma_semaphore, #tpu.memory_space<semaphore_mem>>) src(%dma_wait3A_185 : memref<80xi32, #tpu.memory_space<hbm>>) dst(%dma_wait3A_184 : memref<80xi32, #tpu.memory_space<vmem>>)
      %dma_start3A = arith.constant 0 : i32
      %dma_start3A_186 = arith.constant 0 : i32
      %dma_start3A_187 = tpu.memref_slice %arg21[%dma_start3A, %dma_start3A_186] : memref<128x128xf32, #tpu.memory_space<vmem>> -> memref<80x128xf32, #tpu.memory_space<vmem>>
      %dma_start3A_188 = arith.constant 0 : i32
      %dma_start3A_189 = tpu.memref_slice %arg15[%dma_start3A_188] : memref<128xi32, #tpu.memory_space<vmem>> -> memref<80xi32, #tpu.memory_space<vmem>>
      %dma_start3A_190 = arith.constant 0 : i32
      %dma_start3A_191 = arith.constant 0 : i32
      %dma_start3A_192 = tpu.memref_slice %arg5[%dma_start3A_190, %dma_start3A_191] : memref<500000x128xf32, #tpu.memory_space<hbm>> -> memref<500000x128xf32, #tpu.memory_space<hbm>>
      tpu.enqueue_indirect_dma source(%dma_start3A_192 : memref<500000x128xf32, #tpu.memory_space<hbm>>) target(%dma_start3A_187 : memref<80x128xf32, #tpu.memory_space<vmem>>) offsets(%dma_start3A_189 : memref<80xi32, #tpu.memory_space<vmem>>) semaphore(%arg28 : memref<!tpu.dma_semaphore, #tpu.memory_space<semaphore_mem>>)
    } else {
    }
    %convert_element_type3A_124 = arith.extui %lt3A_105 : i1 to i32
    %cond3A_125 = arith.constant 0 : i32
    %cond3A_126 = arith.cmpi ne, %convert_element_type3A_124, %cond3A_125 : i32
    scf.if %cond3A_126 {
      %dma_wait3A = arith.constant 0 : i32
      %dma_wait3A_181 = arith.constant 0 : i32
      %dma_wait3A_182 = tpu.memref_slice %arg20[%dma_wait3A, %dma_wait3A_181] : memref<128x128xf32, #tpu.memory_space<vmem>> -> memref<80x128xf32, #tpu.memory_space<vmem>>
      %dma_wait3A_183 = arith.constant 0 : i32
      %dma_wait3A_184 = tpu.memref_slice %arg14[%dma_wait3A_183] : memref<128xi32, #tpu.memory_space<vmem>> -> memref<80xi32, #tpu.memory_space<vmem>>
      %dma_wait3A_185 = arith.constant 0 : i32
      %dma_wait3A_186 = arith.constant 0 : i32
      %dma_wait3A_187 = tpu.memref_slice %arg5[%dma_wait3A_185, %dma_wait3A_186] : memref<500000x128xf32, #tpu.memory_space<hbm>> -> memref<500000x128xf32, #tpu.memory_space<hbm>>
      tpu.wait_indirect_dma semaphore(%arg27 : memref<!tpu.dma_semaphore, #tpu.memory_space<semaphore_mem>>) src(%dma_wait3A_187 : memref<500000x128xf32, #tpu.memory_space<hbm>>) dst(%dma_wait3A_182 : memref<80x128xf32, #tpu.memory_space<vmem>>)
      %dma_start3A = arith.constant 0 : i32
      %dma_start3A_188 = arith.constant 0 : i32
      %dma_start3A_189 = tpu.memref_slice %arg20[%dma_start3A, %dma_start3A_188] : memref<128x128xf32, #tpu.memory_space<vmem>> -> memref<80x128xf32, #tpu.memory_space<vmem>>
      %dma_start3A_190 = arith.constant 0 : i32
      %dma_start3A_191 = tpu.memref_slice %arg11[%mul3A_109, %dma_start3A_190] : memref<20000x128xf32, #tpu.memory_space<hbm>> -> memref<80x128xf32, #tpu.memory_space<hbm>>
      %dma_start3A_192 = arith.constant 0 : i32
      %dma_start3A_193 = tpu.memref_slice %arg11[%mul3A_109, %dma_start3A_192] : memref<20000x128xf32, #tpu.memory_space<hbm>> -> memref<80x128xf32, #tpu.memory_space<hbm>>
      %dma_start3A_194 = arith.constant 0 : i32
      %dma_start3A_195 = arith.constant 0 : i32
      %dma_start3A_196 = tpu.memref_slice %arg20[%dma_start3A_194, %dma_start3A_195] : memref<128x128xf32, #tpu.memory_space<vmem>> -> memref<80x128xf32, #tpu.memory_space<vmem>>
      tpu.enqueue_dma source(%dma_start3A_196 : memref<80x128xf32, #tpu.memory_space<vmem>>) target(%dma_start3A_193 : memref<80x128xf32, #tpu.memory_space<hbm>>) target_semaphore(%arg27 : memref<!tpu.dma_semaphore, #tpu.memory_space<semaphore_mem>>)
    } else {
    }
    %convert_element_type3A_127 = arith.extui %lt3A_107 : i1 to i32
    %cond3A_128 = arith.constant 0 : i32
    %cond3A_129 = arith.cmpi ne, %convert_element_type3A_127, %cond3A_128 : i32
    scf.if %cond3A_129 {
      %dma_wait3A = arith.constant 0 : i32
      %dma_wait3A_181 = arith.constant 0 : i32
      %dma_wait3A_182 = tpu.memref_slice %arg21[%dma_wait3A, %dma_wait3A_181] : memref<128x128xf32, #tpu.memory_space<vmem>> -> memref<80x128xf32, #tpu.memory_space<vmem>>
      %dma_wait3A_183 = arith.constant 0 : i32
      %dma_wait3A_184 = tpu.memref_slice %arg15[%dma_wait3A_183] : memref<128xi32, #tpu.memory_space<vmem>> -> memref<80xi32, #tpu.memory_space<vmem>>
      %dma_wait3A_185 = arith.constant 0 : i32
      %dma_wait3A_186 = arith.constant 0 : i32
      %dma_wait3A_187 = tpu.memref_slice %arg5[%dma_wait3A_185, %dma_wait3A_186] : memref<500000x128xf32, #tpu.memory_space<hbm>> -> memref<500000x128xf32, #tpu.memory_space<hbm>>
      tpu.wait_indirect_dma semaphore(%arg28 : memref<!tpu.dma_semaphore, #tpu.memory_space<semaphore_mem>>) src(%dma_wait3A_187 : memref<500000x128xf32, #tpu.memory_space<hbm>>) dst(%dma_wait3A_182 : memref<80x128xf32, #tpu.memory_space<vmem>>)
      %dma_start3A = arith.constant 0 : i32
      %dma_start3A_188 = arith.constant 0 : i32
      %dma_start3A_189 = tpu.memref_slice %arg21[%dma_start3A, %dma_start3A_188] : memref<128x128xf32, #tpu.memory_space<vmem>> -> memref<80x128xf32, #tpu.memory_space<vmem>>
      %dma_start3A_190 = arith.constant 0 : i32
      %dma_start3A_191 = tpu.memref_slice %arg11[%mul3A_111, %dma_start3A_190] : memref<20000x128xf32, #tpu.memory_space<hbm>> -> memref<80x128xf32, #tpu.memory_space<hbm>>
      %dma_start3A_192 = arith.constant 0 : i32
      %dma_start3A_193 = tpu.memref_slice %arg11[%mul3A_111, %dma_start3A_192] : memref<20000x128xf32, #tpu.memory_space<hbm>> -> memref<80x128xf32, #tpu.memory_space<hbm>>
      %dma_start3A_194 = arith.constant 0 : i32
      %dma_start3A_195 = arith.constant 0 : i32
      %dma_start3A_196 = tpu.memref_slice %arg21[%dma_start3A_194, %dma_start3A_195] : memref<128x128xf32, #tpu.memory_space<vmem>> -> memref<80x128xf32, #tpu.memory_space<vmem>>
      tpu.enqueue_dma source(%dma_start3A_196 : memref<80x128xf32, #tpu.memory_space<vmem>>) target(%dma_start3A_193 : memref<80x128xf32, #tpu.memory_space<hbm>>) target_semaphore(%arg28 : memref<!tpu.dma_semaphore, #tpu.memory_space<semaphore_mem>>)
    } else {
    }
    %convert_element_type3A_130 = arith.extui %lt3A_105 : i1 to i32
    %cond3A_131 = arith.constant 0 : i32
    %cond3A_132 = arith.cmpi ne, %convert_element_type3A_130, %cond3A_131 : i32
    scf.if %cond3A_132 {
      %dma_wait3A = arith.constant 0 : i32
      %dma_wait3A_181 = arith.constant 0 : i32
      %dma_wait3A_182 = tpu.memref_slice %arg20[%dma_wait3A, %dma_wait3A_181] : memref<128x128xf32, #tpu.memory_space<vmem>> -> memref<80x128xf32, #tpu.memory_space<vmem>>
      %dma_wait3A_183 = arith.constant 0 : i32
      %dma_wait3A_184 = tpu.memref_slice %arg11[%mul3A_109, %dma_wait3A_183] : memref<20000x128xf32, #tpu.memory_space<hbm>> -> memref<80x128xf32, #tpu.memory_space<hbm>>
      %dma_wait3A_185 = arith.constant 0 : i32
      %dma_wait3A_186 = tpu.memref_slice %arg11[%mul3A_109, %dma_wait3A_185] : memref<20000x128xf32, #tpu.memory_space<hbm>> -> memref<80x128xf32, #tpu.memory_space<hbm>>
      %dma_wait3A_187 = arith.constant 0 : i32
      %dma_wait3A_188 = arith.constant 0 : i32
      %dma_wait3A_189 = tpu.memref_slice %arg20[%dma_wait3A_187, %dma_wait3A_188] : memref<128x128xf32, #tpu.memory_space<vmem>> -> memref<80x128xf32, #tpu.memory_space<vmem>>
      tpu.wait_dma2 semaphore(%arg27 : memref<!tpu.dma_semaphore, #tpu.memory_space<semaphore_mem>>) src(%dma_wait3A_189 : memref<80x128xf32, #tpu.memory_space<vmem>>) dst(%dma_wait3A_186 : memref<80x128xf32, #tpu.memory_space<hbm>>)
    } else {
    }
    %convert_element_type3A_133 = arith.extui %lt3A_107 : i1 to i32
    %cond3A_134 = arith.constant 0 : i32
    %cond3A_135 = arith.cmpi ne, %convert_element_type3A_133, %cond3A_134 : i32
    scf.if %cond3A_135 {
      %dma_wait3A = arith.constant 0 : i32
      %dma_wait3A_181 = arith.constant 0 : i32
      %dma_wait3A_182 = tpu.memref_slice %arg21[%dma_wait3A, %dma_wait3A_181] : memref<128x128xf32, #tpu.memory_space<vmem>> -> memref<80x128xf32, #tpu.memory_space<vmem>>
      %dma_wait3A_183 = arith.constant 0 : i32
      %dma_wait3A_184 = tpu.memref_slice %arg11[%mul3A_111, %dma_wait3A_183] : memref<20000x128xf32, #tpu.memory_space<hbm>> -> memref<80x128xf32, #tpu.memory_space<hbm>>
      %dma_wait3A_185 = arith.constant 0 : i32
      %dma_wait3A_186 = tpu.memref_slice %arg11[%mul3A_111, %dma_wait3A_185] : memref<20000x128xf32, #tpu.memory_space<hbm>> -> memref<80x128xf32, #tpu.memory_space<hbm>>
      %dma_wait3A_187 = arith.constant 0 : i32
      %dma_wait3A_188 = arith.constant 0 : i32
      %dma_wait3A_189 = tpu.memref_slice %arg21[%dma_wait3A_187, %dma_wait3A_188] : memref<128x128xf32, #tpu.memory_space<vmem>> -> memref<80x128xf32, #tpu.memory_space<vmem>>
      tpu.wait_dma2 semaphore(%arg28 : memref<!tpu.dma_semaphore, #tpu.memory_space<semaphore_mem>>) src(%dma_wait3A_189 : memref<80x128xf32, #tpu.memory_space<vmem>>) dst(%dma_wait3A_186 : memref<80x128xf32, #tpu.memory_space<hbm>>)
    } else {
    }
    %add3A_136 = arith.constant 192 : i32
    %add3A_137 = arith.addi %add3A_28, %add3A_136 : i32
    %add3A_138 = arith.constant 224 : i32
    %add3A_139 = arith.addi %add3A_28, %add3A_138 : i32
    %lt3A_140 = arith.constant 250 : i32
    %lt3A_141 = arith.cmpi slt, %add3A_137, %lt3A_140 : i32
    %lt3A_142 = arith.constant 250 : i32
    %lt3A_143 = arith.cmpi slt, %add3A_139, %lt3A_142 : i32
    %mul3A_144 = arith.constant 80 : i32
    %mul3A_145 = arith.muli %add3A_137, %mul3A_144 : i32
    %mul3A_146 = arith.constant 80 : i32
    %mul3A_147 = arith.muli %add3A_139, %mul3A_146 : i32
    %convert_element_type3A_148 = arith.extui %lt3A_141 : i1 to i32
    %cond3A_149 = arith.constant 0 : i32
    %cond3A_150 = arith.cmpi ne, %convert_element_type3A_148, %cond3A_149 : i32
    scf.if %cond3A_150 {
      %dma_start3A = arith.constant 0 : i32
      %dma_start3A_181 = tpu.memref_slice %arg14[%dma_start3A] : memref<128xi32, #tpu.memory_space<vmem>> -> memref<80xi32, #tpu.memory_space<vmem>>
      %dma_start3A_182 = tpu.memref_slice %arg2[%mul3A_145] : memref<100000xi32, #tpu.memory_space<hbm>> -> memref<80xi32, #tpu.memory_space<hbm>>
      %dma_start3A_183 = arith.constant 0 : i32
      %dma_start3A_184 = tpu.memref_slice %arg14[%dma_start3A_183] : memref<128xi32, #tpu.memory_space<vmem>> -> memref<80xi32, #tpu.memory_space<vmem>>
      %dma_start3A_185 = tpu.memref_slice %arg2[%mul3A_145] : memref<100000xi32, #tpu.memory_space<hbm>> -> memref<80xi32, #tpu.memory_space<hbm>>
      tpu.enqueue_dma source(%dma_start3A_185 : memref<80xi32, #tpu.memory_space<hbm>>) target(%dma_start3A_184 : memref<80xi32, #tpu.memory_space<vmem>>) target_semaphore(%arg27 : memref<!tpu.dma_semaphore, #tpu.memory_space<semaphore_mem>>)
    } else {
    }
    %convert_element_type3A_151 = arith.extui %lt3A_143 : i1 to i32
    %cond3A_152 = arith.constant 0 : i32
    %cond3A_153 = arith.cmpi ne, %convert_element_type3A_151, %cond3A_152 : i32
    scf.if %cond3A_153 {
      %dma_start3A = arith.constant 0 : i32
      %dma_start3A_181 = tpu.memref_slice %arg15[%dma_start3A] : memref<128xi32, #tpu.memory_space<vmem>> -> memref<80xi32, #tpu.memory_space<vmem>>
      %dma_start3A_182 = tpu.memref_slice %arg2[%mul3A_147] : memref<100000xi32, #tpu.memory_space<hbm>> -> memref<80xi32, #tpu.memory_space<hbm>>
      %dma_start3A_183 = arith.constant 0 : i32
      %dma_start3A_184 = tpu.memref_slice %arg15[%dma_start3A_183] : memref<128xi32, #tpu.memory_space<vmem>> -> memref<80xi32, #tpu.memory_space<vmem>>
      %dma_start3A_185 = tpu.memref_slice %arg2[%mul3A_147] : memref<100000xi32, #tpu.memory_space<hbm>> -> memref<80xi32, #tpu.memory_space<hbm>>
      tpu.enqueue_dma source(%dma_start3A_185 : memref<80xi32, #tpu.memory_space<hbm>>) target(%dma_start3A_184 : memref<80xi32, #tpu.memory_space<vmem>>) target_semaphore(%arg28 : memref<!tpu.dma_semaphore, #tpu.memory_space<semaphore_mem>>)
    } else {
    }
    %convert_element_type3A_154 = arith.extui %lt3A_141 : i1 to i32
    %cond3A_155 = arith.constant 0 : i32
    %cond3A_156 = arith.cmpi ne, %convert_element_type3A_154, %cond3A_155 : i32
    scf.if %cond3A_156 {
      %dma_wait3A = arith.constant 0 : i32
      %dma_wait3A_181 = tpu.memref_slice %arg14[%dma_wait3A] : memref<128xi32, #tpu.memory_space<vmem>> -> memref<80xi32, #tpu.memory_space<vmem>>
      %dma_wait3A_182 = tpu.memref_slice %arg2[%mul3A_145] : memref<100000xi32, #tpu.memory_space<hbm>> -> memref<80xi32, #tpu.memory_space<hbm>>
      %dma_wait3A_183 = arith.constant 0 : i32
      %dma_wait3A_184 = tpu.memref_slice %arg14[%dma_wait3A_183] : memref<128xi32, #tpu.memory_space<vmem>> -> memref<80xi32, #tpu.memory_space<vmem>>
      %dma_wait3A_185 = tpu.memref_slice %arg2[%mul3A_145] : memref<100000xi32, #tpu.memory_space<hbm>> -> memref<80xi32, #tpu.memory_space<hbm>>
      tpu.wait_dma2 semaphore(%arg27 : memref<!tpu.dma_semaphore, #tpu.memory_space<semaphore_mem>>) src(%dma_wait3A_185 : memref<80xi32, #tpu.memory_space<hbm>>) dst(%dma_wait3A_184 : memref<80xi32, #tpu.memory_space<vmem>>)
      %dma_start3A = arith.constant 0 : i32
      %dma_start3A_186 = arith.constant 0 : i32
      %dma_start3A_187 = tpu.memref_slice %arg20[%dma_start3A, %dma_start3A_186] : memref<128x128xf32, #tpu.memory_space<vmem>> -> memref<80x128xf32, #tpu.memory_space<vmem>>
      %dma_start3A_188 = arith.constant 0 : i32
      %dma_start3A_189 = tpu.memref_slice %arg14[%dma_start3A_188] : memref<128xi32, #tpu.memory_space<vmem>> -> memref<80xi32, #tpu.memory_space<vmem>>
      %dma_start3A_190 = arith.constant 0 : i32
      %dma_start3A_191 = arith.constant 0 : i32
      %dma_start3A_192 = tpu.memref_slice %arg5[%dma_start3A_190, %dma_start3A_191] : memref<500000x128xf32, #tpu.memory_space<hbm>> -> memref<500000x128xf32, #tpu.memory_space<hbm>>
      tpu.enqueue_indirect_dma source(%dma_start3A_192 : memref<500000x128xf32, #tpu.memory_space<hbm>>) target(%dma_start3A_187 : memref<80x128xf32, #tpu.memory_space<vmem>>) offsets(%dma_start3A_189 : memref<80xi32, #tpu.memory_space<vmem>>) semaphore(%arg27 : memref<!tpu.dma_semaphore, #tpu.memory_space<semaphore_mem>>)
    } else {
    }
    %convert_element_type3A_157 = arith.extui %lt3A_143 : i1 to i32
    %cond3A_158 = arith.constant 0 : i32
    %cond3A_159 = arith.cmpi ne, %convert_element_type3A_157, %cond3A_158 : i32
    scf.if %cond3A_159 {
      %dma_wait3A = arith.constant 0 : i32
      %dma_wait3A_181 = tpu.memref_slice %arg15[%dma_wait3A] : memref<128xi32, #tpu.memory_space<vmem>> -> memref<80xi32, #tpu.memory_space<vmem>>
      %dma_wait3A_182 = tpu.memref_slice %arg2[%mul3A_147] : memref<100000xi32, #tpu.memory_space<hbm>> -> memref<80xi32, #tpu.memory_space<hbm>>
      %dma_wait3A_183 = arith.constant 0 : i32
      %dma_wait3A_184 = tpu.memref_slice %arg15[%dma_wait3A_183] : memref<128xi32, #tpu.memory_space<vmem>> -> memref<80xi32, #tpu.memory_space<vmem>>
      %dma_wait3A_185 = tpu.memref_slice %arg2[%mul3A_147] : memref<100000xi32, #tpu.memory_space<hbm>> -> memref<80xi32, #tpu.memory_space<hbm>>
      tpu.wait_dma2 semaphore(%arg28 : memref<!tpu.dma_semaphore, #tpu.memory_space<semaphore_mem>>) src(%dma_wait3A_185 : memref<80xi32, #tpu.memory_space<hbm>>) dst(%dma_wait3A_184 : memref<80xi32, #tpu.memory_space<vmem>>)
      %dma_start3A = arith.constant 0 : i32
      %dma_start3A_186 = arith.constant 0 : i32
      %dma_start3A_187 = tpu.memref_slice %arg21[%dma_start3A, %dma_start3A_186] : memref<128x128xf32, #tpu.memory_space<vmem>> -> memref<80x128xf32, #tpu.memory_space<vmem>>
      %dma_start3A_188 = arith.constant 0 : i32
      %dma_start3A_189 = tpu.memref_slice %arg15[%dma_start3A_188] : memref<128xi32, #tpu.memory_space<vmem>> -> memref<80xi32, #tpu.memory_space<vmem>>
      %dma_start3A_190 = arith.constant 0 : i32
      %dma_start3A_191 = arith.constant 0 : i32
      %dma_start3A_192 = tpu.memref_slice %arg5[%dma_start3A_190, %dma_start3A_191] : memref<500000x128xf32, #tpu.memory_space<hbm>> -> memref<500000x128xf32, #tpu.memory_space<hbm>>
      tpu.enqueue_indirect_dma source(%dma_start3A_192 : memref<500000x128xf32, #tpu.memory_space<hbm>>) target(%dma_start3A_187 : memref<80x128xf32, #tpu.memory_space<vmem>>) offsets(%dma_start3A_189 : memref<80xi32, #tpu.memory_space<vmem>>) semaphore(%arg28 : memref<!tpu.dma_semaphore, #tpu.memory_space<semaphore_mem>>)
    } else {
    }
    %convert_element_type3A_160 = arith.extui %lt3A_141 : i1 to i32
    %cond3A_161 = arith.constant 0 : i32
    %cond3A_162 = arith.cmpi ne, %convert_element_type3A_160, %cond3A_161 : i32
    scf.if %cond3A_162 {
      %dma_wait3A = arith.constant 0 : i32
      %dma_wait3A_181 = arith.constant 0 : i32
      %dma_wait3A_182 = tpu.memref_slice %arg20[%dma_wait3A, %dma_wait3A_181] : memref<128x128xf32, #tpu.memory_space<vmem>> -> memref<80x128xf32, #tpu.memory_space<vmem>>
      %dma_wait3A_183 = arith.constant 0 : i32
      %dma_wait3A_184 = tpu.memref_slice %arg14[%dma_wait3A_183] : memref<128xi32, #tpu.memory_space<vmem>> -> memref<80xi32, #tpu.memory_space<vmem>>
      %dma_wait3A_185 = arith.constant 0 : i32
      %dma_wait3A_186 = arith.constant 0 : i32
      %dma_wait3A_187 = tpu.memref_slice %arg5[%dma_wait3A_185, %dma_wait3A_186] : memref<500000x128xf32, #tpu.memory_space<hbm>> -> memref<500000x128xf32, #tpu.memory_space<hbm>>
      tpu.wait_indirect_dma semaphore(%arg27 : memref<!tpu.dma_semaphore, #tpu.memory_space<semaphore_mem>>) src(%dma_wait3A_187 : memref<500000x128xf32, #tpu.memory_space<hbm>>) dst(%dma_wait3A_182 : memref<80x128xf32, #tpu.memory_space<vmem>>)
      %dma_start3A = arith.constant 0 : i32
      %dma_start3A_188 = arith.constant 0 : i32
      %dma_start3A_189 = tpu.memref_slice %arg20[%dma_start3A, %dma_start3A_188] : memref<128x128xf32, #tpu.memory_space<vmem>> -> memref<80x128xf32, #tpu.memory_space<vmem>>
      %dma_start3A_190 = arith.constant 0 : i32
      %dma_start3A_191 = tpu.memref_slice %arg11[%mul3A_145, %dma_start3A_190] : memref<20000x128xf32, #tpu.memory_space<hbm>> -> memref<80x128xf32, #tpu.memory_space<hbm>>
      %dma_start3A_192 = arith.constant 0 : i32
      %dma_start3A_193 = tpu.memref_slice %arg11[%mul3A_145, %dma_start3A_192] : memref<20000x128xf32, #tpu.memory_space<hbm>> -> memref<80x128xf32, #tpu.memory_space<hbm>>
      %dma_start3A_194 = arith.constant 0 : i32
      %dma_start3A_195 = arith.constant 0 : i32
      %dma_start3A_196 = tpu.memref_slice %arg20[%dma_start3A_194, %dma_start3A_195] : memref<128x128xf32, #tpu.memory_space<vmem>> -> memref<80x128xf32, #tpu.memory_space<vmem>>
      tpu.enqueue_dma source(%dma_start3A_196 : memref<80x128xf32, #tpu.memory_space<vmem>>) target(%dma_start3A_193 : memref<80x128xf32, #tpu.memory_space<hbm>>) target_semaphore(%arg27 : memref<!tpu.dma_semaphore, #tpu.memory_space<semaphore_mem>>)
    } else {
    }
    %convert_element_type3A_163 = arith.extui %lt3A_143 : i1 to i32
    %cond3A_164 = arith.constant 0 : i32
    %cond3A_165 = arith.cmpi ne, %convert_element_type3A_163, %cond3A_164 : i32
    scf.if %cond3A_165 {
      %dma_wait3A = arith.constant 0 : i32
      %dma_wait3A_181 = arith.constant 0 : i32
      %dma_wait3A_182 = tpu.memref_slice %arg21[%dma_wait3A, %dma_wait3A_181] : memref<128x128xf32, #tpu.memory_space<vmem>> -> memref<80x128xf32, #tpu.memory_space<vmem>>
      %dma_wait3A_183 = arith.constant 0 : i32
      %dma_wait3A_184 = tpu.memref_slice %arg15[%dma_wait3A_183] : memref<128xi32, #tpu.memory_space<vmem>> -> memref<80xi32, #tpu.memory_space<vmem>>
      %dma_wait3A_185 = arith.constant 0 : i32
      %dma_wait3A_186 = arith.constant 0 : i32
      %dma_wait3A_187 = tpu.memref_slice %arg5[%dma_wait3A_185, %dma_wait3A_186] : memref<500000x128xf32, #tpu.memory_space<hbm>> -> memref<500000x128xf32, #tpu.memory_space<hbm>>
      tpu.wait_indirect_dma semaphore(%arg28 : memref<!tpu.dma_semaphore, #tpu.memory_space<semaphore_mem>>) src(%dma_wait3A_187 : memref<500000x128xf32, #tpu.memory_space<hbm>>) dst(%dma_wait3A_182 : memref<80x128xf32, #tpu.memory_space<vmem>>)
      %dma_start3A = arith.constant 0 : i32
      %dma_start3A_188 = arith.constant 0 : i32
      %dma_start3A_189 = tpu.memref_slice %arg21[%dma_start3A, %dma_start3A_188] : memref<128x128xf32, #tpu.memory_space<vmem>> -> memref<80x128xf32, #tpu.memory_space<vmem>>
      %dma_start3A_190 = arith.constant 0 : i32
      %dma_start3A_191 = tpu.memref_slice %arg11[%mul3A_147, %dma_start3A_190] : memref<20000x128xf32, #tpu.memory_space<hbm>> -> memref<80x128xf32, #tpu.memory_space<hbm>>
      %dma_start3A_192 = arith.constant 0 : i32
      %dma_start3A_193 = tpu.memref_slice %arg11[%mul3A_147, %dma_start3A_192] : memref<20000x128xf32, #tpu.memory_space<hbm>> -> memref<80x128xf32, #tpu.memory_space<hbm>>
      %dma_start3A_194 = arith.constant 0 : i32
      %dma_start3A_195 = arith.constant 0 : i32
      %dma_start3A_196 = tpu.memref_slice %arg21[%dma_start3A_194, %dma_start3A_195] : memref<128x128xf32, #tpu.memory_space<vmem>> -> memref<80x128xf32, #tpu.memory_space<vmem>>
      tpu.enqueue_dma source(%dma_start3A_196 : memref<80x128xf32, #tpu.memory_space<vmem>>) target(%dma_start3A_193 : memref<80x128xf32, #tpu.memory_space<hbm>>) target_semaphore(%arg28 : memref<!tpu.dma_semaphore, #tpu.memory_space<semaphore_mem>>)
    } else {
    }
    %convert_element_type3A_166 = arith.extui %lt3A_141 : i1 to i32
    %cond3A_167 = arith.constant 0 : i32
    %cond3A_168 = arith.cmpi ne, %convert_element_type3A_166, %cond3A_167 : i32
    scf.if %cond3A_168 {
      %dma_wait3A = arith.constant 0 : i32
      %dma_wait3A_181 = arith.constant 0 : i32
      %dma_wait3A_182 = tpu.memref_slice %arg20[%dma_wait3A, %dma_wait3A_181] : memref<128x128xf32, #tpu.memory_space<vmem>> -> memref<80x128xf32, #tpu.memory_space<vmem>>
      %dma_wait3A_183 = arith.constant 0 : i32
      %dma_wait3A_184 = tpu.memref_slice %arg11[%mul3A_145, %dma_wait3A_183] : memref<20000x128xf32, #tpu.memory_space<hbm>> -> memref<80x128xf32, #tpu.memory_space<hbm>>
      %dma_wait3A_185 = arith.constant 0 : i32
      %dma_wait3A_186 = tpu.memref_slice %arg11[%mul3A_145, %dma_wait3A_185] : memref<20000x128xf32, #tpu.memory_space<hbm>> -> memref<80x128xf32, #tpu.memory_space<hbm>>
      %dma_wait3A_187 = arith.constant 0 : i32
      %dma_wait3A_188 = arith.constant 0 : i32
      %dma_wait3A_189 = tpu.memref_slice %arg20[%dma_wait3A_187, %dma_wait3A_188] : memref<128x128xf32, #tpu.memory_space<vmem>> -> memref<80x128xf32, #tpu.memory_space<vmem>>
      tpu.wait_dma2 semaphore(%arg27 : memref<!tpu.dma_semaphore, #tpu.memory_space<semaphore_mem>>) src(%dma_wait3A_189 : memref<80x128xf32, #tpu.memory_space<vmem>>) dst(%dma_wait3A_186 : memref<80x128xf32, #tpu.memory_space<hbm>>)
    } else {
    }
    %convert_element_type3A_169 = arith.extui %lt3A_143 : i1 to i32
    %cond3A_170 = arith.constant 0 : i32
    %cond3A_171 = arith.cmpi ne, %convert_element_type3A_169, %cond3A_170 : i32
    scf.if %cond3A_171 {
      %dma_wait3A = arith.constant 0 : i32
      %dma_wait3A_181 = arith.constant 0 : i32
      %dma_wait3A_182 = tpu.memref_slice %arg21[%dma_wait3A, %dma_wait3A_181] : memref<128x128xf32, #tpu.memory_space<vmem>> -> memref<80x128xf32, #tpu.memory_space<vmem>>
      %dma_wait3A_183 = arith.constant 0 : i32
      %dma_wait3A_184 = tpu.memref_slice %arg11[%mul3A_147, %dma_wait3A_183] : memref<20000x128xf32, #tpu.memory_space<hbm>> -> memref<80x128xf32, #tpu.memory_space<hbm>>
      %dma_wait3A_185 = arith.constant 0 : i32
      %dma_wait3A_186 = tpu.memref_slice %arg11[%mul3A_147, %dma_wait3A_185] : memref<20000x128xf32, #tpu.memory_space<hbm>> -> memref<80x128xf32, #tpu.memory_space<hbm>>
      %dma_wait3A_187 = arith.constant 0 : i32
      %dma_wait3A_188 = arith.constant 0 : i32
      %dma_wait3A_189 = tpu.memref_slice %arg21[%dma_wait3A_187, %dma_wait3A_188] : memref<128x128xf32, #tpu.memory_space<vmem>> -> memref<80x128xf32, #tpu.memory_space<vmem>>
      tpu.wait_dma2 semaphore(%arg28 : memref<!tpu.dma_semaphore, #tpu.memory_space<semaphore_mem>>) src(%dma_wait3A_189 : memref<80x128xf32, #tpu.memory_space<vmem>>) dst(%dma_wait3A_186 : memref<80x128xf32, #tpu.memory_space<hbm>>)
    } else {
    }
    "tpu.region"() ({
      %run_scoped3A = tpu.sem_alloc : memref<!tpu.dma_semaphore, #tpu.memory_space<semaphore_mem>>
      %dma_start3A = arith.constant 0 : i32
      %dma_start3A_181 = arith.constant 0 : i32
      %dma_start3A_182 = tpu.memref_slice %arg26[%dma_start3A, %dma_start3A_181] : memref<80x128xf32, #tpu.memory_space<vmem_shared>> -> memref<80x128xf32, #tpu.memory_space<vmem_shared>>
      tpu.enqueue_indirect_dma source(%arg22 : memref<80x128xf32, #tpu.memory_space<vmem>>) target(%dma_start3A_182 : memref<80x128xf32, #tpu.memory_space<vmem_shared>>) offsets(%arg23 : memref<80xi32, #tpu.memory_space<vmem>>) semaphore(%run_scoped3A : memref<!tpu.dma_semaphore, #tpu.memory_space<semaphore_mem>>) {add = true}
      %dma_wait3A = arith.constant 0 : i32
      %dma_wait3A_183 = arith.constant 0 : i32
      %dma_wait3A_184 = tpu.memref_slice %arg26[%dma_wait3A, %dma_wait3A_183] : memref<80x128xf32, #tpu.memory_space<vmem_shared>> -> memref<80x128xf32, #tpu.memory_space<vmem_shared>>
      tpu.wait_indirect_dma semaphore(%run_scoped3A : memref<!tpu.dma_semaphore, #tpu.memory_space<semaphore_mem>>) src(%arg22 : memref<80x128xf32, #tpu.memory_space<vmem>>) dst(%dma_wait3A_184 : memref<80x128xf32, #tpu.memory_space<vmem_shared>>)
      tpu.yield
    }) : () -> ()
    %barrier3A_172 = arith.constant 0 : index
    tpu.barrier barrier_id(%barrier3A_172)
    %mul3A_173 = arith.constant 10240 : i32
    %mul3A_174 = arith.muli %arg0, %mul3A_173 : i32
    %add3A_175 = arith.addi %mul3A_174, %mul3A_2 : i32
    "tpu.region"() ({
      %run_scoped3A = tpu.sem_alloc : memref<!tpu.dma_semaphore, #tpu.memory_space<semaphore_mem>>
      %dma_start3A = arith.constant 0 : i32
      %dma_start3A_181 = tpu.memref_slice %arg9[%add3A_175, %dma_start3A] : memref<20480x128xf32, #tpu.memory_space<hbm>> -> memref<640x128xf32, #tpu.memory_space<hbm>>
      %dma_start3A_182 = arith.constant 0 : i32
      %dma_start3A_183 = tpu.memref_slice %arg25[%mul3A_2, %dma_start3A_182] : memref<10248x128xf32, #tpu.memory_space<vmem_shared>> -> memref<640x128xf32, #tpu.memory_space<vmem_shared>>
      tpu.enqueue_dma source(%dma_start3A_183 : memref<640x128xf32, #tpu.memory_space<vmem_shared>>) target(%dma_start3A_181 : memref<640x128xf32, #tpu.memory_space<hbm>>) target_semaphore(%run_scoped3A : memref<!tpu.dma_semaphore, #tpu.memory_space<semaphore_mem>>)
      %dma_wait3A = arith.constant 0 : i32
      %dma_wait3A_184 = tpu.memref_slice %arg9[%add3A_175, %dma_wait3A] : memref<20480x128xf32, #tpu.memory_space<hbm>> -> memref<640x128xf32, #tpu.memory_space<hbm>>
      %dma_wait3A_185 = arith.constant 0 : i32
      %dma_wait3A_186 = tpu.memref_slice %arg25[%mul3A_2, %dma_wait3A_185] : memref<10248x128xf32, #tpu.memory_space<vmem_shared>> -> memref<640x128xf32, #tpu.memory_space<vmem_shared>>
      tpu.wait_dma2 semaphore(%run_scoped3A : memref<!tpu.dma_semaphore, #tpu.memory_space<semaphore_mem>>) src(%dma_wait3A_186 : memref<640x128xf32, #tpu.memory_space<vmem_shared>>) dst(%dma_wait3A_184 : memref<640x128xf32, #tpu.memory_space<hbm>>)
      tpu.yield
    }) : () -> ()
    %lt3A_176 = arith.constant 10 : i32
    %lt3A_177 = arith.cmpi slt, %arg1, %lt3A_176 : i32
    %convert_element_type3A_178 = arith.extui %lt3A_177 : i1 to i32
    %cond3A_179 = arith.constant 0 : i32
    %cond3A_180 = arith.cmpi ne, %convert_element_type3A_178, %cond3A_179 : i32
    scf.if %cond3A_180 {
      %mul3A_181 = arith.constant 8 : i32
      %mul3A_182 = arith.muli %arg1, %mul3A_181 : i32
      %mul3A_183 = arith.constant 80 : i32
      %mul3A_184 = arith.muli %arg0, %mul3A_183 : i32
      %mul3A_185 = arith.constant 8 : i32
      %mul3A_186 = arith.muli %arg1, %mul3A_185 : i32
      %add3A_187 = arith.addi %mul3A_184, %mul3A_186 : i32
      "tpu.region"() ({
        %run_scoped3A = tpu.sem_alloc : memref<!tpu.dma_semaphore, #tpu.memory_space<semaphore_mem>>
        %dma_start3A = arith.constant 0 : i32
        %dma_start3A_188 = tpu.memref_slice %arg10[%add3A_187, %dma_start3A] : memref<160x128xf32, #tpu.memory_space<hbm>> -> memref<8x128xf32, #tpu.memory_space<hbm>>
        %dma_start3A_189 = arith.constant 0 : i32
        %dma_start3A_190 = tpu.memref_slice %arg26[%mul3A_182, %dma_start3A_189] : memref<80x128xf32, #tpu.memory_space<vmem_shared>> -> memref<8x128xf32, #tpu.memory_space<vmem_shared>>
        tpu.enqueue_dma source(%dma_start3A_190 : memref<8x128xf32, #tpu.memory_space<vmem_shared>>) target(%dma_start3A_188 : memref<8x128xf32, #tpu.memory_space<hbm>>) target_semaphore(%run_scoped3A : memref<!tpu.dma_semaphore, #tpu.memory_space<semaphore_mem>>)
        %dma_wait3A = arith.constant 0 : i32
        %dma_wait3A_191 = tpu.memref_slice %arg10[%add3A_187, %dma_wait3A] : memref<160x128xf32, #tpu.memory_space<hbm>> -> memref<8x128xf32, #tpu.memory_space<hbm>>
        %dma_wait3A_192 = arith.constant 0 : i32
        %dma_wait3A_193 = tpu.memref_slice %arg26[%mul3A_182, %dma_wait3A_192] : memref<80x128xf32, #tpu.memory_space<vmem_shared>> -> memref<8x128xf32, #tpu.memory_space<vmem_shared>>
        tpu.wait_dma2 semaphore(%run_scoped3A : memref<!tpu.dma_semaphore, #tpu.memory_space<semaphore_mem>>) src(%dma_wait3A_193 : memref<8x128xf32, #tpu.memory_space<vmem_shared>>) dst(%dma_wait3A_191 : memref<8x128xf32, #tpu.memory_space<hbm>>)
        tpu.yield
      }) : () -> ()
    } else {
    }
    return
  }
}

#map = affine_map<(d0, d1) -> (0)>
#map1 = affine_map<(d0, d1) -> (0, 0)>
module attributes {stable_mosaic.version = 14 : i64} {
  func.func @_sc_layer1_body(%arg0: i32, %arg1: i32, %arg2: memref<65536xi32, #tpu.memory_space<hbm>>, %arg3: memref<65536xi32, #tpu.memory_space<hbm>>, %arg4: memref<20000x128xf32, #tpu.memory_space<hbm>>, %arg5: memref<2048x128xf32, #tpu.memory_space<hbm>>, %arg6: memref<16x128xf32, #tpu.memory_space<hbm>>, %arg7: memref<528xi32, #tpu.memory_space<hbm>>, %arg8: memref<4096x128xf32, #tpu.memory_space<hbm>>, %arg9: memref<32x128xf32, #tpu.memory_space<hbm>>, %arg10: memref<128xi32, #tpu.memory_space<vmem>>, %arg11: memref<128xi32, #tpu.memory_space<vmem>>, %arg12: memref<128xi32, #tpu.memory_space<vmem>>, %arg13: memref<128xi32, #tpu.memory_space<vmem>>, %arg14: memref<128xi32, #tpu.memory_space<vmem>>, %arg15: memref<128xi32, #tpu.memory_space<vmem>>, %arg16: memref<128xi32, #tpu.memory_space<vmem>>, %arg17: memref<128xi32, #tpu.memory_space<vmem>>, %arg18: memref<128xi32, #tpu.memory_space<vmem>>, %arg19: memref<128xi32, #tpu.memory_space<vmem>>, %arg20: memref<128xi32, #tpu.memory_space<vmem>>, %arg21: memref<128xi32, #tpu.memory_space<vmem>>, %arg22: memref<128x128xf32, #tpu.memory_space<vmem>>, %arg23: memref<128x128xf32, #tpu.memory_space<vmem>>, %arg24: memref<128x128xf32, #tpu.memory_space<vmem>>, %arg25: memref<128x128xf32, #tpu.memory_space<vmem>>, %arg26: memref<16x128xf32, #tpu.memory_space<vmem>>, %arg27: memref<16xi32, #tpu.memory_space<vmem>>, %arg28: memref<528xi32, #tpu.memory_space<vmem>>, %arg29: memref<2056x128xf32, #tpu.memory_space<vmem_shared>>, %arg30: memref<16x128xf32, #tpu.memory_space<vmem_shared>>, %arg31: memref<!tpu.dma_semaphore, #tpu.memory_space<semaphore_mem>>, %arg32: memref<!tpu.dma_semaphore, #tpu.memory_space<semaphore_mem>>, %arg33: memref<!tpu.dma_semaphore, #tpu.memory_space<semaphore_mem>>, %arg34: memref<!tpu.dma_semaphore, #tpu.memory_space<semaphore_mem>>) attributes {dimension_semantics = [#tpu.dimension_semantics<core_parallel>, #tpu.dimension_semantics<subcore_parallel>], iteration_bounds = array<i64: 2, 16>, scalar_prefetch = 0 : i64, scratch_operands = 25 : i64, tpu.core_type = #tpu.core_type<sc_vector_subcore>, window_params = [{transform_indices = #map}, {transform_indices = #map}, {transform_indices = #map1}, {transform_indices = #map1}, {transform_indices = #map1}, {transform_indices = #map}, {transform_indices = #map1}, {transform_indices = #map1}]} {
    %mul3A = arith.constant 2048 : i32
    %mul3A_0 = arith.muli %arg0, %mul3A : i32
    %mul3A_1 = arith.constant 128 : i32
    %mul3A_2 = arith.muli %arg1, %mul3A_1 : i32
    %iota3A = tpu.iota {dimensions = array<i32: 0>} : vector<16xi32>
    "tpu.region"() ({
      %run_scoped3A = tpu.sem_alloc : memref<!tpu.dma_semaphore, #tpu.memory_space<semaphore_mem>>
      %dma_start3A = arith.constant 0 : i32
      %dma_start3A_38 = tpu.memref_slice %arg29[%mul3A_2, %dma_start3A] : memref<2056x128xf32, #tpu.memory_space<vmem_shared>> -> memref<128x128xf32, #tpu.memory_space<vmem_shared>>
      %dma_start3A_39 = arith.constant 0 : i32
      %dma_start3A_40 = tpu.memref_slice %arg5[%mul3A_2, %dma_start3A_39] : memref<2048x128xf32, #tpu.memory_space<hbm>> -> memref<128x128xf32, #tpu.memory_space<hbm>>
      tpu.enqueue_dma source(%dma_start3A_40 : memref<128x128xf32, #tpu.memory_space<hbm>>) target(%dma_start3A_38 : memref<128x128xf32, #tpu.memory_space<vmem_shared>>) target_semaphore(%run_scoped3A : memref<!tpu.dma_semaphore, #tpu.memory_space<semaphore_mem>>)
      %dma_wait3A = arith.constant 0 : i32
      %dma_wait3A_41 = tpu.memref_slice %arg29[%mul3A_2, %dma_wait3A] : memref<2056x128xf32, #tpu.memory_space<vmem_shared>> -> memref<128x128xf32, #tpu.memory_space<vmem_shared>>
      %dma_wait3A_42 = arith.constant 0 : i32
      %dma_wait3A_43 = tpu.memref_slice %arg5[%mul3A_2, %dma_wait3A_42] : memref<2048x128xf32, #tpu.memory_space<hbm>> -> memref<128x128xf32, #tpu.memory_space<hbm>>
      tpu.wait_dma2 semaphore(%run_scoped3A : memref<!tpu.dma_semaphore, #tpu.memory_space<semaphore_mem>>) src(%dma_wait3A_43 : memref<128x128xf32, #tpu.memory_space<hbm>>) dst(%dma_wait3A_41 : memref<128x128xf32, #tpu.memory_space<vmem_shared>>)
      tpu.yield
    }) : () -> ()
    %eq3A = arith.constant 0 : i32
    %eq3A_3 = arith.cmpi eq, %arg1, %eq3A : i32
    %convert_element_type3A = arith.extui %eq3A_3 : i1 to i32
    %cond3A = arith.constant 0 : i32
    %cond3A_4 = arith.cmpi ne, %convert_element_type3A, %cond3A : i32
    scf.if %cond3A_4 {
      "tpu.region"() ({
        %run_scoped3A = tpu.sem_alloc : memref<!tpu.dma_semaphore, #tpu.memory_space<semaphore_mem>>
        tpu.enqueue_dma source(%arg6 : memref<16x128xf32, #tpu.memory_space<hbm>>) target(%arg30 : memref<16x128xf32, #tpu.memory_space<vmem_shared>>) target_semaphore(%run_scoped3A : memref<!tpu.dma_semaphore, #tpu.memory_space<semaphore_mem>>)
        tpu.wait_dma2 semaphore(%run_scoped3A : memref<!tpu.dma_semaphore, #tpu.memory_space<semaphore_mem>>) src(%arg6 : memref<16x128xf32, #tpu.memory_space<hbm>>) dst(%arg30 : memref<16x128xf32, #tpu.memory_space<vmem_shared>>)
        tpu.yield
      }) : () -> ()
    } else {
    }
    %scan3A = arith.constant 0 : i32
    %scan3A_5 = arith.constant 0 : i32
    %scan3A_6 = arith.constant 128 : i32
    %scan3A_7 = arith.addi %scan3A_5, %scan3A_6 : i32
    %scan3A_8 = arith.constant 1 : i32
    scf.for %scan3A_38 = %scan3A_5 to %scan3A_7 step %scan3A_8  : i32 {
      %broadcast_in_dim3A = arith.constant 0.000000e+00 : f32
      %broadcast_in_dim3A_39 = vector.broadcast %broadcast_in_dim3A : f32 to vector<16xf32>
      %shift_right_arithmetic3A = arith.constant 3 : i32
      %shift_right_arithmetic3A_40 = arith.shrsi %scan3A_38, %shift_right_arithmetic3A : i32
      %and3A = arith.constant 7 : i32
      %and3A_41 = arith.andi %scan3A_38, %and3A : i32
      %mul3A_42 = arith.constant 16 : i32
      %mul3A_43 = arith.muli %and3A_41, %mul3A_42 : i32
      %swap3A_44 = arith.index_cast %shift_right_arithmetic3A_40 : i32 to index
      %swap3A_45 = arith.index_cast %mul3A_43 : i32 to index
      %swap3A_46 = tpu.vector_load %arg26[%swap3A_44, %swap3A_45] {strides = array<i32>} : memref<16x128xf32, #tpu.memory_space<vmem>>, vector<16xf32>,
      tpu.vector_store %arg26[%swap3A_44, %swap3A_45], %broadcast_in_dim3A_39 {strides = array<i32>} : memref<16x128xf32, #tpu.memory_space<vmem>>, vector<16xf32>,
    }
    %scan3A_9 = arith.constant 128 : i32
    %scan3A_10 = arith.constant 0 : i32
    %scan3A_11 = arith.constant 0 : i32
    %mul3A_12 = arith.constant 16 : i32
    %mul3A_13 = arith.muli %scan3A_11, %mul3A_12 : i32
    %add3A = vector.broadcast %mul3A_13 : i32 to vector<16xi32>
    %add3A_14 = arith.addi %iota3A, %add3A : vector<16xi32>
    %mul3A_15 = arith.constant 16 : i32
    %mul3A_16 = arith.muli %scan3A_11, %mul3A_15 : i32
    %swap3A = arith.index_cast %mul3A_16 : i32 to index
    %swap3A_17 = tpu.vector_load %arg27[%swap3A] {strides = array<i32>} : memref<16xi32, #tpu.memory_space<vmem>>, vector<16xi32>,
    tpu.vector_store %arg27[%swap3A], %add3A_14 {strides = array<i32>} : memref<16xi32, #tpu.memory_space<vmem>>, vector<16xi32>,
    %scan3A_18 = arith.constant 1 : i32
    "tpu.region"() ({
      %run_scoped3A = tpu.sem_alloc : memref<!tpu.dma_semaphore, #tpu.memory_space<semaphore_mem>>
      tpu.enqueue_dma source(%arg7 : memref<528xi32, #tpu.memory_space<hbm>>) target(%arg28 : memref<528xi32, #tpu.memory_space<vmem>>) target_semaphore(%run_scoped3A : memref<!tpu.dma_semaphore, #tpu.memory_space<semaphore_mem>>)
      tpu.wait_dma2 semaphore(%run_scoped3A : memref<!tpu.dma_semaphore, #tpu.memory_space<semaphore_mem>>) src(%arg7 : memref<528xi32, #tpu.memory_space<hbm>>) dst(%arg28 : memref<528xi32, #tpu.memory_space<vmem>>)
      tpu.yield
    }) : () -> ()
    %mul3A_19 = arith.constant 0 : i32
    %mul3A_20 = vector.broadcast %mul3A_19 : i32 to vector<16xi32>
    %mul3A_21 = arith.muli %iota3A, %mul3A_20 : vector<16xi32>
    %add3A_22 = vector.broadcast %arg1 : i32 to vector<16xi32>
    %add3A_23 = arith.addi %mul3A_21, %add3A_22 : vector<16xi32>
    %barrier3A = arith.constant 0 : index
    tpu.barrier barrier_id(%barrier3A)
    %scan3A_24 = arith.constant 0 : i32
    %scan3A_25 = arith.constant 0 : i32
    %scan3A_26 = arith.constant 8 : i32
    %scan3A_27 = arith.addi %scan3A_25, %scan3A_26 : i32
    %scan3A_28 = arith.constant 1 : i32
    scf.for %scan3A_38 = %scan3A_25 to %scan3A_27 step %scan3A_28  : i32 {
      %mul3A_39 = arith.constant 4 : i32
      %mul3A_40 = arith.muli %mul3A_39, %scan3A_38 : i32
      %add3A_41 = arith.constant 0 : i32
      %add3A_42 = arith.addi %mul3A_40, %add3A_41 : i32
      %mul3A_43 = arith.constant 16 : i32
      %mul3A_44 = arith.muli %mul3A_43, %add3A_42 : i32
      %add3A_45 = arith.addi %arg1, %mul3A_44 : i32
      %mul3A_46 = arith.constant 4 : i32
      %mul3A_47 = arith.muli %mul3A_46, %scan3A_38 : i32
      %add3A_48 = arith.constant 1 : i32
      %add3A_49 = arith.addi %mul3A_47, %add3A_48 : i32
      %mul3A_50 = arith.constant 16 : i32
      %mul3A_51 = arith.muli %mul3A_50, %add3A_49 : i32
      %add3A_52 = arith.addi %arg1, %mul3A_51 : i32
      %mul3A_53 = arith.constant 4 : i32
      %mul3A_54 = arith.muli %mul3A_53, %scan3A_38 : i32
      %add3A_55 = arith.constant 2 : i32
      %add3A_56 = arith.addi %mul3A_54, %add3A_55 : i32
      %mul3A_57 = arith.constant 16 : i32
      %mul3A_58 = arith.muli %mul3A_57, %add3A_56 : i32
      %add3A_59 = arith.addi %arg1, %mul3A_58 : i32
      %mul3A_60 = arith.constant 4 : i32
      %mul3A_61 = arith.muli %mul3A_60, %scan3A_38 : i32
      %add3A_62 = arith.constant 3 : i32
      %add3A_63 = arith.addi %mul3A_61, %add3A_62 : i32
      %mul3A_64 = arith.constant 16 : i32
      %mul3A_65 = arith.muli %mul3A_64, %add3A_63 : i32
      %add3A_66 = arith.addi %arg1, %mul3A_65 : i32
      %mul3A_67 = arith.constant 128 : i32
      %mul3A_68 = arith.muli %add3A_45, %mul3A_67 : i32
      %mul3A_69 = arith.constant 128 : i32
      %mul3A_70 = arith.muli %add3A_52, %mul3A_69 : i32
      %mul3A_71 = arith.constant 128 : i32
      %mul3A_72 = arith.muli %add3A_59, %mul3A_71 : i32
      %mul3A_73 = arith.constant 128 : i32
      %mul3A_74 = arith.muli %add3A_66, %mul3A_73 : i32
      %mul3A_75 = arith.constant 4 : i32
      %mul3A_76 = arith.muli %mul3A_75, %scan3A_38 : i32
      %add3A_77 = arith.constant 0 : i32
      %add3A_78 = arith.addi %mul3A_76, %add3A_77 : i32
      %mul3A_79 = arith.constant 16 : i32
      %mul3A_80 = arith.muli %mul3A_79, %add3A_78 : i32
      %get3A = arith.index_cast %mul3A_80 : i32 to index
      %get3A_81 = tpu.vector_load %arg28[%get3A] {strides = array<i32>} : memref<528xi32, #tpu.memory_space<vmem>>, vector<16xi32>,
      %mul3A_82 = arith.constant 16 : i32
      %mul3A_83 = arith.muli %mul3A_82, %add3A_78 : i32
      %add3A_84 = arith.constant 1 : i32
      %add3A_85 = arith.addi %mul3A_83, %add3A_84 : i32
      %get3A_86 = arith.index_cast %add3A_85 : i32 to index
      %get3A_87 = tpu.vector_load %arg28[%get3A_86] {strides = array<i32>} : memref<528xi32, #tpu.memory_space<vmem>>, vector<16xi32>,
      %lt3A_88 = arith.constant 0 : i32
      %lt3A_89 = vector.broadcast %lt3A_88 : i32 to vector<16xi32>
      %lt3A_90 = arith.cmpi slt, %add3A_23, %lt3A_89 : vector<16xi32>
      %add3A_91 = arith.constant 16 : i32
      %add3A_92 = vector.broadcast %add3A_91 : i32 to vector<16xi32>
      %add3A_93 = arith.addi %add3A_23, %add3A_92 : vector<16xi32>
      %select_n3A = arith.select %lt3A_90, %add3A_93, %add3A_23 : vector<16xi1>, vector<16xi32>
      %broadcast_in_dim3A = vector.shape_cast %select_n3A : vector<16xi32> to vector<16x1xi32>
      %gather3A = vector.shape_cast %broadcast_in_dim3A : vector<16x1xi32> to vector<16xi32>
      %gather3A_94 = tpu.dynamic_gather %get3A_81[%gather3A] in [0] : vector<16xi32>, vector<16xi32> -> vector<16xi32>
      %slice3A = vector.extract_strided_slice %gather3A_94 {offsets = [0], sizes = [1], strides = [1]} : vector<16xi32> to vector<1xi32>
      %squeeze3A = vector.extract %slice3A[0] : i32 from vector<1xi32>
      %lt3A_95 = arith.constant 0 : i32
      %lt3A_96 = vector.broadcast %lt3A_95 : i32 to vector<16xi32>
      %lt3A_97 = arith.cmpi slt, %add3A_23, %lt3A_96 : vector<16xi32>
      %add3A_98 = arith.constant 16 : i32
      %add3A_99 = vector.broadcast %add3A_98 : i32 to vector<16xi32>
      %add3A_100 = arith.addi %add3A_23, %add3A_99 : vector<16xi32>
      %select_n3A_101 = arith.select %lt3A_97, %add3A_100, %add3A_23 : vector<16xi1>, vector<16xi32>
      %broadcast_in_dim3A_102 = vector.shape_cast %select_n3A_101 : vector<16xi32> to vector<16x1xi32>
      %gather3A_103 = vector.shape_cast %broadcast_in_dim3A_102 : vector<16x1xi32> to vector<16xi32>
      %gather3A_104 = tpu.dynamic_gather %get3A_87[%gather3A_103] in [0] : vector<16xi32>, vector<16xi32> -> vector<16xi32>
      %slice3A_105 = vector.extract_strided_slice %gather3A_104 {offsets = [0], sizes = [1], strides = [1]} : vector<16xi32> to vector<1xi32>
      %squeeze3A_106 = vector.extract %slice3A_105[0] : i32 from vector<1xi32>
      %ge3A = arith.cmpi sge, %squeeze3A_106, %mul3A_0 : i32
      %add3A_107 = arith.constant 2048 : i32
      %add3A_108 = arith.addi %mul3A_0, %add3A_107 : i32
      %lt3A_109 = arith.cmpi slt, %squeeze3A, %add3A_108 : i32
      %and3A = arith.andi %ge3A, %lt3A_109 : i1
      %mul3A_110 = arith.constant 4 : i32
      %mul3A_111 = arith.muli %mul3A_110, %scan3A_38 : i32
      %add3A_112 = arith.constant 1 : i32
      %add3A_113 = arith.addi %mul3A_111, %add3A_112 : i32
      %mul3A_114 = arith.constant 16 : i32
      %mul3A_115 = arith.muli %mul3A_114, %add3A_113 : i32
      %get3A_116 = arith.index_cast %mul3A_115 : i32 to index
      %get3A_117 = tpu.vector_load %arg28[%get3A_116] {strides = array<i32>} : memref<528xi32, #tpu.memory_space<vmem>>, vector<16xi32>,
      %mul3A_118 = arith.constant 16 : i32
      %mul3A_119 = arith.muli %mul3A_118, %add3A_113 : i32
      %add3A_120 = arith.constant 1 : i32
      %add3A_121 = arith.addi %mul3A_119, %add3A_120 : i32
      %get3A_122 = arith.index_cast %add3A_121 : i32 to index
      %get3A_123 = tpu.vector_load %arg28[%get3A_122] {strides = array<i32>} : memref<528xi32, #tpu.memory_space<vmem>>, vector<16xi32>,
      %lt3A_124 = arith.constant 0 : i32
      %lt3A_125 = vector.broadcast %lt3A_124 : i32 to vector<16xi32>
      %lt3A_126 = arith.cmpi slt, %add3A_23, %lt3A_125 : vector<16xi32>
      %add3A_127 = arith.constant 16 : i32
      %add3A_128 = vector.broadcast %add3A_127 : i32 to vector<16xi32>
      %add3A_129 = arith.addi %add3A_23, %add3A_128 : vector<16xi32>
      %select_n3A_130 = arith.select %lt3A_126, %add3A_129, %add3A_23 : vector<16xi1>, vector<16xi32>
      %broadcast_in_dim3A_131 = vector.shape_cast %select_n3A_130 : vector<16xi32> to vector<16x1xi32>
      %gather3A_132 = vector.shape_cast %broadcast_in_dim3A_131 : vector<16x1xi32> to vector<16xi32>
      %gather3A_133 = tpu.dynamic_gather %get3A_117[%gather3A_132] in [0] : vector<16xi32>, vector<16xi32> -> vector<16xi32>
      %slice3A_134 = vector.extract_strided_slice %gather3A_133 {offsets = [0], sizes = [1], strides = [1]} : vector<16xi32> to vector<1xi32>
      %squeeze3A_135 = vector.extract %slice3A_134[0] : i32 from vector<1xi32>
      %lt3A_136 = arith.constant 0 : i32
      %lt3A_137 = vector.broadcast %lt3A_136 : i32 to vector<16xi32>
      %lt3A_138 = arith.cmpi slt, %add3A_23, %lt3A_137 : vector<16xi32>
      %add3A_139 = arith.constant 16 : i32
      %add3A_140 = vector.broadcast %add3A_139 : i32 to vector<16xi32>
      %add3A_141 = arith.addi %add3A_23, %add3A_140 : vector<16xi32>
      %select_n3A_142 = arith.select %lt3A_138, %add3A_141, %add3A_23 : vector<16xi1>, vector<16xi32>
      %broadcast_in_dim3A_143 = vector.shape_cast %select_n3A_142 : vector<16xi32> to vector<16x1xi32>
      %gather3A_144 = vector.shape_cast %broadcast_in_dim3A_143 : vector<16x1xi32> to vector<16xi32>
      %gather3A_145 = tpu.dynamic_gather %get3A_123[%gather3A_144] in [0] : vector<16xi32>, vector<16xi32> -> vector<16xi32>
      %slice3A_146 = vector.extract_strided_slice %gather3A_145 {offsets = [0], sizes = [1], strides = [1]} : vector<16xi32> to vector<1xi32>
      %squeeze3A_147 = vector.extract %slice3A_146[0] : i32 from vector<1xi32>
      %ge3A_148 = arith.cmpi sge, %squeeze3A_147, %mul3A_0 : i32
      %add3A_149 = arith.constant 2048 : i32
      %add3A_150 = arith.addi %mul3A_0, %add3A_149 : i32
      %lt3A_151 = arith.cmpi slt, %squeeze3A_135, %add3A_150 : i32
      %and3A_152 = arith.andi %ge3A_148, %lt3A_151 : i1
      %mul3A_153 = arith.constant 4 : i32
      %mul3A_154 = arith.muli %mul3A_153, %scan3A_38 : i32
      %add3A_155 = arith.constant 2 : i32
      %add3A_156 = arith.addi %mul3A_154, %add3A_155 : i32
      %mul3A_157 = arith.constant 16 : i32
      %mul3A_158 = arith.muli %mul3A_157, %add3A_156 : i32
      %get3A_159 = arith.index_cast %mul3A_158 : i32 to index
      %get3A_160 = tpu.vector_load %arg28[%get3A_159] {strides = array<i32>} : memref<528xi32, #tpu.memory_space<vmem>>, vector<16xi32>,
      %mul3A_161 = arith.constant 16 : i32
      %mul3A_162 = arith.muli %mul3A_161, %add3A_156 : i32
      %add3A_163 = arith.constant 1 : i32
      %add3A_164 = arith.addi %mul3A_162, %add3A_163 : i32
      %get3A_165 = arith.index_cast %add3A_164 : i32 to index
      %get3A_166 = tpu.vector_load %arg28[%get3A_165] {strides = array<i32>} : memref<528xi32, #tpu.memory_space<vmem>>, vector<16xi32>,
      %lt3A_167 = arith.constant 0 : i32
      %lt3A_168 = vector.broadcast %lt3A_167 : i32 to vector<16xi32>
      %lt3A_169 = arith.cmpi slt, %add3A_23, %lt3A_168 : vector<16xi32>
      %add3A_170 = arith.constant 16 : i32
      %add3A_171 = vector.broadcast %add3A_170 : i32 to vector<16xi32>
      %add3A_172 = arith.addi %add3A_23, %add3A_171 : vector<16xi32>
      %select_n3A_173 = arith.select %lt3A_169, %add3A_172, %add3A_23 : vector<16xi1>, vector<16xi32>
      %broadcast_in_dim3A_174 = vector.shape_cast %select_n3A_173 : vector<16xi32> to vector<16x1xi32>
      %gather3A_175 = vector.shape_cast %broadcast_in_dim3A_174 : vector<16x1xi32> to vector<16xi32>
      %gather3A_176 = tpu.dynamic_gather %get3A_160[%gather3A_175] in [0] : vector<16xi32>, vector<16xi32> -> vector<16xi32>
      %slice3A_177 = vector.extract_strided_slice %gather3A_176 {offsets = [0], sizes = [1], strides = [1]} : vector<16xi32> to vector<1xi32>
      %squeeze3A_178 = vector.extract %slice3A_177[0] : i32 from vector<1xi32>
      %lt3A_179 = arith.constant 0 : i32
      %lt3A_180 = vector.broadcast %lt3A_179 : i32 to vector<16xi32>
      %lt3A_181 = arith.cmpi slt, %add3A_23, %lt3A_180 : vector<16xi32>
      %add3A_182 = arith.constant 16 : i32
      %add3A_183 = vector.broadcast %add3A_182 : i32 to vector<16xi32>
      %add3A_184 = arith.addi %add3A_23, %add3A_183 : vector<16xi32>
      %select_n3A_185 = arith.select %lt3A_181, %add3A_184, %add3A_23 : vector<16xi1>, vector<16xi32>
      %broadcast_in_dim3A_186 = vector.shape_cast %select_n3A_185 : vector<16xi32> to vector<16x1xi32>
      %gather3A_187 = vector.shape_cast %broadcast_in_dim3A_186 : vector<16x1xi32> to vector<16xi32>
      %gather3A_188 = tpu.dynamic_gather %get3A_166[%gather3A_187] in [0] : vector<16xi32>, vector<16xi32> -> vector<16xi32>
      %slice3A_189 = vector.extract_strided_slice %gather3A_188 {offsets = [0], sizes = [1], strides = [1]} : vector<16xi32> to vector<1xi32>
      %squeeze3A_190 = vector.extract %slice3A_189[0] : i32 from vector<1xi32>
      %ge3A_191 = arith.cmpi sge, %squeeze3A_190, %mul3A_0 : i32
      %add3A_192 = arith.constant 2048 : i32
      %add3A_193 = arith.addi %mul3A_0, %add3A_192 : i32
      %lt3A_194 = arith.cmpi slt, %squeeze3A_178, %add3A_193 : i32
      %and3A_195 = arith.andi %ge3A_191, %lt3A_194 : i1
      %mul3A_196 = arith.constant 4 : i32
      %mul3A_197 = arith.muli %mul3A_196, %scan3A_38 : i32
      %add3A_198 = arith.constant 3 : i32
      %add3A_199 = arith.addi %mul3A_197, %add3A_198 : i32
      %mul3A_200 = arith.constant 16 : i32
      %mul3A_201 = arith.muli %mul3A_200, %add3A_199 : i32
      %get3A_202 = arith.index_cast %mul3A_201 : i32 to index
      %get3A_203 = tpu.vector_load %arg28[%get3A_202] {strides = array<i32>} : memref<528xi32, #tpu.memory_space<vmem>>, vector<16xi32>,
      %mul3A_204 = arith.constant 16 : i32
      %mul3A_205 = arith.muli %mul3A_204, %add3A_199 : i32
      %add3A_206 = arith.constant 1 : i32
      %add3A_207 = arith.addi %mul3A_205, %add3A_206 : i32
      %get3A_208 = arith.index_cast %add3A_207 : i32 to index
      %get3A_209 = tpu.vector_load %arg28[%get3A_208] {strides = array<i32>} : memref<528xi32, #tpu.memory_space<vmem>>, vector<16xi32>,
      %lt3A_210 = arith.constant 0 : i32
      %lt3A_211 = vector.broadcast %lt3A_210 : i32 to vector<16xi32>
      %lt3A_212 = arith.cmpi slt, %add3A_23, %lt3A_211 : vector<16xi32>
      %add3A_213 = arith.constant 16 : i32
      %add3A_214 = vector.broadcast %add3A_213 : i32 to vector<16xi32>
      %add3A_215 = arith.addi %add3A_23, %add3A_214 : vector<16xi32>
      %select_n3A_216 = arith.select %lt3A_212, %add3A_215, %add3A_23 : vector<16xi1>, vector<16xi32>
      %broadcast_in_dim3A_217 = vector.shape_cast %select_n3A_216 : vector<16xi32> to vector<16x1xi32>
      %gather3A_218 = vector.shape_cast %broadcast_in_dim3A_217 : vector<16x1xi32> to vector<16xi32>
      %gather3A_219 = tpu.dynamic_gather %get3A_203[%gather3A_218] in [0] : vector<16xi32>, vector<16xi32> -> vector<16xi32>
      %slice3A_220 = vector.extract_strided_slice %gather3A_219 {offsets = [0], sizes = [1], strides = [1]} : vector<16xi32> to vector<1xi32>
      %squeeze3A_221 = vector.extract %slice3A_220[0] : i32 from vector<1xi32>
      %lt3A_222 = arith.constant 0 : i32
      %lt3A_223 = vector.broadcast %lt3A_222 : i32 to vector<16xi32>
      %lt3A_224 = arith.cmpi slt, %add3A_23, %lt3A_223 : vector<16xi32>
      %add3A_225 = arith.constant 16 : i32
      %add3A_226 = vector.broadcast %add3A_225 : i32 to vector<16xi32>
      %add3A_227 = arith.addi %add3A_23, %add3A_226 : vector<16xi32>
      %select_n3A_228 = arith.select %lt3A_224, %add3A_227, %add3A_23 : vector<16xi1>, vector<16xi32>
      %broadcast_in_dim3A_229 = vector.shape_cast %select_n3A_228 : vector<16xi32> to vector<16x1xi32>
      %gather3A_230 = vector.shape_cast %broadcast_in_dim3A_229 : vector<16x1xi32> to vector<16xi32>
      %gather3A_231 = tpu.dynamic_gather %get3A_209[%gather3A_230] in [0] : vector<16xi32>, vector<16xi32> -> vector<16xi32>
      %slice3A_232 = vector.extract_strided_slice %gather3A_231 {offsets = [0], sizes = [1], strides = [1]} : vector<16xi32> to vector<1xi32>
      %squeeze3A_233 = vector.extract %slice3A_232[0] : i32 from vector<1xi32>
      %ge3A_234 = arith.cmpi sge, %squeeze3A_233, %mul3A_0 : i32
      %add3A_235 = arith.constant 2048 : i32
      %add3A_236 = arith.addi %mul3A_0, %add3A_235 : i32
      %lt3A_237 = arith.cmpi slt, %squeeze3A_221, %add3A_236 : i32
      %and3A_238 = arith.andi %ge3A_234, %lt3A_237 : i1
      %convert_element_type3A_239 = arith.extui %and3A : i1 to i32
      %cond3A_240 = arith.constant 0 : i32
      %cond3A_241 = arith.cmpi ne, %convert_element_type3A_239, %cond3A_240 : i32
      scf.if %cond3A_241 {
        %dma_start3A = tpu.memref_slice %arg3[%mul3A_68] : memref<65536xi32, #tpu.memory_space<hbm>> -> memref<128xi32, #tpu.memory_space<hbm>>
        %dma_start3A_335 = tpu.memref_slice %arg3[%mul3A_68] : memref<65536xi32, #tpu.memory_space<hbm>> -> memref<128xi32, #tpu.memory_space<hbm>>
        tpu.enqueue_dma source(%dma_start3A_335 : memref<128xi32, #tpu.memory_space<hbm>>) target(%arg14 : memref<128xi32, #tpu.memory_space<vmem>>) target_semaphore(%arg31 : memref<!tpu.dma_semaphore, #tpu.memory_space<semaphore_mem>>)
      } else {
      }
      %convert_element_type3A_242 = arith.extui %and3A_152 : i1 to i32
      %cond3A_243 = arith.constant 0 : i32
      %cond3A_244 = arith.cmpi ne, %convert_element_type3A_242, %cond3A_243 : i32
      scf.if %cond3A_244 {
        %dma_start3A = tpu.memref_slice %arg3[%mul3A_70] : memref<65536xi32, #tpu.memory_space<hbm>> -> memref<128xi32, #tpu.memory_space<hbm>>
        %dma_start3A_335 = tpu.memref_slice %arg3[%mul3A_70] : memref<65536xi32, #tpu.memory_space<hbm>> -> memref<128xi32, #tpu.memory_space<hbm>>
        tpu.enqueue_dma source(%dma_start3A_335 : memref<128xi32, #tpu.memory_space<hbm>>) target(%arg15 : memref<128xi32, #tpu.memory_space<vmem>>) target_semaphore(%arg32 : memref<!tpu.dma_semaphore, #tpu.memory_space<semaphore_mem>>)
      } else {
      }
      %convert_element_type3A_245 = arith.extui %and3A_195 : i1 to i32
      %cond3A_246 = arith.constant 0 : i32
      %cond3A_247 = arith.cmpi ne, %convert_element_type3A_245, %cond3A_246 : i32
      scf.if %cond3A_247 {
        %dma_start3A = tpu.memref_slice %arg3[%mul3A_72] : memref<65536xi32, #tpu.memory_space<hbm>> -> memref<128xi32, #tpu.memory_space<hbm>>
        %dma_start3A_335 = tpu.memref_slice %arg3[%mul3A_72] : memref<65536xi32, #tpu.memory_space<hbm>> -> memref<128xi32, #tpu.memory_space<hbm>>
        tpu.enqueue_dma source(%dma_start3A_335 : memref<128xi32, #tpu.memory_space<hbm>>) target(%arg16 : memref<128xi32, #tpu.memory_space<vmem>>) target_semaphore(%arg33 : memref<!tpu.dma_semaphore, #tpu.memory_space<semaphore_mem>>)
      } else {
      }
      %convert_element_type3A_248 = arith.extui %and3A_238 : i1 to i32
      %cond3A_249 = arith.constant 0 : i32
      %cond3A_250 = arith.cmpi ne, %convert_element_type3A_248, %cond3A_249 : i32
      scf.if %cond3A_250 {
        %dma_start3A = tpu.memref_slice %arg3[%mul3A_74] : memref<65536xi32, #tpu.memory_space<hbm>> -> memref<128xi32, #tpu.memory_space<hbm>>
        %dma_start3A_335 = tpu.memref_slice %arg3[%mul3A_74] : memref<65536xi32, #tpu.memory_space<hbm>> -> memref<128xi32, #tpu.memory_space<hbm>>
        tpu.enqueue_dma source(%dma_start3A_335 : memref<128xi32, #tpu.memory_space<hbm>>) target(%arg17 : memref<128xi32, #tpu.memory_space<vmem>>) target_semaphore(%arg34 : memref<!tpu.dma_semaphore, #tpu.memory_space<semaphore_mem>>)
      } else {
      }
      %convert_element_type3A_251 = arith.extui %and3A : i1 to i32
      %cond3A_252 = arith.constant 0 : i32
      %cond3A_253 = arith.cmpi ne, %convert_element_type3A_251, %cond3A_252 : i32
      scf.if %cond3A_253 {
        %dma_wait3A = tpu.memref_slice %arg3[%mul3A_68] : memref<65536xi32, #tpu.memory_space<hbm>> -> memref<128xi32, #tpu.memory_space<hbm>>
        %dma_wait3A_335 = tpu.memref_slice %arg3[%mul3A_68] : memref<65536xi32, #tpu.memory_space<hbm>> -> memref<128xi32, #tpu.memory_space<hbm>>
        tpu.wait_dma2 semaphore(%arg31 : memref<!tpu.dma_semaphore, #tpu.memory_space<semaphore_mem>>) src(%dma_wait3A_335 : memref<128xi32, #tpu.memory_space<hbm>>) dst(%arg14 : memref<128xi32, #tpu.memory_space<vmem>>)
        %dma_start3A = tpu.memref_slice %arg2[%mul3A_68] : memref<65536xi32, #tpu.memory_space<hbm>> -> memref<128xi32, #tpu.memory_space<hbm>>
        %dma_start3A_336 = tpu.memref_slice %arg2[%mul3A_68] : memref<65536xi32, #tpu.memory_space<hbm>> -> memref<128xi32, #tpu.memory_space<hbm>>
        tpu.enqueue_dma source(%dma_start3A_336 : memref<128xi32, #tpu.memory_space<hbm>>) target(%arg10 : memref<128xi32, #tpu.memory_space<vmem>>) target_semaphore(%arg31 : memref<!tpu.dma_semaphore, #tpu.memory_space<semaphore_mem>>)
      } else {
      }
      %convert_element_type3A_254 = arith.extui %and3A_152 : i1 to i32
      %cond3A_255 = arith.constant 0 : i32
      %cond3A_256 = arith.cmpi ne, %convert_element_type3A_254, %cond3A_255 : i32
      scf.if %cond3A_256 {
        %dma_wait3A = tpu.memref_slice %arg3[%mul3A_70] : memref<65536xi32, #tpu.memory_space<hbm>> -> memref<128xi32, #tpu.memory_space<hbm>>
        %dma_wait3A_335 = tpu.memref_slice %arg3[%mul3A_70] : memref<65536xi32, #tpu.memory_space<hbm>> -> memref<128xi32, #tpu.memory_space<hbm>>
        tpu.wait_dma2 semaphore(%arg32 : memref<!tpu.dma_semaphore, #tpu.memory_space<semaphore_mem>>) src(%dma_wait3A_335 : memref<128xi32, #tpu.memory_space<hbm>>) dst(%arg15 : memref<128xi32, #tpu.memory_space<vmem>>)
        %dma_start3A = tpu.memref_slice %arg2[%mul3A_70] : memref<65536xi32, #tpu.memory_space<hbm>> -> memref<128xi32, #tpu.memory_space<hbm>>
        %dma_start3A_336 = tpu.memref_slice %arg2[%mul3A_70] : memref<65536xi32, #tpu.memory_space<hbm>> -> memref<128xi32, #tpu.memory_space<hbm>>
        tpu.enqueue_dma source(%dma_start3A_336 : memref<128xi32, #tpu.memory_space<hbm>>) target(%arg11 : memref<128xi32, #tpu.memory_space<vmem>>) target_semaphore(%arg32 : memref<!tpu.dma_semaphore, #tpu.memory_space<semaphore_mem>>)
      } else {
      }
      %convert_element_type3A_257 = arith.extui %and3A_195 : i1 to i32
      %cond3A_258 = arith.constant 0 : i32
      %cond3A_259 = arith.cmpi ne, %convert_element_type3A_257, %cond3A_258 : i32
      scf.if %cond3A_259 {
        %dma_wait3A = tpu.memref_slice %arg3[%mul3A_72] : memref<65536xi32, #tpu.memory_space<hbm>> -> memref<128xi32, #tpu.memory_space<hbm>>
        %dma_wait3A_335 = tpu.memref_slice %arg3[%mul3A_72] : memref<65536xi32, #tpu.memory_space<hbm>> -> memref<128xi32, #tpu.memory_space<hbm>>
        tpu.wait_dma2 semaphore(%arg33 : memref<!tpu.dma_semaphore, #tpu.memory_space<semaphore_mem>>) src(%dma_wait3A_335 : memref<128xi32, #tpu.memory_space<hbm>>) dst(%arg16 : memref<128xi32, #tpu.memory_space<vmem>>)
        %dma_start3A = tpu.memref_slice %arg2[%mul3A_72] : memref<65536xi32, #tpu.memory_space<hbm>> -> memref<128xi32, #tpu.memory_space<hbm>>
        %dma_start3A_336 = tpu.memref_slice %arg2[%mul3A_72] : memref<65536xi32, #tpu.memory_space<hbm>> -> memref<128xi32, #tpu.memory_space<hbm>>
        tpu.enqueue_dma source(%dma_start3A_336 : memref<128xi32, #tpu.memory_space<hbm>>) target(%arg12 : memref<128xi32, #tpu.memory_space<vmem>>) target_semaphore(%arg33 : memref<!tpu.dma_semaphore, #tpu.memory_space<semaphore_mem>>)
      } else {
      }
      %convert_element_type3A_260 = arith.extui %and3A_238 : i1 to i32
      %cond3A_261 = arith.constant 0 : i32
      %cond3A_262 = arith.cmpi ne, %convert_element_type3A_260, %cond3A_261 : i32
      scf.if %cond3A_262 {
        %dma_wait3A = tpu.memref_slice %arg3[%mul3A_74] : memref<65536xi32, #tpu.memory_space<hbm>> -> memref<128xi32, #tpu.memory_space<hbm>>
        %dma_wait3A_335 = tpu.memref_slice %arg3[%mul3A_74] : memref<65536xi32, #tpu.memory_space<hbm>> -> memref<128xi32, #tpu.memory_space<hbm>>
        tpu.wait_dma2 semaphore(%arg34 : memref<!tpu.dma_semaphore, #tpu.memory_space<semaphore_mem>>) src(%dma_wait3A_335 : memref<128xi32, #tpu.memory_space<hbm>>) dst(%arg17 : memref<128xi32, #tpu.memory_space<vmem>>)
        %dma_start3A = tpu.memref_slice %arg2[%mul3A_74] : memref<65536xi32, #tpu.memory_space<hbm>> -> memref<128xi32, #tpu.memory_space<hbm>>
        %dma_start3A_336 = tpu.memref_slice %arg2[%mul3A_74] : memref<65536xi32, #tpu.memory_space<hbm>> -> memref<128xi32, #tpu.memory_space<hbm>>
        tpu.enqueue_dma source(%dma_start3A_336 : memref<128xi32, #tpu.memory_space<hbm>>) target(%arg13 : memref<128xi32, #tpu.memory_space<vmem>>) target_semaphore(%arg34 : memref<!tpu.dma_semaphore, #tpu.memory_space<semaphore_mem>>)
      } else {
      }
      %convert_element_type3A_263 = arith.extui %and3A : i1 to i32
      %cond3A_264 = arith.constant 0 : i32
      %cond3A_265 = arith.cmpi ne, %convert_element_type3A_263, %cond3A_264 : i32
      scf.if %cond3A_265 {
        %dma_wait3A = tpu.memref_slice %arg2[%mul3A_68] : memref<65536xi32, #tpu.memory_space<hbm>> -> memref<128xi32, #tpu.memory_space<hbm>>
        %dma_wait3A_335 = tpu.memref_slice %arg2[%mul3A_68] : memref<65536xi32, #tpu.memory_space<hbm>> -> memref<128xi32, #tpu.memory_space<hbm>>
        tpu.wait_dma2 semaphore(%arg31 : memref<!tpu.dma_semaphore, #tpu.memory_space<semaphore_mem>>) src(%dma_wait3A_335 : memref<128xi32, #tpu.memory_space<hbm>>) dst(%arg10 : memref<128xi32, #tpu.memory_space<vmem>>)
      } else {
      }
      %convert_element_type3A_266 = arith.extui %and3A_152 : i1 to i32
      %cond3A_267 = arith.constant 0 : i32
      %cond3A_268 = arith.cmpi ne, %convert_element_type3A_266, %cond3A_267 : i32
      scf.if %cond3A_268 {
        %dma_wait3A = tpu.memref_slice %arg2[%mul3A_70] : memref<65536xi32, #tpu.memory_space<hbm>> -> memref<128xi32, #tpu.memory_space<hbm>>
        %dma_wait3A_335 = tpu.memref_slice %arg2[%mul3A_70] : memref<65536xi32, #tpu.memory_space<hbm>> -> memref<128xi32, #tpu.memory_space<hbm>>
        tpu.wait_dma2 semaphore(%arg32 : memref<!tpu.dma_semaphore, #tpu.memory_space<semaphore_mem>>) src(%dma_wait3A_335 : memref<128xi32, #tpu.memory_space<hbm>>) dst(%arg11 : memref<128xi32, #tpu.memory_space<vmem>>)
      } else {
      }
      %convert_element_type3A_269 = arith.extui %and3A_195 : i1 to i32
      %cond3A_270 = arith.constant 0 : i32
      %cond3A_271 = arith.cmpi ne, %convert_element_type3A_269, %cond3A_270 : i32
      scf.if %cond3A_271 {
        %dma_wait3A = tpu.memref_slice %arg2[%mul3A_72] : memref<65536xi32, #tpu.memory_space<hbm>> -> memref<128xi32, #tpu.memory_space<hbm>>
        %dma_wait3A_335 = tpu.memref_slice %arg2[%mul3A_72] : memref<65536xi32, #tpu.memory_space<hbm>> -> memref<128xi32, #tpu.memory_space<hbm>>
        tpu.wait_dma2 semaphore(%arg33 : memref<!tpu.dma_semaphore, #tpu.memory_space<semaphore_mem>>) src(%dma_wait3A_335 : memref<128xi32, #tpu.memory_space<hbm>>) dst(%arg12 : memref<128xi32, #tpu.memory_space<vmem>>)
      } else {
      }
      %convert_element_type3A_272 = arith.extui %and3A_238 : i1 to i32
      %cond3A_273 = arith.constant 0 : i32
      %cond3A_274 = arith.cmpi ne, %convert_element_type3A_272, %cond3A_273 : i32
      scf.if %cond3A_274 {
        %dma_wait3A = tpu.memref_slice %arg2[%mul3A_74] : memref<65536xi32, #tpu.memory_space<hbm>> -> memref<128xi32, #tpu.memory_space<hbm>>
        %dma_wait3A_335 = tpu.memref_slice %arg2[%mul3A_74] : memref<65536xi32, #tpu.memory_space<hbm>> -> memref<128xi32, #tpu.memory_space<hbm>>
        tpu.wait_dma2 semaphore(%arg34 : memref<!tpu.dma_semaphore, #tpu.memory_space<semaphore_mem>>) src(%dma_wait3A_335 : memref<128xi32, #tpu.memory_space<hbm>>) dst(%arg13 : memref<128xi32, #tpu.memory_space<vmem>>)
      } else {
      }
      %convert_element_type3A_275 = arith.extui %and3A : i1 to i32
      %cond3A_276 = arith.constant 0 : i32
      %cond3A_277 = arith.cmpi ne, %convert_element_type3A_275, %cond3A_276 : i32
      scf.if %cond3A_277 {
        %dma_start3A = arith.constant 0 : i32
        %dma_start3A_335 = arith.constant 0 : i32
        %dma_start3A_336 = tpu.memref_slice %arg4[%dma_start3A, %dma_start3A_335] : memref<20000x128xf32, #tpu.memory_space<hbm>> -> memref<20000x128xf32, #tpu.memory_space<hbm>>
        tpu.enqueue_indirect_dma source(%dma_start3A_336 : memref<20000x128xf32, #tpu.memory_space<hbm>>) target(%arg22 : memref<128x128xf32, #tpu.memory_space<vmem>>) offsets(%arg10 : memref<128xi32, #tpu.memory_space<vmem>>) semaphore(%arg31 : memref<!tpu.dma_semaphore, #tpu.memory_space<semaphore_mem>>)
      } else {
      }
      %convert_element_type3A_278 = arith.extui %and3A_152 : i1 to i32
      %cond3A_279 = arith.constant 0 : i32
      %cond3A_280 = arith.cmpi ne, %convert_element_type3A_278, %cond3A_279 : i32
      scf.if %cond3A_280 {
        %dma_start3A = arith.constant 0 : i32
        %dma_start3A_335 = arith.constant 0 : i32
        %dma_start3A_336 = tpu.memref_slice %arg4[%dma_start3A, %dma_start3A_335] : memref<20000x128xf32, #tpu.memory_space<hbm>> -> memref<20000x128xf32, #tpu.memory_space<hbm>>
        tpu.enqueue_indirect_dma source(%dma_start3A_336 : memref<20000x128xf32, #tpu.memory_space<hbm>>) target(%arg23 : memref<128x128xf32, #tpu.memory_space<vmem>>) offsets(%arg11 : memref<128xi32, #tpu.memory_space<vmem>>) semaphore(%arg32 : memref<!tpu.dma_semaphore, #tpu.memory_space<semaphore_mem>>)
      } else {
      }
      %convert_element_type3A_281 = arith.extui %and3A_195 : i1 to i32
      %cond3A_282 = arith.constant 0 : i32
      %cond3A_283 = arith.cmpi ne, %convert_element_type3A_281, %cond3A_282 : i32
      scf.if %cond3A_283 {
        %dma_start3A = arith.constant 0 : i32
        %dma_start3A_335 = arith.constant 0 : i32
        %dma_start3A_336 = tpu.memref_slice %arg4[%dma_start3A, %dma_start3A_335] : memref<20000x128xf32, #tpu.memory_space<hbm>> -> memref<20000x128xf32, #tpu.memory_space<hbm>>
        tpu.enqueue_indirect_dma source(%dma_start3A_336 : memref<20000x128xf32, #tpu.memory_space<hbm>>) target(%arg24 : memref<128x128xf32, #tpu.memory_space<vmem>>) offsets(%arg12 : memref<128xi32, #tpu.memory_space<vmem>>) semaphore(%arg33 : memref<!tpu.dma_semaphore, #tpu.memory_space<semaphore_mem>>)
      } else {
      }
      %convert_element_type3A_284 = arith.extui %and3A_238 : i1 to i32
      %cond3A_285 = arith.constant 0 : i32
      %cond3A_286 = arith.cmpi ne, %convert_element_type3A_284, %cond3A_285 : i32
      scf.if %cond3A_286 {
        %dma_start3A = arith.constant 0 : i32
        %dma_start3A_335 = arith.constant 0 : i32
        %dma_start3A_336 = tpu.memref_slice %arg4[%dma_start3A, %dma_start3A_335] : memref<20000x128xf32, #tpu.memory_space<hbm>> -> memref<20000x128xf32, #tpu.memory_space<hbm>>
        tpu.enqueue_indirect_dma source(%dma_start3A_336 : memref<20000x128xf32, #tpu.memory_space<hbm>>) target(%arg25 : memref<128x128xf32, #tpu.memory_space<vmem>>) offsets(%arg13 : memref<128xi32, #tpu.memory_space<vmem>>) semaphore(%arg34 : memref<!tpu.dma_semaphore, #tpu.memory_space<semaphore_mem>>)
      } else {
      }
      %convert_element_type3A_287 = arith.extui %and3A : i1 to i32
      %cond3A_288 = arith.constant 0 : i32
      %cond3A_289 = arith.cmpi ne, %convert_element_type3A_287, %cond3A_288 : i32
      scf.if %cond3A_289 {
        %scan3A_335 = arith.constant 0 : i32
        %scan3A_336 = arith.constant 0 : i32
        %scan3A_337 = arith.constant 8 : i32
        %scan3A_338 = arith.addi %scan3A_336, %scan3A_337 : i32
        %scan3A_339 = arith.constant 1 : i32
        scf.for %scan3A_341 = %scan3A_336 to %scan3A_338 step %scan3A_339  : i32 {
          %mul3A_342 = arith.constant 16 : i32
          %mul3A_343 = arith.muli %scan3A_341, %mul3A_342 : i32
          %get3A_344 = arith.index_cast %mul3A_343 : i32 to index
          %get3A_345 = tpu.vector_load %arg14[%get3A_344] {strides = array<i32>} : memref<128xi32, #tpu.memory_space<vmem>>, vector<16xi32>,
          %sub3A = vector.broadcast %mul3A_0 : i32 to vector<16xi32>
          %sub3A_346 = arith.subi %get3A_345, %sub3A : vector<16xi32>
          %ge3A_347 = arith.constant 0 : i32
          %ge3A_348 = vector.broadcast %ge3A_347 : i32 to vector<16xi32>
          %ge3A_349 = arith.cmpi sge, %sub3A_346, %ge3A_348 : vector<16xi32>
          %lt3A_350 = arith.constant 2048 : i32
          %lt3A_351 = vector.broadcast %lt3A_350 : i32 to vector<16xi32>
          %lt3A_352 = arith.cmpi slt, %sub3A_346, %lt3A_351 : vector<16xi32>
          %and3A_353 = arith.andi %ge3A_349, %lt3A_352 : vector<16xi1>
          %jit3A = arith.constant 2048 : i32
          %broadcast_in_dim3A_354 = vector.broadcast %jit3A : i32 to vector<16xi32>
          %select_n3A_355 = arith.select %and3A_353, %sub3A_346, %broadcast_in_dim3A_354 : vector<16xi1>, vector<16xi32>
          %mul3A_356 = arith.constant 16 : i32
          %mul3A_357 = arith.muli %scan3A_341, %mul3A_356 : i32
          %swap3A_358 = arith.index_cast %mul3A_357 : i32 to index
          %swap3A_359 = tpu.vector_load %arg18[%swap3A_358] {strides = array<i32>} : memref<128xi32, #tpu.memory_space<vmem>>, vector<16xi32>,
          tpu.vector_store %arg18[%swap3A_358], %select_n3A_355 {strides = array<i32>} : memref<128xi32, #tpu.memory_space<vmem>>, vector<16xi32>,
          %sub3A_360 = arith.constant 1 : i32
          %sub3A_361 = vector.broadcast %sub3A_360 : i32 to vector<16xi32>
          %sub3A_362 = arith.subi %iota3A, %sub3A_361 : vector<16xi32>
          %max3A = arith.constant 0 : i32
          %max3A_363 = vector.broadcast %max3A : i32 to vector<16xi32>
          %max3A_364 = arith.maxsi %sub3A_362, %max3A_363 : vector<16xi32>
          %lt3A_365 = arith.constant 0 : i32
          %lt3A_366 = vector.broadcast %lt3A_365 : i32 to vector<16xi32>
          %lt3A_367 = arith.cmpi slt, %max3A_364, %lt3A_366 : vector<16xi32>
          %add3A_368 = arith.constant 16 : i32
          %add3A_369 = vector.broadcast %add3A_368 : i32 to vector<16xi32>
          %add3A_370 = arith.addi %max3A_364, %add3A_369 : vector<16xi32>
          %select_n3A_371 = arith.select %lt3A_367, %add3A_370, %max3A_364 : vector<16xi1>, vector<16xi32>
          %broadcast_in_dim3A_372 = vector.shape_cast %select_n3A_371 : vector<16xi32> to vector<16x1xi32>
          %gather3A_373 = vector.shape_cast %broadcast_in_dim3A_372 : vector<16x1xi32> to vector<16xi32>
          %gather3A_374 = tpu.dynamic_gather %select_n3A_355[%gather3A_373] in [0] : vector<16xi32>, vector<16xi32> -> vector<16xi32>
          %ne3A = arith.cmpi ne, %select_n3A_355, %gather3A_374 : vector<16xi32>
          %eq3A_375 = arith.constant 0 : i32
          %eq3A_376 = vector.broadcast %eq3A_375 : i32 to vector<16xi32>
          %eq3A_377 = arith.cmpi eq, %iota3A, %eq3A_376 : vector<16xi32>
          %or3A = arith.ori %ne3A, %eq3A_377 : vector<16xi1>
          %jit3A_378 = arith.constant 16 : i32
          %broadcast_in_dim3A_379 = vector.broadcast %jit3A_378 : i32 to vector<16xi32>
          %select_n3A_380 = arith.select %or3A, %iota3A, %broadcast_in_dim3A_379 : vector<16xi1>, vector<16xi32>
          %add3A_381 = arith.constant 1 : i32
          %add3A_382 = vector.broadcast %add3A_381 : i32 to vector<16xi32>
          %add3A_383 = arith.addi %iota3A, %add3A_382 : vector<16xi32>
          %min3A = arith.constant 15 : i32
          %min3A_384 = vector.broadcast %min3A : i32 to vector<16xi32>
          %min3A_385 = arith.minsi %add3A_383, %min3A_384 : vector<16xi32>
          %lt3A_386 = arith.constant 0 : i32
          %lt3A_387 = vector.broadcast %lt3A_386 : i32 to vector<16xi32>
          %lt3A_388 = arith.cmpi slt, %min3A_385, %lt3A_387 : vector<16xi32>
          %add3A_389 = arith.constant 16 : i32
          %add3A_390 = vector.broadcast %add3A_389 : i32 to vector<16xi32>
          %add3A_391 = arith.addi %min3A_385, %add3A_390 : vector<16xi32>
          %select_n3A_392 = arith.select %lt3A_388, %add3A_391, %min3A_385 : vector<16xi1>, vector<16xi32>
          %broadcast_in_dim3A_393 = vector.shape_cast %select_n3A_392 : vector<16xi32> to vector<16x1xi32>
          %gather3A_394 = vector.shape_cast %broadcast_in_dim3A_393 : vector<16x1xi32> to vector<16xi32>
          %gather3A_395 = tpu.dynamic_gather %select_n3A_380[%gather3A_394] in [0] : vector<16xi32>, vector<16xi32> -> vector<16xi32>
          %add3A_396 = arith.constant 1 : i32
          %add3A_397 = vector.broadcast %add3A_396 : i32 to vector<16xi32>
          %add3A_398 = arith.addi %iota3A, %add3A_397 : vector<16xi32>
          %lt3A_399 = arith.constant 16 : i32
          %lt3A_400 = vector.broadcast %lt3A_399 : i32 to vector<16xi32>
          %lt3A_401 = arith.cmpi slt, %add3A_398, %lt3A_400 : vector<16xi32>
          %jit3A_402 = arith.constant 16 : i32
          %broadcast_in_dim3A_403 = vector.broadcast %jit3A_402 : i32 to vector<16xi32>
          %select_n3A_404 = arith.select %lt3A_401, %gather3A_395, %broadcast_in_dim3A_403 : vector<16xi1>, vector<16xi32>
          %min3A_405 = arith.minsi %select_n3A_380, %select_n3A_404 : vector<16xi32>
          %add3A_406 = arith.constant 2 : i32
          %add3A_407 = vector.broadcast %add3A_406 : i32 to vector<16xi32>
          %add3A_408 = arith.addi %iota3A, %add3A_407 : vector<16xi32>
          %min3A_409 = arith.constant 15 : i32
          %min3A_410 = vector.broadcast %min3A_409 : i32 to vector<16xi32>
          %min3A_411 = arith.minsi %add3A_408, %min3A_410 : vector<16xi32>
          %lt3A_412 = arith.constant 0 : i32
          %lt3A_413 = vector.broadcast %lt3A_412 : i32 to vector<16xi32>
          %lt3A_414 = arith.cmpi slt, %min3A_411, %lt3A_413 : vector<16xi32>
          %add3A_415 = arith.constant 16 : i32
          %add3A_416 = vector.broadcast %add3A_415 : i32 to vector<16xi32>
          %add3A_417 = arith.addi %min3A_411, %add3A_416 : vector<16xi32>
          %select_n3A_418 = arith.select %lt3A_414, %add3A_417, %min3A_411 : vector<16xi1>, vector<16xi32>
          %broadcast_in_dim3A_419 = vector.shape_cast %select_n3A_418 : vector<16xi32> to vector<16x1xi32>
          %gather3A_420 = vector.shape_cast %broadcast_in_dim3A_419 : vector<16x1xi32> to vector<16xi32>
          %gather3A_421 = tpu.dynamic_gather %min3A_405[%gather3A_420] in [0] : vector<16xi32>, vector<16xi32> -> vector<16xi32>
          %add3A_422 = arith.constant 2 : i32
          %add3A_423 = vector.broadcast %add3A_422 : i32 to vector<16xi32>
          %add3A_424 = arith.addi %iota3A, %add3A_423 : vector<16xi32>
          %lt3A_425 = arith.constant 16 : i32
          %lt3A_426 = vector.broadcast %lt3A_425 : i32 to vector<16xi32>
          %lt3A_427 = arith.cmpi slt, %add3A_424, %lt3A_426 : vector<16xi32>
          %jit3A_428 = arith.constant 16 : i32
          %broadcast_in_dim3A_429 = vector.broadcast %jit3A_428 : i32 to vector<16xi32>
          %select_n3A_430 = arith.select %lt3A_427, %gather3A_421, %broadcast_in_dim3A_429 : vector<16xi1>, vector<16xi32>
          %min3A_431 = arith.minsi %min3A_405, %select_n3A_430 : vector<16xi32>
          %add3A_432 = arith.constant 4 : i32
          %add3A_433 = vector.broadcast %add3A_432 : i32 to vector<16xi32>
          %add3A_434 = arith.addi %iota3A, %add3A_433 : vector<16xi32>
          %min3A_435 = arith.constant 15 : i32
          %min3A_436 = vector.broadcast %min3A_435 : i32 to vector<16xi32>
          %min3A_437 = arith.minsi %add3A_434, %min3A_436 : vector<16xi32>
          %lt3A_438 = arith.constant 0 : i32
          %lt3A_439 = vector.broadcast %lt3A_438 : i32 to vector<16xi32>
          %lt3A_440 = arith.cmpi slt, %min3A_437, %lt3A_439 : vector<16xi32>
          %add3A_441 = arith.constant 16 : i32
          %add3A_442 = vector.broadcast %add3A_441 : i32 to vector<16xi32>
          %add3A_443 = arith.addi %min3A_437, %add3A_442 : vector<16xi32>
          %select_n3A_444 = arith.select %lt3A_440, %add3A_443, %min3A_437 : vector<16xi1>, vector<16xi32>
          %broadcast_in_dim3A_445 = vector.shape_cast %select_n3A_444 : vector<16xi32> to vector<16x1xi32>
          %gather3A_446 = vector.shape_cast %broadcast_in_dim3A_445 : vector<16x1xi32> to vector<16xi32>
          %gather3A_447 = tpu.dynamic_gather %min3A_431[%gather3A_446] in [0] : vector<16xi32>, vector<16xi32> -> vector<16xi32>
          %add3A_448 = arith.constant 4 : i32
          %add3A_449 = vector.broadcast %add3A_448 : i32 to vector<16xi32>
          %add3A_450 = arith.addi %iota3A, %add3A_449 : vector<16xi32>
          %lt3A_451 = arith.constant 16 : i32
          %lt3A_452 = vector.broadcast %lt3A_451 : i32 to vector<16xi32>
          %lt3A_453 = arith.cmpi slt, %add3A_450, %lt3A_452 : vector<16xi32>
          %jit3A_454 = arith.constant 16 : i32
          %broadcast_in_dim3A_455 = vector.broadcast %jit3A_454 : i32 to vector<16xi32>
          %select_n3A_456 = arith.select %lt3A_453, %gather3A_447, %broadcast_in_dim3A_455 : vector<16xi1>, vector<16xi32>
          %min3A_457 = arith.minsi %min3A_431, %select_n3A_456 : vector<16xi32>
          %add3A_458 = arith.constant 8 : i32
          %add3A_459 = vector.broadcast %add3A_458 : i32 to vector<16xi32>
          %add3A_460 = arith.addi %iota3A, %add3A_459 : vector<16xi32>
          %min3A_461 = arith.constant 15 : i32
          %min3A_462 = vector.broadcast %min3A_461 : i32 to vector<16xi32>
          %min3A_463 = arith.minsi %add3A_460, %min3A_462 : vector<16xi32>
          %lt3A_464 = arith.constant 0 : i32
          %lt3A_465 = vector.broadcast %lt3A_464 : i32 to vector<16xi32>
          %lt3A_466 = arith.cmpi slt, %min3A_463, %lt3A_465 : vector<16xi32>
          %add3A_467 = arith.constant 16 : i32
          %add3A_468 = vector.broadcast %add3A_467 : i32 to vector<16xi32>
          %add3A_469 = arith.addi %min3A_463, %add3A_468 : vector<16xi32>
          %select_n3A_470 = arith.select %lt3A_466, %add3A_469, %min3A_463 : vector<16xi1>, vector<16xi32>
          %broadcast_in_dim3A_471 = vector.shape_cast %select_n3A_470 : vector<16xi32> to vector<16x1xi32>
          %gather3A_472 = vector.shape_cast %broadcast_in_dim3A_471 : vector<16x1xi32> to vector<16xi32>
          %gather3A_473 = tpu.dynamic_gather %min3A_457[%gather3A_472] in [0] : vector<16xi32>, vector<16xi32> -> vector<16xi32>
          %add3A_474 = arith.constant 8 : i32
          %add3A_475 = vector.broadcast %add3A_474 : i32 to vector<16xi32>
          %add3A_476 = arith.addi %iota3A, %add3A_475 : vector<16xi32>
          %lt3A_477 = arith.constant 16 : i32
          %lt3A_478 = vector.broadcast %lt3A_477 : i32 to vector<16xi32>
          %lt3A_479 = arith.cmpi slt, %add3A_476, %lt3A_478 : vector<16xi32>
          %jit3A_480 = arith.constant 16 : i32
          %broadcast_in_dim3A_481 = vector.broadcast %jit3A_480 : i32 to vector<16xi32>
          %select_n3A_482 = arith.select %lt3A_479, %gather3A_473, %broadcast_in_dim3A_481 : vector<16xi1>, vector<16xi32>
          %min3A_483 = arith.minsi %min3A_457, %select_n3A_482 : vector<16xi32>
          %add3A_484 = arith.constant 1 : i32
          %add3A_485 = vector.broadcast %add3A_484 : i32 to vector<16xi32>
          %add3A_486 = arith.addi %iota3A, %add3A_485 : vector<16xi32>
          %min3A_487 = arith.constant 15 : i32
          %min3A_488 = vector.broadcast %min3A_487 : i32 to vector<16xi32>
          %min3A_489 = arith.minsi %add3A_486, %min3A_488 : vector<16xi32>
          %lt3A_490 = arith.constant 0 : i32
          %lt3A_491 = vector.broadcast %lt3A_490 : i32 to vector<16xi32>
          %lt3A_492 = arith.cmpi slt, %min3A_489, %lt3A_491 : vector<16xi32>
          %add3A_493 = arith.constant 16 : i32
          %add3A_494 = vector.broadcast %add3A_493 : i32 to vector<16xi32>
          %add3A_495 = arith.addi %min3A_489, %add3A_494 : vector<16xi32>
          %select_n3A_496 = arith.select %lt3A_492, %add3A_495, %min3A_489 : vector<16xi1>, vector<16xi32>
          %broadcast_in_dim3A_497 = vector.shape_cast %select_n3A_496 : vector<16xi32> to vector<16x1xi32>
          %gather3A_498 = vector.shape_cast %broadcast_in_dim3A_497 : vector<16x1xi32> to vector<16xi32>
          %gather3A_499 = tpu.dynamic_gather %min3A_483[%gather3A_498] in [0] : vector<16xi32>, vector<16xi32> -> vector<16xi32>
          %eq3A_500 = arith.constant 15 : i32
          %eq3A_501 = vector.broadcast %eq3A_500 : i32 to vector<16xi32>
          %eq3A_502 = arith.cmpi eq, %iota3A, %eq3A_501 : vector<16xi32>
          %jit3A_503 = arith.constant 16 : i32
          %broadcast_in_dim3A_504 = vector.broadcast %jit3A_503 : i32 to vector<16xi32>
          %select_n3A_505 = arith.select %eq3A_502, %broadcast_in_dim3A_504, %gather3A_499 : vector<16xi1>, vector<16xi32>
          %sub3A_506 = arith.subi %select_n3A_505, %iota3A : vector<16xi32>
          %convert_element_type3A_507 = arith.sitofp %sub3A_506 : vector<16xi32> to vector<16xf32>
          %shift_right_arithmetic3A = arith.constant 7 : i32
          %shift_right_arithmetic3A_508 = vector.broadcast %shift_right_arithmetic3A : i32 to vector<16xi32>
          %shift_right_arithmetic3A_509 = arith.shrsi %select_n3A_355, %shift_right_arithmetic3A_508 : vector<16xi32>
          %and3A_510 = arith.constant 127 : i32
          %and3A_511 = vector.broadcast %and3A_510 : i32 to vector<16xi32>
          %and3A_512 = arith.andi %select_n3A_355, %and3A_511 : vector<16xi32>
          %and3A_513 = arith.andi %or3A, %and3A_353 : vector<16xi1>
          tpu.vector_store_idx %arg26[%shift_right_arithmetic3A_509, %and3A_512], %convert_element_type3A_507 masked %and3A_513 {add = true} : memref<16x128xf32, #tpu.memory_space<vmem>>[vector<16xi32>, vector<16xi32>], vector<16xf32>, vector<16xi1>
        }
        %scan3A_340 = arith.constant 8 : i32
      } else {
      }
      %convert_element_type3A_290 = arith.extui %and3A_152 : i1 to i32
      %cond3A_291 = arith.constant 0 : i32
      %cond3A_292 = arith.cmpi ne, %convert_element_type3A_290, %cond3A_291 : i32
      scf.if %cond3A_292 {
        %scan3A_335 = arith.constant 0 : i32
        %scan3A_336 = arith.constant 0 : i32
        %scan3A_337 = arith.constant 8 : i32
        %scan3A_338 = arith.addi %scan3A_336, %scan3A_337 : i32
        %scan3A_339 = arith.constant 1 : i32
        scf.for %scan3A_341 = %scan3A_336 to %scan3A_338 step %scan3A_339  : i32 {
          %mul3A_342 = arith.constant 16 : i32
          %mul3A_343 = arith.muli %scan3A_341, %mul3A_342 : i32
          %get3A_344 = arith.index_cast %mul3A_343 : i32 to index
          %get3A_345 = tpu.vector_load %arg15[%get3A_344] {strides = array<i32>} : memref<128xi32, #tpu.memory_space<vmem>>, vector<16xi32>,
          %sub3A = vector.broadcast %mul3A_0 : i32 to vector<16xi32>
          %sub3A_346 = arith.subi %get3A_345, %sub3A : vector<16xi32>
          %ge3A_347 = arith.constant 0 : i32
          %ge3A_348 = vector.broadcast %ge3A_347 : i32 to vector<16xi32>
          %ge3A_349 = arith.cmpi sge, %sub3A_346, %ge3A_348 : vector<16xi32>
          %lt3A_350 = arith.constant 2048 : i32
          %lt3A_351 = vector.broadcast %lt3A_350 : i32 to vector<16xi32>
          %lt3A_352 = arith.cmpi slt, %sub3A_346, %lt3A_351 : vector<16xi32>
          %and3A_353 = arith.andi %ge3A_349, %lt3A_352 : vector<16xi1>
          %jit3A = arith.constant 2048 : i32
          %broadcast_in_dim3A_354 = vector.broadcast %jit3A : i32 to vector<16xi32>
          %select_n3A_355 = arith.select %and3A_353, %sub3A_346, %broadcast_in_dim3A_354 : vector<16xi1>, vector<16xi32>
          %mul3A_356 = arith.constant 16 : i32
          %mul3A_357 = arith.muli %scan3A_341, %mul3A_356 : i32
          %swap3A_358 = arith.index_cast %mul3A_357 : i32 to index
          %swap3A_359 = tpu.vector_load %arg19[%swap3A_358] {strides = array<i32>} : memref<128xi32, #tpu.memory_space<vmem>>, vector<16xi32>,
          tpu.vector_store %arg19[%swap3A_358], %select_n3A_355 {strides = array<i32>} : memref<128xi32, #tpu.memory_space<vmem>>, vector<16xi32>,
          %sub3A_360 = arith.constant 1 : i32
          %sub3A_361 = vector.broadcast %sub3A_360 : i32 to vector<16xi32>
          %sub3A_362 = arith.subi %iota3A, %sub3A_361 : vector<16xi32>
          %max3A = arith.constant 0 : i32
          %max3A_363 = vector.broadcast %max3A : i32 to vector<16xi32>
          %max3A_364 = arith.maxsi %sub3A_362, %max3A_363 : vector<16xi32>
          %lt3A_365 = arith.constant 0 : i32
          %lt3A_366 = vector.broadcast %lt3A_365 : i32 to vector<16xi32>
          %lt3A_367 = arith.cmpi slt, %max3A_364, %lt3A_366 : vector<16xi32>
          %add3A_368 = arith.constant 16 : i32
          %add3A_369 = vector.broadcast %add3A_368 : i32 to vector<16xi32>
          %add3A_370 = arith.addi %max3A_364, %add3A_369 : vector<16xi32>
          %select_n3A_371 = arith.select %lt3A_367, %add3A_370, %max3A_364 : vector<16xi1>, vector<16xi32>
          %broadcast_in_dim3A_372 = vector.shape_cast %select_n3A_371 : vector<16xi32> to vector<16x1xi32>
          %gather3A_373 = vector.shape_cast %broadcast_in_dim3A_372 : vector<16x1xi32> to vector<16xi32>
          %gather3A_374 = tpu.dynamic_gather %select_n3A_355[%gather3A_373] in [0] : vector<16xi32>, vector<16xi32> -> vector<16xi32>
          %ne3A = arith.cmpi ne, %select_n3A_355, %gather3A_374 : vector<16xi32>
          %eq3A_375 = arith.constant 0 : i32
          %eq3A_376 = vector.broadcast %eq3A_375 : i32 to vector<16xi32>
          %eq3A_377 = arith.cmpi eq, %iota3A, %eq3A_376 : vector<16xi32>
          %or3A = arith.ori %ne3A, %eq3A_377 : vector<16xi1>
          %jit3A_378 = arith.constant 16 : i32
          %broadcast_in_dim3A_379 = vector.broadcast %jit3A_378 : i32 to vector<16xi32>
          %select_n3A_380 = arith.select %or3A, %iota3A, %broadcast_in_dim3A_379 : vector<16xi1>, vector<16xi32>
          %add3A_381 = arith.constant 1 : i32
          %add3A_382 = vector.broadcast %add3A_381 : i32 to vector<16xi32>
          %add3A_383 = arith.addi %iota3A, %add3A_382 : vector<16xi32>
          %min3A = arith.constant 15 : i32
          %min3A_384 = vector.broadcast %min3A : i32 to vector<16xi32>
          %min3A_385 = arith.minsi %add3A_383, %min3A_384 : vector<16xi32>
          %lt3A_386 = arith.constant 0 : i32
          %lt3A_387 = vector.broadcast %lt3A_386 : i32 to vector<16xi32>
          %lt3A_388 = arith.cmpi slt, %min3A_385, %lt3A_387 : vector<16xi32>
          %add3A_389 = arith.constant 16 : i32
          %add3A_390 = vector.broadcast %add3A_389 : i32 to vector<16xi32>
          %add3A_391 = arith.addi %min3A_385, %add3A_390 : vector<16xi32>
          %select_n3A_392 = arith.select %lt3A_388, %add3A_391, %min3A_385 : vector<16xi1>, vector<16xi32>
          %broadcast_in_dim3A_393 = vector.shape_cast %select_n3A_392 : vector<16xi32> to vector<16x1xi32>
          %gather3A_394 = vector.shape_cast %broadcast_in_dim3A_393 : vector<16x1xi32> to vector<16xi32>
          %gather3A_395 = tpu.dynamic_gather %select_n3A_380[%gather3A_394] in [0] : vector<16xi32>, vector<16xi32> -> vector<16xi32>
          %add3A_396 = arith.constant 1 : i32
          %add3A_397 = vector.broadcast %add3A_396 : i32 to vector<16xi32>
          %add3A_398 = arith.addi %iota3A, %add3A_397 : vector<16xi32>
          %lt3A_399 = arith.constant 16 : i32
          %lt3A_400 = vector.broadcast %lt3A_399 : i32 to vector<16xi32>
          %lt3A_401 = arith.cmpi slt, %add3A_398, %lt3A_400 : vector<16xi32>
          %jit3A_402 = arith.constant 16 : i32
          %broadcast_in_dim3A_403 = vector.broadcast %jit3A_402 : i32 to vector<16xi32>
          %select_n3A_404 = arith.select %lt3A_401, %gather3A_395, %broadcast_in_dim3A_403 : vector<16xi1>, vector<16xi32>
          %min3A_405 = arith.minsi %select_n3A_380, %select_n3A_404 : vector<16xi32>
          %add3A_406 = arith.constant 2 : i32
          %add3A_407 = vector.broadcast %add3A_406 : i32 to vector<16xi32>
          %add3A_408 = arith.addi %iota3A, %add3A_407 : vector<16xi32>
          %min3A_409 = arith.constant 15 : i32
          %min3A_410 = vector.broadcast %min3A_409 : i32 to vector<16xi32>
          %min3A_411 = arith.minsi %add3A_408, %min3A_410 : vector<16xi32>
          %lt3A_412 = arith.constant 0 : i32
          %lt3A_413 = vector.broadcast %lt3A_412 : i32 to vector<16xi32>
          %lt3A_414 = arith.cmpi slt, %min3A_411, %lt3A_413 : vector<16xi32>
          %add3A_415 = arith.constant 16 : i32
          %add3A_416 = vector.broadcast %add3A_415 : i32 to vector<16xi32>
          %add3A_417 = arith.addi %min3A_411, %add3A_416 : vector<16xi32>
          %select_n3A_418 = arith.select %lt3A_414, %add3A_417, %min3A_411 : vector<16xi1>, vector<16xi32>
          %broadcast_in_dim3A_419 = vector.shape_cast %select_n3A_418 : vector<16xi32> to vector<16x1xi32>
          %gather3A_420 = vector.shape_cast %broadcast_in_dim3A_419 : vector<16x1xi32> to vector<16xi32>
          %gather3A_421 = tpu.dynamic_gather %min3A_405[%gather3A_420] in [0] : vector<16xi32>, vector<16xi32> -> vector<16xi32>
          %add3A_422 = arith.constant 2 : i32
          %add3A_423 = vector.broadcast %add3A_422 : i32 to vector<16xi32>
          %add3A_424 = arith.addi %iota3A, %add3A_423 : vector<16xi32>
          %lt3A_425 = arith.constant 16 : i32
          %lt3A_426 = vector.broadcast %lt3A_425 : i32 to vector<16xi32>
          %lt3A_427 = arith.cmpi slt, %add3A_424, %lt3A_426 : vector<16xi32>
          %jit3A_428 = arith.constant 16 : i32
          %broadcast_in_dim3A_429 = vector.broadcast %jit3A_428 : i32 to vector<16xi32>
          %select_n3A_430 = arith.select %lt3A_427, %gather3A_421, %broadcast_in_dim3A_429 : vector<16xi1>, vector<16xi32>
          %min3A_431 = arith.minsi %min3A_405, %select_n3A_430 : vector<16xi32>
          %add3A_432 = arith.constant 4 : i32
          %add3A_433 = vector.broadcast %add3A_432 : i32 to vector<16xi32>
          %add3A_434 = arith.addi %iota3A, %add3A_433 : vector<16xi32>
          %min3A_435 = arith.constant 15 : i32
          %min3A_436 = vector.broadcast %min3A_435 : i32 to vector<16xi32>
          %min3A_437 = arith.minsi %add3A_434, %min3A_436 : vector<16xi32>
          %lt3A_438 = arith.constant 0 : i32
          %lt3A_439 = vector.broadcast %lt3A_438 : i32 to vector<16xi32>
          %lt3A_440 = arith.cmpi slt, %min3A_437, %lt3A_439 : vector<16xi32>
          %add3A_441 = arith.constant 16 : i32
          %add3A_442 = vector.broadcast %add3A_441 : i32 to vector<16xi32>
          %add3A_443 = arith.addi %min3A_437, %add3A_442 : vector<16xi32>
          %select_n3A_444 = arith.select %lt3A_440, %add3A_443, %min3A_437 : vector<16xi1>, vector<16xi32>
          %broadcast_in_dim3A_445 = vector.shape_cast %select_n3A_444 : vector<16xi32> to vector<16x1xi32>
          %gather3A_446 = vector.shape_cast %broadcast_in_dim3A_445 : vector<16x1xi32> to vector<16xi32>
          %gather3A_447 = tpu.dynamic_gather %min3A_431[%gather3A_446] in [0] : vector<16xi32>, vector<16xi32> -> vector<16xi32>
          %add3A_448 = arith.constant 4 : i32
          %add3A_449 = vector.broadcast %add3A_448 : i32 to vector<16xi32>
          %add3A_450 = arith.addi %iota3A, %add3A_449 : vector<16xi32>
          %lt3A_451 = arith.constant 16 : i32
          %lt3A_452 = vector.broadcast %lt3A_451 : i32 to vector<16xi32>
          %lt3A_453 = arith.cmpi slt, %add3A_450, %lt3A_452 : vector<16xi32>
          %jit3A_454 = arith.constant 16 : i32
          %broadcast_in_dim3A_455 = vector.broadcast %jit3A_454 : i32 to vector<16xi32>
          %select_n3A_456 = arith.select %lt3A_453, %gather3A_447, %broadcast_in_dim3A_455 : vector<16xi1>, vector<16xi32>
          %min3A_457 = arith.minsi %min3A_431, %select_n3A_456 : vector<16xi32>
          %add3A_458 = arith.constant 8 : i32
          %add3A_459 = vector.broadcast %add3A_458 : i32 to vector<16xi32>
          %add3A_460 = arith.addi %iota3A, %add3A_459 : vector<16xi32>
          %min3A_461 = arith.constant 15 : i32
          %min3A_462 = vector.broadcast %min3A_461 : i32 to vector<16xi32>
          %min3A_463 = arith.minsi %add3A_460, %min3A_462 : vector<16xi32>
          %lt3A_464 = arith.constant 0 : i32
          %lt3A_465 = vector.broadcast %lt3A_464 : i32 to vector<16xi32>
          %lt3A_466 = arith.cmpi slt, %min3A_463, %lt3A_465 : vector<16xi32>
          %add3A_467 = arith.constant 16 : i32
          %add3A_468 = vector.broadcast %add3A_467 : i32 to vector<16xi32>
          %add3A_469 = arith.addi %min3A_463, %add3A_468 : vector<16xi32>
          %select_n3A_470 = arith.select %lt3A_466, %add3A_469, %min3A_463 : vector<16xi1>, vector<16xi32>
          %broadcast_in_dim3A_471 = vector.shape_cast %select_n3A_470 : vector<16xi32> to vector<16x1xi32>
          %gather3A_472 = vector.shape_cast %broadcast_in_dim3A_471 : vector<16x1xi32> to vector<16xi32>
          %gather3A_473 = tpu.dynamic_gather %min3A_457[%gather3A_472] in [0] : vector<16xi32>, vector<16xi32> -> vector<16xi32>
          %add3A_474 = arith.constant 8 : i32
          %add3A_475 = vector.broadcast %add3A_474 : i32 to vector<16xi32>
          %add3A_476 = arith.addi %iota3A, %add3A_475 : vector<16xi32>
          %lt3A_477 = arith.constant 16 : i32
          %lt3A_478 = vector.broadcast %lt3A_477 : i32 to vector<16xi32>
          %lt3A_479 = arith.cmpi slt, %add3A_476, %lt3A_478 : vector<16xi32>
          %jit3A_480 = arith.constant 16 : i32
          %broadcast_in_dim3A_481 = vector.broadcast %jit3A_480 : i32 to vector<16xi32>
          %select_n3A_482 = arith.select %lt3A_479, %gather3A_473, %broadcast_in_dim3A_481 : vector<16xi1>, vector<16xi32>
          %min3A_483 = arith.minsi %min3A_457, %select_n3A_482 : vector<16xi32>
          %add3A_484 = arith.constant 1 : i32
          %add3A_485 = vector.broadcast %add3A_484 : i32 to vector<16xi32>
          %add3A_486 = arith.addi %iota3A, %add3A_485 : vector<16xi32>
          %min3A_487 = arith.constant 15 : i32
          %min3A_488 = vector.broadcast %min3A_487 : i32 to vector<16xi32>
          %min3A_489 = arith.minsi %add3A_486, %min3A_488 : vector<16xi32>
          %lt3A_490 = arith.constant 0 : i32
          %lt3A_491 = vector.broadcast %lt3A_490 : i32 to vector<16xi32>
          %lt3A_492 = arith.cmpi slt, %min3A_489, %lt3A_491 : vector<16xi32>
          %add3A_493 = arith.constant 16 : i32
          %add3A_494 = vector.broadcast %add3A_493 : i32 to vector<16xi32>
          %add3A_495 = arith.addi %min3A_489, %add3A_494 : vector<16xi32>
          %select_n3A_496 = arith.select %lt3A_492, %add3A_495, %min3A_489 : vector<16xi1>, vector<16xi32>
          %broadcast_in_dim3A_497 = vector.shape_cast %select_n3A_496 : vector<16xi32> to vector<16x1xi32>
          %gather3A_498 = vector.shape_cast %broadcast_in_dim3A_497 : vector<16x1xi32> to vector<16xi32>
          %gather3A_499 = tpu.dynamic_gather %min3A_483[%gather3A_498] in [0] : vector<16xi32>, vector<16xi32> -> vector<16xi32>
          %eq3A_500 = arith.constant 15 : i32
          %eq3A_501 = vector.broadcast %eq3A_500 : i32 to vector<16xi32>
          %eq3A_502 = arith.cmpi eq, %iota3A, %eq3A_501 : vector<16xi32>
          %jit3A_503 = arith.constant 16 : i32
          %broadcast_in_dim3A_504 = vector.broadcast %jit3A_503 : i32 to vector<16xi32>
          %select_n3A_505 = arith.select %eq3A_502, %broadcast_in_dim3A_504, %gather3A_499 : vector<16xi1>, vector<16xi32>
          %sub3A_506 = arith.subi %select_n3A_505, %iota3A : vector<16xi32>
          %convert_element_type3A_507 = arith.sitofp %sub3A_506 : vector<16xi32> to vector<16xf32>
          %shift_right_arithmetic3A = arith.constant 7 : i32
          %shift_right_arithmetic3A_508 = vector.broadcast %shift_right_arithmetic3A : i32 to vector<16xi32>
          %shift_right_arithmetic3A_509 = arith.shrsi %select_n3A_355, %shift_right_arithmetic3A_508 : vector<16xi32>
          %and3A_510 = arith.constant 127 : i32
          %and3A_511 = vector.broadcast %and3A_510 : i32 to vector<16xi32>
          %and3A_512 = arith.andi %select_n3A_355, %and3A_511 : vector<16xi32>
          %and3A_513 = arith.andi %or3A, %and3A_353 : vector<16xi1>
          tpu.vector_store_idx %arg26[%shift_right_arithmetic3A_509, %and3A_512], %convert_element_type3A_507 masked %and3A_513 {add = true} : memref<16x128xf32, #tpu.memory_space<vmem>>[vector<16xi32>, vector<16xi32>], vector<16xf32>, vector<16xi1>
        }
        %scan3A_340 = arith.constant 8 : i32
      } else {
      }
      %convert_element_type3A_293 = arith.extui %and3A_195 : i1 to i32
      %cond3A_294 = arith.constant 0 : i32
      %cond3A_295 = arith.cmpi ne, %convert_element_type3A_293, %cond3A_294 : i32
      scf.if %cond3A_295 {
        %scan3A_335 = arith.constant 0 : i32
        %scan3A_336 = arith.constant 0 : i32
        %scan3A_337 = arith.constant 8 : i32
        %scan3A_338 = arith.addi %scan3A_336, %scan3A_337 : i32
        %scan3A_339 = arith.constant 1 : i32
        scf.for %scan3A_341 = %scan3A_336 to %scan3A_338 step %scan3A_339  : i32 {
          %mul3A_342 = arith.constant 16 : i32
          %mul3A_343 = arith.muli %scan3A_341, %mul3A_342 : i32
          %get3A_344 = arith.index_cast %mul3A_343 : i32 to index
          %get3A_345 = tpu.vector_load %arg16[%get3A_344] {strides = array<i32>} : memref<128xi32, #tpu.memory_space<vmem>>, vector<16xi32>,
          %sub3A = vector.broadcast %mul3A_0 : i32 to vector<16xi32>
          %sub3A_346 = arith.subi %get3A_345, %sub3A : vector<16xi32>
          %ge3A_347 = arith.constant 0 : i32
          %ge3A_348 = vector.broadcast %ge3A_347 : i32 to vector<16xi32>
          %ge3A_349 = arith.cmpi sge, %sub3A_346, %ge3A_348 : vector<16xi32>
          %lt3A_350 = arith.constant 2048 : i32
          %lt3A_351 = vector.broadcast %lt3A_350 : i32 to vector<16xi32>
          %lt3A_352 = arith.cmpi slt, %sub3A_346, %lt3A_351 : vector<16xi32>
          %and3A_353 = arith.andi %ge3A_349, %lt3A_352 : vector<16xi1>
          %jit3A = arith.constant 2048 : i32
          %broadcast_in_dim3A_354 = vector.broadcast %jit3A : i32 to vector<16xi32>
          %select_n3A_355 = arith.select %and3A_353, %sub3A_346, %broadcast_in_dim3A_354 : vector<16xi1>, vector<16xi32>
          %mul3A_356 = arith.constant 16 : i32
          %mul3A_357 = arith.muli %scan3A_341, %mul3A_356 : i32
          %swap3A_358 = arith.index_cast %mul3A_357 : i32 to index
          %swap3A_359 = tpu.vector_load %arg20[%swap3A_358] {strides = array<i32>} : memref<128xi32, #tpu.memory_space<vmem>>, vector<16xi32>,
          tpu.vector_store %arg20[%swap3A_358], %select_n3A_355 {strides = array<i32>} : memref<128xi32, #tpu.memory_space<vmem>>, vector<16xi32>,
          %sub3A_360 = arith.constant 1 : i32
          %sub3A_361 = vector.broadcast %sub3A_360 : i32 to vector<16xi32>
          %sub3A_362 = arith.subi %iota3A, %sub3A_361 : vector<16xi32>
          %max3A = arith.constant 0 : i32
          %max3A_363 = vector.broadcast %max3A : i32 to vector<16xi32>
          %max3A_364 = arith.maxsi %sub3A_362, %max3A_363 : vector<16xi32>
          %lt3A_365 = arith.constant 0 : i32
          %lt3A_366 = vector.broadcast %lt3A_365 : i32 to vector<16xi32>
          %lt3A_367 = arith.cmpi slt, %max3A_364, %lt3A_366 : vector<16xi32>
          %add3A_368 = arith.constant 16 : i32
          %add3A_369 = vector.broadcast %add3A_368 : i32 to vector<16xi32>
          %add3A_370 = arith.addi %max3A_364, %add3A_369 : vector<16xi32>
          %select_n3A_371 = arith.select %lt3A_367, %add3A_370, %max3A_364 : vector<16xi1>, vector<16xi32>
          %broadcast_in_dim3A_372 = vector.shape_cast %select_n3A_371 : vector<16xi32> to vector<16x1xi32>
          %gather3A_373 = vector.shape_cast %broadcast_in_dim3A_372 : vector<16x1xi32> to vector<16xi32>
          %gather3A_374 = tpu.dynamic_gather %select_n3A_355[%gather3A_373] in [0] : vector<16xi32>, vector<16xi32> -> vector<16xi32>
          %ne3A = arith.cmpi ne, %select_n3A_355, %gather3A_374 : vector<16xi32>
          %eq3A_375 = arith.constant 0 : i32
          %eq3A_376 = vector.broadcast %eq3A_375 : i32 to vector<16xi32>
          %eq3A_377 = arith.cmpi eq, %iota3A, %eq3A_376 : vector<16xi32>
          %or3A = arith.ori %ne3A, %eq3A_377 : vector<16xi1>
          %jit3A_378 = arith.constant 16 : i32
          %broadcast_in_dim3A_379 = vector.broadcast %jit3A_378 : i32 to vector<16xi32>
          %select_n3A_380 = arith.select %or3A, %iota3A, %broadcast_in_dim3A_379 : vector<16xi1>, vector<16xi32>
          %add3A_381 = arith.constant 1 : i32
          %add3A_382 = vector.broadcast %add3A_381 : i32 to vector<16xi32>
          %add3A_383 = arith.addi %iota3A, %add3A_382 : vector<16xi32>
          %min3A = arith.constant 15 : i32
          %min3A_384 = vector.broadcast %min3A : i32 to vector<16xi32>
          %min3A_385 = arith.minsi %add3A_383, %min3A_384 : vector<16xi32>
          %lt3A_386 = arith.constant 0 : i32
          %lt3A_387 = vector.broadcast %lt3A_386 : i32 to vector<16xi32>
          %lt3A_388 = arith.cmpi slt, %min3A_385, %lt3A_387 : vector<16xi32>
          %add3A_389 = arith.constant 16 : i32
          %add3A_390 = vector.broadcast %add3A_389 : i32 to vector<16xi32>
          %add3A_391 = arith.addi %min3A_385, %add3A_390 : vector<16xi32>
          %select_n3A_392 = arith.select %lt3A_388, %add3A_391, %min3A_385 : vector<16xi1>, vector<16xi32>
          %broadcast_in_dim3A_393 = vector.shape_cast %select_n3A_392 : vector<16xi32> to vector<16x1xi32>
          %gather3A_394 = vector.shape_cast %broadcast_in_dim3A_393 : vector<16x1xi32> to vector<16xi32>
          %gather3A_395 = tpu.dynamic_gather %select_n3A_380[%gather3A_394] in [0] : vector<16xi32>, vector<16xi32> -> vector<16xi32>
          %add3A_396 = arith.constant 1 : i32
          %add3A_397 = vector.broadcast %add3A_396 : i32 to vector<16xi32>
          %add3A_398 = arith.addi %iota3A, %add3A_397 : vector<16xi32>
          %lt3A_399 = arith.constant 16 : i32
          %lt3A_400 = vector.broadcast %lt3A_399 : i32 to vector<16xi32>
          %lt3A_401 = arith.cmpi slt, %add3A_398, %lt3A_400 : vector<16xi32>
          %jit3A_402 = arith.constant 16 : i32
          %broadcast_in_dim3A_403 = vector.broadcast %jit3A_402 : i32 to vector<16xi32>
          %select_n3A_404 = arith.select %lt3A_401, %gather3A_395, %broadcast_in_dim3A_403 : vector<16xi1>, vector<16xi32>
          %min3A_405 = arith.minsi %select_n3A_380, %select_n3A_404 : vector<16xi32>
          %add3A_406 = arith.constant 2 : i32
          %add3A_407 = vector.broadcast %add3A_406 : i32 to vector<16xi32>
          %add3A_408 = arith.addi %iota3A, %add3A_407 : vector<16xi32>
          %min3A_409 = arith.constant 15 : i32
          %min3A_410 = vector.broadcast %min3A_409 : i32 to vector<16xi32>
          %min3A_411 = arith.minsi %add3A_408, %min3A_410 : vector<16xi32>
          %lt3A_412 = arith.constant 0 : i32
          %lt3A_413 = vector.broadcast %lt3A_412 : i32 to vector<16xi32>
          %lt3A_414 = arith.cmpi slt, %min3A_411, %lt3A_413 : vector<16xi32>
          %add3A_415 = arith.constant 16 : i32
          %add3A_416 = vector.broadcast %add3A_415 : i32 to vector<16xi32>
          %add3A_417 = arith.addi %min3A_411, %add3A_416 : vector<16xi32>
          %select_n3A_418 = arith.select %lt3A_414, %add3A_417, %min3A_411 : vector<16xi1>, vector<16xi32>
          %broadcast_in_dim3A_419 = vector.shape_cast %select_n3A_418 : vector<16xi32> to vector<16x1xi32>
          %gather3A_420 = vector.shape_cast %broadcast_in_dim3A_419 : vector<16x1xi32> to vector<16xi32>
          %gather3A_421 = tpu.dynamic_gather %min3A_405[%gather3A_420] in [0] : vector<16xi32>, vector<16xi32> -> vector<16xi32>
          %add3A_422 = arith.constant 2 : i32
          %add3A_423 = vector.broadcast %add3A_422 : i32 to vector<16xi32>
          %add3A_424 = arith.addi %iota3A, %add3A_423 : vector<16xi32>
          %lt3A_425 = arith.constant 16 : i32
          %lt3A_426 = vector.broadcast %lt3A_425 : i32 to vector<16xi32>
          %lt3A_427 = arith.cmpi slt, %add3A_424, %lt3A_426 : vector<16xi32>
          %jit3A_428 = arith.constant 16 : i32
          %broadcast_in_dim3A_429 = vector.broadcast %jit3A_428 : i32 to vector<16xi32>
          %select_n3A_430 = arith.select %lt3A_427, %gather3A_421, %broadcast_in_dim3A_429 : vector<16xi1>, vector<16xi32>
          %min3A_431 = arith.minsi %min3A_405, %select_n3A_430 : vector<16xi32>
          %add3A_432 = arith.constant 4 : i32
          %add3A_433 = vector.broadcast %add3A_432 : i32 to vector<16xi32>
          %add3A_434 = arith.addi %iota3A, %add3A_433 : vector<16xi32>
          %min3A_435 = arith.constant 15 : i32
          %min3A_436 = vector.broadcast %min3A_435 : i32 to vector<16xi32>
          %min3A_437 = arith.minsi %add3A_434, %min3A_436 : vector<16xi32>
          %lt3A_438 = arith.constant 0 : i32
          %lt3A_439 = vector.broadcast %lt3A_438 : i32 to vector<16xi32>
          %lt3A_440 = arith.cmpi slt, %min3A_437, %lt3A_439 : vector<16xi32>
          %add3A_441 = arith.constant 16 : i32
          %add3A_442 = vector.broadcast %add3A_441 : i32 to vector<16xi32>
          %add3A_443 = arith.addi %min3A_437, %add3A_442 : vector<16xi32>
          %select_n3A_444 = arith.select %lt3A_440, %add3A_443, %min3A_437 : vector<16xi1>, vector<16xi32>
          %broadcast_in_dim3A_445 = vector.shape_cast %select_n3A_444 : vector<16xi32> to vector<16x1xi32>
          %gather3A_446 = vector.shape_cast %broadcast_in_dim3A_445 : vector<16x1xi32> to vector<16xi32>
          %gather3A_447 = tpu.dynamic_gather %min3A_431[%gather3A_446] in [0] : vector<16xi32>, vector<16xi32> -> vector<16xi32>
          %add3A_448 = arith.constant 4 : i32
          %add3A_449 = vector.broadcast %add3A_448 : i32 to vector<16xi32>
          %add3A_450 = arith.addi %iota3A, %add3A_449 : vector<16xi32>
          %lt3A_451 = arith.constant 16 : i32
          %lt3A_452 = vector.broadcast %lt3A_451 : i32 to vector<16xi32>
          %lt3A_453 = arith.cmpi slt, %add3A_450, %lt3A_452 : vector<16xi32>
          %jit3A_454 = arith.constant 16 : i32
          %broadcast_in_dim3A_455 = vector.broadcast %jit3A_454 : i32 to vector<16xi32>
          %select_n3A_456 = arith.select %lt3A_453, %gather3A_447, %broadcast_in_dim3A_455 : vector<16xi1>, vector<16xi32>
          %min3A_457 = arith.minsi %min3A_431, %select_n3A_456 : vector<16xi32>
          %add3A_458 = arith.constant 8 : i32
          %add3A_459 = vector.broadcast %add3A_458 : i32 to vector<16xi32>
          %add3A_460 = arith.addi %iota3A, %add3A_459 : vector<16xi32>
          %min3A_461 = arith.constant 15 : i32
          %min3A_462 = vector.broadcast %min3A_461 : i32 to vector<16xi32>
          %min3A_463 = arith.minsi %add3A_460, %min3A_462 : vector<16xi32>
          %lt3A_464 = arith.constant 0 : i32
          %lt3A_465 = vector.broadcast %lt3A_464 : i32 to vector<16xi32>
          %lt3A_466 = arith.cmpi slt, %min3A_463, %lt3A_465 : vector<16xi32>
          %add3A_467 = arith.constant 16 : i32
          %add3A_468 = vector.broadcast %add3A_467 : i32 to vector<16xi32>
          %add3A_469 = arith.addi %min3A_463, %add3A_468 : vector<16xi32>
          %select_n3A_470 = arith.select %lt3A_466, %add3A_469, %min3A_463 : vector<16xi1>, vector<16xi32>
          %broadcast_in_dim3A_471 = vector.shape_cast %select_n3A_470 : vector<16xi32> to vector<16x1xi32>
          %gather3A_472 = vector.shape_cast %broadcast_in_dim3A_471 : vector<16x1xi32> to vector<16xi32>
          %gather3A_473 = tpu.dynamic_gather %min3A_457[%gather3A_472] in [0] : vector<16xi32>, vector<16xi32> -> vector<16xi32>
          %add3A_474 = arith.constant 8 : i32
          %add3A_475 = vector.broadcast %add3A_474 : i32 to vector<16xi32>
          %add3A_476 = arith.addi %iota3A, %add3A_475 : vector<16xi32>
          %lt3A_477 = arith.constant 16 : i32
          %lt3A_478 = vector.broadcast %lt3A_477 : i32 to vector<16xi32>
          %lt3A_479 = arith.cmpi slt, %add3A_476, %lt3A_478 : vector<16xi32>
          %jit3A_480 = arith.constant 16 : i32
          %broadcast_in_dim3A_481 = vector.broadcast %jit3A_480 : i32 to vector<16xi32>
          %select_n3A_482 = arith.select %lt3A_479, %gather3A_473, %broadcast_in_dim3A_481 : vector<16xi1>, vector<16xi32>
          %min3A_483 = arith.minsi %min3A_457, %select_n3A_482 : vector<16xi32>
          %add3A_484 = arith.constant 1 : i32
          %add3A_485 = vector.broadcast %add3A_484 : i32 to vector<16xi32>
          %add3A_486 = arith.addi %iota3A, %add3A_485 : vector<16xi32>
          %min3A_487 = arith.constant 15 : i32
          %min3A_488 = vector.broadcast %min3A_487 : i32 to vector<16xi32>
          %min3A_489 = arith.minsi %add3A_486, %min3A_488 : vector<16xi32>
          %lt3A_490 = arith.constant 0 : i32
          %lt3A_491 = vector.broadcast %lt3A_490 : i32 to vector<16xi32>
          %lt3A_492 = arith.cmpi slt, %min3A_489, %lt3A_491 : vector<16xi32>
          %add3A_493 = arith.constant 16 : i32
          %add3A_494 = vector.broadcast %add3A_493 : i32 to vector<16xi32>
          %add3A_495 = arith.addi %min3A_489, %add3A_494 : vector<16xi32>
          %select_n3A_496 = arith.select %lt3A_492, %add3A_495, %min3A_489 : vector<16xi1>, vector<16xi32>
          %broadcast_in_dim3A_497 = vector.shape_cast %select_n3A_496 : vector<16xi32> to vector<16x1xi32>
          %gather3A_498 = vector.shape_cast %broadcast_in_dim3A_497 : vector<16x1xi32> to vector<16xi32>
          %gather3A_499 = tpu.dynamic_gather %min3A_483[%gather3A_498] in [0] : vector<16xi32>, vector<16xi32> -> vector<16xi32>
          %eq3A_500 = arith.constant 15 : i32
          %eq3A_501 = vector.broadcast %eq3A_500 : i32 to vector<16xi32>
          %eq3A_502 = arith.cmpi eq, %iota3A, %eq3A_501 : vector<16xi32>
          %jit3A_503 = arith.constant 16 : i32
          %broadcast_in_dim3A_504 = vector.broadcast %jit3A_503 : i32 to vector<16xi32>
          %select_n3A_505 = arith.select %eq3A_502, %broadcast_in_dim3A_504, %gather3A_499 : vector<16xi1>, vector<16xi32>
          %sub3A_506 = arith.subi %select_n3A_505, %iota3A : vector<16xi32>
          %convert_element_type3A_507 = arith.sitofp %sub3A_506 : vector<16xi32> to vector<16xf32>
          %shift_right_arithmetic3A = arith.constant 7 : i32
          %shift_right_arithmetic3A_508 = vector.broadcast %shift_right_arithmetic3A : i32 to vector<16xi32>
          %shift_right_arithmetic3A_509 = arith.shrsi %select_n3A_355, %shift_right_arithmetic3A_508 : vector<16xi32>
          %and3A_510 = arith.constant 127 : i32
          %and3A_511 = vector.broadcast %and3A_510 : i32 to vector<16xi32>
          %and3A_512 = arith.andi %select_n3A_355, %and3A_511 : vector<16xi32>
          %and3A_513 = arith.andi %or3A, %and3A_353 : vector<16xi1>
          tpu.vector_store_idx %arg26[%shift_right_arithmetic3A_509, %and3A_512], %convert_element_type3A_507 masked %and3A_513 {add = true} : memref<16x128xf32, #tpu.memory_space<vmem>>[vector<16xi32>, vector<16xi32>], vector<16xf32>, vector<16xi1>
        }
        %scan3A_340 = arith.constant 8 : i32
      } else {
      }
      %convert_element_type3A_296 = arith.extui %and3A_238 : i1 to i32
      %cond3A_297 = arith.constant 0 : i32
      %cond3A_298 = arith.cmpi ne, %convert_element_type3A_296, %cond3A_297 : i32
      scf.if %cond3A_298 {
        %scan3A_335 = arith.constant 0 : i32
        %scan3A_336 = arith.constant 0 : i32
        %scan3A_337 = arith.constant 8 : i32
        %scan3A_338 = arith.addi %scan3A_336, %scan3A_337 : i32
        %scan3A_339 = arith.constant 1 : i32
        scf.for %scan3A_341 = %scan3A_336 to %scan3A_338 step %scan3A_339  : i32 {
          %mul3A_342 = arith.constant 16 : i32
          %mul3A_343 = arith.muli %scan3A_341, %mul3A_342 : i32
          %get3A_344 = arith.index_cast %mul3A_343 : i32 to index
          %get3A_345 = tpu.vector_load %arg17[%get3A_344] {strides = array<i32>} : memref<128xi32, #tpu.memory_space<vmem>>, vector<16xi32>,
          %sub3A = vector.broadcast %mul3A_0 : i32 to vector<16xi32>
          %sub3A_346 = arith.subi %get3A_345, %sub3A : vector<16xi32>
          %ge3A_347 = arith.constant 0 : i32
          %ge3A_348 = vector.broadcast %ge3A_347 : i32 to vector<16xi32>
          %ge3A_349 = arith.cmpi sge, %sub3A_346, %ge3A_348 : vector<16xi32>
          %lt3A_350 = arith.constant 2048 : i32
          %lt3A_351 = vector.broadcast %lt3A_350 : i32 to vector<16xi32>
          %lt3A_352 = arith.cmpi slt, %sub3A_346, %lt3A_351 : vector<16xi32>
          %and3A_353 = arith.andi %ge3A_349, %lt3A_352 : vector<16xi1>
          %jit3A = arith.constant 2048 : i32
          %broadcast_in_dim3A_354 = vector.broadcast %jit3A : i32 to vector<16xi32>
          %select_n3A_355 = arith.select %and3A_353, %sub3A_346, %broadcast_in_dim3A_354 : vector<16xi1>, vector<16xi32>
          %mul3A_356 = arith.constant 16 : i32
          %mul3A_357 = arith.muli %scan3A_341, %mul3A_356 : i32
          %swap3A_358 = arith.index_cast %mul3A_357 : i32 to index
          %swap3A_359 = tpu.vector_load %arg21[%swap3A_358] {strides = array<i32>} : memref<128xi32, #tpu.memory_space<vmem>>, vector<16xi32>,
          tpu.vector_store %arg21[%swap3A_358], %select_n3A_355 {strides = array<i32>} : memref<128xi32, #tpu.memory_space<vmem>>, vector<16xi32>,
          %sub3A_360 = arith.constant 1 : i32
          %sub3A_361 = vector.broadcast %sub3A_360 : i32 to vector<16xi32>
          %sub3A_362 = arith.subi %iota3A, %sub3A_361 : vector<16xi32>
          %max3A = arith.constant 0 : i32
          %max3A_363 = vector.broadcast %max3A : i32 to vector<16xi32>
          %max3A_364 = arith.maxsi %sub3A_362, %max3A_363 : vector<16xi32>
          %lt3A_365 = arith.constant 0 : i32
          %lt3A_366 = vector.broadcast %lt3A_365 : i32 to vector<16xi32>
          %lt3A_367 = arith.cmpi slt, %max3A_364, %lt3A_366 : vector<16xi32>
          %add3A_368 = arith.constant 16 : i32
          %add3A_369 = vector.broadcast %add3A_368 : i32 to vector<16xi32>
          %add3A_370 = arith.addi %max3A_364, %add3A_369 : vector<16xi32>
          %select_n3A_371 = arith.select %lt3A_367, %add3A_370, %max3A_364 : vector<16xi1>, vector<16xi32>
          %broadcast_in_dim3A_372 = vector.shape_cast %select_n3A_371 : vector<16xi32> to vector<16x1xi32>
          %gather3A_373 = vector.shape_cast %broadcast_in_dim3A_372 : vector<16x1xi32> to vector<16xi32>
          %gather3A_374 = tpu.dynamic_gather %select_n3A_355[%gather3A_373] in [0] : vector<16xi32>, vector<16xi32> -> vector<16xi32>
          %ne3A = arith.cmpi ne, %select_n3A_355, %gather3A_374 : vector<16xi32>
          %eq3A_375 = arith.constant 0 : i32
          %eq3A_376 = vector.broadcast %eq3A_375 : i32 to vector<16xi32>
          %eq3A_377 = arith.cmpi eq, %iota3A, %eq3A_376 : vector<16xi32>
          %or3A = arith.ori %ne3A, %eq3A_377 : vector<16xi1>
          %jit3A_378 = arith.constant 16 : i32
          %broadcast_in_dim3A_379 = vector.broadcast %jit3A_378 : i32 to vector<16xi32>
          %select_n3A_380 = arith.select %or3A, %iota3A, %broadcast_in_dim3A_379 : vector<16xi1>, vector<16xi32>
          %add3A_381 = arith.constant 1 : i32
          %add3A_382 = vector.broadcast %add3A_381 : i32 to vector<16xi32>
          %add3A_383 = arith.addi %iota3A, %add3A_382 : vector<16xi32>
          %min3A = arith.constant 15 : i32
          %min3A_384 = vector.broadcast %min3A : i32 to vector<16xi32>
          %min3A_385 = arith.minsi %add3A_383, %min3A_384 : vector<16xi32>
          %lt3A_386 = arith.constant 0 : i32
          %lt3A_387 = vector.broadcast %lt3A_386 : i32 to vector<16xi32>
          %lt3A_388 = arith.cmpi slt, %min3A_385, %lt3A_387 : vector<16xi32>
          %add3A_389 = arith.constant 16 : i32
          %add3A_390 = vector.broadcast %add3A_389 : i32 to vector<16xi32>
          %add3A_391 = arith.addi %min3A_385, %add3A_390 : vector<16xi32>
          %select_n3A_392 = arith.select %lt3A_388, %add3A_391, %min3A_385 : vector<16xi1>, vector<16xi32>
          %broadcast_in_dim3A_393 = vector.shape_cast %select_n3A_392 : vector<16xi32> to vector<16x1xi32>
          %gather3A_394 = vector.shape_cast %broadcast_in_dim3A_393 : vector<16x1xi32> to vector<16xi32>
          %gather3A_395 = tpu.dynamic_gather %select_n3A_380[%gather3A_394] in [0] : vector<16xi32>, vector<16xi32> -> vector<16xi32>
          %add3A_396 = arith.constant 1 : i32
          %add3A_397 = vector.broadcast %add3A_396 : i32 to vector<16xi32>
          %add3A_398 = arith.addi %iota3A, %add3A_397 : vector<16xi32>
          %lt3A_399 = arith.constant 16 : i32
          %lt3A_400 = vector.broadcast %lt3A_399 : i32 to vector<16xi32>
          %lt3A_401 = arith.cmpi slt, %add3A_398, %lt3A_400 : vector<16xi32>
          %jit3A_402 = arith.constant 16 : i32
          %broadcast_in_dim3A_403 = vector.broadcast %jit3A_402 : i32 to vector<16xi32>
          %select_n3A_404 = arith.select %lt3A_401, %gather3A_395, %broadcast_in_dim3A_403 : vector<16xi1>, vector<16xi32>
          %min3A_405 = arith.minsi %select_n3A_380, %select_n3A_404 : vector<16xi32>
          %add3A_406 = arith.constant 2 : i32
          %add3A_407 = vector.broadcast %add3A_406 : i32 to vector<16xi32>
          %add3A_408 = arith.addi %iota3A, %add3A_407 : vector<16xi32>
          %min3A_409 = arith.constant 15 : i32
          %min3A_410 = vector.broadcast %min3A_409 : i32 to vector<16xi32>
          %min3A_411 = arith.minsi %add3A_408, %min3A_410 : vector<16xi32>
          %lt3A_412 = arith.constant 0 : i32
          %lt3A_413 = vector.broadcast %lt3A_412 : i32 to vector<16xi32>
          %lt3A_414 = arith.cmpi slt, %min3A_411, %lt3A_413 : vector<16xi32>
          %add3A_415 = arith.constant 16 : i32
          %add3A_416 = vector.broadcast %add3A_415 : i32 to vector<16xi32>
          %add3A_417 = arith.addi %min3A_411, %add3A_416 : vector<16xi32>
          %select_n3A_418 = arith.select %lt3A_414, %add3A_417, %min3A_411 : vector<16xi1>, vector<16xi32>
          %broadcast_in_dim3A_419 = vector.shape_cast %select_n3A_418 : vector<16xi32> to vector<16x1xi32>
          %gather3A_420 = vector.shape_cast %broadcast_in_dim3A_419 : vector<16x1xi32> to vector<16xi32>
          %gather3A_421 = tpu.dynamic_gather %min3A_405[%gather3A_420] in [0] : vector<16xi32>, vector<16xi32> -> vector<16xi32>
          %add3A_422 = arith.constant 2 : i32
          %add3A_423 = vector.broadcast %add3A_422 : i32 to vector<16xi32>
          %add3A_424 = arith.addi %iota3A, %add3A_423 : vector<16xi32>
          %lt3A_425 = arith.constant 16 : i32
          %lt3A_426 = vector.broadcast %lt3A_425 : i32 to vector<16xi32>
          %lt3A_427 = arith.cmpi slt, %add3A_424, %lt3A_426 : vector<16xi32>
          %jit3A_428 = arith.constant 16 : i32
          %broadcast_in_dim3A_429 = vector.broadcast %jit3A_428 : i32 to vector<16xi32>
          %select_n3A_430 = arith.select %lt3A_427, %gather3A_421, %broadcast_in_dim3A_429 : vector<16xi1>, vector<16xi32>
          %min3A_431 = arith.minsi %min3A_405, %select_n3A_430 : vector<16xi32>
          %add3A_432 = arith.constant 4 : i32
          %add3A_433 = vector.broadcast %add3A_432 : i32 to vector<16xi32>
          %add3A_434 = arith.addi %iota3A, %add3A_433 : vector<16xi32>
          %min3A_435 = arith.constant 15 : i32
          %min3A_436 = vector.broadcast %min3A_435 : i32 to vector<16xi32>
          %min3A_437 = arith.minsi %add3A_434, %min3A_436 : vector<16xi32>
          %lt3A_438 = arith.constant 0 : i32
          %lt3A_439 = vector.broadcast %lt3A_438 : i32 to vector<16xi32>
          %lt3A_440 = arith.cmpi slt, %min3A_437, %lt3A_439 : vector<16xi32>
          %add3A_441 = arith.constant 16 : i32
          %add3A_442 = vector.broadcast %add3A_441 : i32 to vector<16xi32>
          %add3A_443 = arith.addi %min3A_437, %add3A_442 : vector<16xi32>
          %select_n3A_444 = arith.select %lt3A_440, %add3A_443, %min3A_437 : vector<16xi1>, vector<16xi32>
          %broadcast_in_dim3A_445 = vector.shape_cast %select_n3A_444 : vector<16xi32> to vector<16x1xi32>
          %gather3A_446 = vector.shape_cast %broadcast_in_dim3A_445 : vector<16x1xi32> to vector<16xi32>
          %gather3A_447 = tpu.dynamic_gather %min3A_431[%gather3A_446] in [0] : vector<16xi32>, vector<16xi32> -> vector<16xi32>
          %add3A_448 = arith.constant 4 : i32
          %add3A_449 = vector.broadcast %add3A_448 : i32 to vector<16xi32>
          %add3A_450 = arith.addi %iota3A, %add3A_449 : vector<16xi32>
          %lt3A_451 = arith.constant 16 : i32
          %lt3A_452 = vector.broadcast %lt3A_451 : i32 to vector<16xi32>
          %lt3A_453 = arith.cmpi slt, %add3A_450, %lt3A_452 : vector<16xi32>
          %jit3A_454 = arith.constant 16 : i32
          %broadcast_in_dim3A_455 = vector.broadcast %jit3A_454 : i32 to vector<16xi32>
          %select_n3A_456 = arith.select %lt3A_453, %gather3A_447, %broadcast_in_dim3A_455 : vector<16xi1>, vector<16xi32>
          %min3A_457 = arith.minsi %min3A_431, %select_n3A_456 : vector<16xi32>
          %add3A_458 = arith.constant 8 : i32
          %add3A_459 = vector.broadcast %add3A_458 : i32 to vector<16xi32>
          %add3A_460 = arith.addi %iota3A, %add3A_459 : vector<16xi32>
          %min3A_461 = arith.constant 15 : i32
          %min3A_462 = vector.broadcast %min3A_461 : i32 to vector<16xi32>
          %min3A_463 = arith.minsi %add3A_460, %min3A_462 : vector<16xi32>
          %lt3A_464 = arith.constant 0 : i32
          %lt3A_465 = vector.broadcast %lt3A_464 : i32 to vector<16xi32>
          %lt3A_466 = arith.cmpi slt, %min3A_463, %lt3A_465 : vector<16xi32>
          %add3A_467 = arith.constant 16 : i32
          %add3A_468 = vector.broadcast %add3A_467 : i32 to vector<16xi32>
          %add3A_469 = arith.addi %min3A_463, %add3A_468 : vector<16xi32>
          %select_n3A_470 = arith.select %lt3A_466, %add3A_469, %min3A_463 : vector<16xi1>, vector<16xi32>
          %broadcast_in_dim3A_471 = vector.shape_cast %select_n3A_470 : vector<16xi32> to vector<16x1xi32>
          %gather3A_472 = vector.shape_cast %broadcast_in_dim3A_471 : vector<16x1xi32> to vector<16xi32>
          %gather3A_473 = tpu.dynamic_gather %min3A_457[%gather3A_472] in [0] : vector<16xi32>, vector<16xi32> -> vector<16xi32>
          %add3A_474 = arith.constant 8 : i32
          %add3A_475 = vector.broadcast %add3A_474 : i32 to vector<16xi32>
          %add3A_476 = arith.addi %iota3A, %add3A_475 : vector<16xi32>
          %lt3A_477 = arith.constant 16 : i32
          %lt3A_478 = vector.broadcast %lt3A_477 : i32 to vector<16xi32>
          %lt3A_479 = arith.cmpi slt, %add3A_476, %lt3A_478 : vector<16xi32>
          %jit3A_480 = arith.constant 16 : i32
          %broadcast_in_dim3A_481 = vector.broadcast %jit3A_480 : i32 to vector<16xi32>
          %select_n3A_482 = arith.select %lt3A_479, %gather3A_473, %broadcast_in_dim3A_481 : vector<16xi1>, vector<16xi32>
          %min3A_483 = arith.minsi %min3A_457, %select_n3A_482 : vector<16xi32>
          %add3A_484 = arith.constant 1 : i32
          %add3A_485 = vector.broadcast %add3A_484 : i32 to vector<16xi32>
          %add3A_486 = arith.addi %iota3A, %add3A_485 : vector<16xi32>
          %min3A_487 = arith.constant 15 : i32
          %min3A_488 = vector.broadcast %min3A_487 : i32 to vector<16xi32>
          %min3A_489 = arith.minsi %add3A_486, %min3A_488 : vector<16xi32>
          %lt3A_490 = arith.constant 0 : i32
          %lt3A_491 = vector.broadcast %lt3A_490 : i32 to vector<16xi32>
          %lt3A_492 = arith.cmpi slt, %min3A_489, %lt3A_491 : vector<16xi32>
          %add3A_493 = arith.constant 16 : i32
          %add3A_494 = vector.broadcast %add3A_493 : i32 to vector<16xi32>
          %add3A_495 = arith.addi %min3A_489, %add3A_494 : vector<16xi32>
          %select_n3A_496 = arith.select %lt3A_492, %add3A_495, %min3A_489 : vector<16xi1>, vector<16xi32>
          %broadcast_in_dim3A_497 = vector.shape_cast %select_n3A_496 : vector<16xi32> to vector<16x1xi32>
          %gather3A_498 = vector.shape_cast %broadcast_in_dim3A_497 : vector<16x1xi32> to vector<16xi32>
          %gather3A_499 = tpu.dynamic_gather %min3A_483[%gather3A_498] in [0] : vector<16xi32>, vector<16xi32> -> vector<16xi32>
          %eq3A_500 = arith.constant 15 : i32
          %eq3A_501 = vector.broadcast %eq3A_500 : i32 to vector<16xi32>
          %eq3A_502 = arith.cmpi eq, %iota3A, %eq3A_501 : vector<16xi32>
          %jit3A_503 = arith.constant 16 : i32
          %broadcast_in_dim3A_504 = vector.broadcast %jit3A_503 : i32 to vector<16xi32>
          %select_n3A_505 = arith.select %eq3A_502, %broadcast_in_dim3A_504, %gather3A_499 : vector<16xi1>, vector<16xi32>
          %sub3A_506 = arith.subi %select_n3A_505, %iota3A : vector<16xi32>
          %convert_element_type3A_507 = arith.sitofp %sub3A_506 : vector<16xi32> to vector<16xf32>
          %shift_right_arithmetic3A = arith.constant 7 : i32
          %shift_right_arithmetic3A_508 = vector.broadcast %shift_right_arithmetic3A : i32 to vector<16xi32>
          %shift_right_arithmetic3A_509 = arith.shrsi %select_n3A_355, %shift_right_arithmetic3A_508 : vector<16xi32>
          %and3A_510 = arith.constant 127 : i32
          %and3A_511 = vector.broadcast %and3A_510 : i32 to vector<16xi32>
          %and3A_512 = arith.andi %select_n3A_355, %and3A_511 : vector<16xi32>
          %and3A_513 = arith.andi %or3A, %and3A_353 : vector<16xi1>
          tpu.vector_store_idx %arg26[%shift_right_arithmetic3A_509, %and3A_512], %convert_element_type3A_507 masked %and3A_513 {add = true} : memref<16x128xf32, #tpu.memory_space<vmem>>[vector<16xi32>, vector<16xi32>], vector<16xf32>, vector<16xi1>
        }
        %scan3A_340 = arith.constant 8 : i32
      } else {
      }
      %convert_element_type3A_299 = arith.extui %and3A : i1 to i32
      %cond3A_300 = arith.constant 0 : i32
      %cond3A_301 = arith.cmpi ne, %convert_element_type3A_299, %cond3A_300 : i32
      scf.if %cond3A_301 {
        %dma_wait3A = arith.constant 0 : i32
        %dma_wait3A_335 = arith.constant 0 : i32
        %dma_wait3A_336 = tpu.memref_slice %arg4[%dma_wait3A, %dma_wait3A_335] : memref<20000x128xf32, #tpu.memory_space<hbm>> -> memref<20000x128xf32, #tpu.memory_space<hbm>>
        tpu.wait_indirect_dma semaphore(%arg31 : memref<!tpu.dma_semaphore, #tpu.memory_space<semaphore_mem>>) src(%dma_wait3A_336 : memref<20000x128xf32, #tpu.memory_space<hbm>>) dst(%arg22 : memref<128x128xf32, #tpu.memory_space<vmem>>)
      } else {
      }
      %convert_element_type3A_302 = arith.extui %and3A_152 : i1 to i32
      %cond3A_303 = arith.constant 0 : i32
      %cond3A_304 = arith.cmpi ne, %convert_element_type3A_302, %cond3A_303 : i32
      scf.if %cond3A_304 {
        %dma_wait3A = arith.constant 0 : i32
        %dma_wait3A_335 = arith.constant 0 : i32
        %dma_wait3A_336 = tpu.memref_slice %arg4[%dma_wait3A, %dma_wait3A_335] : memref<20000x128xf32, #tpu.memory_space<hbm>> -> memref<20000x128xf32, #tpu.memory_space<hbm>>
        tpu.wait_indirect_dma semaphore(%arg32 : memref<!tpu.dma_semaphore, #tpu.memory_space<semaphore_mem>>) src(%dma_wait3A_336 : memref<20000x128xf32, #tpu.memory_space<hbm>>) dst(%arg23 : memref<128x128xf32, #tpu.memory_space<vmem>>)
      } else {
      }
      %convert_element_type3A_305 = arith.extui %and3A_195 : i1 to i32
      %cond3A_306 = arith.constant 0 : i32
      %cond3A_307 = arith.cmpi ne, %convert_element_type3A_305, %cond3A_306 : i32
      scf.if %cond3A_307 {
        %dma_wait3A = arith.constant 0 : i32
        %dma_wait3A_335 = arith.constant 0 : i32
        %dma_wait3A_336 = tpu.memref_slice %arg4[%dma_wait3A, %dma_wait3A_335] : memref<20000x128xf32, #tpu.memory_space<hbm>> -> memref<20000x128xf32, #tpu.memory_space<hbm>>
        tpu.wait_indirect_dma semaphore(%arg33 : memref<!tpu.dma_semaphore, #tpu.memory_space<semaphore_mem>>) src(%dma_wait3A_336 : memref<20000x128xf32, #tpu.memory_space<hbm>>) dst(%arg24 : memref<128x128xf32, #tpu.memory_space<vmem>>)
      } else {
      }
      %convert_element_type3A_308 = arith.extui %and3A_238 : i1 to i32
      %cond3A_309 = arith.constant 0 : i32
      %cond3A_310 = arith.cmpi ne, %convert_element_type3A_308, %cond3A_309 : i32
      scf.if %cond3A_310 {
        %dma_wait3A = arith.constant 0 : i32
        %dma_wait3A_335 = arith.constant 0 : i32
        %dma_wait3A_336 = tpu.memref_slice %arg4[%dma_wait3A, %dma_wait3A_335] : memref<20000x128xf32, #tpu.memory_space<hbm>> -> memref<20000x128xf32, #tpu.memory_space<hbm>>
        tpu.wait_indirect_dma semaphore(%arg34 : memref<!tpu.dma_semaphore, #tpu.memory_space<semaphore_mem>>) src(%dma_wait3A_336 : memref<20000x128xf32, #tpu.memory_space<hbm>>) dst(%arg25 : memref<128x128xf32, #tpu.memory_space<vmem>>)
      } else {
      }
      %convert_element_type3A_311 = arith.extui %and3A : i1 to i32
      %cond3A_312 = arith.constant 0 : i32
      %cond3A_313 = arith.cmpi ne, %convert_element_type3A_311, %cond3A_312 : i32
      scf.if %cond3A_313 {
        %dma_start3A = arith.constant 0 : i32
        %dma_start3A_335 = arith.constant 0 : i32
        %dma_start3A_336 = tpu.memref_slice %arg29[%dma_start3A, %dma_start3A_335] : memref<2056x128xf32, #tpu.memory_space<vmem_shared>> -> memref<2056x128xf32, #tpu.memory_space<vmem_shared>>
        tpu.enqueue_indirect_dma source(%arg22 : memref<128x128xf32, #tpu.memory_space<vmem>>) target(%dma_start3A_336 : memref<2056x128xf32, #tpu.memory_space<vmem_shared>>) offsets(%arg18 : memref<128xi32, #tpu.memory_space<vmem>>) semaphore(%arg31 : memref<!tpu.dma_semaphore, #tpu.memory_space<semaphore_mem>>) {add = true}
      } else {
      }
      %convert_element_type3A_314 = arith.extui %and3A_152 : i1 to i32
      %cond3A_315 = arith.constant 0 : i32
      %cond3A_316 = arith.cmpi ne, %convert_element_type3A_314, %cond3A_315 : i32
      scf.if %cond3A_316 {
        %dma_start3A = arith.constant 0 : i32
        %dma_start3A_335 = arith.constant 0 : i32
        %dma_start3A_336 = tpu.memref_slice %arg29[%dma_start3A, %dma_start3A_335] : memref<2056x128xf32, #tpu.memory_space<vmem_shared>> -> memref<2056x128xf32, #tpu.memory_space<vmem_shared>>
        tpu.enqueue_indirect_dma source(%arg23 : memref<128x128xf32, #tpu.memory_space<vmem>>) target(%dma_start3A_336 : memref<2056x128xf32, #tpu.memory_space<vmem_shared>>) offsets(%arg19 : memref<128xi32, #tpu.memory_space<vmem>>) semaphore(%arg32 : memref<!tpu.dma_semaphore, #tpu.memory_space<semaphore_mem>>) {add = true}
      } else {
      }
      %convert_element_type3A_317 = arith.extui %and3A_195 : i1 to i32
      %cond3A_318 = arith.constant 0 : i32
      %cond3A_319 = arith.cmpi ne, %convert_element_type3A_317, %cond3A_318 : i32
      scf.if %cond3A_319 {
        %dma_start3A = arith.constant 0 : i32
        %dma_start3A_335 = arith.constant 0 : i32
        %dma_start3A_336 = tpu.memref_slice %arg29[%dma_start3A, %dma_start3A_335] : memref<2056x128xf32, #tpu.memory_space<vmem_shared>> -> memref<2056x128xf32, #tpu.memory_space<vmem_shared>>
        tpu.enqueue_indirect_dma source(%arg24 : memref<128x128xf32, #tpu.memory_space<vmem>>) target(%dma_start3A_336 : memref<2056x128xf32, #tpu.memory_space<vmem_shared>>) offsets(%arg20 : memref<128xi32, #tpu.memory_space<vmem>>) semaphore(%arg33 : memref<!tpu.dma_semaphore, #tpu.memory_space<semaphore_mem>>) {add = true}
      } else {
      }
      %convert_element_type3A_320 = arith.extui %and3A_238 : i1 to i32
      %cond3A_321 = arith.constant 0 : i32
      %cond3A_322 = arith.cmpi ne, %convert_element_type3A_320, %cond3A_321 : i32
      scf.if %cond3A_322 {
        %dma_start3A = arith.constant 0 : i32
        %dma_start3A_335 = arith.constant 0 : i32
        %dma_start3A_336 = tpu.memref_slice %arg29[%dma_start3A, %dma_start3A_335] : memref<2056x128xf32, #tpu.memory_space<vmem_shared>> -> memref<2056x128xf32, #tpu.memory_space<vmem_shared>>
        tpu.enqueue_indirect_dma source(%arg25 : memref<128x128xf32, #tpu.memory_space<vmem>>) target(%dma_start3A_336 : memref<2056x128xf32, #tpu.memory_space<vmem_shared>>) offsets(%arg21 : memref<128xi32, #tpu.memory_space<vmem>>) semaphore(%arg34 : memref<!tpu.dma_semaphore, #tpu.memory_space<semaphore_mem>>) {add = true}
      } else {
      }
      %convert_element_type3A_323 = arith.extui %and3A : i1 to i32
      %cond3A_324 = arith.constant 0 : i32
      %cond3A_325 = arith.cmpi ne, %convert_element_type3A_323, %cond3A_324 : i32
      scf.if %cond3A_325 {
        %dma_wait3A = arith.constant 0 : i32
        %dma_wait3A_335 = arith.constant 0 : i32
        %dma_wait3A_336 = tpu.memref_slice %arg29[%dma_wait3A, %dma_wait3A_335] : memref<2056x128xf32, #tpu.memory_space<vmem_shared>> -> memref<2056x128xf32, #tpu.memory_space<vmem_shared>>
        tpu.wait_indirect_dma semaphore(%arg31 : memref<!tpu.dma_semaphore, #tpu.memory_space<semaphore_mem>>) src(%arg22 : memref<128x128xf32, #tpu.memory_space<vmem>>) dst(%dma_wait3A_336 : memref<2056x128xf32, #tpu.memory_space<vmem_shared>>)
      } else {
      }
      %convert_element_type3A_326 = arith.extui %and3A_152 : i1 to i32
      %cond3A_327 = arith.constant 0 : i32
      %cond3A_328 = arith.cmpi ne, %convert_element_type3A_326, %cond3A_327 : i32
      scf.if %cond3A_328 {
        %dma_wait3A = arith.constant 0 : i32
        %dma_wait3A_335 = arith.constant 0 : i32
        %dma_wait3A_336 = tpu.memref_slice %arg29[%dma_wait3A, %dma_wait3A_335] : memref<2056x128xf32, #tpu.memory_space<vmem_shared>> -> memref<2056x128xf32, #tpu.memory_space<vmem_shared>>
        tpu.wait_indirect_dma semaphore(%arg32 : memref<!tpu.dma_semaphore, #tpu.memory_space<semaphore_mem>>) src(%arg23 : memref<128x128xf32, #tpu.memory_space<vmem>>) dst(%dma_wait3A_336 : memref<2056x128xf32, #tpu.memory_space<vmem_shared>>)
      } else {
      }
      %convert_element_type3A_329 = arith.extui %and3A_195 : i1 to i32
      %cond3A_330 = arith.constant 0 : i32
      %cond3A_331 = arith.cmpi ne, %convert_element_type3A_329, %cond3A_330 : i32
      scf.if %cond3A_331 {
        %dma_wait3A = arith.constant 0 : i32
        %dma_wait3A_335 = arith.constant 0 : i32
        %dma_wait3A_336 = tpu.memref_slice %arg29[%dma_wait3A, %dma_wait3A_335] : memref<2056x128xf32, #tpu.memory_space<vmem_shared>> -> memref<2056x128xf32, #tpu.memory_space<vmem_shared>>
        tpu.wait_indirect_dma semaphore(%arg33 : memref<!tpu.dma_semaphore, #tpu.memory_space<semaphore_mem>>) src(%arg24 : memref<128x128xf32, #tpu.memory_space<vmem>>) dst(%dma_wait3A_336 : memref<2056x128xf32, #tpu.memory_space<vmem_shared>>)
      } else {
      }
      %convert_element_type3A_332 = arith.extui %and3A_238 : i1 to i32
      %cond3A_333 = arith.constant 0 : i32
      %cond3A_334 = arith.cmpi ne, %convert_element_type3A_332, %cond3A_333 : i32
      scf.if %cond3A_334 {
        %dma_wait3A = arith.constant 0 : i32
        %dma_wait3A_335 = arith.constant 0 : i32
        %dma_wait3A_336 = tpu.memref_slice %arg29[%dma_wait3A, %dma_wait3A_335] : memref<2056x128xf32, #tpu.memory_space<vmem_shared>> -> memref<2056x128xf32, #tpu.memory_space<vmem_shared>>
        tpu.wait_indirect_dma semaphore(%arg34 : memref<!tpu.dma_semaphore, #tpu.memory_space<semaphore_mem>>) src(%arg25 : memref<128x128xf32, #tpu.memory_space<vmem>>) dst(%dma_wait3A_336 : memref<2056x128xf32, #tpu.memory_space<vmem_shared>>)
      } else {
      }
    }
    %scan3A_29 = arith.constant 8 : i32
    "tpu.region"() ({
      %run_scoped3A = tpu.sem_alloc : memref<!tpu.dma_semaphore, #tpu.memory_space<semaphore_mem>>
      %dma_start3A = arith.constant 0 : i32
      %dma_start3A_38 = arith.constant 0 : i32
      %dma_start3A_39 = tpu.memref_slice %arg30[%dma_start3A, %dma_start3A_38] : memref<16x128xf32, #tpu.memory_space<vmem_shared>> -> memref<16x128xf32, #tpu.memory_space<vmem_shared>>
      tpu.enqueue_indirect_dma source(%arg26 : memref<16x128xf32, #tpu.memory_space<vmem>>) target(%dma_start3A_39 : memref<16x128xf32, #tpu.memory_space<vmem_shared>>) offsets(%arg27 : memref<16xi32, #tpu.memory_space<vmem>>) semaphore(%run_scoped3A : memref<!tpu.dma_semaphore, #tpu.memory_space<semaphore_mem>>) {add = true}
      %dma_wait3A = arith.constant 0 : i32
      %dma_wait3A_40 = arith.constant 0 : i32
      %dma_wait3A_41 = tpu.memref_slice %arg30[%dma_wait3A, %dma_wait3A_40] : memref<16x128xf32, #tpu.memory_space<vmem_shared>> -> memref<16x128xf32, #tpu.memory_space<vmem_shared>>
      tpu.wait_indirect_dma semaphore(%run_scoped3A : memref<!tpu.dma_semaphore, #tpu.memory_space<semaphore_mem>>) src(%arg26 : memref<16x128xf32, #tpu.memory_space<vmem>>) dst(%dma_wait3A_41 : memref<16x128xf32, #tpu.memory_space<vmem_shared>>)
      tpu.yield
    }) : () -> ()
    %barrier3A_30 = arith.constant 0 : index
    tpu.barrier barrier_id(%barrier3A_30)
    %mul3A_31 = arith.constant 2048 : i32
    %mul3A_32 = arith.muli %arg0, %mul3A_31 : i32
    %add3A_33 = arith.addi %mul3A_32, %mul3A_2 : i32
    "tpu.region"() ({
      %run_scoped3A = tpu.sem_alloc : memref<!tpu.dma_semaphore, #tpu.memory_space<semaphore_mem>>
      %dma_start3A = arith.constant 0 : i32
      %dma_start3A_38 = tpu.memref_slice %arg8[%add3A_33, %dma_start3A] : memref<4096x128xf32, #tpu.memory_space<hbm>> -> memref<128x128xf32, #tpu.memory_space<hbm>>
      %dma_start3A_39 = arith.constant 0 : i32
      %dma_start3A_40 = tpu.memref_slice %arg29[%mul3A_2, %dma_start3A_39] : memref<2056x128xf32, #tpu.memory_space<vmem_shared>> -> memref<128x128xf32, #tpu.memory_space<vmem_shared>>
      tpu.enqueue_dma source(%dma_start3A_40 : memref<128x128xf32, #tpu.memory_space<vmem_shared>>) target(%dma_start3A_38 : memref<128x128xf32, #tpu.memory_space<hbm>>) target_semaphore(%run_scoped3A : memref<!tpu.dma_semaphore, #tpu.memory_space<semaphore_mem>>)
      %dma_wait3A = arith.constant 0 : i32
      %dma_wait3A_41 = tpu.memref_slice %arg8[%add3A_33, %dma_wait3A] : memref<4096x128xf32, #tpu.memory_space<hbm>> -> memref<128x128xf32, #tpu.memory_space<hbm>>
      %dma_wait3A_42 = arith.constant 0 : i32
      %dma_wait3A_43 = tpu.memref_slice %arg29[%mul3A_2, %dma_wait3A_42] : memref<2056x128xf32, #tpu.memory_space<vmem_shared>> -> memref<128x128xf32, #tpu.memory_space<vmem_shared>>
      tpu.wait_dma2 semaphore(%run_scoped3A : memref<!tpu.dma_semaphore, #tpu.memory_space<semaphore_mem>>) src(%dma_wait3A_43 : memref<128x128xf32, #tpu.memory_space<vmem_shared>>) dst(%dma_wait3A_41 : memref<128x128xf32, #tpu.memory_space<hbm>>)
      tpu.yield
    }) : () -> ()
    %lt3A = arith.constant 2 : i32
    %lt3A_34 = arith.cmpi slt, %arg1, %lt3A : i32
    %convert_element_type3A_35 = arith.extui %lt3A_34 : i1 to i32
    %cond3A_36 = arith.constant 0 : i32
    %cond3A_37 = arith.cmpi ne, %convert_element_type3A_35, %cond3A_36 : i32
    scf.if %cond3A_37 {
      %mul3A_38 = arith.constant 8 : i32
      %mul3A_39 = arith.muli %arg1, %mul3A_38 : i32
      %mul3A_40 = arith.constant 16 : i32
      %mul3A_41 = arith.muli %arg0, %mul3A_40 : i32
      %mul3A_42 = arith.constant 8 : i32
      %mul3A_43 = arith.muli %arg1, %mul3A_42 : i32
      %add3A_44 = arith.addi %mul3A_41, %mul3A_43 : i32
      "tpu.region"() ({
        %run_scoped3A = tpu.sem_alloc : memref<!tpu.dma_semaphore, #tpu.memory_space<semaphore_mem>>
        %dma_start3A = arith.constant 0 : i32
        %dma_start3A_45 = tpu.memref_slice %arg9[%add3A_44, %dma_start3A] : memref<32x128xf32, #tpu.memory_space<hbm>> -> memref<8x128xf32, #tpu.memory_space<hbm>>
        %dma_start3A_46 = arith.constant 0 : i32
        %dma_start3A_47 = tpu.memref_slice %arg30[%mul3A_39, %dma_start3A_46] : memref<16x128xf32, #tpu.memory_space<vmem_shared>> -> memref<8x128xf32, #tpu.memory_space<vmem_shared>>
        tpu.enqueue_dma source(%dma_start3A_47 : memref<8x128xf32, #tpu.memory_space<vmem_shared>>) target(%dma_start3A_45 : memref<8x128xf32, #tpu.memory_space<hbm>>) target_semaphore(%run_scoped3A : memref<!tpu.dma_semaphore, #tpu.memory_space<semaphore_mem>>)
        %dma_wait3A = arith.constant 0 : i32
        %dma_wait3A_48 = tpu.memref_slice %arg9[%add3A_44, %dma_wait3A] : memref<32x128xf32, #tpu.memory_space<hbm>> -> memref<8x128xf32, #tpu.memory_space<hbm>>
        %dma_wait3A_49 = arith.constant 0 : i32
        %dma_wait3A_50 = tpu.memref_slice %arg30[%mul3A_39, %dma_wait3A_49] : memref<16x128xf32, #tpu.memory_space<vmem_shared>> -> memref<8x128xf32, #tpu.memory_space<vmem_shared>>
        tpu.wait_dma2 semaphore(%run_scoped3A : memref<!tpu.dma_semaphore, #tpu.memory_space<semaphore_mem>>) src(%dma_wait3A_50 : memref<8x128xf32, #tpu.memory_space<vmem_shared>>) dst(%dma_wait3A_48 : memref<8x128xf32, #tpu.memory_space<hbm>>)
        tpu.yield
      }) : () -> ()
    } else {
    }
    return
  }
}

module attributes {stable_mosaic.version = 14 : i64} {
  func.func @_tc_layer0(%arg0: i32, %arg1: memref<2000x128xf32, #tpu.memory_space<vmem>>, %arg2: memref<2000x1xf32, #tpu.memory_space<vmem>>, %arg3: memref<2000x128xf32, #tpu.memory_space<vmem>>, %arg4: memref<128x128xf32, #tpu.memory_space<vmem>>, %arg5: memref<128x128xf32, #tpu.memory_space<vmem>>, %arg6: memref<1x128xf32, #tpu.memory_space<vmem>>, %arg7: memref<2000x128xf32, #tpu.memory_space<vmem>>) attributes {dimension_semantics = [#tpu.dimension_semantics<arbitrary>], iteration_bounds = array<i64: 10>, scalar_prefetch = 0 : i64, scratch_operands = 0 : i64, tpu.core_type = #tpu.core_type<tc>, window_params = [{transform_indices = @transform_0, window_bounds = array<i64: 2000, 128>}, {transform_indices = @transform_1, window_bounds = array<i64: 2000, 1>}, {transform_indices = @transform_2, window_bounds = array<i64: 2000, 128>}, {pipeline_mode = #tpu.pipeline_mode<synchronous>, transform_indices = @transform_3, window_bounds = array<i64: 128, 128>}, {pipeline_mode = #tpu.pipeline_mode<synchronous>, transform_indices = @transform_4, window_bounds = array<i64: 128, 128>}, {pipeline_mode = #tpu.pipeline_mode<synchronous>, transform_indices = @transform_5, window_bounds = array<i64: 1, 128>}, {transform_indices = @transform_6, window_bounds = array<i64: 2000, 128>}]} {
    %get3A = arith.constant 0 : index
    %get3A_0 = arith.constant 0 : index
    %get3A_1 = vector.load %arg2[%get3A, %get3A_0] : memref<2000x1xf32, #tpu.memory_space<vmem>>, vector<2000x1xf32>
    %max3A = arith.constant 1.000000e+00 : f32
    %max3A_2 = vector.broadcast %max3A : f32 to vector<2000x1xf32>
    %max3A_3 = arith.maximumf %get3A_1, %max3A_2 : vector<2000x1xf32>
    %div3A = arith.constant 1.000000e+00 : f32
    %div3A_4 = vector.broadcast %div3A : f32 to vector<2000x1xf32>
    %div3A_5 = arith.divf %div3A_4, %max3A_3 : vector<2000x1xf32>
    %get3A_6 = arith.constant 0 : index
    %get3A_7 = arith.constant 0 : index
    %get3A_8 = vector.load %arg1[%get3A_6, %get3A_7] : memref<2000x128xf32, #tpu.memory_space<vmem>>, vector<2000x128xf32>
    %mul3A = vector.broadcast %div3A_5 : vector<2000x1xf32> to vector<2000x128xf32>
    %mul3A_9 = arith.mulf %get3A_8, %mul3A : vector<2000x128xf32>
    %get3A_10 = arith.constant 0 : index
    %get3A_11 = arith.constant 0 : index
    %get3A_12 = vector.load %arg4[%get3A_10, %get3A_11] : memref<128x128xf32, #tpu.memory_space<vmem>>, vector<128x128xf32>
    %dot_general3A = arith.constant dense<0.000000e+00> : vector<2000x128xf32>
    %dot_general3A_13 = tpu.matmul %mul3A_9, %get3A_12, %dot_general3A {dimension_numbers = #tpu.dot_dimension_numbers<[1], [0], [0], [1], [0, 0, 1, 1], [], []>, transpose_lhs_hint = false} : vector<2000x128xf32>, vector<128x128xf32>, vector<2000x128xf32> -> vector<2000x128xf32>
    %get3A_14 = arith.constant 0 : index
    %get3A_15 = arith.constant 0 : index
    %get3A_16 = vector.load %arg3[%get3A_14, %get3A_15] : memref<2000x128xf32, #tpu.memory_space<vmem>>, vector<2000x128xf32>
    %get3A_17 = arith.constant 0 : index
    %get3A_18 = arith.constant 0 : index
    %get3A_19 = vector.load %arg5[%get3A_17, %get3A_18] : memref<128x128xf32, #tpu.memory_space<vmem>>, vector<128x128xf32>
    %dot_general3A_20 = arith.constant dense<0.000000e+00> : vector<2000x128xf32>
    %dot_general3A_21 = tpu.matmul %get3A_16, %get3A_19, %dot_general3A_20 {dimension_numbers = #tpu.dot_dimension_numbers<[1], [0], [0], [1], [0, 0, 1, 1], [], []>, transpose_lhs_hint = false} : vector<2000x128xf32>, vector<128x128xf32>, vector<2000x128xf32> -> vector<2000x128xf32>
    %add3A = arith.addf %dot_general3A_13, %dot_general3A_21 : vector<2000x128xf32>
    %get3A_22 = arith.constant 0 : index
    %get3A_23 = arith.constant 0 : index
    %get3A_24 = vector.load %arg6[%get3A_22, %get3A_23] : memref<1x128xf32, #tpu.memory_space<vmem>>, vector<1x128xf32>
    %add3A_25 = vector.broadcast %get3A_24 : vector<1x128xf32> to vector<2000x128xf32>
    %add3A_26 = arith.addf %add3A, %add3A_25 : vector<2000x128xf32>
    %max3A_27 = arith.constant 0.000000e+00 : f32
    %max3A_28 = vector.broadcast %max3A_27 : f32 to vector<2000x128xf32>
    %max3A_29 = arith.maximumf %add3A_26, %max3A_28 : vector<2000x128xf32>
    %swap3A = arith.constant 0 : index
    %swap3A_30 = arith.constant 0 : index
    %swap3A_31 = vector.load %arg7[%swap3A, %swap3A_30] : memref<2000x128xf32, #tpu.memory_space<vmem>>, vector<2000x128xf32>
    tpu.vector_store %arg7[%swap3A, %swap3A_30], %max3A_29 {strides = array<i32>} : memref<2000x128xf32, #tpu.memory_space<vmem>>, vector<2000x128xf32>,
    return
  }
  func.func @transform_0(%arg0: i32) -> (i32, i32) {
    %c0_i32 = arith.constant 0 : i32
    %c0_i32_0 = arith.constant 0 : i32
    return %arg0, %c0_i32 : i32, i32
  }
  func.func @transform_1(%arg0: i32) -> (i32, i32) {
    %c0_i32 = arith.constant 0 : i32
    %c0_i32_0 = arith.constant 0 : i32
    return %arg0, %c0_i32 : i32, i32
  }
  func.func @transform_2(%arg0: i32) -> (i32, i32) {
    %c0_i32 = arith.constant 0 : i32
    %c0_i32_0 = arith.constant 0 : i32
    return %arg0, %c0_i32 : i32, i32
  }
  func.func @transform_3(%arg0: i32) -> (i32, i32) {
    %c0_i32 = arith.constant 0 : i32
    %c0_i32_0 = arith.constant 0 : i32
    %c0_i32_1 = arith.constant 0 : i32
    return %c0_i32, %c0_i32_0 : i32, i32
  }
  func.func @transform_4(%arg0: i32) -> (i32, i32) {
    %c0_i32 = arith.constant 0 : i32
    %c0_i32_0 = arith.constant 0 : i32
    %c0_i32_1 = arith.constant 0 : i32
    return %c0_i32, %c0_i32_0 : i32, i32
  }
  func.func @transform_5(%arg0: i32) -> (i32, i32) {
    %c0_i32 = arith.constant 0 : i32
    %c0_i32_0 = arith.constant 0 : i32
    %c0_i32_1 = arith.constant 0 : i32
    return %c0_i32, %c0_i32_0 : i32, i32
  }
  func.func @transform_6(%arg0: i32) -> (i32, i32) {
    %c0_i32 = arith.constant 0 : i32
    %c0_i32_0 = arith.constant 0 : i32
    return %arg0, %c0_i32 : i32, i32
  }
}

module attributes {stable_mosaic.version = 14 : i64} {
  func.func @_tc_layer1(%arg0: memref<4096x128xf32, #tpu.memory_space<vmem>>, %arg1: memref<4096x128xf32, #tpu.memory_space<vmem>>, %arg2: memref<4096x1xf32, #tpu.memory_space<vmem>>, %arg3: memref<128x128xf32, #tpu.memory_space<vmem>>, %arg4: memref<128x128xf32, #tpu.memory_space<vmem>>, %arg5: memref<1x128xf32, #tpu.memory_space<vmem>>, %arg6: memref<4096x128xf32, #tpu.memory_space<vmem>>) attributes {dimension_semantics = [], scalar_prefetch = 0 : i64, scratch_operands = 0 : i64, tpu.core_type = #tpu.core_type<tc>} {
    %get3A = arith.constant 0 : index
    %get3A_0 = arith.constant 0 : index
    %get3A_1 = vector.load %arg2[%get3A, %get3A_0] : memref<4096x1xf32, #tpu.memory_space<vmem>>, vector<4096x1xf32>
    %max3A = arith.constant 1.000000e+00 : f32
    %max3A_2 = vector.broadcast %max3A : f32 to vector<4096x1xf32>
    %max3A_3 = arith.maximumf %get3A_1, %max3A_2 : vector<4096x1xf32>
    %div3A = arith.constant 1.000000e+00 : f32
    %div3A_4 = vector.broadcast %div3A : f32 to vector<4096x1xf32>
    %div3A_5 = arith.divf %div3A_4, %max3A_3 : vector<4096x1xf32>
    %get3A_6 = arith.constant 0 : index
    %get3A_7 = arith.constant 0 : index
    %get3A_8 = vector.load %arg1[%get3A_6, %get3A_7] : memref<4096x128xf32, #tpu.memory_space<vmem>>, vector<4096x128xf32>
    %mul3A = vector.broadcast %div3A_5 : vector<4096x1xf32> to vector<4096x128xf32>
    %mul3A_9 = arith.mulf %get3A_8, %mul3A : vector<4096x128xf32>
    %get3A_10 = arith.constant 0 : index
    %get3A_11 = arith.constant 0 : index
    %get3A_12 = vector.load %arg0[%get3A_10, %get3A_11] : memref<4096x128xf32, #tpu.memory_space<vmem>>, vector<4096x128xf32>
    %get3A_13 = arith.constant 0 : index
    %get3A_14 = arith.constant 0 : index
    %get3A_15 = vector.load %arg4[%get3A_13, %get3A_14] : memref<128x128xf32, #tpu.memory_space<vmem>>, vector<128x128xf32>
    %dot_general3A = arith.constant dense<0.000000e+00> : vector<4096x128xf32>
    %dot_general3A_16 = tpu.matmul %get3A_12, %get3A_15, %dot_general3A {dimension_numbers = #tpu.dot_dimension_numbers<[1], [0], [0], [1], [0, 0, 1, 1], [], []>, transpose_lhs_hint = false} : vector<4096x128xf32>, vector<128x128xf32>, vector<4096x128xf32> -> vector<4096x128xf32>
    %get3A_17 = arith.constant 0 : index
    %get3A_18 = arith.constant 0 : index
    %get3A_19 = vector.load %arg3[%get3A_17, %get3A_18] : memref<128x128xf32, #tpu.memory_space<vmem>>, vector<128x128xf32>
    %dot_general3A_20 = arith.constant dense<0.000000e+00> : vector<4096x128xf32>
    %dot_general3A_21 = tpu.matmul %mul3A_9, %get3A_19, %dot_general3A_20 {dimension_numbers = #tpu.dot_dimension_numbers<[1], [0], [0], [1], [0, 0, 1, 1], [], []>, transpose_lhs_hint = false} : vector<4096x128xf32>, vector<128x128xf32>, vector<4096x128xf32> -> vector<4096x128xf32>
    %add3A = arith.addf %dot_general3A_16, %dot_general3A_21 : vector<4096x128xf32>
    %get3A_22 = arith.constant 0 : index
    %get3A_23 = arith.constant 0 : index
    %get3A_24 = vector.load %arg5[%get3A_22, %get3A_23] : memref<1x128xf32, #tpu.memory_space<vmem>>, vector<1x128xf32>
    %add3A_25 = vector.broadcast %get3A_24 : vector<1x128xf32> to vector<4096x128xf32>
    %add3A_26 = arith.addf %add3A, %add3A_25 : vector<4096x128xf32>
    %swap3A = arith.constant 0 : index
    %swap3A_27 = arith.constant 0 : index
    %swap3A_28 = vector.load %arg6[%swap3A, %swap3A_27] : memref<4096x128xf32, #tpu.memory_space<vmem>>, vector<4096x128xf32>
    tpu.vector_store %arg6[%swap3A, %swap3A_27], %add3A_26 {strides = array<i32>} : memref<4096x128xf32, #tpu.memory_space<vmem>>, vector<4096x128xf32>,
    return
  }
}

</mosaic_0001>

<sc_bundles>
// kernel: kernel.6.cloned.1.call-start
scs
__scs_entry_jumppad:
0x0: {  	(pc) =	sbr.rel $0x88, $3  }
0x1: {  	(tag) =	ssettag $0x0;
	lr =	simm.s32 $0x1  }
0x2: {  	[smem:$0x3F95] =	sst lr;
	_ =	strace $0xD0000000  }
0x3: {  	_ = 	snop  }
0x4: {  	_ = 	snop  }
0x5: {  	_ = 	snop  }
0x6: {  	_ = 	snop  }
0x7: {  	_ = 	snop  }
__scs_overlays_trampoline_lowered:
0x8: {  	[smem:$0x3FA4] =	sst s0  }
0x9: {  	[smem:$0x3FA5] =	sst s1  }
0xa: {  	[smem:$0x3FA6] =	sst s2  }
0xb: {  	[smem:$0x3FA7] =	sst s3  }
0xc: {  	[smem:$0x3FA8] =	sst s4  }
0xd: {  	[smem:$0x3FA9] =	sst s5  }
0xe: {  	[smem:$0x3FAA] =	sst s6  }
0xf: {  	[smem:$0x3FAB] =	sst s7  }
0x10: {  	[smem:$0x3FAC] =	sst s8  }
0x11: {  	[smem:$0x3FAD] =	sst s9;
	s0 =	simm.s32 @!p0 $0x0  }
0x12: {  	s1 =	sld [smem:$0x3F93];
	s0 =	simm.s32 @p0 $0x1  }
0x13: {  	[smem:$0x3FAE] =	sst s0;
	s0 =	simm.s32 @!p1 $0x0  }
0x14: {  	s2 =	sld [smem:$0x3F92];
	s0 =	simm.s32 @p1 $0x1  }
0x15: {  	[smem:$0x3FAF] =	sst s0;
	s0 =	simm.s32 @!p2 $0x0  }
0x16: {  	s3 =	sld [smem:$0x3FDB];
	s0 =	simm.s32 @p2 $0x1  }
0x17: {  	s4 =	simm.s32 $0x1BF5;
	[smem:$0x3FB1] =	sst s0  }
0x18: {  	s0 =	sld [smem:$0x3F94];
	_ =	swait.ge [sflag:s4], $0x0  }
0x19: {  	s7 =	sld [smem:$0x3F95]  }
0x1a: {  	s8 =	sadd.s32 $0xFFFFE003, lr  }
0x1b: {  	s9 =	sadd.s32 $0xFFFFFEF7, lr;
	s5 =	simm.s32 $0xFFFFFFFF;
	p2 =	slt.u32 s8, $0xFFFFF086  }
0x1c: {  	p1 =	slt.u32 s9, $0xF7A;
	s5 =	simm.s32 @!p2 $0x0  }
0x1d: {  	s5 =	simm.s32 @p1 $0x1;
	p0 =	seq.s32 s7, s2  }
0x1e: {  	s7 =	smul.u32 @!p0 $0xF7A, s2;
	p2 =	seq.s32 @!p0 s5, $0x0  }
0x1f: {  	s9 =	smul.u32 $0xF7A, s1;
	s8 =	simm.s32 @!p0 $0x1BF5;
	p2 =	por !p2, p0  }
0x20: {  	[sflag:s8] =	ssyncset.s32 @!p0 $0xFFFFF086;
	s6 =	sadd.s32 @!p0 s3, s7;
	s7 =	simm.s32 @!p0 $0x108  }
0x21: {  	s3 =	sadd.s32 s3, s9;
	s6 =	sadd.s32 @!p0 $0x88, s6;
	s7 =	simm.s32 @p2 $0x1082  }
0x22: {  	[simem:s7], [sflag:s8] =	dma.local @!p0 [hbm:s6], $0xF7A  }
0x23: {  	s9 =	sor.u32 $0xD0000000, s2;
	s6 =	simm.s32 $0x108;
	_ =	swait.ge @!p0 [sflag:s8], $0x0  }
0x24: {  	s3 =	sadd.s32 $0x88, s3;
	s6 =	simm.s32 @!p1 $0x1082;
	[sflag:s4] =	ssyncset.s32 $0xFFFFF086  }
0x25: {  	[simem:s6], [sflag:s4] =	dma.local [hbm:s3], $0xF7A  }
0x26: {  	[smem:$0x3F95] =	sst s1;
	(tag) =	ssettag s2;
	_ =	strace s9  }
0x27: {  	s1 =	sld [smem:$0x3FA5]  }
0x28: {  	s2 =	sld [smem:$0x3FA6]  }
0x29: {  	s4 =	sld [smem:$0x3FA8]  }
0x2a: {  	p0 =	seq.s32 s5, $0x0;
	s5 =	sld [smem:$0x3FA9]  }
0x2b: {  	s6 =	sld [smem:$0x3FAA]  }
0x2c: {  	s7 =	sld [smem:$0x3FAB]  }
0x2d: {  	s3 =	simm.s32 $0x108;
	s8 =	sld [smem:$0x3FAC]  }
0x2e: {  	s3 =	simm.s32 @!p0 $0x1082;
	s9 =	sld [smem:$0x3FAD]  }
0x2f: {  	lr =	sadd.s32 s0, s3;
	s0 =	sld [smem:$0x3FA4]  }
0x30: {  	s3 =	sld [smem:$0x3FA7]  }
0x31: {  	[smem:$0x3FB0] =	sst s10  }
0x32: {  	s10 =	sld [smem:$0x3FAE];
	_ =	sdelay $0x3  }
0x33: {  	p0 =	seq.s32 s10, $0x1;
	s10 =	sld [smem:$0x3FB0];
	_ =	sdelay $0x3  }
0x34: {  	[smem:$0x3FB0] =	sst s10  }
0x35: {  	s10 =	sld [smem:$0x3FAF];
	_ =	sdelay $0x3  }
0x36: {  	p1 =	seq.s32 s10, $0x1;
	s10 =	sld [smem:$0x3FB0];
	_ =	sdelay $0x3  }
0x37: {  	[smem:$0x3FB0] =	sst s10  }
0x38: {  	s10 =	sld [smem:$0x3FB1]  }
0x39: {  	_ = 	snop;
	(pc) =	sbr.ind lr, $3  }
0x3a: {  	_ = 	snop  }
0x3b: {  	_ = 	snop  }
0x3c: {  	p2 =	seq.s32 s10, $0x1;
	s10 =	sld [smem:$0x3FB0]  }
0x3d: {  	_ =	shalt  }
0x3e: {  	_ =	shalt  }
0x3f: {  	_ =	shalt  }
0x40: {  	_ =	shalt  }
0x41: {  	_ =	shalt  }
0x42: {  	_ =	shalt  }
0x43: {  	_ =	shalt  }
0x44: {  	_ =	shalt  }
0x45: {  	_ =	shalt  }
0x46: {  	_ =	shalt  }
0x47: {  	_ =	shalt  }
0x48: {  	_ =	shalt  }
0x49: {  	_ =	shalt  }
0x4a: {  	_ =	shalt  }
0x4b: {  	_ =	shalt  }
0x4c: {  	_ =	shalt  }
0x4d: {  	_ =	shalt  }
0x4e: {  	_ =	shalt  }
0x4f: {  	_ =	shalt  }
0x50: {  	_ =	shalt  }
0x51: {  	_ =	shalt  }
0x52: {  	_ =	shalt  }
0x53: {  	_ =	shalt  }
0x54: {  	_ =	shalt  }
0x55: {  	_ =	shalt  }
0x56: {  	_ =	shalt  }
0x57: {  	_ =	shalt  }
0x58: {  	_ =	shalt  }
0x59: {  	_ =	shalt  }
0x5a: {  	_ =	shalt  }
0x5b: {  	_ =	shalt  }
0x5c: {  	_ =	shalt  }
0x5d: {  	_ =	shalt  }
0x5e: {  	_ =	shalt  }
0x5f: {  	_ =	shalt  }
0x60: {  	_ =	shalt  }
0x61: {  	_ =	shalt  }
0x62: {  	_ =	shalt  }
0x63: {  	_ =	shalt  }
0x64: {  	_ =	shalt  }
0x65: {  	_ =	shalt  }
0x66: {  	_ =	shalt  }
0x67: {  	_ =	shalt  }
0x68: {  	_ =	shalt  }
0x69: {  	_ =	shalt  }
0x6a: {  	_ =	shalt  }
0x6b: {  	_ =	shalt  }
0x6c: {  	_ =	shalt  }
0x6d: {  	_ =	shalt  }
0x6e: {  	_ =	shalt  }
0x6f: {  	_ =	shalt  }
0x70: {  	_ =	shalt  }
0x71: {  	_ =	shalt  }
0x72: {  	_ =	shalt  }
0x73: {  	_ =	shalt  }
0x74: {  	_ =	shalt  }
0x75: {  	_ =	shalt  }
0x76: {  	_ =	shalt  }
0x77: {  	_ =	shalt  }
0x78: {  	_ =	shalt  }
0x79: {  	_ =	shalt  }
0x7a: {  	_ =	shalt  }
0x7b: {  	_ =	shalt  }
0x7c: {  	_ =	shalt  }
0x7d: {  	_ =	shalt  }
0x7e: {  	_ =	shalt  }
0x7f: {  	_ =	shalt  }
0x80: {  	_ =	shalt  }
0x81: {  	_ =	shalt  }
0x82: {  	_ =	shalt  }
0x83: {  	_ =	shalt  }
0x84: {  	_ =	shalt  }
0x85: {  	_ =	shalt  }
0x86: {  	_ =	shalt  }
0x87: {  	_ =	shalt  }
.Lfunc_end0:
.L_simem_size_0:
called_computation_lowered:
.L_overlay_start_0:
0x88: {  	s2 =	sld [smem:$0x3FD9]  }
0x89: {  	s3 =	sld [smem:$0x3FFE];
	_ =	sdelay $0x1  }
0x8a: {  	s1 =	srdreg.scid  }
0x8b: {  	s0 =	sand.u32 $0x1, s1  }
0x8c: {  	s17 =	sshll.u32 s0, $0xA;
	s2 =	sadd.s32 s3, s2  }
0x8d: {  	s2 =	sadd.s32 s2, s17  }
0x8e: {  	[smem:$0x3FBC] =	sst s2  }
0x8f: {  	_ = 	snop  }
0x90: {  	s2 =	sld [smem:$0x3FC9]  }
0x91: {  	s18 =	sld [smem:$0x3FC8]  }
0x92: {  	s4 =	sld [smem:$0x3FC7]  }
0x93: {  	s5 =	sld [smem:$0x3FC4]  }
0x94: {  	s6 =	sld [smem:$0x3FD0];
	(tm) =	ssettm $0x1  }
0x95: {  	s7 =	sld [smem:$0x3FFB];
	_ =	sdelay $0x3  }
0x96: {  	_ =	strace s7  }
0x97: {  	s7 =	sld [smem:$0x3FFC];
	_ =	sdelay $0x3  }
0x98: {  	_ =	strace s7  }
0x99: {  	s7 =	sld [smem:$0x3FFD];
	_ =	sdelay $0x3  }
0x9a: {  	_ =	strace s7  }
0x9b: {  	_ =	strace $0x8FFFFFFF  }
0x9c: {  	s19 =	sld [smem:$0x3FDB];
	_ =	sdelay $0x1  }
0x9d: {  	s8 =	simm.s32 $_scs_section_size  }
0x9e: {  	s9 =	simm.s32 $_size__tile_overlayer_lowered;
	s10 =	simm.s32 $_tile_overlayer_lowered  }
0x9f: {  	s22 =	simm.s32 $0x1BFF;
	s21 =	sshll.u32 s10, $0x1;
	s7 =	sadd.s32 s8, s19  }
0xa0: {  	s11 =	simm.s32 $0x0;
	s20 =	sshll.u32 s9, $0x1;
	s9 =	sadd.s32 s21, s7  }
0xa1: {  	[timem:s11], [sflag:s22] =	dma.local [hbm:s9], s20  }
0xa2: {  	_ =	swait.ge [sflag:s22], s20  }
0xa3: {  	s8 =	ssub.s32 $0x0, s20;
	[sflag:s22] =	ssyncset.done $0x0  }
0xa4: {  	[sflag:s22] =	ssyncadd.s32 s8;
	_ =	sdelay $0x1  }
0xa5: {  	s23 =	simm.s32 $0x1B8B  }
0xa6: {  	_ =	swait.ge [sflag:s23], $0x1  }
0xa7: {  	[sflag:s23] =	ssyncset.done $0x0  }
0xa8: {  	s25 =	simm.s32 $0x1B8E;
	s24 =	sld [smem:$0x3FFE];
	[sflag:s23] =	ssyncadd.s32 $0xFFFFFFFF  }
0xa9: {  	s26 =	simm.s32 $execute0_lowered;
	[smem:$0x3FD2] =	sst s25  }
0xaa: {  	s9 =	sshll.u32 s26, $0x1;
	_ =	strace $0x80000046;
	[dreg:$0x1] =	wrdreg $0xFFFFFFFF  }
0xab: {  	s28 =	simm.s32 $_size_execute0_lowered;
	s7 =	sadd.s32 s7, s9;
	[dreg:$0x0] =	wrdreg $0x0  }
0xac: {  	s9 =	sshll.u32 s28, $0x1;
	[dreg:$0x2] =	wrdreg s7  }
0xad: {  	[dreg:$0x3] =	wrdreg s9  }
0xae: {  	[dreg:$0x4] =	wrdreg $0xC0  }
0xaf: {  	_ =	task [dreg:s11], $0x5FFFF  }
0xb0: {  	[dreg:$0x1] =	wrdreg $0xFFFFFFFF  }
0xb1: {  	[dreg:$0x0] =	wrdreg $0x60  }
0xb2: {  	[dreg:$0x2] =	wrdreg s2  }
0xb3: {  	[dreg:$0x3] =	wrdreg s18  }
0xb4: {  	[dreg:$0x4] =	wrdreg s4  }
0xb5: {  	[dreg:$0x5] =	wrdreg s5  }
0xb6: {  	[dreg:$0x6] =	wrdreg s24  }
0xb7: {  	[dreg:$0x7] =	wrdreg s6  }
0xb8: {  	[dreg:$0x8] =	wrdreg $0xB6800  }
0xb9: {  	[dreg:$0x9] =	wrdreg $0x1F6C00  }
0xba: {  	[dreg:$0xa] =	wrdreg $0x9  }
0xbb: {  	_ =	task.clear_ibuf [dreg:s11], $0xBFFFF;
	_ =	strace $0x90000046  }
0xbc: {  	s29 =	simm.s32 $0x9;
	_ =	strace $0x80000048  }
0xbd: {  	_ =	swait.ge [sflag:s29], $0x1  }
0xbe: {  	[sflag:s29] =	ssyncadd.s32 $0xFFFFFFFF  }
0xbf: {  	_ =	strace $0x90000048  }
0xc0: {  	_ =	sfence  }
0xc1: {  	s30 =	sld [smem:$0x0];
	_ =	sdelay $0x2  }
0xc2: {  	s31 =	sshll.u32 s1, $0xD;
	s1 =	sshrl.u32 s1, $0x2  }
0xc3: {  	s3 =	sand.u32 $0x4000, s31;
	s1 =	sadd.s32 s1, s30  }
0xc4: {  	s0 =	sor.u32 s3, s0;
	s1 =	sshll.u32 s1, $0x11  }
0xc5: {  	s0 =	sor.u32 s1, s0  }
0xc6: {  	s0 =	sadd.s32 $0x8F2B, s0  }
0xc7: {  	[sflag:s0] =	ssyncadd.remote.s32 $0x1  }
0xc8: {  	_ =	sfence.sel $0xFFFF  }
0xc9: {  	[dreg:$0x0] =	wrdreg $0xFFFFFFFF;
	(pc) =	sbr.abs _section_cstart, $3  }
0xca: {  	[dreg:$0x1] =	wrdreg $0xFFFFFFFF  }
0xcb: {  	_ =	task.clear_ibuf [dreg:s11], $0x2FFFF;
	_ =	strace $0x9FFFFFFF  }
0xcc: {  	(tm) =	ssettm $0x7FFFFFFF  }
0xcd: {  	_ =	shalt  }
tec
execute0_lowered:
.L_overlay_start_1:
0x0: {  	(tag) =	ssettag $0x1  }
0x1: {  	s0 =	rddreg [dreg:$0x0]  }
0x2: {  	s1 =	rddreg [dreg:$0x1]  }
0x3: {  	s2 =	rddreg [dreg:$0x2];
	s4 =	srdreg.scid  }
0x4: {  	s3 =	rddreg [dreg:$0x3];
	s8 =	sand.u32 $0x1, s4  }
0x5: {  	s4 =	stileid.u32;
	s9 =	sshll.u32 s8, $0x4;
	s6 =	smul.u32 $0x2800, s8  }
0x6: {  	s7 =	rddreg [dreg:$0x4];
	s23 =	smul.u32 $0x280, s4;
	s12 =	sor.u32 s4, s9  }
0x7: {  	s5 =	simm.s32 $0x0;
	s14 =	sor.u32 $0x20, s12;
	s9 =	smul.u32 $0x500, s12  }
0x8: {  	s22 =	rddreg [dreg:$0x5];
	s15 =	sor.u32 $0x40, s12;
	s10 =	smul.u32 $0x500, s14  }
0x9: {  	s25 =	rddreg [dreg:$0x7];
	s17 =	sor.u32 $0x60, s12;
	s16 =	smul.u32 $0x500, s15  }
0xa: {  	s8 =	ssub.s32 $0x2, s8;
	s19 =	sor.u32 $0x80, s12;
	s18 =	smul.u32 $0x500, s17  }
0xb: {  	s11 =	sshrl.u32 s8, $0x1;
	s20 =	sor.u32 $0xA0, s12;
	s26 =	smul.u32 $0x500, s19  }
0xc: {  	s8 =	ssub.s32 s8, s11;
	s11 =	sor.u32 $0xC0, s12;
	s21 =	smul.u32 $0x500, s20  }
0xd: {  	s13 =	sadd.s32 $0x2AA00, s7;
	[smem:$0x7FF] =	sst s5;
	s29 =	smul.u32 $0x500, s11  }
0xe: {  	p2 =	sgt.u32 s4, $0x9;
	p1 =	sne.s32 s4, $0x0;
	s24 =	smul.u32 $0xA, s14  }
0xf: {  	p0 =	sgt.u32 s12, $0x19;
	s15 =	smul.u32 $0xA, s15;
	s9 =	sadd.s32 s13, s9  }
0x10: {  	s17 =	smul.u32 $0xA, s17;
	[dreg:$0x9] =	wrdreg s9;
	s10 =	sadd.s32 s13, s10  }
0x11: {  	s20 =	smul.u32 $0xA, s20;
	s28 =	sadd.s32 s13, s16;
	[dreg:$0xa] =	wrdreg s10  }
0x12: {  	s11 =	smul.u32 $0xA, s11;
	s18 =	sadd.s32 s13, s18;
	[dreg:$0xb] =	wrdreg s28  }
0x13: {  	s9 =	sadd.s32 s13, s26;
	s31 =	sadd.s32 s13, s21;
	[dreg:$0xc] =	wrdreg s18  }
0x14: {  	s16 =	sadd.s32 s13, s29;
	s26 =	sadd.s32 s23, s6;
	[dreg:$0xd] =	wrdreg s9  }
0x15: {  	s29 =	smul.u32 $0x50000, s4;
	s10 =	sor.u32 $0xE0, s12;
	[dreg:$0xe] =	wrdreg s31  }
0x16: {  	[dreg:$0xf] =	wrdreg s16;
	s9 =	sshll.u32 s4, $0xA;
	s28 =	smul.u32 $0x2800, s4  }
0x17: {  	s16 =	rddreg [dreg:$0x6];
	s14 =	sshll.u32 s26, $0x4;
	s30 =	smul.u32 $0x500, s10  }
0x18: {  	s31 =	smul.u32 $0xA, s19;
	s26 =	sadd.s32 s0, s20;
	s19 =	simm.s32 $0x400  }
0x19: {  	v1 =	vimm.s32 $0xEDCBA987;
	s20 =	simm.s32 $0x2;
	s21 =	sadd.s32 s6, s9;
	s13 =	sadd.s32 s13, s30  }
0x1a: {  	v3 =	vimm.s32 $0x65432100;
	v2 =	vlaneseq.u32;
	v10 =	vimm.s32 $0xFFEDCBA9;
	s14 =	sadd.s32 s14, s7;
	[dreg:$0x10] =	wrdreg s13;
	s13 =	sshrl.u32 s21, $0x3  }
0x1b: {  	v11 =	vimm.s32 $0xFFFEDCBA;
	v12 =	vimm.s32 $0x98765432;
	v5 =	vunpack.c.l.s4.s8 v1;
	s10 =	smul.u32 $0xA, s10;
	s18 =	sadd.s32 s28, s7;
	s13 =	sadd.s32 s22, s13  }
0x1c: {  	vm1 =	vcmask $0x300;
	v13 =	vimm.s32 $0x10;
	v7 =	vunpack.c.l.s4.s8 v3;
	s21 =	sshrl.u32 s29, $0x2;
	s22 =	sadd.s32 $0x2A400, s7;
	[dreg:$0x11] =	wrdreg s13  }
0x1d: {  	v15 =	vimm.s32 $0xBA987654;
	vm0 =	vmmov $0x1;
	v8 =	vunpack.c.0.s8.s32 v5;
	s7 =	sadd.s32 $0x2200, s7;
	_ =	strace $0x80000047;
	[dreg:$0x12] =	wrdreg s22  }
0x1e: {  	vm3 =	vcmask $0x1F00;
	vm2 =	vcmask $0x2F20;
	v9 =	vunpack.c.0.s8.s32 v7;
	s9 =	sadd.s32 s9, s25;
	s30 =	sadd.s32 s21, s16;
	[dreg:$0x13] =	wrdreg s7  }
0x1f: {  	v3 =	vimm.f32 $0.0e+00;
	v11 =	vunpack.c.l.s4.s8 v11;
	v8 =	vand.u32 $0xF, v8;
	s28 =	sadd.s32 s0, s11;
	s18 =	sadd.s32 $0x2400, s18;
	[dreg:$0x14] =	wrdreg s30  }
0x20: {  	v8 =	vcombine.low v9, v8;
	v9 =	vunpack.c.l.s4.s8 v10;
	v10 =	vimm.s32 $0x87654321;
	s13 =	smul.u32 $0xA, s12;
	s12 =	sadd.s32 s0, s24;
	[dreg:$0x15] =	wrdreg s18  }
0x21: {  	v4 =	vor.u32 $0x10, v2;
	v12 =	vunpack.c.l.s4.s8 v12;
	v10 =	vunpack.c.l.s4.s8 v10;
	s9 =	sshrl.u32 @!p2 s9, $0x3;
	s24 =	sadd.s32 s0, s17;
	[dreg:$0x17] =	wrdreg s12  }
0x22: {  	v6 =	vor.u32 $0x30, v2;
	v0 =	vmov s4;
	v11 =	vunpack.c.0.s8.s32 v11;
	s11 =	simm.s32 $0x3;
	s29 =	sadd.s32 s0, s10;
	[dreg:$0x19] =	wrdreg s24  }
0x23: {  	v12 =	vunpack.c.0.s8.s32 v12;
	v14 =	vunpack.c.0.s8.s32 v9;
	v10 =	vunpack.c.0.s8.s32 v10;
	s10 =	sadd.s32 $0x2800, s6;
	s21 =	sshll.u32 s4, $0x6;
	[dreg:$0x1b] =	wrdreg s26  }
0x24: {  	v5 =	vor.u32 $0x20, v2;
	v9 =	vsel vm1, $0x0, v13;
	v13 =	vunpack.c.l.s4.s8 v15;
	s23 =	sor.u32 $0x1C03, s21;
	s21 =	simm.s32 $0x4400;
	[dreg:$0x1c] =	wrdreg s28  }
0x25: {  	v14 =	vcombine.low v10, v14;
	v10 =	vcombine.low v12, v11;
	v11 =	vimm.s32 $0xFEDCBA98;
	s22 =	sadd.s32 s0, s15;
	s7 =	sadd.s32 s0, s31;
	[dreg:$0x1d] =	wrdreg s29  }
.Ltmp0:
0x26: {  	v12 =	vunpack.c.0.s8.s32 v13;
	v13 =	vimm.s32 $0xF0E0D0C;
	v15 =	vunpack.c.l.s4.s8 v11;
	s30 =	sadd.s32 $0x78C00, s14;
	[dreg:$0x18] =	wrdreg s22;
	(pc) =	sbr.rel .LBB2_1-.Ltmp0, $4  }
0x27: {  	v7 =	vor.u32 $0x40, v2;
	v1 =	vmov s6;
	v13 =	vunpack.c.0.s8.s32 v13;
	s31 =	smax.u32 s8, $0x1;
	s12 =	simm.s32 $0x8400;
	[dreg:$0x1a] =	wrdreg s7  }
0x28: {  	v11 =	vand.u32 $0xF, v14;
	v12 =	vnsel vm3, $0xF, v12;
	v14 =	vunpack.c.0.s8.s32 v15;
	s14 =	simm.s32 $0x180;
	s15 =	simm.s32 $0x1;
	[dreg:$0x1e] =	wrdreg s30  }
0x29: {  	vm1 =	vmmov $0x3fff;
	v12 =	vsel vm2, v13, v12;
	vm2 =	vmmov $0xfff;
	s18 =	simm.s32 $0x50;
	s13 =	sadd.s32 s0, s13;
	[dreg:$0x1f] =	wrdreg s31  }
0x2a: {  	v13 =	vnsel vm3, $0xF, v14;
	vm3 =	vmmov $0xff;
	v14 =	vmul.u32 $0xFFFFFFFF, v2;
	s22 =	simm.s32 $0x0;
	[dreg:$0x16] =	wrdreg s13;
	s13 =	simm.s32 $0x100  }
.LBB2_13:
0x2b: {  	s7 =	rddreg [dreg:$0x16]  }
0x2c: {  	[tilespmem:s13], [sflag:$0x1] =	stream.linear.gather [hbm4b:s7+s5], $0x50, $0x38;
	[tilespmem:$0x1F940] =	vst v63  }
0x2d: {  	s29 =	rddreg [dreg:$0x17]  }
0x2e: {  	[tilespmem:s14], [sflag:$0x2] =	stream.linear.gather [hbm4b:s29+s5], $0x50, $0x38;
	[tilespmem:$0x1F940] =	vst v63  }
0x2f: {  	_ =	swait.ge [sflag:s15], $0x50  }
0x30: {  	[sflag:s15] =	ssyncset.done $0x0  }
0x31: {  	[sflag:s15] =	ssyncadd.s32 $0xFFFFFFB0  }
0x32: {  	[tilespmem:s19], [sflag:$0x1] =	stream.indirect.gather [hbm4b:s3+s18], $0x80, s13, s18, $0xb8;
	[tilespmem:$0x1F940] =	vst v63  }
0x33: {  	_ =	swait.ge [sflag:s20], $0x50  }
0x34: {  	[sflag:s20] =	ssyncset.done $0x0  }
0x35: {  	[sflag:s20] =	ssyncadd.s32 $0xFFFFFFB0  }
0x36: {  	[tilespmem:s21], [sflag:$0x2] =	stream.indirect.gather [hbm4b:s3+s18], $0x80, s14, s18, $0xb8;
	[tilespmem:$0x1F940] =	vst v63  }
0x37: {  	_ =	swait.ge [sflag:s15], $0x2800  }
0x38: {  	[sflag:s15] =	ssyncset.done $0x0  }
0x39: {  	s30 =	rddreg [dreg:$0x9];
	[sflag:s15] =	ssyncadd.s32 $0xFFFFD800  }
0x3a: {  	[hbm4b:s30+s5] =	stream.linear.scatter [tilespmem:s19], [sflag:$0x1], $0x2800, $0x38;
	[tilespmem:$0x1F940] =	vst v63  }
0x3b: {  	_ =	swait.ge [sflag:s20], $0x2800  }
0x3c: {  	[sflag:s20] =	ssyncset.done $0x0  }
0x3d: {  	s31 =	rddreg [dreg:$0xa];
	[sflag:s20] =	ssyncadd.s32 $0xFFFFD800  }
0x3e: {  	[hbm4b:s31+s5] =	stream.linear.scatter [tilespmem:s21], [sflag:$0x2], $0x2800, $0x38;
	[tilespmem:$0x1F940] =	vst v63  }
0x3f: {  	_ =	swait.ge [sflag:s15], $0x2800  }
0x40: {  	[sflag:s15] =	ssyncset.done $0x0  }
0x41: {  	[sflag:s15] =	ssyncadd.s32 $0xFFFFD800  }
0x42: {  	_ =	swait.ge [sflag:s20], $0x2800  }
0x43: {  	[sflag:s20] =	ssyncset.done $0x0  }
0x44: {  	s17 =	rddreg [dreg:$0x18];
	[sflag:s20] =	ssyncadd.s32 $0xFFFFD800  }
0x45: {  	[tilespmem:s13], [sflag:$0x1] =	stream.linear.gather [hbm4b:s17+s5], $0x50, $0x38;
	[tilespmem:$0x1F940] =	vst v63  }
0x46: {  	s25 =	rddreg [dreg:$0x19]  }
0x47: {  	[tilespmem:s14], [sflag:$0x2] =	stream.linear.gather [hbm4b:s25+s5], $0x50, $0x38;
	[tilespmem:$0x1F940] =	vst v63  }
0x48: {  	_ =	swait.ge [sflag:s15], $0x50  }
0x49: {  	[sflag:s15] =	ssyncset.done $0x0  }
0x4a: {  	[sflag:s15] =	ssyncadd.s32 $0xFFFFFFB0  }
0x4b: {  	[tilespmem:s19], [sflag:$0x1] =	stream.indirect.gather [hbm4b:s3+s18], $0x80, s13, s18, $0xb8;
	[tilespmem:$0x1F940] =	vst v63  }
0x4c: {  	_ =	swait.ge [sflag:s20], $0x50  }
0x4d: {  	[sflag:s20] =	ssyncset.done $0x0  }
0x4e: {  	[sflag:s20] =	ssyncadd.s32 $0xFFFFFFB0  }
0x4f: {  	[tilespmem:s21], [sflag:$0x2] =	stream.indirect.gather [hbm4b:s3+s18], $0x80, s14, s18, $0xb8;
	[tilespmem:$0x1F940] =	vst v63  }
0x50: {  	_ =	swait.ge [sflag:s15], $0x2800  }
0x51: {  	[sflag:s15] =	ssyncset.done $0x0  }
0x52: {  	s26 =	rddreg [dreg:$0xb];
	[sflag:s15] =	ssyncadd.s32 $0xFFFFD800  }
0x53: {  	[hbm4b:s26+s5] =	stream.linear.scatter [tilespmem:s19], [sflag:$0x1], $0x2800, $0x38;
	[tilespmem:$0x1F940] =	vst v63  }
0x54: {  	_ =	swait.ge [sflag:s20], $0x2800  }
0x55: {  	[sflag:s20] =	ssyncset.done $0x0  }
0x56: {  	s28 =	rddreg [dreg:$0xc];
	[sflag:s20] =	ssyncadd.s32 $0xFFFFD800  }
0x57: {  	[hbm4b:s28+s5] =	stream.linear.scatter [tilespmem:s21], [sflag:$0x2], $0x2800, $0x38;
	[tilespmem:$0x1F940] =	vst v63  }
0x58: {  	_ =	swait.ge [sflag:s15], $0x2800  }
0x59: {  	[sflag:s15] =	ssyncset.done $0x0  }
0x5a: {  	[sflag:s15] =	ssyncadd.s32 $0xFFFFD800  }
0x5b: {  	_ =	swait.ge [sflag:s20], $0x2800  }
0x5c: {  	[sflag:s20] =	ssyncset.done $0x0  }
0x5d: {  	s29 =	rddreg [dreg:$0x1a];
	[sflag:s20] =	ssyncadd.s32 $0xFFFFD800  }
0x5e: {  	[tilespmem:s13], [sflag:$0x1] =	stream.linear.gather [hbm4b:s29+s5], $0x50, $0x38;
	[tilespmem:$0x1F940] =	vst v63  }
0x5f: {  	s30 =	rddreg [dreg:$0x1b]  }
0x60: {  	[tilespmem:s14], [sflag:$0x2] =	stream.linear.gather [hbm4b:s30+s5], $0x50, $0x38;
	[tilespmem:$0x1F940] =	vst v63  }
0x61: {  	_ =	swait.ge [sflag:s15], $0x50  }
0x62: {  	[sflag:s15] =	ssyncset.done $0x0  }
0x63: {  	[sflag:s15] =	ssyncadd.s32 $0xFFFFFFB0  }
0x64: {  	[tilespmem:s19], [sflag:$0x1] =	stream.indirect.gather [hbm4b:s3+s18], $0x80, s13, s18, $0xb8;
	[tilespmem:$0x1F940] =	vst v63  }
0x65: {  	_ =	swait.ge [sflag:s20], $0x50  }
0x66: {  	[sflag:s20] =	ssyncset.done $0x0  }
0x67: {  	[sflag:s20] =	ssyncadd.s32 $0xFFFFFFB0  }
0x68: {  	[tilespmem:s21], [sflag:$0x2] =	stream.indirect.gather [hbm4b:s3+s18], $0x80, s14, s18, $0xb8;
	[tilespmem:$0x1F940] =	vst v63  }
0x69: {  	_ =	swait.ge [sflag:s15], $0x2800  }
0x6a: {  	[sflag:s15] =	ssyncset.done $0x0  }
0x6b: {  	s31 =	rddreg [dreg:$0xd];
	[sflag:s15] =	ssyncadd.s32 $0xFFFFD800  }
0x6c: {  	[hbm4b:s31+s5] =	stream.linear.scatter [tilespmem:s19], [sflag:$0x1], $0x2800, $0x38;
	[tilespmem:$0x1F940] =	vst v63  }
0x6d: {  	_ =	swait.ge [sflag:s20], $0x2800  }
0x6e: {  	[sflag:s20] =	ssyncset.done $0x0  }
0x6f: {  	s17 =	rddreg [dreg:$0xe];
	[sflag:s20] =	ssyncadd.s32 $0xFFFFD800  }
0x70: {  	[hbm4b:s17+s5] =	stream.linear.scatter [tilespmem:s21], [sflag:$0x2], $0x2800, $0x38;
	[tilespmem:$0x1F940] =	vst v63  }
0x71: {  	_ =	swait.ge [sflag:s15], $0x2800  }
0x72: {  	[sflag:s15] =	ssyncset.done $0x0  }
0x73: {  	[sflag:s15] =	ssyncadd.s32 $0xFFFFD800  }
0x74: {  	_ =	swait.ge [sflag:s20], $0x2800  }
0x75: {  	[sflag:s20] =	ssyncset.done $0x0  }
0x76: {  	s7 =	simm.s32 @p0 $0x1;
	s25 =	rddreg [dreg:$0x1c];
	[sflag:s20] =	ssyncadd.s32 $0xFFFFD800  }
0x77: {  	[tilespmem:s13], [sflag:$0x1] =	stream.linear.gather [hbm4b:s25+s5], $0x50, $0x38;
	[tilespmem:$0x1F940] =	vst v63  }
0x78: {  	_ =	swait.ge @p0 [sflag:s7], $0x50  }
0x79: {  	s17 =	simm.s32 @p0 $0x100;
	[sflag:s7] =	ssyncset.done @p0 $0x0  }
0x7a: {  	s25 =	simm.s32 @p0 $0x400;
	[sflag:s7] =	ssyncadd.s32 @p0 $0xFFFFFFB0;
	s7 =	simm.s32 @p0 $0x50  }
0x7b: {  	[tilespmem:s25], [sflag:$0x1] =	stream.indirect.gather @p0 [hbm4b:s3+s7], $0x80, s17, s7, $0xb8;
	[tilespmem:$0x1F940] =	vst v63  }
0x7c: {  	s7 =	simm.s32 @!p0 $0x0;
	s17 =	simm.s32 @!p0 $0x180;
	s25 =	rddreg [dreg:$0x1d]  }
0x7d: {  	[tilespmem:s17], [sflag:$0x2] =	stream.linear.gather @!p0 [hbm4b:s25+s7], $0x50, $0x38;
	[tilespmem:$0x1F940] =	vst v63  }
0x7e: {  	s25 =	simm.s32 @!p0 $0x1  }
0x7f: {  	_ =	swait.ge @!p0 [sflag:s25], $0x50  }
0x80: {  	s26 =	simm.s32 @!p0 $0x50;
	[sflag:s25] =	ssyncset.done @!p0 $0x0  }
0x81: {  	s28 =	simm.s32 @!p0 $0x100;
	s29 =	simm.s32 @!p0 $0x400;
	[sflag:s25] =	ssyncadd.s32 @!p0 $0xFFFFFFB0  }
0x82: {  	[tilespmem:s29], [sflag:$0x1] =	stream.indirect.gather @!p0 [hbm4b:s3+s26], $0x80, s28, s26, $0xb8;
	[tilespmem:$0x1F940] =	vst v63  }
0x83: {  	s28 =	simm.s32 @!p0 $0x2  }
0x84: {  	_ =	swait.ge @!p0 [sflag:s28], $0x50  }
0x85: {  	[sflag:s28] =	ssyncset.done @!p0 $0x0  }
0x86: {  	s29 =	simm.s32 @!p0 $0x4400;
	[sflag:s28] =	ssyncadd.s32 @!p0 $0xFFFFFFB0  }
0x87: {  	[tilespmem:s29], [sflag:$0x2] =	stream.indirect.gather @!p0 [hbm4b:s3+s26], $0x80, s17, s26, $0xb8;
	[tilespmem:$0x1F940] =	vst v63  }
0x88: {  	_ =	swait.ge [sflag:s15], $0x2800  }
0x89: {  	[sflag:s15] =	ssyncset.done $0x0  }
0x8a: {  	s26 =	rddreg [dreg:$0xf];
	[sflag:s15] =	ssyncadd.s32 $0xFFFFD800  }
0x8b: {  	[hbm4b:s26+s5] =	stream.linear.scatter [tilespmem:s19], [sflag:$0x1], $0x2800, $0x38;
	[tilespmem:$0x1F940] =	vst v63  }
0x8c: {  	_ =	swait.ge @!p0 [sflag:s28], $0x2800  }
0x8d: {  	[sflag:s28] =	ssyncset.done @!p0 $0x0  }
0x8e: {  	s17 =	rddreg [dreg:$0x10];
	[sflag:s28] =	ssyncadd.s32 @!p0 $0xFFFFD800  }
0x8f: {  	[hbm4b:s17+s7] =	stream.linear.scatter @!p0 [tilespmem:s29], [sflag:$0x2], $0x2800, $0x38;
	[tilespmem:$0x1F940] =	vst v63  }
0x90: {  	_ =	swait.ge @!p0 [sflag:s25], $0x2800  }
0x91: {  	[sflag:s25] =	ssyncset.done @!p0 $0x0  }
0x92: {  	s28 =	simm.s32 @p0 $0x1;
	[sflag:s25] =	ssyncadd.s32 @!p0 $0xFFFFD800  }
0x93: {  	_ =	swait.ge [sflag:s28], $0x2800  }
0x94: {  	[sflag:s28] =	ssyncset.done $0x0  }
0x95: {  	s29 =	simm.s32 $0xAC00;
	[sflag:s28] =	ssyncadd.s32 $0xFFFFD800  }
0x96: {  	[spmem:s8] =	stream.indirect.scatter.add.f32 [tilespmem:s12], [sflag:$0x3], $0x80, s29, s18, $0xb8;
	[tilespmem:$0x1F940] =	vst v63  }
0x97: {  	_ =	swait.ge [sflag:s11], $0x2800  }
0x98: {  	[sflag:s11] =	ssyncset.done $0x0  }
0x99: {  	[sflag:s11] =	ssyncadd.s32 $0xFFFFD800  }
0x9a: {  	[bflag:$0x0] =	sbarrier.arrive $0xFFFF  }
0x9b: {  	s30 =	rddreg [dreg:$0x1e]  }
0x9c: {  	[hbm:s30], [sflag:s23] =	dma.local [spmem:s24], $0x2800  }
0x9d: {  	_ =	swait.ge [sflag:s11], $0x2800  }
0x9e: {  	[sflag:s11] =	ssyncset.done $0x0  }
0x9f: {  	s7 =	rddreg [dreg:$0x11];
	[sflag:s11] =	ssyncadd.s32 $0xFFFFD800  }
0xa0: {  	[hbm:s7], [sflag:s23] =	dma.local @!p2 [spmem:s9], $0x80  }
0xa1: {  	s7 =	simm.s32 @!p2 $0x3  }
0xa2: {  	_ =	swait.ge @!p2 [sflag:s7], $0x80  }
0xa3: {  	s22 =	sadd.s32 $0x1, s22;
	s31 =	rddreg [dreg:$0x1f]  }
0xa4: {  	p3 =	sne.s32 s22, s31  }
.Ltmp1:
0xa5: {  	_ = 	snop;
	(pc) =	sbr.rel @!p3 .LBB2_14-.Ltmp1, $3  }
0xa6: {  	_ =	sdelay $0x1  }
0xa7: {  	[sflag:s7] =	ssyncset.done @!p2 $0x0  }
0xa8: {  	s25 =	smov.u32 s8;
	[sflag:s7] =	ssyncadd.s32 @!p2 $0xFFFFFF80  }
.LBB2_1:
0xa9: {  	s7 =	rddreg [dreg:$0x14]  }
0xaa: {  	s31 =	rddreg [dreg:$0x15];
	s24 =	sshrl.u32 s7, $0x3  }
0xab: {  	[spmem:s24], [sflag:s23] =	dma.local [hbm:s31], $0x2800  }
0xac: {  	_ =	swait.ge [sflag:s11], $0x2800  }
0xad: {  	s8 =	smov.u32 s25;
	[sflag:s11] =	ssyncset.done $0x0  }
0xae: {  	s25 =	sshrl.u32 @!p1 s25, $0x3;
	s7 =	rddreg [dreg:$0x12];
	[sflag:s11] =	ssyncadd.s32 $0xFFFFD800  }
0xaf: {  	[spmem:s25], [sflag:s23] =	dma.local @!p1 [hbm:s7], $0x500  }
0xb0: {  	s25 =	simm.s32 @!p1 $0x3  }
0xb1: {  	_ =	swait.ge @!p1 [sflag:s25], $0x500  }
0xb2: {  	[sflag:s25] =	ssyncset.done @!p1 $0x0  }
0xb3: {  	s26 =	sand.u32 $0x3FF0, s5;
	[sflag:s25] =	ssyncadd.s32 @!p1 $0xFFFFFB00;
	s25 =	simm.s32 $0x10  }
.LBB2_2:
0xb4: {  	p3 =	sne.s32 s25, $0x27F0;
	[tilespmem:s26+$0x8400] =	vst v3;
	s26 =	smov.u32 s25;
	s25 =	sadd.s32 $0x10, s25  }
.Ltmp2:
0xb5: {  	(pc) =	sbr.rel @p3 .LBB2_2-.Ltmp2, $2  }
0xb6: {  	_ =	sdelay $0x2  }
0xb7: {  	s26 =	sand.u32 $0x3FF0, s26  }
0xb8: {  	[tilespmem:s26+$0x8400] =	vst v3  }
0xb9: {  	[tilespmem:$0xAC00] =	vst v2  }
0xba: {  	[tilespmem:$0xAC10] =	vst v4  }
0xbb: {  	[tilespmem:$0xAC20] =	vst v5  }
0xbc: {  	[tilespmem:$0xAC30] =	vst v6  }
0xbd: {  	s25 =	simm.s32 $0x0;
	s7 =	rddreg [dreg:$0x13];
	s17 =	simm.s32 $0xAC80;
	[tilespmem:$0xAC40] =	vst v7  }
0xbe: {  	[tilespmem:s17], [sflag:$0x3] =	stream.linear.gather [hbm4b:s7+s25], $0xA00, $0x38;
	[tilespmem:$0x1F940] =	vst v63  }
.Ltmp3:
0xbf: {  	_ =	swait.ge [sflag:s11], $0xA00;
	(pc) =	sbr.rel .LBB2_4-.Ltmp3, $4  }
0xc0: {  	[sflag:s11] =	ssyncset.done $0x0  }
0xc1: {  	[sflag:s11] =	ssyncadd.s32 $0xFFFFF600  }
0xc2: {  	[bflag:$0x0] =	sbarrier.arrive $0xFFFF  }
0xc3: {  	s26 =	simm.s32 $0x0  }
.LBB2_12:
0xc4: {  	s7 =	simm.s32 @p3 $0x1  }
0xc5: {  	_ =	swait.ge @p3 [sflag:s7], $0x4000  }
0xc6: {  	[sflag:s7] =	ssyncset.done @p3 $0x0  }
0xc7: {  	s17 =	simm.s32 @p4 $0x2;
	[sflag:s7] =	ssyncadd.s32 @p3 $0xFFFFC000  }
0xc8: {  	_ =	swait.ge @p4 [sflag:s17], $0x4000  }
0xc9: {  	s28 =	simm.s32 @p3 $0x80;
	[sflag:s17] =	ssyncset.done @p4 $0x0  }
0xca: {  	s29 =	simm.s32 @p3 $0x300;
	s30 =	simm.s32 @p3 $0x400;
	[sflag:s17] =	ssyncadd.s32 @p4 $0xFFFFC000  }
0xcb: {  	[spmem:s16] =	stream.indirect.scatter.add.f32 @p3 [tilespmem:s30], [sflag:$0x1], $0x80, s29, s28, $0xb8;
	[tilespmem:$0x1F940] =	vst v63  }
0xcc: {  	s28 =	simm.s32 @p4 $0x80;
	s29 =	simm.s32 @p4 $0x380;
	s30 =	simm.s32 @p4 $0x4400  }
0xcd: {  	[spmem:s16] =	stream.indirect.scatter.add.f32 @p4 [tilespmem:s30], [sflag:$0x2], $0x80, s29, s28, $0xb8;
	[tilespmem:$0x1F940] =	vst v63  }
0xce: {  	_ =	swait.ge @p3 [sflag:s7], $0x4000  }
0xcf: {  	s26 =	sadd.s32 $0x1, s26;
	[sflag:s7] =	ssyncset.done @p3 $0x0  }
0xd0: {  	[sflag:s7] =	ssyncadd.s32 @p3 $0xFFFFC000;
	p3 =	sne.s32 s26, $0x4F  }
.Ltmp4:
0xd1: {  	_ = 	snop;
	(pc) =	sbr.rel @!p3 .LBB2_13-.Ltmp4, $4  }
0xd2: {  	_ = 	snop  }
0xd3: {  	_ =	swait.ge @p4 [sflag:s17], $0x4000  }
0xd4: {  	[sflag:s17] =	ssyncset.done @p4 $0x0  }
0xd5: {  	[sflag:s17] =	ssyncadd.s32 @p4 $0xFFFFC000  }
.LBB2_4:
0xd6: {  	s28 =	sshll.u32 s26, $0x5  }
0xd7: {  	v15 =	vld [tilespmem:s28+$0xAC80]  }
0xd8: {  	v16 =	vld [tilespmem:s28+$0xAC81];
	_ =	sdelay $0x1  }
0xd9: {  	v17 =	vld [tilespmem:s28+$0xAC90]  }
0xda: {  	v18 =	vld [tilespmem:s28+$0xAC91]  }
0xdb: {  	v15 =	vperm.xlane v15, v0  }
0xdc: {  	v16 =	vperm.xlane v16, v0  }
0xdd: {  	(v2sf) =	vpush v15, $0x0  }
0xde: {  	v15 =	vperm.xlane v17, v0;
	(v2sf) =	vpush v16, $0x0  }
0xdf: {  	v63 =	vperm.xlane v18, v0  }
0xe0: {  	(v2sf) =	vpush v15, $0x0  }
0xe1: {  	(v2sf) =	vpush v63, $0x0;
	_ =	sdelay $0xa  }
0xe2: {  	s29 =	spop (v2sf)  }
0xe3: {  	s30 =	spop (v2sf)  }
0xe4: {  	p4 =	slt.s32 s29, s10;
	p3 =	sge.s32 s30, s6  }
0xe5: {  	s17 =	spop (v2sf);
	p3 =	por !p4, !p3  }
0xe6: {  	s31 =	spop (v2sf);
	p3 =	por !p3, !p3  }
0xe7: {  	p5 =	slt.s32 s17, s10;
	p6 =	sge.s32 s31, s6;
	s29 =	sor.u32 @p3 s4, s28  }
0xe8: {  	s28 =	sor.u32 s4, s28;
	p4 =	por !p5, !p6;
	s29 =	sshll.u32 @p3 s29, $0x4  }
0xe9: {  	s31 =	simm.s32 @p3 $0x0;
	s17 =	simm.s32 @p3 $0x200;
	s30 =	sadd.s32 @p3 s2, s29  }
0xea: {  	[tilespmem:s17], [sflag:$0x1] =	stream.linear.gather @p3 [hbm4b:s30+s31], $0x80, $0x38;
	[tilespmem:$0x1F940] =	vst v63  }
0xeb: {  	p4 =	por !p4, !p4;
	s17 =	sor.u32 $0x10, s28  }
0xec: {  	s28 =	sadd.s32 @p3 s1, s29;
	s17 =	sshll.u32 @p4 s17, $0x4  }
0xed: {  	[tilespmem:s31], [sflag:$0x1] =	stream.linear.gather @p3 [hbm4b:s28+s31], $0x80, $0x38;
	[tilespmem:$0x1F940] =	vst v63  }
0xee: {  	s29 =	simm.s32 @p4 $0x0;
	s30 =	simm.s32 @p4 $0x280;
	s28 =	sadd.s32 @p4 s2, s17  }
0xef: {  	[tilespmem:s30], [sflag:$0x2] =	stream.linear.gather @p4 [hbm4b:s28+s29], $0x80, $0x38;
	[tilespmem:$0x1F940] =	vst v63  }
0xf0: {  	s17 =	sadd.s32 @p4 s1, s17;
	s28 =	simm.s32 @p4 $0x80  }
0xf1: {  	[tilespmem:s28], [sflag:$0x2] =	stream.linear.gather @p4 [hbm4b:s17+s29], $0x80, $0x38;
	[tilespmem:$0x1F940] =	vst v63  }
0xf2: {  	s17 =	simm.s32 @p3 $0x1  }
0xf3: {  	_ =	swait.ge @p3 [sflag:s17], $0x80  }
0xf4: {  	[sflag:s17] =	ssyncset.done @p3 $0x0  }
0xf5: {  	[sflag:s17] =	ssyncadd.s32 @p3 $0xFFFFFF80  }
0xf6: {  	_ =	swait.ge @p3 [sflag:s17], $0x80  }
0xf7: {  	[sflag:s17] =	ssyncset.done @p3 $0x0  }
0xf8: {  	s29 =	simm.s32 @p4 $0x2;
	[sflag:s17] =	ssyncadd.s32 @p3 $0xFFFFFF80  }
0xf9: {  	_ =	swait.ge @p4 [sflag:s29], $0x80  }
0xfa: {  	[sflag:s29] =	ssyncset.done @p4 $0x0  }
0xfb: {  	[sflag:s29] =	ssyncadd.s32 @p4 $0xFFFFFF80  }
0xfc: {  	_ =	swait.ge @p4 [sflag:s29], $0x80  }
0xfd: {  	[sflag:s29] =	ssyncset.done @p4 $0x0  }
0xfe: {  	s7 =	simm.s32 @p3 $0x100;
	s30 =	simm.s32 @p3 $0x80;
	[sflag:s29] =	ssyncadd.s32 @p4 $0xFFFFFF80  }
0xff: {  	[tilespmem:s7], [sflag:$0x1] =	stream.indirect.gather @p3 [hbm4b:s0+s30], $0x1, s31, s30, $0xb8;
	[tilespmem:$0x1F940] =	vst v63  }
0x100: {  	s31 =	simm.s32 @p4 $0x180  }
0x101: {  	[tilespmem:s31], [sflag:$0x2] =	stream.indirect.gather @p4 [hbm4b:s0+s28], $0x1, s28, s28, $0xb8;
	[tilespmem:$0x1F940] =	vst v63  }
0x102: {  	_ =	swait.ge @p3 [sflag:s17], $0x80  }
0x103: {  	[sflag:s17] =	ssyncset.done @p3 $0x0  }
0x104: {  	[sflag:s17] =	ssyncadd.s32 @p3 $0xFFFFFF80  }
0x105: {  	_ =	swait.ge @p4 [sflag:s29], $0x80  }
.Ltmp5:
0x106: {  	[sflag:s29] =	ssyncset.done @p4 $0x0;
	(pc) =	sbr.rel @!p3 .LBB2_8-.Ltmp5, $4  }
0x107: {  	s17 =	simm.s32 @p3 $0x400;
	[sflag:s29] =	ssyncadd.s32 @p4 $0xFFFFFF80  }
0x108: {  	[tilespmem:s17], [sflag:$0x1] =	stream.indirect.gather @p3 [hbm4b:s3+s30], $0x80, s7, s30, $0xb8;
	[tilespmem:$0x1F940] =	vst v63  }
0x109: {  	s7 =	simm.s32 @p4 $0x4400  }
0x10a: {  	[tilespmem:s7], [sflag:$0x2] =	stream.indirect.gather @p4 [hbm4b:s3+s28], $0x80, s31, s28, $0xb8;
	[tilespmem:$0x1F940] =	vst v63  }
0x10b: {  	s28 =	sshra.s32 s25, $0x2;
	s29 =	sadd.s32 $0x40, s25  }
.LBB2_6:
0x10c: {  	p5 =	sne.s32 s29, $0x1C0;
	v15 =	vld [tilespmem:s28+$0x200];
	_ =	sdelay $0x4  }
0x10d: {  	v15 =	vsub.s32 v15, v1  }
0x10e: {  	v16 =	vmin.u32 v15, $0x2800  }
0x10f: {  	v17 =	vperm.xlane v16, v8;
	_ =	sdelay $0x1  }
0x110: {  	vm5 =	vne.s32 v16, v17  }
0x111: {  	v17 =	vsel vm5, v2, v9  }
0x112: {  	v18 =	vperm.xlane v17, v11  }
0x113: {  	vm4 =	veq.s32 v2, $0xF  }
0x114: {  	v18 =	vsel vm4, $0x10, v18  }
0x115: {  	vm6 =	vlt.s32 v17, v18  }
0x116: {  	v17 =	vsel vm6, v17, v18  }
0x117: {  	v18 =	vperm.xlane v17, v10;
	_ =	sdelay $0x1  }
0x118: {  	v18 =	vnsel vm1, $0x10, v18  }
0x119: {  	vm6 =	vlt.s32 v17, v18  }
0x11a: {  	v17 =	vsel vm6, v17, v18  }
0x11b: {  	v18 =	vperm.xlane v17, v12;
	_ =	sdelay $0x1  }
0x11c: {  	v18 =	vnsel vm2, $0x10, v18  }
0x11d: {  	vm6 =	vlt.s32 v17, v18  }
0x11e: {  	v17 =	vsel vm6, v17, v18  }
0x11f: {  	v18 =	vperm.xlane v17, v13;
	_ =	sdelay $0x1  }
0x120: {  	v18 =	vnsel vm3, $0x10, v18  }
0x121: {  	vm6 =	vlt.s32 v17, v18  }
0x122: {  	vm7 =	vlt.u32 v15, $0x2800;
	vm5 =	vmor vm5, vm0;
	v15 =	vsel vm6, v17, v18  }
0x123: {  	vm5 =	vmand vm7, vm5;
	v15 =	vperm.xlane v15, v11;
	_ =	sdelay $0x1  }
.Ltmp6:
0x124: {  	v15 =	vsel vm4, $0x10, v15;
	(pc) =	sbr.rel @p5 .LBB2_6-.Ltmp6, $4  }
0x125: {  	v15 =	vadd.s32 v14, v15  }
0x126: {  	v15 =	vcvt.s32.f32 v15  }
0x127: {  	[tilespmem:s28+$0x300] =	vst v16  }
0x128: {  	s28 =	sshra.s32 s29, $0x2;
	s29 =	sadd.s32 $0x40, s29;
	[tilespmem:v16+s12+$0x0] =	vst.idx.add.f32.msk vm5, v15  }
0x129: {  	v15 =	vld [tilespmem:s28+$0x200];
	_ =	sdelay $0x4  }
0x12a: {  	v15 =	vsub.s32 v15, v1  }
0x12b: {  	v16 =	vmin.u32 v15, $0x2800  }
0x12c: {  	v17 =	vperm.xlane v16, v8;
	_ =	sdelay $0x1  }
0x12d: {  	vm5 =	vne.s32 v16, v17  }
0x12e: {  	v17 =	vsel vm5, v2, v9  }
0x12f: {  	v18 =	vperm.xlane v17, v11;
	_ =	sdelay $0x1  }
0x130: {  	v18 =	vsel vm4, $0x10, v18  }
0x131: {  	vm6 =	vlt.s32 v17, v18  }
0x132: {  	v17 =	vsel vm6, v17, v18  }
0x133: {  	v18 =	vperm.xlane v17, v10;
	_ =	sdelay $0x1  }
0x134: {  	v18 =	vnsel vm1, $0x10, v18  }
0x135: {  	vm6 =	vlt.s32 v17, v18  }
0x136: {  	v17 =	vsel vm6, v17, v18  }
0x137: {  	v18 =	vperm.xlane v17, v12;
	_ =	sdelay $0x1  }
0x138: {  	v18 =	vnsel vm2, $0x10, v18  }
0x139: {  	vm6 =	vlt.s32 v17, v18  }
0x13a: {  	v17 =	vsel vm6, v17, v18  }
0x13b: {  	v18 =	vperm.xlane v17, v13;
	_ =	sdelay $0x1  }
0x13c: {  	v18 =	vnsel vm3, $0x10, v18  }
0x13d: {  	vm6 =	vlt.s32 v17, v18  }
0x13e: {  	vm7 =	vlt.u32 v15, $0x2800;
	vm5 =	vmor vm5, vm0;
	v15 =	vsel vm6, v17, v18  }
0x13f: {  	vm5 =	vmand vm7, vm5;
	v15 =	vperm.xlane v15, v11;
	_ =	sdelay $0x1  }
0x140: {  	v15 =	vsel vm4, $0x10, v15  }
0x141: {  	v15 =	vadd.s32 v14, v15  }
0x142: {  	v15 =	vcvt.s32.f32 v15  }
0x143: {  	[tilespmem:s28+$0x300] =	vst v16  }
0x144: {  	[tilespmem:v16+s12+$0x0] =	vst.idx.add.f32.msk vm5, v15  }
.LBB2_8:
.Ltmp7:
0x145: {  	(pc) =	sbr.rel @!p4 .LBB2_12-.Ltmp7, $2  }
0x146: {  	_ =	sdelay $0x2  }
0x147: {  	s29 =	simm.s32 $0x0  }
0x148: {  	s28 =	sshra.s32 s29, $0x2;
	s29 =	sadd.s32 $0x40, s29  }
.LBB2_10:
0x149: {  	p5 =	sne.s32 s29, $0x1C0;
	v15 =	vld [tilespmem:s28+$0x280];
	_ =	sdelay $0x4  }
0x14a: {  	v15 =	vsub.s32 v15, v1  }
0x14b: {  	v16 =	vmin.u32 v15, $0x2800  }
0x14c: {  	v17 =	vperm.xlane v16, v8;
	_ =	sdelay $0x1  }
0x14d: {  	vm5 =	vne.s32 v16, v17  }
0x14e: {  	v17 =	vsel vm5, v2, v9  }
0x14f: {  	v18 =	vperm.xlane v17, v11  }
0x150: {  	vm4 =	veq.s32 v2, $0xF  }
0x151: {  	v18 =	vsel vm4, $0x10, v18  }
0x152: {  	vm6 =	vlt.s32 v17, v18  }
0x153: {  	v17 =	vsel vm6, v17, v18  }
0x154: {  	v18 =	vperm.xlane v17, v10;
	_ =	sdelay $0x1  }
0x155: {  	v18 =	vnsel vm1, $0x10, v18  }
0x156: {  	vm6 =	vlt.s32 v17, v18  }
0x157: {  	v17 =	vsel vm6, v17, v18  }
0x158: {  	v18 =	vperm.xlane v17, v12;
	_ =	sdelay $0x1  }
0x159: {  	v18 =	vnsel vm2, $0x10, v18  }
0x15a: {  	vm6 =	vlt.s32 v17, v18  }
0x15b: {  	v17 =	vsel vm6, v17, v18  }
0x15c: {  	v18 =	vperm.xlane v17, v13;
	_ =	sdelay $0x1  }
0x15d: {  	v18 =	vnsel vm3, $0x10, v18  }
0x15e: {  	vm6 =	vlt.s32 v17, v18  }
0x15f: {  	vm7 =	vlt.u32 v15, $0x2800;
	vm5 =	vmor vm5, vm0;
	v15 =	vsel vm6, v17, v18  }
0x160: {  	vm5 =	vmand vm7, vm5;
	v15 =	vperm.xlane v15, v11;
	_ =	sdelay $0x1  }
.Ltmp8:
0x161: {  	v15 =	vsel vm4, $0x10, v15;
	(pc) =	sbr.rel @p5 .LBB2_10-.Ltmp8, $4  }
0x162: {  	v15 =	vadd.s32 v14, v15  }
0x163: {  	v15 =	vcvt.s32.f32 v15  }
0x164: {  	[tilespmem:s28+$0x380] =	vst v16  }
0x165: {  	s28 =	sshra.s32 s29, $0x2;
	s29 =	sadd.s32 $0x40, s29;
	[tilespmem:v16+s12+$0x0] =	vst.idx.add.f32.msk vm5, v15  }
0x166: {  	v15 =	vld [tilespmem:s28+$0x280];
	_ =	sdelay $0x4  }
0x167: {  	v15 =	vsub.s32 v15, v1  }
0x168: {  	v16 =	vmin.u32 v15, $0x2800  }
0x169: {  	v17 =	vperm.xlane v16, v8;
	_ =	sdelay $0x1  }
0x16a: {  	vm5 =	vne.s32 v16, v17  }
0x16b: {  	v17 =	vsel vm5, v2, v9  }
0x16c: {  	v18 =	vperm.xlane v17, v11;
	_ =	sdelay $0x1  }
0x16d: {  	v18 =	vsel vm4, $0x10, v18  }
0x16e: {  	vm6 =	vlt.s32 v17, v18  }
0x16f: {  	v17 =	vsel vm6, v17, v18  }
0x170: {  	v18 =	vperm.xlane v17, v10;
	_ =	sdelay $0x1  }
0x171: {  	v18 =	vnsel vm1, $0x10, v18  }
0x172: {  	vm6 =	vlt.s32 v17, v18  }
0x173: {  	v17 =	vsel vm6, v17, v18  }
0x174: {  	v18 =	vperm.xlane v17, v12;
	_ =	sdelay $0x1  }
0x175: {  	v18 =	vnsel vm2, $0x10, v18  }
0x176: {  	vm6 =	vlt.s32 v17, v18  }
0x177: {  	v17 =	vsel vm6, v17, v18  }
0x178: {  	v18 =	vperm.xlane v17, v13;
	_ =	sdelay $0x1  }
0x179: {  	v18 =	vnsel vm3, $0x10, v18  }
0x17a: {  	vm6 =	vlt.s32 v17, v18  }
0x17b: {  	vm7 =	vlt.u32 v15, $0x2800;
	vm5 =	vmor vm5, vm0;
	v15 =	vsel vm6, v17, v18  }
0x17c: {  	vm5 =	vmand vm7, vm5;
	v15 =	vperm.xlane v15, v11;
	_ =	sdelay $0x1  }
.Ltmp9:
0x17d: {  	v15 =	vsel vm4, $0x10, v15;
	(pc) =	sbr.rel .LBB2_12-.Ltmp9, $4  }
0x17e: {  	v15 =	vadd.s32 v14, v15  }
0x17f: {  	v15 =	vcvt.s32.f32 v15  }
0x180: {  	[tilespmem:s28+$0x380] =	vst v16  }
0x181: {  	[tilespmem:v16+s12+$0x0] =	vst.idx.add.f32.msk vm5, v15  }
.LBB2_14:
0x182: {  	_ =	sfence.sel $0x180000  }
0x183: {  	[bflag:$0x0] =	sbarrier.arrive $0xFFFF  }
0x184: {  	_ =	strace $0x90000047  }
0x185: {  	[bflag:$0x2] =	sbarrier.arrive $0xFFFF  }
0x186: {  	s0 =	rddreg [dreg:$0x8]  }
0x187: {  	s0 =	sadd.s32 @!p1 $0x100000, s0  }
0x188: {  	[sflag:s0] =	ssyncadd.tile.s32 @!p1 $0x1;
	_ =	shalt  }
.Lfunc_end2:
_tile_overlayer_lowered:
.L_overlay_start_2:
0x189: {  	(tag) =	ssettag $0x2  }
0x18a: {  	s0 =	rddreg [dreg:$0x0];
	s2 =	stileid.u32  }
0x18b: {  	s1 =	rddreg [dreg:$0x1];
	p0 =	sne.s32 s2, $0x0  }
0x18c: {  	s3 =	rddreg [dreg:$0x2];
	[bflag:$0x3] =	sbarrier.arrive $0xFFFF;
	s2 =	simm.s32 @!p0 $0x1C03  }
0x18d: {  	[timem:s3], [sflag:s2] =	dma.local @!p0 [hbm:s0], s1  }
0x18e: {  	s0 =	simm.s32 @!p0 $0x3  }
0x18f: {  	_ =	swait.ge @!p0 [sflag:s0], s1  }
0x190: {  	s1 =	ssub.s32 @!p0 $0x0, s1;
	[sflag:s0] =	ssyncset.done @!p0 $0x0  }
0x191: {  	[sflag:s0] =	ssyncadd.s32 @!p0 s1  }
0x192: {  	[bflag:$0x3] =	sbarrier.arrive $0xFFFF  }
0x193: {  	_ =	shalt  }

// kernel: kernel.9.cloned.1.call-start
scs
__scs_entry_jumppad:
0x0: {  	(pc) =	sbr.rel $0x88, $3  }
0x1: {  	(tag) =	ssettag $0x0;
	lr =	simm.s32 $0x1  }
0x2: {  	[smem:$0x3F95] =	sst lr;
	_ =	strace $0xD0000000  }
0x3: {  	_ = 	snop  }
0x4: {  	_ = 	snop  }
0x5: {  	_ = 	snop  }
0x6: {  	_ = 	snop  }
0x7: {  	_ = 	snop  }
__scs_overlays_trampoline_lowered:
0x8: {  	[smem:$0x3FA4] =	sst s0  }
0x9: {  	[smem:$0x3FA5] =	sst s1  }
0xa: {  	[smem:$0x3FA6] =	sst s2  }
0xb: {  	[smem:$0x3FA7] =	sst s3  }
0xc: {  	[smem:$0x3FA8] =	sst s4  }
0xd: {  	[smem:$0x3FA9] =	sst s5  }
0xe: {  	[smem:$0x3FAA] =	sst s6  }
0xf: {  	[smem:$0x3FAB] =	sst s7  }
0x10: {  	[smem:$0x3FAC] =	sst s8  }
0x11: {  	[smem:$0x3FAD] =	sst s9;
	s0 =	simm.s32 @!p0 $0x0  }
0x12: {  	s1 =	sld [smem:$0x3F93];
	s0 =	simm.s32 @p0 $0x1  }
0x13: {  	[smem:$0x3FAE] =	sst s0;
	s0 =	simm.s32 @!p1 $0x0  }
0x14: {  	s2 =	sld [smem:$0x3F92];
	s0 =	simm.s32 @p1 $0x1  }
0x15: {  	[smem:$0x3FAF] =	sst s0;
	s0 =	simm.s32 @!p2 $0x0  }
0x16: {  	s3 =	sld [smem:$0x3FDB];
	s0 =	simm.s32 @p2 $0x1  }
0x17: {  	s4 =	simm.s32 $0x1BF5;
	[smem:$0x3FB1] =	sst s0  }
0x18: {  	s0 =	sld [smem:$0x3F94];
	_ =	swait.ge [sflag:s4], $0x0  }
0x19: {  	s7 =	sld [smem:$0x3F95]  }
0x1a: {  	s8 =	sadd.s32 $0xFFFFE003, lr  }
0x1b: {  	s9 =	sadd.s32 $0xFFFFFEF7, lr;
	s5 =	simm.s32 $0xFFFFFFFF;
	p2 =	slt.u32 s8, $0xFFFFF086  }
0x1c: {  	p1 =	slt.u32 s9, $0xF7A;
	s5 =	simm.s32 @!p2 $0x0  }
0x1d: {  	s5 =	simm.s32 @p1 $0x1;
	p0 =	seq.s32 s7, s2  }
0x1e: {  	s7 =	smul.u32 @!p0 $0xF7A, s2;
	p2 =	seq.s32 @!p0 s5, $0x0  }
0x1f: {  	s9 =	smul.u32 $0xF7A, s1;
	s8 =	simm.s32 @!p0 $0x1BF5;
	p2 =	por !p2, p0  }
0x20: {  	[sflag:s8] =	ssyncset.s32 @!p0 $0xFFFFF086;
	s6 =	sadd.s32 @!p0 s3, s7;
	s7 =	simm.s32 @!p0 $0x108  }
0x21: {  	s3 =	sadd.s32 s3, s9;
	s6 =	sadd.s32 @!p0 $0x88, s6;
	s7 =	simm.s32 @p2 $0x1082  }
0x22: {  	[simem:s7], [sflag:s8] =	dma.local @!p0 [hbm:s6], $0xF7A  }
0x23: {  	s9 =	sor.u32 $0xD0000000, s2;
	s6 =	simm.s32 $0x108;
	_ =	swait.ge @!p0 [sflag:s8], $0x0  }
0x24: {  	s3 =	sadd.s32 $0x88, s3;
	s6 =	simm.s32 @!p1 $0x1082;
	[sflag:s4] =	ssyncset.s32 $0xFFFFF086  }
0x25: {  	[simem:s6], [sflag:s4] =	dma.local [hbm:s3], $0xF7A  }
0x26: {  	[smem:$0x3F95] =	sst s1;
	(tag) =	ssettag s2;
	_ =	strace s9  }
0x27: {  	s1 =	sld [smem:$0x3FA5]  }
0x28: {  	s2 =	sld [smem:$0x3FA6]  }
0x29: {  	s4 =	sld [smem:$0x3FA8]  }
0x2a: {  	p0 =	seq.s32 s5, $0x0;
	s5 =	sld [smem:$0x3FA9]  }
0x2b: {  	s6 =	sld [smem:$0x3FAA]  }
0x2c: {  	s7 =	sld [smem:$0x3FAB]  }
0x2d: {  	s3 =	simm.s32 $0x108;
	s8 =	sld [smem:$0x3FAC]  }
0x2e: {  	s3 =	simm.s32 @!p0 $0x1082;
	s9 =	sld [smem:$0x3FAD]  }
0x2f: {  	lr =	sadd.s32 s0, s3;
	s0 =	sld [smem:$0x3FA4]  }
0x30: {  	s3 =	sld [smem:$0x3FA7]  }
0x31: {  	[smem:$0x3FB0] =	sst s10  }
0x32: {  	s10 =	sld [smem:$0x3FAE];
	_ =	sdelay $0x3  }
0x33: {  	p0 =	seq.s32 s10, $0x1;
	s10 =	sld [smem:$0x3FB0];
	_ =	sdelay $0x3  }
0x34: {  	[smem:$0x3FB0] =	sst s10  }
0x35: {  	s10 =	sld [smem:$0x3FAF];
	_ =	sdelay $0x3  }
0x36: {  	p1 =	seq.s32 s10, $0x1;
	s10 =	sld [smem:$0x3FB0];
	_ =	sdelay $0x3  }
0x37: {  	[smem:$0x3FB0] =	sst s10  }
0x38: {  	s10 =	sld [smem:$0x3FB1]  }
0x39: {  	_ = 	snop;
	(pc) =	sbr.ind lr, $3  }
0x3a: {  	_ = 	snop  }
0x3b: {  	_ = 	snop  }
0x3c: {  	p2 =	seq.s32 s10, $0x1;
	s10 =	sld [smem:$0x3FB0]  }
0x3d: {  	_ =	shalt  }
0x3e: {  	_ =	shalt  }
0x3f: {  	_ =	shalt  }
0x40: {  	_ =	shalt  }
0x41: {  	_ =	shalt  }
0x42: {  	_ =	shalt  }
0x43: {  	_ =	shalt  }
0x44: {  	_ =	shalt  }
0x45: {  	_ =	shalt  }
0x46: {  	_ =	shalt  }
0x47: {  	_ =	shalt  }
0x48: {  	_ =	shalt  }
0x49: {  	_ =	shalt  }
0x4a: {  	_ =	shalt  }
0x4b: {  	_ =	shalt  }
0x4c: {  	_ =	shalt  }
0x4d: {  	_ =	shalt  }
0x4e: {  	_ =	shalt  }
0x4f: {  	_ =	shalt  }
0x50: {  	_ =	shalt  }
0x51: {  	_ =	shalt  }
0x52: {  	_ =	shalt  }
0x53: {  	_ =	shalt  }
0x54: {  	_ =	shalt  }
0x55: {  	_ =	shalt  }
0x56: {  	_ =	shalt  }
0x57: {  	_ =	shalt  }
0x58: {  	_ =	shalt  }
0x59: {  	_ =	shalt  }
0x5a: {  	_ =	shalt  }
0x5b: {  	_ =	shalt  }
0x5c: {  	_ =	shalt  }
0x5d: {  	_ =	shalt  }
0x5e: {  	_ =	shalt  }
0x5f: {  	_ =	shalt  }
0x60: {  	_ =	shalt  }
0x61: {  	_ =	shalt  }
0x62: {  	_ =	shalt  }
0x63: {  	_ =	shalt  }
0x64: {  	_ =	shalt  }
0x65: {  	_ =	shalt  }
0x66: {  	_ =	shalt  }
0x67: {  	_ =	shalt  }
0x68: {  	_ =	shalt  }
0x69: {  	_ =	shalt  }
0x6a: {  	_ =	shalt  }
0x6b: {  	_ =	shalt  }
0x6c: {  	_ =	shalt  }
0x6d: {  	_ =	shalt  }
0x6e: {  	_ =	shalt  }
0x6f: {  	_ =	shalt  }
0x70: {  	_ =	shalt  }
0x71: {  	_ =	shalt  }
0x72: {  	_ =	shalt  }
0x73: {  	_ =	shalt  }
0x74: {  	_ =	shalt  }
0x75: {  	_ =	shalt  }
0x76: {  	_ =	shalt  }
0x77: {  	_ =	shalt  }
0x78: {  	_ =	shalt  }
0x79: {  	_ =	shalt  }
0x7a: {  	_ =	shalt  }
0x7b: {  	_ =	shalt  }
0x7c: {  	_ =	shalt  }
0x7d: {  	_ =	shalt  }
0x7e: {  	_ =	shalt  }
0x7f: {  	_ =	shalt  }
0x80: {  	_ =	shalt  }
0x81: {  	_ =	shalt  }
0x82: {  	_ =	shalt  }
0x83: {  	_ =	shalt  }
0x84: {  	_ =	shalt  }
0x85: {  	_ =	shalt  }
0x86: {  	_ =	shalt  }
0x87: {  	_ =	shalt  }
.Lfunc_end0:
.L_simem_size_0:
called_computation.1_lowered:
.L_overlay_start_0:
0x88: {  	s2 =	sld [smem:$0x3FD9]  }
0x89: {  	s3 =	sld [smem:$0x3FFE];
	_ =	sdelay $0x1  }
0x8a: {  	s1 =	srdreg.scid  }
0x8b: {  	s0 =	sand.u32 $0x1, s1  }
0x8c: {  	s17 =	sshll.u32 s0, $0xA;
	s2 =	sadd.s32 s3, s2  }
0x8d: {  	s2 =	sadd.s32 s2, s17  }
0x8e: {  	[smem:$0x3FBC] =	sst s2  }
0x8f: {  	_ = 	snop  }
0x90: {  	s2 =	sld [smem:$0x3FC6]  }
0x91: {  	s18 =	sld [smem:$0x3FC5]  }
0x92: {  	s4 =	sld [smem:$0x3FD0];
	(tm) =	ssettm $0x1  }
0x93: {  	s5 =	sld [smem:$0x3FFB];
	_ =	sdelay $0x3  }
0x94: {  	_ =	strace s5  }
0x95: {  	s5 =	sld [smem:$0x3FFC];
	_ =	sdelay $0x3  }
0x96: {  	_ =	strace s5  }
0x97: {  	s5 =	sld [smem:$0x3FFD];
	_ =	sdelay $0x3  }
0x98: {  	_ =	strace s5  }
0x99: {  	_ =	strace $0x8FFFFFFF  }
0x9a: {  	s19 =	sld [smem:$0x3FDB];
	_ =	sdelay $0x1  }
0x9b: {  	s6 =	simm.s32 $_scs_section_size  }
0x9c: {  	s7 =	simm.s32 $_size__tile_overlayer_lowered;
	s8 =	simm.s32 $_tile_overlayer_lowered  }
0x9d: {  	s22 =	simm.s32 $0x1BFF;
	s21 =	sshll.u32 s8, $0x1;
	s5 =	sadd.s32 s6, s19  }
0x9e: {  	s9 =	simm.s32 $0x0;
	s20 =	sshll.u32 s7, $0x1;
	s7 =	sadd.s32 s21, s5  }
0x9f: {  	[timem:s9], [sflag:s22] =	dma.local [hbm:s7], s20  }
0xa0: {  	_ =	swait.ge [sflag:s22], s20  }
0xa1: {  	s6 =	ssub.s32 $0x0, s20;
	[sflag:s22] =	ssyncset.done $0x0  }
0xa2: {  	[sflag:s22] =	ssyncadd.s32 s6;
	_ =	sdelay $0x1  }
0xa3: {  	s23 =	simm.s32 $0x1B8B  }
0xa4: {  	_ =	swait.ge [sflag:s23], $0x1  }
0xa5: {  	[sflag:s23] =	ssyncset.done $0x0  }
0xa6: {  	s25 =	simm.s32 $0x1B8E;
	s24 =	sld [smem:$0x3FFE];
	[sflag:s23] =	ssyncadd.s32 $0xFFFFFFFF  }
0xa7: {  	s26 =	simm.s32 $execute0_lowered;
	[smem:$0x3FD2] =	sst s25  }
0xa8: {  	s7 =	sshll.u32 s26, $0x1;
	_ =	strace $0x80000049;
	[dreg:$0x1] =	wrdreg $0xFFFFFFFF  }
0xa9: {  	s28 =	simm.s32 $_size_execute0_lowered;
	s5 =	sadd.s32 s5, s7;
	[dreg:$0x0] =	wrdreg $0x0  }
0xaa: {  	s7 =	sshll.u32 s28, $0x1;
	[dreg:$0x2] =	wrdreg s5  }
0xab: {  	[dreg:$0x3] =	wrdreg s7  }
0xac: {  	[dreg:$0x4] =	wrdreg $0xC0  }
0xad: {  	_ =	task [dreg:s9], $0x5FFFF  }
0xae: {  	[dreg:$0x1] =	wrdreg $0xFFFFFFFF  }
0xaf: {  	[dreg:$0x0] =	wrdreg $0x60  }
0xb0: {  	[dreg:$0x2] =	wrdreg s2  }
0xb1: {  	[dreg:$0x3] =	wrdreg s18  }
0xb2: {  	[dreg:$0x4] =	wrdreg s24  }
0xb3: {  	[dreg:$0x5] =	wrdreg s4  }
0xb4: {  	[dreg:$0x6] =	wrdreg $0x111000  }
0xb5: {  	[dreg:$0x7] =	wrdreg $0x151400  }
0xb6: {  	[dreg:$0x8] =	wrdreg $0x9  }
0xb7: {  	_ =	task.clear_ibuf [dreg:s9], $0x9FFFF;
	_ =	strace $0x90000049  }
0xb8: {  	s29 =	simm.s32 $0x9;
	_ =	strace $0x8000004B  }
0xb9: {  	_ =	swait.ge [sflag:s29], $0x1  }
0xba: {  	[sflag:s29] =	ssyncadd.s32 $0xFFFFFFFF  }
0xbb: {  	_ =	strace $0x9000004B  }
0xbc: {  	_ =	sfence  }
0xbd: {  	s30 =	sld [smem:$0x0];
	_ =	sdelay $0x2  }
0xbe: {  	s31 =	sshll.u32 s1, $0xD;
	s1 =	sshrl.u32 s1, $0x2  }
0xbf: {  	s3 =	sand.u32 $0x4000, s31;
	s1 =	sadd.s32 s1, s30  }
0xc0: {  	s0 =	sor.u32 s3, s0;
	s1 =	sshll.u32 s1, $0x11  }
0xc1: {  	s0 =	sor.u32 s1, s0  }
0xc2: {  	s0 =	sadd.s32 $0x8F2B, s0  }
0xc3: {  	[sflag:s0] =	ssyncadd.remote.s32 $0x1  }
0xc4: {  	_ =	sfence.sel $0xFFFF  }
0xc5: {  	[dreg:$0x0] =	wrdreg $0xFFFFFFFF;
	(pc) =	sbr.abs _section_cstart, $3  }
0xc6: {  	[dreg:$0x1] =	wrdreg $0xFFFFFFFF  }
0xc7: {  	_ =	task.clear_ibuf [dreg:s9], $0x2FFFF;
	_ =	strace $0x9FFFFFFF  }
0xc8: {  	(tm) =	ssettm $0x7FFFFFFF  }
0xc9: {  	_ =	shalt  }
tec
execute0_lowered:
.L_overlay_start_1:
0x0: {  	(tag) =	ssettag $0x1  }
0x1: {  	s0 =	rddreg [dreg:$0x0]  }
0x2: {  	s1 =	rddreg [dreg:$0x1];
	v0 =	vimm.s32 $0xEDCBA987  }
0x3: {  	s10 =	rddreg [dreg:$0x2];
	v1 =	vimm.s32 $0x65432100;
	v2 =	vunpack.c.l.s4.s8 v0  }
0x4: {  	s15 =	rddreg [dreg:$0x3];
	s4 =	srdreg.scid;
	v6 =	vimm.s32 $0xFFEDCBA9;
	v7 =	vimm.s32 $0xFFFEDCBA;
	v3 =	vunpack.c.l.s4.s8 v1  }
0x5: {  	s2 =	rddreg [dreg:$0x4];
	s3 =	stileid.u32;
	v8 =	vimm.s32 $0x98765432;
	vm1 =	vcmask $0x300;
	v4 =	vunpack.c.0.s8.s32 v2  }
0x6: {  	s5 =	simm.s32 $0x0;
	v9 =	vimm.s32 $0x10;
	v11 =	vimm.s32 $0xBA987654;
	s13 =	sand.u32 $0x1, s4;
	s4 =	rddreg [dreg:$0x5];
	v5 =	vunpack.c.0.s8.s32 v3  }
0x7: {  	vm0 =	vmmov $0x1;
	s21 =	simm.s32 $0x10600;
	s25 =	simm.s32 $0x0;
	[smem:$0x7FF] =	sst s5;
	v7 =	vunpack.c.l.s4.s8 v7;
	v4 =	vand.u32 $0xF, v4  }
0x8: {  	s9 =	sshll.u32 s3, $0xB;
	s8 =	sadd.s32 $0x2200, s10;
	s28 =	sadd.s32 $0x58400, s10;
	v4 =	vcombine.low v5, v4;
	v5 =	vunpack.c.l.s4.s8 v6;
	v6 =	vimm.s32 $0x87654321  }
0x9: {  	vm3 =	vcmask $0x1F00;
	s16 =	sshll.u32 s3, $0xE;
	v8 =	vunpack.c.l.s4.s8 v8;
	s29 =	sshll.u32 s3, $0x6;
	s30 =	sshll.u32 s3, $0xA;
	v6 =	vunpack.c.l.s4.s8 v6  }
0xa: {  	vm2 =	vcmask $0x2F20;
	v0 =	vmov s3;
	p0 =	sne.s32 s3, $0x0;
	p1 =	sgt.u32 s3, $0x1;
	s6 =	sshll.u32 s13, $0xB;
	v7 =	vunpack.c.0.s8.s32 v7  }
0xb: {  	_ =	strace $0x8000004A;
	s14 =	sadd.s32 s9, s10;
	s11 =	ssub.s32 $0x2, s13;
	v8 =	vunpack.c.0.s8.s32 v8;
	v10 =	vunpack.c.0.s8.s32 v5;
	v6 =	vunpack.c.0.s8.s32 v6  }
0xc: {  	[dreg:$0x7] =	wrdreg s28;
	s10 =	sadd.s32 $0xC8C00, s10;
	s18 =	sadd.s32 s16, s2;
	v1 =	vmov s6;
	v5 =	vsel vm1, $0x0, v9;
	v9 =	vunpack.c.l.s4.s8 v11  }
0xd: {  	s19 =	sshll.u32 s13, $0xF;
	s24 =	sadd.s32 s30, s4;
	s12 =	sshrl.u32 s11, $0x1;
	v10 =	vcombine.low v6, v10;
	v6 =	vcombine.low v8, v7;
	v7 =	vimm.s32 $0xFEDCBA98  }
.Ltmp0:
0xe: {  	s20 =	sadd.s32 s30, s6;
	s13 =	sadd.s32 $0x800, s6;
	v8 =	vunpack.c.0.s8.s32 v9;
	v9 =	vimm.s32 $0xF0E0D0C;
	v11 =	vunpack.c.l.s4.s8 v7;
	(pc) =	sbr.rel .LBB2_1-.Ltmp0, $4  }
0xf: {  	v2 =	vimm.f32 $0.0e+00;
	v3 =	vlaneseq.u32;
	s24 =	sshrl.u32 @!p1 s24, $0x3;
	s17 =	ssub.s32 s11, s12;
	s11 =	sadd.s32 $0x50400, s14;
	v9 =	vunpack.c.0.s8.s32 v9  }
0x10: {  	s12 =	sor.u32 $0x1C05, s29;
	s14 =	sadd.s32 s19, s14;
	s31 =	sshrl.u32 s20, $0x3;
	v7 =	vand.u32 $0xF, v10;
	v8 =	vnsel vm3, $0xF, v8;
	v10 =	vunpack.c.0.s8.s32 v11  }
0x11: {  	s19 =	sshrl.u32 @!p0 s4, $0x3;
	s14 =	sadd.s32 $0x58600, s14;
	s15 =	sadd.s32 s15, s31;
	vm1 =	vmmov $0x3fff;
	v8 =	vsel vm2, v9, v8;
	vm2 =	vmmov $0xfff  }
0x12: {  	s16 =	smax.u32 s17, $0x1;
	s17 =	sshrl.u32 s18, $0x3;
	s18 =	simm.s32 $0x5;
	v9 =	vnsel vm3, $0xF, v10;
	vm3 =	vmmov $0xff;
	v10 =	vmul.u32 $0xFFFFFFFF, v3  }
.LBB2_21:
0x13: {  	s4 =	rddreg [dreg:$0x5];
	s5 =	simm.s32 $0x10;
	s7 =	simm.s32 $0x10E00  }
0x14: {  	[spmem:s4] =	stream.indirect.scatter.add.f32 [tilespmem:s21], [sflag:$0x5], $0x80, s7, s5, $0xb8;
	[tilespmem:$0x151C0] =	vst v63  }
0x15: {  	_ =	swait.ge [sflag:s18], $0x800  }
0x16: {  	[sflag:s18] =	ssyncset.done $0x0  }
0x17: {  	[sflag:s18] =	ssyncadd.s32 $0xFFFFF800  }
0x18: {  	[bflag:$0x0] =	sbarrier.arrive $0xFFFF  }
0x19: {  	[hbm:s14], [sflag:s12] =	dma.local [spmem:s17], $0x800  }
0x1a: {  	s25 =	sadd.s32 $0x1, s25;
	_ =	swait.ge [sflag:s18], $0x800  }
0x1b: {  	p2 =	sne.s32 s25, s16;
	[sflag:s18] =	ssyncset.done $0x0  }
.Ltmp1:
0x1c: {  	s4 =	simm.s32 @!p1 $0x5;
	[sflag:s18] =	ssyncadd.s32 $0xFFFFF800;
	(pc) =	sbr.rel @!p2 .LBB2_22-.Ltmp1, $4  }
0x1d: {  	[hbm:s15], [sflag:s12] =	dma.local @!p1 [spmem:s24], $0x80  }
0x1e: {  	_ =	swait.ge @!p1 [sflag:s4], $0x80  }
0x1f: {  	[sflag:s4] =	ssyncset.done @!p1 $0x0  }
0x20: {  	[sflag:s4] =	ssyncadd.s32 @!p1 $0xFFFFFF80  }
.LBB2_1:
0x21: {  	[spmem:s17], [sflag:s12] =	dma.local [hbm:s11], $0x800  }
0x22: {  	_ =	swait.ge [sflag:s18], $0x800  }
0x23: {  	[sflag:s18] =	ssyncset.done $0x0  }
0x24: {  	s26 =	simm.s32 @!p0 $0x5;
	s4 =	rddreg [dreg:$0x7];
	[sflag:s18] =	ssyncadd.s32 $0xFFFFF800  }
0x25: {  	[spmem:s19], [sflag:s12] =	dma.local @!p0 [hbm:s4], $0x100  }
0x26: {  	_ =	swait.ge @!p0 [sflag:s26], $0x100  }
0x27: {  	s31 =	simm.s32 $0x0;
	[sflag:s26] =	ssyncset.done @!p0 $0x0  }
0x28: {  	s28 =	sand.u32 $0x7F0, s31;
	[sflag:s26] =	ssyncadd.s32 @!p0 $0xFFFFFF00;
	s26 =	simm.s32 $0x10  }
.LBB2_2:
0x29: {  	p2 =	sne.s32 s26, $0x7F0;
	[tilespmem:s28+$0x10600] =	vst v2;
	s28 =	smov.u32 s26;
	s26 =	sadd.s32 $0x10, s26  }
.Ltmp2:
0x2a: {  	(pc) =	sbr.rel @p2 .LBB2_2-.Ltmp2, $2  }
0x2b: {  	_ =	sdelay $0x2  }
0x2c: {  	s28 =	sand.u32 $0x7F0, s28  }
0x2d: {  	[tilespmem:s28+$0x10600] =	vst v2  }
0x2e: {  	s26 =	simm.s32 $0x0;
	s4 =	simm.s32 $0x10E80;
	[tilespmem:$0x10E00] =	vst v3  }
0x2f: {  	[tilespmem:s4], [sflag:$0x5] =	stream.linear.gather [hbm4b:s10+s26], $0x280, $0x38;
	[tilespmem:$0x151C0] =	vst v63  }
.Ltmp3:
0x30: {  	_ =	swait.ge [sflag:s18], $0x280;
	(pc) =	sbr.rel .LBB2_4-.Ltmp3, $4  }
0x31: {  	[sflag:s18] =	ssyncset.done $0x0  }
0x32: {  	[sflag:s18] =	ssyncadd.s32 $0xFFFFFD80  }
0x33: {  	[bflag:$0x0] =	sbarrier.arrive $0xFFFF  }
0x34: {  	s28 =	simm.s32 $0x0  }
.LBB2_20:
0x35: {  	s4 =	simm.s32 @p2 $0x1  }
0x36: {  	_ =	swait.ge @p2 [sflag:s4], $0x4000  }
0x37: {  	[sflag:s4] =	ssyncset.done @p2 $0x0  }
0x38: {  	s5 =	simm.s32 @p3 $0x2;
	[sflag:s4] =	ssyncadd.s32 @p2 $0xFFFFC000  }
0x39: {  	_ =	swait.ge @p3 [sflag:s5], $0x4000  }
0x3a: {  	[sflag:s5] =	ssyncset.done @p3 $0x0  }
0x3b: {  	s7 =	simm.s32 @p4 $0x3;
	[sflag:s5] =	ssyncadd.s32 @p3 $0xFFFFC000  }
0x3c: {  	_ =	swait.ge @p4 [sflag:s7], $0x4000  }
0x3d: {  	[sflag:s7] =	ssyncset.done @p4 $0x0  }
0x3e: {  	s9 =	simm.s32 @p5 $0x4;
	[sflag:s7] =	ssyncadd.s32 @p4 $0xFFFFC000  }
0x3f: {  	_ =	swait.ge @p5 [sflag:s9], $0x4000  }
0x40: {  	s20 =	simm.s32 @p2 $0x80;
	[sflag:s9] =	ssyncset.done @p5 $0x0  }
0x41: {  	s22 =	simm.s32 @p2 $0x400;
	s23 =	simm.s32 @p2 $0x600;
	[sflag:s9] =	ssyncadd.s32 @p5 $0xFFFFC000  }
0x42: {  	[spmem:s2] =	stream.indirect.scatter.add.f32 @p2 [tilespmem:s23], [sflag:$0x1], $0x80, s22, s20, $0xb8;
	[tilespmem:$0x151C0] =	vst v63  }
0x43: {  	s20 =	simm.s32 @p3 $0x80;
	s22 =	simm.s32 @p3 $0x480;
	s23 =	simm.s32 @p3 $0x4600  }
0x44: {  	[spmem:s2] =	stream.indirect.scatter.add.f32 @p3 [tilespmem:s23], [sflag:$0x2], $0x80, s22, s20, $0xb8;
	[tilespmem:$0x151C0] =	vst v63  }
0x45: {  	s20 =	simm.s32 @p4 $0x80;
	s22 =	simm.s32 @p4 $0x500;
	s23 =	simm.s32 @p4 $0x8600  }
0x46: {  	[spmem:s2] =	stream.indirect.scatter.add.f32 @p4 [tilespmem:s23], [sflag:$0x3], $0x80, s22, s20, $0xb8;
	[tilespmem:$0x151C0] =	vst v63  }
0x47: {  	s20 =	simm.s32 @p5 $0x80;
	s22 =	simm.s32 @p5 $0x580;
	s23 =	simm.s32 @p5 $0xC600  }
0x48: {  	[spmem:s2] =	stream.indirect.scatter.add.f32 @p5 [tilespmem:s23], [sflag:$0x4], $0x80, s22, s20, $0xb8;
	[tilespmem:$0x151C0] =	vst v63  }
0x49: {  	_ =	swait.ge @p2 [sflag:s4], $0x4000  }
0x4a: {  	[sflag:s4] =	ssyncset.done @p2 $0x0  }
0x4b: {  	[sflag:s4] =	ssyncadd.s32 @p2 $0xFFFFC000  }
0x4c: {  	_ =	swait.ge @p3 [sflag:s5], $0x4000  }
0x4d: {  	[sflag:s5] =	ssyncset.done @p3 $0x0  }
0x4e: {  	s28 =	sadd.s32 $0x1, s28;
	[sflag:s5] =	ssyncadd.s32 @p3 $0xFFFFC000  }
0x4f: {  	p2 =	sne.s32 s28, $0x8;
	_ =	swait.ge @p4 [sflag:s7], $0x4000  }
.Ltmp4:
0x50: {  	[sflag:s7] =	ssyncset.done @p4 $0x0;
	(pc) =	sbr.rel @!p2 .LBB2_21-.Ltmp4, $4  }
0x51: {  	[sflag:s7] =	ssyncadd.s32 @p4 $0xFFFFC000  }
0x52: {  	_ =	swait.ge @p5 [sflag:s9], $0x4000  }
0x53: {  	[sflag:s9] =	ssyncset.done @p5 $0x0  }
0x54: {  	[sflag:s9] =	ssyncadd.s32 @p5 $0xFFFFC000  }
.LBB2_4:
0x55: {  	s29 =	sshll.u32 s28, $0x6  }
0x56: {  	v11 =	vld [tilespmem:s29+$0x10E80]  }
0x57: {  	v12 =	vld [tilespmem:s29+$0x10E81]  }
0x58: {  	v13 =	vld [tilespmem:s29+$0x10E90]  }
0x59: {  	v14 =	vld [tilespmem:s29+$0x10E91]  }
0x5a: {  	v15 =	vld [tilespmem:s29+$0x10EA0]  }
0x5b: {  	v11 =	vperm.xlane v11, v0  }
0x5c: {  	v12 =	vperm.xlane v12, v0  }
0x5d: {  	(v2sf) =	vpush v11, $0x0;
	v11 =	vperm.xlane v13, v0  }
0x5e: {  	v16 =	vld [tilespmem:s29+$0x10EA1];
	v61 =	vperm.xlane v14, v0;
	(v2sf) =	vpush v12, $0x0  }
0x5f: {  	v17 =	vld [tilespmem:s29+$0x10EB0];
	(v2sf) =	vpush v11, $0x0;
	v11 =	vperm.xlane v15, v0  }
0x60: {  	(v2sf) =	vpush v61, $0x0  }
0x61: {  	(v2sf) =	vpush v11, $0x0;
	v11 =	vld [tilespmem:s29+$0x10EB1];
	_ =	sdelay $0x1  }
0x62: {  	v62 =	vperm.xlane v16, v0  }
0x63: {  	v63 =	vperm.xlane v17, v0  }
0x64: {  	(v2sf) =	vpush v62, $0x0  }
0x65: {  	(v2sf) =	vpush v63, $0x0;
	v11 =	vperm.xlane v11, v0;
	_ =	sdelay $0x1  }
0x66: {  	(v2sf) =	vpush v11, $0x0;
	_ =	sdelay $0x6  }
0x67: {  	s23 =	sor.u32 s3, s29;
	s30 =	spop (v2sf)  }
0x68: {  	s31 =	spop (v2sf);
	p3 =	slt.s32 s30, s13;
	s30 =	sor.u32 $0x10, s23  }
0x69: {  	s4 =	spop (v2sf);
	p2 =	sge.s32 s31, s6;
	s31 =	sor.u32 $0x20, s23  }
0x6a: {  	s7 =	spop (v2sf);
	p2 =	por !p3, !p2;
	p4 =	slt.s32 s4, s13  }
0x6b: {  	s5 =	spop (v2sf);
	p2 =	por !p2, !p2;
	p5 =	sge.s32 s7, s6  }
0x6c: {  	s20 =	spop (v2sf);
	p3 =	por !p4, !p5;
	p5 =	slt.s32 s5, s13  }
0x6d: {  	s4 =	sshll.u32 @p2 s23, $0x4;
	s7 =	simm.s32 @p2 $0x200;
	s22 =	spop (v2sf)  }
0x6e: {  	p6 =	sge.s32 s20, s6;
	p3 =	por !p3, !p3;
	s5 =	sadd.s32 @p2 s1, s4  }
0x6f: {  	p4 =	por !p5, !p6;
	p6 =	slt.s32 s22, s13;
	s29 =	spop (v2sf)  }
0x70: {  	s20 =	simm.s32 @p3 $0x0;
	p5 =	sge.s32 s29, s6;
	s29 =	simm.s32 @p2 $0x0  }
0x71: {  	[tilespmem:s7], [sflag:$0x1] =	stream.linear.gather @p2 [hbm4b:s5+s29], $0x80, $0x38;
	[tilespmem:$0x151C0] =	vst v63  }
0x72: {  	s22 =	simm.s32 @p3 $0x280;
	p4 =	por !p4, !p4;
	s5 =	sshll.u32 @p3 s30, $0x4  }
0x73: {  	p5 =	por !p6, !p5;
	s30 =	simm.s32 @p4 $0x0;
	s7 =	sadd.s32 @p3 s1, s5  }
0x74: {  	[tilespmem:s22], [sflag:$0x2] =	stream.linear.gather @p3 [hbm4b:s7+s20], $0x80, $0x38;
	[tilespmem:$0x151C0] =	vst v63  }
0x75: {  	p5 =	por !p5, !p5;
	s7 =	sor.u32 $0x30, s23;
	s22 =	sshll.u32 @p4 s31, $0x4  }
0x76: {  	s31 =	simm.s32 @p4 $0x300;
	s23 =	sadd.s32 @p4 s1, s22;
	s7 =	sshll.u32 @p5 s7, $0x4  }
0x77: {  	[tilespmem:s31], [sflag:$0x3] =	stream.linear.gather @p4 [hbm4b:s23+s30], $0x80, $0x38;
	[tilespmem:$0x151C0] =	vst v63  }
0x78: {  	s9 =	simm.s32 @p5 $0x380;
	s23 =	sadd.s32 @p5 s1, s7;
	s31 =	simm.s32 @p5 $0x0  }
0x79: {  	[tilespmem:s9], [sflag:$0x4] =	stream.linear.gather @p5 [hbm4b:s23+s31], $0x80, $0x38;
	[tilespmem:$0x151C0] =	vst v63  }
0x7a: {  	s9 =	simm.s32 @p2 $0x1  }
0x7b: {  	_ =	swait.ge @p2 [sflag:s9], $0x80  }
0x7c: {  	[sflag:s9] =	ssyncset.done @p2 $0x0  }
0x7d: {  	s4 =	sadd.s32 @p2 s0, s4;
	[sflag:s9] =	ssyncadd.s32 @p2 $0xFFFFFF80  }
0x7e: {  	[tilespmem:s29], [sflag:$0x1] =	stream.linear.gather @p2 [hbm4b:s4+s29], $0x80, $0x38;
	[tilespmem:$0x151C0] =	vst v63  }
0x7f: {  	s4 =	simm.s32 @p3 $0x2  }
0x80: {  	_ =	swait.ge @p3 [sflag:s4], $0x80  }
0x81: {  	[sflag:s4] =	ssyncset.done @p3 $0x0  }
0x82: {  	s5 =	sadd.s32 @p3 s0, s5;
	s23 =	simm.s32 @p3 $0x80;
	[sflag:s4] =	ssyncadd.s32 @p3 $0xFFFFFF80  }
0x83: {  	[tilespmem:s23], [sflag:$0x2] =	stream.linear.gather @p3 [hbm4b:s5+s20], $0x80, $0x38;
	[tilespmem:$0x151C0] =	vst v63  }
0x84: {  	s5 =	simm.s32 @p4 $0x3  }
0x85: {  	_ =	swait.ge @p4 [sflag:s5], $0x80  }
0x86: {  	[sflag:s5] =	ssyncset.done @p4 $0x0  }
0x87: {  	s20 =	sadd.s32 @p4 s0, s22;
	s22 =	simm.s32 @p4 $0x100;
	[sflag:s5] =	ssyncadd.s32 @p4 $0xFFFFFF80  }
0x88: {  	[tilespmem:s22], [sflag:$0x3] =	stream.linear.gather @p4 [hbm4b:s20+s30], $0x80, $0x38;
	[tilespmem:$0x151C0] =	vst v63  }
0x89: {  	s20 =	simm.s32 @p5 $0x4  }
0x8a: {  	_ =	swait.ge @p5 [sflag:s20], $0x80  }
0x8b: {  	[sflag:s20] =	ssyncset.done @p5 $0x0  }
0x8c: {  	s7 =	sadd.s32 @p5 s0, s7;
	s30 =	simm.s32 @p5 $0x180;
	[sflag:s20] =	ssyncadd.s32 @p5 $0xFFFFFF80  }
0x8d: {  	[tilespmem:s30], [sflag:$0x4] =	stream.linear.gather @p5 [hbm4b:s7+s31], $0x80, $0x38;
	[tilespmem:$0x151C0] =	vst v63  }
0x8e: {  	_ =	swait.ge @p2 [sflag:s9], $0x80  }
0x8f: {  	[sflag:s9] =	ssyncset.done @p2 $0x0  }
0x90: {  	[sflag:s9] =	ssyncadd.s32 @p2 $0xFFFFFF80  }
0x91: {  	_ =	swait.ge @p3 [sflag:s4], $0x80  }
0x92: {  	[sflag:s4] =	ssyncset.done @p3 $0x0  }
0x93: {  	[sflag:s4] =	ssyncadd.s32 @p3 $0xFFFFFF80  }
0x94: {  	_ =	swait.ge @p4 [sflag:s5], $0x80  }
0x95: {  	[sflag:s5] =	ssyncset.done @p4 $0x0  }
0x96: {  	[sflag:s5] =	ssyncadd.s32 @p4 $0xFFFFFF80  }
0x97: {  	_ =	swait.ge @p5 [sflag:s20], $0x80  }
0x98: {  	[sflag:s20] =	ssyncset.done @p5 $0x0  }
0x99: {  	s4 =	simm.s32 @p2 $0x80;
	s5 =	simm.s32 @p2 $0x600;
	[sflag:s20] =	ssyncadd.s32 @p5 $0xFFFFFF80  }
0x9a: {  	[tilespmem:s5], [sflag:$0x1] =	stream.indirect.gather @p2 [hbm4b:s8+s4], $0x80, s29, s4, $0xb8;
	[tilespmem:$0x151C0] =	vst v63  }
0x9b: {  	s4 =	simm.s32 @p3 $0x4600  }
0x9c: {  	[tilespmem:s4], [sflag:$0x2] =	stream.indirect.gather @p3 [hbm4b:s8+s23], $0x80, s23, s23, $0xb8;
	[tilespmem:$0x151C0] =	vst v63  }
.Ltmp5:
0x9d: {  	_ = 	snop;
	(pc) =	sbr.rel @!p2 .LBB2_8-.Ltmp5, $4  }
0x9e: {  	s5 =	simm.s32 @p4 $0x8600;
	s4 =	simm.s32 @p4 $0x80  }
0x9f: {  	[tilespmem:s5], [sflag:$0x3] =	stream.indirect.gather @p4 [hbm4b:s8+s4], $0x80, s22, s4, $0xb8;
	[tilespmem:$0x151C0] =	vst v63  }
0xa0: {  	s4 =	simm.s32 @p5 $0x80;
	s5 =	simm.s32 @p5 $0xC600  }
0xa1: {  	[tilespmem:s5], [sflag:$0x4] =	stream.indirect.gather @p5 [hbm4b:s8+s4], $0x80, s30, s4, $0xb8;
	[tilespmem:$0x151C0] =	vst v63  }
0xa2: {  	s29 =	sshra.s32 s26, $0x2;
	s30 =	sadd.s32 $0x40, s26  }
.LBB2_6:
0xa3: {  	p6 =	sne.s32 s30, $0x1C0;
	v11 =	vld [tilespmem:s29+$0x200];
	_ =	sdelay $0x4  }
0xa4: {  	v11 =	vsub.s32 v11, v1  }
0xa5: {  	v12 =	vmin.u32 v11, $0x800  }
0xa6: {  	v13 =	vperm.xlane v12, v4;
	_ =	sdelay $0x1  }
0xa7: {  	vm5 =	vne.s32 v12, v13  }
0xa8: {  	v13 =	vsel vm5, v3, v5  }
0xa9: {  	v14 =	vperm.xlane v13, v7  }
0xaa: {  	vm4 =	veq.s32 v3, $0xF  }
0xab: {  	v14 =	vsel vm4, $0x10, v14  }
0xac: {  	vm6 =	vlt.s32 v13, v14  }
0xad: {  	v13 =	vsel vm6, v13, v14  }
0xae: {  	v14 =	vperm.xlane v13, v6;
	_ =	sdelay $0x1  }
0xaf: {  	v14 =	vnsel vm1, $0x10, v14  }
0xb0: {  	vm6 =	vlt.s32 v13, v14  }
0xb1: {  	v13 =	vsel vm6, v13, v14  }
0xb2: {  	v14 =	vperm.xlane v13, v8;
	_ =	sdelay $0x1  }
0xb3: {  	v14 =	vnsel vm2, $0x10, v14  }
0xb4: {  	vm6 =	vlt.s32 v13, v14  }
0xb5: {  	v13 =	vsel vm6, v13, v14  }
0xb6: {  	v14 =	vperm.xlane v13, v9;
	_ =	sdelay $0x1  }
0xb7: {  	v14 =	vnsel vm3, $0x10, v14  }
0xb8: {  	vm6 =	vlt.s32 v13, v14  }
0xb9: {  	vm7 =	vlt.u32 v11, $0x800;
	vm5 =	vmor vm5, vm0;
	v11 =	vsel vm6, v13, v14  }
0xba: {  	vm5 =	vmand vm7, vm5;
	v11 =	vperm.xlane v11, v7;
	_ =	sdelay $0x1  }
.Ltmp6:
0xbb: {  	v11 =	vsel vm4, $0x10, v11;
	(pc) =	sbr.rel @p6 .LBB2_6-.Ltmp6, $4  }
0xbc: {  	v11 =	vadd.s32 v10, v11  }
0xbd: {  	v11 =	vcvt.s32.f32 v11  }
0xbe: {  	[tilespmem:s29+$0x400] =	vst v12  }
0xbf: {  	s29 =	sshra.s32 s30, $0x2;
	s30 =	sadd.s32 $0x40, s30;
	[tilespmem:v12+s21+$0x0] =	vst.idx.add.f32.msk vm5, v11  }
0xc0: {  	v11 =	vld [tilespmem:s29+$0x200];
	_ =	sdelay $0x4  }
0xc1: {  	v11 =	vsub.s32 v11, v1  }
0xc2: {  	v12 =	vmin.u32 v11, $0x800  }
0xc3: {  	v13 =	vperm.xlane v12, v4;
	_ =	sdelay $0x1  }
0xc4: {  	vm5 =	vne.s32 v12, v13  }
0xc5: {  	v13 =	vsel vm5, v3, v5  }
0xc6: {  	v14 =	vperm.xlane v13, v7;
	_ =	sdelay $0x1  }
0xc7: {  	v14 =	vsel vm4, $0x10, v14  }
0xc8: {  	vm6 =	vlt.s32 v13, v14  }
0xc9: {  	v13 =	vsel vm6, v13, v14  }
0xca: {  	v14 =	vperm.xlane v13, v6;
	_ =	sdelay $0x1  }
0xcb: {  	v14 =	vnsel vm1, $0x10, v14  }
0xcc: {  	vm6 =	vlt.s32 v13, v14  }
0xcd: {  	v13 =	vsel vm6, v13, v14  }
0xce: {  	v14 =	vperm.xlane v13, v8;
	_ =	sdelay $0x1  }
0xcf: {  	v14 =	vnsel vm2, $0x10, v14  }
0xd0: {  	vm6 =	vlt.s32 v13, v14  }
0xd1: {  	v13 =	vsel vm6, v13, v14  }
0xd2: {  	v14 =	vperm.xlane v13, v9;
	_ =	sdelay $0x1  }
0xd3: {  	v14 =	vnsel vm3, $0x10, v14  }
0xd4: {  	vm6 =	vlt.s32 v13, v14  }
0xd5: {  	vm7 =	vlt.u32 v11, $0x800;
	vm5 =	vmor vm5, vm0;
	v11 =	vsel vm6, v13, v14  }
0xd6: {  	vm5 =	vmand vm7, vm5;
	v11 =	vperm.xlane v11, v7;
	_ =	sdelay $0x1  }
0xd7: {  	v11 =	vsel vm4, $0x10, v11  }
0xd8: {  	v11 =	vadd.s32 v10, v11  }
0xd9: {  	v11 =	vcvt.s32.f32 v11  }
0xda: {  	[tilespmem:s29+$0x400] =	vst v12  }
0xdb: {  	[tilespmem:v12+s21+$0x0] =	vst.idx.add.f32.msk vm5, v11  }
.LBB2_8:
.Ltmp7:
0xdc: {  	(pc) =	sbr.rel @!p3 .LBB2_12-.Ltmp7, $2  }
0xdd: {  	_ =	sdelay $0x2  }
0xde: {  	s30 =	simm.s32 $0x0  }
0xdf: {  	s29 =	sshra.s32 s30, $0x2;
	s30 =	sadd.s32 $0x40, s30  }
.LBB2_10:
0xe0: {  	p6 =	sne.s32 s30, $0x1C0;
	v11 =	vld [tilespmem:s29+$0x280];
	_ =	sdelay $0x4  }
0xe1: {  	v11 =	vsub.s32 v11, v1  }
0xe2: {  	v12 =	vmin.u32 v11, $0x800  }
0xe3: {  	v13 =	vperm.xlane v12, v4;
	_ =	sdelay $0x1  }
0xe4: {  	vm5 =	vne.s32 v12, v13  }
0xe5: {  	v13 =	vsel vm5, v3, v5  }
0xe6: {  	v14 =	vperm.xlane v13, v7  }
0xe7: {  	vm4 =	veq.s32 v3, $0xF  }
0xe8: {  	v14 =	vsel vm4, $0x10, v14  }
0xe9: {  	vm6 =	vlt.s32 v13, v14  }
0xea: {  	v13 =	vsel vm6, v13, v14  }
0xeb: {  	v14 =	vperm.xlane v13, v6;
	_ =	sdelay $0x1  }
0xec: {  	v14 =	vnsel vm1, $0x10, v14  }
0xed: {  	vm6 =	vlt.s32 v13, v14  }
0xee: {  	v13 =	vsel vm6, v13, v14  }
0xef: {  	v14 =	vperm.xlane v13, v8;
	_ =	sdelay $0x1  }
0xf0: {  	v14 =	vnsel vm2, $0x10, v14  }
0xf1: {  	vm6 =	vlt.s32 v13, v14  }
0xf2: {  	v13 =	vsel vm6, v13, v14  }
0xf3: {  	v14 =	vperm.xlane v13, v9;
	_ =	sdelay $0x1  }
0xf4: {  	v14 =	vnsel vm3, $0x10, v14  }
0xf5: {  	vm6 =	vlt.s32 v13, v14  }
0xf6: {  	vm7 =	vlt.u32 v11, $0x800;
	vm5 =	vmor vm5, vm0;
	v11 =	vsel vm6, v13, v14  }
0xf7: {  	vm5 =	vmand vm7, vm5;
	v11 =	vperm.xlane v11, v7;
	_ =	sdelay $0x1  }
.Ltmp8:
0xf8: {  	v11 =	vsel vm4, $0x10, v11;
	(pc) =	sbr.rel @p6 .LBB2_10-.Ltmp8, $4  }
0xf9: {  	v11 =	vadd.s32 v10, v11  }
0xfa: {  	v11 =	vcvt.s32.f32 v11  }
0xfb: {  	[tilespmem:s29+$0x480] =	vst v12  }
0xfc: {  	s29 =	sshra.s32 s30, $0x2;
	s30 =	sadd.s32 $0x40, s30;
	[tilespmem:v12+s21+$0x0] =	vst.idx.add.f32.msk vm5, v11  }
0xfd: {  	v11 =	vld [tilespmem:s29+$0x280];
	_ =	sdelay $0x4  }
0xfe: {  	v11 =	vsub.s32 v11, v1  }
0xff: {  	v12 =	vmin.u32 v11, $0x800  }
0x100: {  	v13 =	vperm.xlane v12, v4;
	_ =	sdelay $0x1  }
0x101: {  	vm5 =	vne.s32 v12, v13  }
0x102: {  	v13 =	vsel vm5, v3, v5  }
0x103: {  	v14 =	vperm.xlane v13, v7;
	_ =	sdelay $0x1  }
0x104: {  	v14 =	vsel vm4, $0x10, v14  }
0x105: {  	vm6 =	vlt.s32 v13, v14  }
0x106: {  	v13 =	vsel vm6, v13, v14  }
0x107: {  	v14 =	vperm.xlane v13, v6;
	_ =	sdelay $0x1  }
0x108: {  	v14 =	vnsel vm1, $0x10, v14  }
0x109: {  	vm6 =	vlt.s32 v13, v14  }
0x10a: {  	v13 =	vsel vm6, v13, v14  }
0x10b: {  	v14 =	vperm.xlane v13, v8;
	_ =	sdelay $0x1  }
0x10c: {  	v14 =	vnsel vm2, $0x10, v14  }
0x10d: {  	vm6 =	vlt.s32 v13, v14  }
0x10e: {  	v13 =	vsel vm6, v13, v14  }
0x10f: {  	v14 =	vperm.xlane v13, v9;
	_ =	sdelay $0x1  }
0x110: {  	v14 =	vnsel vm3, $0x10, v14  }
0x111: {  	vm6 =	vlt.s32 v13, v14  }
0x112: {  	vm7 =	vlt.u32 v11, $0x800;
	vm5 =	vmor vm5, vm0;
	v11 =	vsel vm6, v13, v14  }
0x113: {  	vm5 =	vmand vm7, vm5;
	v11 =	vperm.xlane v11, v7;
	_ =	sdelay $0x1  }
0x114: {  	v11 =	vsel vm4, $0x10, v11  }
0x115: {  	v11 =	vadd.s32 v10, v11  }
0x116: {  	v11 =	vcvt.s32.f32 v11  }
0x117: {  	[tilespmem:s29+$0x480] =	vst v12  }
0x118: {  	[tilespmem:v12+s21+$0x0] =	vst.idx.add.f32.msk vm5, v11  }
.LBB2_12:
.Ltmp9:
0x119: {  	(pc) =	sbr.rel @!p4 .LBB2_16-.Ltmp9, $2  }
0x11a: {  	_ =	sdelay $0x2  }
0x11b: {  	s30 =	simm.s32 $0x0  }
0x11c: {  	s29 =	sshra.s32 s30, $0x2;
	s30 =	sadd.s32 $0x40, s30  }
.LBB2_14:
0x11d: {  	p6 =	sne.s32 s30, $0x1C0;
	v11 =	vld [tilespmem:s29+$0x300];
	_ =	sdelay $0x4  }
0x11e: {  	v11 =	vsub.s32 v11, v1  }
0x11f: {  	v12 =	vmin.u32 v11, $0x800  }
0x120: {  	v13 =	vperm.xlane v12, v4;
	_ =	sdelay $0x1  }
0x121: {  	vm5 =	vne.s32 v12, v13  }
0x122: {  	v13 =	vsel vm5, v3, v5  }
0x123: {  	v14 =	vperm.xlane v13, v7  }
0x124: {  	vm4 =	veq.s32 v3, $0xF  }
0x125: {  	v14 =	vsel vm4, $0x10, v14  }
0x126: {  	vm6 =	vlt.s32 v13, v14  }
0x127: {  	v13 =	vsel vm6, v13, v14  }
0x128: {  	v14 =	vperm.xlane v13, v6;
	_ =	sdelay $0x1  }
0x129: {  	v14 =	vnsel vm1, $0x10, v14  }
0x12a: {  	vm6 =	vlt.s32 v13, v14  }
0x12b: {  	v13 =	vsel vm6, v13, v14  }
0x12c: {  	v14 =	vperm.xlane v13, v8;
	_ =	sdelay $0x1  }
0x12d: {  	v14 =	vnsel vm2, $0x10, v14  }
0x12e: {  	vm6 =	vlt.s32 v13, v14  }
0x12f: {  	v13 =	vsel vm6, v13, v14  }
0x130: {  	v14 =	vperm.xlane v13, v9;
	_ =	sdelay $0x1  }
0x131: {  	v14 =	vnsel vm3, $0x10, v14  }
0x132: {  	vm6 =	vlt.s32 v13, v14  }
0x133: {  	vm7 =	vlt.u32 v11, $0x800;
	vm5 =	vmor vm5, vm0;
	v11 =	vsel vm6, v13, v14  }
0x134: {  	vm5 =	vmand vm7, vm5;
	v11 =	vperm.xlane v11, v7;
	_ =	sdelay $0x1  }
.Ltmp10:
0x135: {  	v11 =	vsel vm4, $0x10, v11;
	(pc) =	sbr.rel @p6 .LBB2_14-.Ltmp10, $4  }
0x136: {  	v11 =	vadd.s32 v10, v11  }
0x137: {  	v11 =	vcvt.s32.f32 v11  }
0x138: {  	[tilespmem:s29+$0x500] =	vst v12  }
0x139: {  	s29 =	sshra.s32 s30, $0x2;
	s30 =	sadd.s32 $0x40, s30;
	[tilespmem:v12+s21+$0x0] =	vst.idx.add.f32.msk vm5, v11  }
0x13a: {  	v11 =	vld [tilespmem:s29+$0x300];
	_ =	sdelay $0x4  }
0x13b: {  	v11 =	vsub.s32 v11, v1  }
0x13c: {  	v12 =	vmin.u32 v11, $0x800  }
0x13d: {  	v13 =	vperm.xlane v12, v4;
	_ =	sdelay $0x1  }
0x13e: {  	vm5 =	vne.s32 v12, v13  }
0x13f: {  	v13 =	vsel vm5, v3, v5  }
0x140: {  	v14 =	vperm.xlane v13, v7;
	_ =	sdelay $0x1  }
0x141: {  	v14 =	vsel vm4, $0x10, v14  }
0x142: {  	vm6 =	vlt.s32 v13, v14  }
0x143: {  	v13 =	vsel vm6, v13, v14  }
0x144: {  	v14 =	vperm.xlane v13, v6;
	_ =	sdelay $0x1  }
0x145: {  	v14 =	vnsel vm1, $0x10, v14  }
0x146: {  	vm6 =	vlt.s32 v13, v14  }
0x147: {  	v13 =	vsel vm6, v13, v14  }
0x148: {  	v14 =	vperm.xlane v13, v8;
	_ =	sdelay $0x1  }
0x149: {  	v14 =	vnsel vm2, $0x10, v14  }
0x14a: {  	vm6 =	vlt.s32 v13, v14  }
0x14b: {  	v13 =	vsel vm6, v13, v14  }
0x14c: {  	v14 =	vperm.xlane v13, v9;
	_ =	sdelay $0x1  }
0x14d: {  	v14 =	vnsel vm3, $0x10, v14  }
0x14e: {  	vm6 =	vlt.s32 v13, v14  }
0x14f: {  	vm7 =	vlt.u32 v11, $0x800;
	vm5 =	vmor vm5, vm0;
	v11 =	vsel vm6, v13, v14  }
0x150: {  	vm5 =	vmand vm7, vm5;
	v11 =	vperm.xlane v11, v7;
	_ =	sdelay $0x1  }
0x151: {  	v11 =	vsel vm4, $0x10, v11  }
0x152: {  	v11 =	vadd.s32 v10, v11  }
0x153: {  	v11 =	vcvt.s32.f32 v11  }
0x154: {  	[tilespmem:s29+$0x500] =	vst v12  }
0x155: {  	[tilespmem:v12+s21+$0x0] =	vst.idx.add.f32.msk vm5, v11  }
.LBB2_16:
.Ltmp11:
0x156: {  	(pc) =	sbr.rel @!p5 .LBB2_20-.Ltmp11, $2  }
0x157: {  	_ =	sdelay $0x2  }
0x158: {  	s30 =	simm.s32 $0x0  }
0x159: {  	s29 =	sshra.s32 s30, $0x2;
	s30 =	sadd.s32 $0x40, s30  }
.LBB2_18:
0x15a: {  	p6 =	sne.s32 s30, $0x1C0;
	v11 =	vld [tilespmem:s29+$0x380];
	_ =	sdelay $0x4  }
0x15b: {  	v11 =	vsub.s32 v11, v1  }
0x15c: {  	v12 =	vmin.u32 v11, $0x800  }
0x15d: {  	v13 =	vperm.xlane v12, v4;
	_ =	sdelay $0x1  }
0x15e: {  	vm5 =	vne.s32 v12, v13  }
0x15f: {  	v13 =	vsel vm5, v3, v5  }
0x160: {  	v14 =	vperm.xlane v13, v7  }
0x161: {  	vm4 =	veq.s32 v3, $0xF  }
0x162: {  	v14 =	vsel vm4, $0x10, v14  }
0x163: {  	vm6 =	vlt.s32 v13, v14  }
0x164: {  	v13 =	vsel vm6, v13, v14  }
0x165: {  	v14 =	vperm.xlane v13, v6;
	_ =	sdelay $0x1  }
0x166: {  	v14 =	vnsel vm1, $0x10, v14  }
0x167: {  	vm6 =	vlt.s32 v13, v14  }
0x168: {  	v13 =	vsel vm6, v13, v14  }
0x169: {  	v14 =	vperm.xlane v13, v8;
	_ =	sdelay $0x1  }
0x16a: {  	v14 =	vnsel vm2, $0x10, v14  }
0x16b: {  	vm6 =	vlt.s32 v13, v14  }
0x16c: {  	v13 =	vsel vm6, v13, v14  }
0x16d: {  	v14 =	vperm.xlane v13, v9;
	_ =	sdelay $0x1  }
0x16e: {  	v14 =	vnsel vm3, $0x10, v14  }
0x16f: {  	vm6 =	vlt.s32 v13, v14  }
0x170: {  	vm7 =	vlt.u32 v11, $0x800;
	vm5 =	vmor vm5, vm0;
	v11 =	vsel vm6, v13, v14  }
0x171: {  	vm5 =	vmand vm7, vm5;
	v11 =	vperm.xlane v11, v7;
	_ =	sdelay $0x1  }
.Ltmp12:
0x172: {  	v11 =	vsel vm4, $0x10, v11;
	(pc) =	sbr.rel @p6 .LBB2_18-.Ltmp12, $4  }
0x173: {  	v11 =	vadd.s32 v10, v11  }
0x174: {  	v11 =	vcvt.s32.f32 v11  }
0x175: {  	[tilespmem:s29+$0x580] =	vst v12  }
0x176: {  	s29 =	sshra.s32 s30, $0x2;
	s30 =	sadd.s32 $0x40, s30;
	[tilespmem:v12+s21+$0x0] =	vst.idx.add.f32.msk vm5, v11  }
0x177: {  	v11 =	vld [tilespmem:s29+$0x380];
	_ =	sdelay $0x4  }
0x178: {  	v11 =	vsub.s32 v11, v1  }
0x179: {  	v12 =	vmin.u32 v11, $0x800  }
0x17a: {  	v13 =	vperm.xlane v12, v4;
	_ =	sdelay $0x1  }
0x17b: {  	vm5 =	vne.s32 v12, v13  }
0x17c: {  	v13 =	vsel vm5, v3, v5  }
0x17d: {  	v14 =	vperm.xlane v13, v7;
	_ =	sdelay $0x1  }
0x17e: {  	v14 =	vsel vm4, $0x10, v14  }
0x17f: {  	vm6 =	vlt.s32 v13, v14  }
0x180: {  	v13 =	vsel vm6, v13, v14  }
0x181: {  	v14 =	vperm.xlane v13, v6;
	_ =	sdelay $0x1  }
0x182: {  	v14 =	vnsel vm1, $0x10, v14  }
0x183: {  	vm6 =	vlt.s32 v13, v14  }
0x184: {  	v13 =	vsel vm6, v13, v14  }
0x185: {  	v14 =	vperm.xlane v13, v8;
	_ =	sdelay $0x1  }
0x186: {  	v14 =	vnsel vm2, $0x10, v14  }
0x187: {  	vm6 =	vlt.s32 v13, v14  }
0x188: {  	v13 =	vsel vm6, v13, v14  }
0x189: {  	v14 =	vperm.xlane v13, v9;
	_ =	sdelay $0x1  }
0x18a: {  	v14 =	vnsel vm3, $0x10, v14  }
0x18b: {  	vm6 =	vlt.s32 v13, v14  }
0x18c: {  	vm7 =	vlt.u32 v11, $0x800;
	vm5 =	vmor vm5, vm0;
	v11 =	vsel vm6, v13, v14  }
0x18d: {  	vm5 =	vmand vm7, vm5;
	v11 =	vperm.xlane v11, v7;
	_ =	sdelay $0x1  }
.Ltmp13:
0x18e: {  	v11 =	vsel vm4, $0x10, v11;
	(pc) =	sbr.rel .LBB2_20-.Ltmp13, $4  }
0x18f: {  	v11 =	vadd.s32 v10, v11  }
0x190: {  	v11 =	vcvt.s32.f32 v11  }
0x191: {  	[tilespmem:s29+$0x580] =	vst v12  }
0x192: {  	[tilespmem:v12+s21+$0x0] =	vst.idx.add.f32.msk vm5, v11  }
.LBB2_22:
0x193: {  	_ =	sfence.sel $0x180000  }
0x194: {  	[bflag:$0x0] =	sbarrier.arrive $0xFFFF  }
0x195: {  	_ =	strace $0x9000004A  }
0x196: {  	[bflag:$0x2] =	sbarrier.arrive $0xFFFF  }
0x197: {  	s0 =	rddreg [dreg:$0x6]  }
0x198: {  	s0 =	sadd.s32 @!p0 $0x100000, s0  }
0x199: {  	[sflag:s0] =	ssyncadd.tile.s32 @!p0 $0x1;
	_ =	shalt  }
.Lfunc_end2:
_tile_overlayer_lowered:
.L_overlay_start_2:
0x19a: {  	(tag) =	ssettag $0x2  }
0x19b: {  	s0 =	rddreg [dreg:$0x0];
	s2 =	stileid.u32  }
0x19c: {  	s1 =	rddreg [dreg:$0x1];
	p0 =	sne.s32 s2, $0x0  }
0x19d: {  	s3 =	rddreg [dreg:$0x2];
	[bflag:$0x3] =	sbarrier.arrive $0xFFFF;
	s2 =	simm.s32 @!p0 $0x1C05  }
0x19e: {  	[timem:s3], [sflag:s2] =	dma.local @!p0 [hbm:s0], s1  }
0x19f: {  	s0 =	simm.s32 @!p0 $0x5  }
0x1a0: {  	_ =	swait.ge @!p0 [sflag:s0], s1  }
0x1a1: {  	s1 =	ssub.s32 @!p0 $0x0, s1;
	[sflag:s0] =	ssyncset.done @!p0 $0x0  }
0x1a2: {  	[sflag:s0] =	ssyncadd.s32 @!p0 s1  }
0x1a3: {  	[bflag:$0x3] =	sbarrier.arrive $0xFFFF  }
0x1a4: {  	_ =	shalt  }

</sc_bundles>
